<compile_context>
chip_gen: v7x
topology: tpu7x:2x2x1
jax: 0.10.2.dev20260603
libtpu: 0.0.44.dev20260713+nightly
codegen_flags: <defaults>
</compile_context>

<pallas_src>
import functools

import jax
import jax.numpy as jnp
from jax import lax
from jax.experimental import pallas as pl
from jax.experimental.pallas import tpu as pltpu
from jax.experimental.pallas import tpu_sc as plsc

_D0 = 1048576
_NC = 2
_NS = 16
_NW = _NC * _NS
_D0_W = _D0 // _NW
_CH = 2048
_SIZES = [1024, 1024] + [2048] * 14 + [1024, 1024]
_OFFS = [sum(_SIZES[:i]) for i in range(len(_SIZES))]
_NCHUNK = len(_SIZES)
_LANES = 16


_NIN = 3
_NOUT = 2


def _tec_body(x_hbm, out_hbm, *scratch):
    wid = lax.axis_index("c") * _NS + lax.axis_index("s")
    base = wid * _D0_W
    inbuf = scratch[0:_NIN]
    outbuf = scratch[_NIN:_NIN + _NOUT]
    isem = scratch[_NIN + _NOUT:2 * _NIN + _NOUT]
    osem = scratch[2 * _NIN + _NOUT:2 * _NIN + 2 * _NOUT]

    def _buf(ref, sz):
        return ref if sz == _CH else ref.at[:, :, pl.ds(0, sz)]

    def load(c):
        sz = _SIZES[c]
        return pltpu.async_copy(
            x_hbm.at[:, :, pl.ds(base + _OFFS[c], sz)],
            _buf(inbuf[c % _NIN], sz), isem[c % _NIN])

    def store(c):
        sz = _SIZES[c]
        return pltpu.async_copy(
            _buf(outbuf[c % _NOUT], sz),
            out_hbm.at[:, :, pl.ds(base + _OFFS[c], sz)],
            osem[c % _NOUT])

    loads = {}
    for c in range(min(_NIN, _NCHUNK)):
        loads[c] = load(c)
    stores = {}
    for c in range(_NCHUNK):
        loads[c].wait()
        if c >= _NOUT:
            stores[c - _NOUT].wait()
        src = inbuf[c % _NIN]
        dst = outbuf[c % _NOUT]

        @plsc.parallel_loop(0, _SIZES[c] // _LANES, unroll=1)
        def _vec(i):
            o = i * _LANES
            for d1 in range(3):
                for d2 in range(3):
                    v = src[d1, d2, pl.ds(o, _LANES)]
                    dst[d1, d2, pl.ds(o, _LANES)] = jnp.where(
                        v == 0.0, v, jnp.float32(2.0))

        stores[c] = store(c)
        if c + _NIN < _NCHUNK:
            loads[c + _NIN] = load(c + _NIN)
    for c in range(max(0, _NCHUNK - _NOUT), _NCHUNK):
        stores[c].wait()


@functools.partial(
    pl.kernel,
    mesh=plsc.VectorSubcoreMesh(core_axis_name="c", subcore_axis_name="s"),
    out_type=jax.ShapeDtypeStruct((3, 3, _D0), jnp.float32),
    compiler_params=pltpu.CompilerParams(use_tc_tiling_on_sc=True),
    scratch_types=(
        [pltpu.VMEM((3, 3, _CH), jnp.float32)] * (_NIN + _NOUT)
        + [pltpu.SemaphoreType.DMA] * (_NIN + _NOUT)
    ),
)
def _sc_mask_set(x_hbm, out_hbm, *scratch):
    _tec_body(x_hbm, out_hbm, *scratch)


def kernel(x):
    xt = jnp.transpose(x, (1, 2, 0))
    ot = _sc_mask_set(xt)
    return jnp.transpose(ot, (2, 0, 1))

# --- scband reference (transcript-rebuilt; emitter-appended) ---
"""Pipeline reference for scband-inplace-set-item-mask-22445499089100 (READ-ONLY COPY).

The authoritative reference and input builder live on the scoring server;
editing this copy changes nothing except your own understanding.
"""

import jax, jax.numpy as jnp
import numpy as np

def setup_inputs(seed: int = 0) -> dict:
    key = jax.random.key(seed)
    x = jax.random.normal(key, (1048576, 3, 3), dtype=jnp.float32)
    return {"x": x}

def reference(x):
    # mask = x.to(bool): True wherever x != 0
    mask = x != 0
    # x[mask] = 2  -> functional masked overwrite
    out = jnp.where(mask, jnp.float32(2.0), x)
    return out

if __name__ == "__main__":
    import jax
    _d = setup_inputs()
    print(jax.jit(kernel)(*tuple(_d.values())))

</pallas_src>

<mosaic_0001>
#map = affine_map<(d0, d1) -> (0, 0, 0)>
module attributes {stable_mosaic.version = 14 : i64} {
  func.func @_sc_mask_set(%arg0: i32, %arg1: i32, %arg2: memref<3x3x1048576xf32, #tpu.memory_space<hbm>>, %arg3: memref<3x3x1048576xf32, #tpu.memory_space<hbm>>, %arg4: memref<3x3x2048xf32, #tpu.memory_space<vmem>>, %arg5: memref<3x3x2048xf32, #tpu.memory_space<vmem>>, %arg6: memref<3x3x2048xf32, #tpu.memory_space<vmem>>, %arg7: memref<3x3x2048xf32, #tpu.memory_space<vmem>>, %arg8: memref<3x3x2048xf32, #tpu.memory_space<vmem>>, %arg9: memref<!tpu.dma_semaphore, #tpu.memory_space<semaphore_mem>>, %arg10: memref<!tpu.dma_semaphore, #tpu.memory_space<semaphore_mem>>, %arg11: memref<!tpu.dma_semaphore, #tpu.memory_space<semaphore_mem>>, %arg12: memref<!tpu.dma_semaphore, #tpu.memory_space<semaphore_mem>>, %arg13: memref<!tpu.dma_semaphore, #tpu.memory_space<semaphore_mem>>) attributes {dimension_semantics = [#tpu.dimension_semantics<core_parallel>, #tpu.dimension_semantics<subcore_parallel>], iteration_bounds = array<i64: 2, 16>, scalar_prefetch = 0 : i64, scratch_operands = 10 : i64, tpu.core_type = #tpu.core_type<sc_vector_subcore>, window_params = [{transform_indices = #map}, {transform_indices = #map}]} {
    %mul3A = arith.constant 16 : i32
    %mul3A_0 = arith.muli %arg0, %mul3A : i32
    %add3A = arith.addi %mul3A_0, %arg1 : i32
    %mul3A_1 = arith.constant 32768 : i32
    %mul3A_2 = arith.muli %add3A, %mul3A_1 : i32
    %add3A_3 = arith.constant 0 : i32
    %add3A_4 = arith.addi %mul3A_2, %add3A_3 : i32
    %dma_start3A = arith.constant 0 : i32
    %dma_start3A_5 = arith.constant 0 : i32
    %dma_start3A_6 = arith.constant 0 : i32
    %dma_start3A_7 = tpu.memref_slice %arg4[%dma_start3A, %dma_start3A_5, %dma_start3A_6] : memref<3x3x2048xf32, #tpu.memory_space<vmem>> -> memref<3x3x1024xf32, #tpu.memory_space<vmem>>
    %dma_start3A_8 = arith.constant 0 : i32
    %dma_start3A_9 = arith.constant 0 : i32
    %dma_start3A_10 = tpu.memref_slice %arg2[%dma_start3A_8, %dma_start3A_9, %add3A_4] : memref<3x3x1048576xf32, #tpu.memory_space<hbm>> -> memref<3x3x1024xf32, #tpu.memory_space<hbm>>
    %dma_start3A_11 = arith.constant 0 : i32
    %dma_start3A_12 = arith.constant 0 : i32
    %dma_start3A_13 = arith.constant 0 : i32
    %dma_start3A_14 = tpu.memref_slice %arg4[%dma_start3A_11, %dma_start3A_12, %dma_start3A_13] : memref<3x3x2048xf32, #tpu.memory_space<vmem>> -> memref<3x3x1024xf32, #tpu.memory_space<vmem>>
    %dma_start3A_15 = arith.constant 0 : i32
    %dma_start3A_16 = arith.constant 0 : i32
    %dma_start3A_17 = tpu.memref_slice %arg2[%dma_start3A_15, %dma_start3A_16, %add3A_4] : memref<3x3x1048576xf32, #tpu.memory_space<hbm>> -> memref<3x3x1024xf32, #tpu.memory_space<hbm>>
    tpu.enqueue_dma source(%dma_start3A_17 : memref<3x3x1024xf32, #tpu.memory_space<hbm>>) target(%dma_start3A_14 : memref<3x3x1024xf32, #tpu.memory_space<vmem>>) target_semaphore(%arg9 : memref<!tpu.dma_semaphore, #tpu.memory_space<semaphore_mem>>)
    %add3A_18 = arith.constant 1024 : i32
    %add3A_19 = arith.addi %mul3A_2, %add3A_18 : i32
    %dma_start3A_20 = arith.constant 0 : i32
    %dma_start3A_21 = arith.constant 0 : i32
    %dma_start3A_22 = arith.constant 0 : i32
    %dma_start3A_23 = tpu.memref_slice %arg5[%dma_start3A_20, %dma_start3A_21, %dma_start3A_22] : memref<3x3x2048xf32, #tpu.memory_space<vmem>> -> memref<3x3x1024xf32, #tpu.memory_space<vmem>>
    %dma_start3A_24 = arith.constant 0 : i32
    %dma_start3A_25 = arith.constant 0 : i32
    %dma_start3A_26 = tpu.memref_slice %arg2[%dma_start3A_24, %dma_start3A_25, %add3A_19] : memref<3x3x1048576xf32, #tpu.memory_space<hbm>> -> memref<3x3x1024xf32, #tpu.memory_space<hbm>>
    %dma_start3A_27 = arith.constant 0 : i32
    %dma_start3A_28 = arith.constant 0 : i32
    %dma_start3A_29 = arith.constant 0 : i32
    %dma_start3A_30 = tpu.memref_slice %arg5[%dma_start3A_27, %dma_start3A_28, %dma_start3A_29] : memref<3x3x2048xf32, #tpu.memory_space<vmem>> -> memref<3x3x1024xf32, #tpu.memory_space<vmem>>
    %dma_start3A_31 = arith.constant 0 : i32
    %dma_start3A_32 = arith.constant 0 : i32
    %dma_start3A_33 = tpu.memref_slice %arg2[%dma_start3A_31, %dma_start3A_32, %add3A_19] : memref<3x3x1048576xf32, #tpu.memory_space<hbm>> -> memref<3x3x1024xf32, #tpu.memory_space<hbm>>
    tpu.enqueue_dma source(%dma_start3A_33 : memref<3x3x1024xf32, #tpu.memory_space<hbm>>) target(%dma_start3A_30 : memref<3x3x1024xf32, #tpu.memory_space<vmem>>) target_semaphore(%arg10 : memref<!tpu.dma_semaphore, #tpu.memory_space<semaphore_mem>>)
    %add3A_34 = arith.constant 2048 : i32
    %add3A_35 = arith.addi %mul3A_2, %add3A_34 : i32
    %dma_start3A_36 = arith.constant 0 : i32
    %dma_start3A_37 = arith.constant 0 : i32
    %dma_start3A_38 = tpu.memref_slice %arg2[%dma_start3A_36, %dma_start3A_37, %add3A_35] : memref<3x3x1048576xf32, #tpu.memory_space<hbm>> -> memref<3x3x2048xf32, #tpu.memory_space<hbm>>
    %dma_start3A_39 = arith.constant 0 : i32
    %dma_start3A_40 = arith.constant 0 : i32
    %dma_start3A_41 = tpu.memref_slice %arg2[%dma_start3A_39, %dma_start3A_40, %add3A_35] : memref<3x3x1048576xf32, #tpu.memory_space<hbm>> -> memref<3x3x2048xf32, #tpu.memory_space<hbm>>
    tpu.enqueue_dma source(%dma_start3A_41 : memref<3x3x2048xf32, #tpu.memory_space<hbm>>) target(%arg6 : memref<3x3x2048xf32, #tpu.memory_space<vmem>>) target_semaphore(%arg11 : memref<!tpu.dma_semaphore, #tpu.memory_space<semaphore_mem>>)
    %dma_wait3A = arith.constant 0 : i32
    %dma_wait3A_42 = arith.constant 0 : i32
    %dma_wait3A_43 = arith.constant 0 : i32
    %dma_wait3A_44 = tpu.memref_slice %arg4[%dma_wait3A, %dma_wait3A_42, %dma_wait3A_43] : memref<3x3x2048xf32, #tpu.memory_space<vmem>> -> memref<3x3x1024xf32, #tpu.memory_space<vmem>>
    %dma_wait3A_45 = arith.constant 0 : i32
    %dma_wait3A_46 = arith.constant 0 : i32
    %dma_wait3A_47 = tpu.memref_slice %arg2[%dma_wait3A_45, %dma_wait3A_46, %add3A_4] : memref<3x3x1048576xf32, #tpu.memory_space<hbm>> -> memref<3x3x1024xf32, #tpu.memory_space<hbm>>
    %dma_wait3A_48 = arith.constant 0 : i32
    %dma_wait3A_49 = arith.constant 0 : i32
    %dma_wait3A_50 = arith.constant 0 : i32
    %dma_wait3A_51 = tpu.memref_slice %arg4[%dma_wait3A_48, %dma_wait3A_49, %dma_wait3A_50] : memref<3x3x2048xf32, #tpu.memory_space<vmem>> -> memref<3x3x1024xf32, #tpu.memory_space<vmem>>
    %dma_wait3A_52 = arith.constant 0 : i32
    %dma_wait3A_53 = arith.constant 0 : i32
    %dma_wait3A_54 = tpu.memref_slice %arg2[%dma_wait3A_52, %dma_wait3A_53, %add3A_4] : memref<3x3x1048576xf32, #tpu.memory_space<hbm>> -> memref<3x3x1024xf32, #tpu.memory_space<hbm>>
    tpu.wait_dma2 semaphore(%arg9 : memref<!tpu.dma_semaphore, #tpu.memory_space<semaphore_mem>>) src(%dma_wait3A_54 : memref<3x3x1024xf32, #tpu.memory_space<hbm>>) dst(%dma_wait3A_51 : memref<3x3x1024xf32, #tpu.memory_space<vmem>>)
    %parallel_loop3A = arith.constant 0 : i32
    %parallel_loop3A_55 = arith.constant 64 : i32
    %parallel_loop3A_56 = arith.constant 1 : i32
    scf.for %parallel_loop3A_686 = %parallel_loop3A to %parallel_loop3A_55 step %parallel_loop3A_56  : i32 {
      %parallel_loop3A_687 = arith.constant 16 : i32
      %parallel_loop3A_688 = arith.muli %parallel_loop3A_686, %parallel_loop3A_687 : i32
      %parallel_loop3A_689 = arith.constant 0 : i32
      %parallel_loop3A_690 = arith.constant 0 : i32
      %parallel_loop3A_691 = arith.index_cast %parallel_loop3A_689 : i32 to index
      %parallel_loop3A_692 = arith.index_cast %parallel_loop3A_690 : i32 to index
      %parallel_loop3A_693 = arith.index_cast %parallel_loop3A_688 : i32 to index
      %parallel_loop3A_694 = tpu.vector_load %arg4[%parallel_loop3A_691, %parallel_loop3A_692, %parallel_loop3A_693] {strides = array<i32>} : memref<3x3x2048xf32, #tpu.memory_space<vmem>>, vector<1x1x16xf32>,
      %parallel_loop3A_695 = vector.shape_cast %parallel_loop3A_694 : vector<1x1x16xf32> to vector<16xf32>
      %parallel_loop3A_696 = arith.constant 0.000000e+00 : f32
      %parallel_loop3A_697 = vector.broadcast %parallel_loop3A_696 : f32 to vector<16xf32>
      %parallel_loop3A_698 = arith.cmpf oeq, %parallel_loop3A_695, %parallel_loop3A_697 : vector<16xf32>
      %parallel_loop3A_699 = arith.constant 2.000000e+00 : f32
      %parallel_loop3A_700 = vector.broadcast %parallel_loop3A_699 : f32 to vector<16xf32>
      %parallel_loop3A_701 = arith.select %parallel_loop3A_698, %parallel_loop3A_695, %parallel_loop3A_700 : vector<16xi1>, vector<16xf32>
      %parallel_loop3A_702 = arith.constant 0 : i32
      %parallel_loop3A_703 = arith.constant 0 : i32
      %parallel_loop3A_704 = arith.index_cast %parallel_loop3A_702 : i32 to index
      %parallel_loop3A_705 = arith.index_cast %parallel_loop3A_703 : i32 to index
      %parallel_loop3A_706 = arith.index_cast %parallel_loop3A_688 : i32 to index
      %parallel_loop3A_707 = tpu.vector_load %arg7[%parallel_loop3A_704, %parallel_loop3A_705, %parallel_loop3A_706] {strides = array<i32>} : memref<3x3x2048xf32, #tpu.memory_space<vmem>>, vector<1x1x16xf32>,
      %parallel_loop3A_708 = vector.shape_cast %parallel_loop3A_707 : vector<1x1x16xf32> to vector<16xf32>
      %parallel_loop3A_709 = vector.shape_cast %parallel_loop3A_701 : vector<16xf32> to vector<1x1x16xf32>
      tpu.vector_store %arg7[%parallel_loop3A_704, %parallel_loop3A_705, %parallel_loop3A_706], %parallel_loop3A_709 {strides = array<i32>} : memref<3x3x2048xf32, #tpu.memory_space<vmem>>, vector<1x1x16xf32>,
      %parallel_loop3A_710 = arith.constant 0 : i32
      %parallel_loop3A_711 = arith.constant 1 : i32
      %parallel_loop3A_712 = arith.index_cast %parallel_loop3A_710 : i32 to index
      %parallel_loop3A_713 = arith.index_cast %parallel_loop3A_711 : i32 to index
      %parallel_loop3A_714 = arith.index_cast %parallel_loop3A_688 : i32 to index
      %parallel_loop3A_715 = tpu.vector_load %arg4[%parallel_loop3A_712, %parallel_loop3A_713, %parallel_loop3A_714] {strides = array<i32>} : memref<3x3x2048xf32, #tpu.memory_space<vmem>>, vector<1x1x16xf32>,
      %parallel_loop3A_716 = vector.shape_cast %parallel_loop3A_715 : vector<1x1x16xf32> to vector<16xf32>
      %parallel_loop3A_717 = arith.constant 0.000000e+00 : f32
      %parallel_loop3A_718 = vector.broadcast %parallel_loop3A_717 : f32 to vector<16xf32>
      %parallel_loop3A_719 = arith.cmpf oeq, %parallel_loop3A_716, %parallel_loop3A_718 : vector<16xf32>
      %parallel_loop3A_720 = arith.constant 2.000000e+00 : f32
      %parallel_loop3A_721 = vector.broadcast %parallel_loop3A_720 : f32 to vector<16xf32>
      %parallel_loop3A_722 = arith.select %parallel_loop3A_719, %parallel_loop3A_716, %parallel_loop3A_721 : vector<16xi1>, vector<16xf32>
      %parallel_loop3A_723 = arith.constant 0 : i32
      %parallel_loop3A_724 = arith.constant 1 : i32
      %parallel_loop3A_725 = arith.index_cast %parallel_loop3A_723 : i32 to index
      %parallel_loop3A_726 = arith.index_cast %parallel_loop3A_724 : i32 to index
      %parallel_loop3A_727 = arith.index_cast %parallel_loop3A_688 : i32 to index
      %parallel_loop3A_728 = tpu.vector_load %arg7[%parallel_loop3A_725, %parallel_loop3A_726, %parallel_loop3A_727] {strides = array<i32>} : memref<3x3x2048xf32, #tpu.memory_space<vmem>>, vector<1x1x16xf32>,
      %parallel_loop3A_729 = vector.shape_cast %parallel_loop3A_728 : vector<1x1x16xf32> to vector<16xf32>
      %parallel_loop3A_730 = vector.shape_cast %parallel_loop3A_722 : vector<16xf32> to vector<1x1x16xf32>
      tpu.vector_store %arg7[%parallel_loop3A_725, %parallel_loop3A_726, %parallel_loop3A_727], %parallel_loop3A_730 {strides = array<i32>} : memref<3x3x2048xf32, #tpu.memory_space<vmem>>, vector<1x1x16xf32>,
      %parallel_loop3A_731 = arith.constant 0 : i32
      %parallel_loop3A_732 = arith.constant 2 : i32
      %parallel_loop3A_733 = arith.index_cast %parallel_loop3A_731 : i32 to index
      %parallel_loop3A_734 = arith.index_cast %parallel_loop3A_732 : i32 to index
      %parallel_loop3A_735 = arith.index_cast %parallel_loop3A_688 : i32 to index
      %parallel_loop3A_736 = tpu.vector_load %arg4[%parallel_loop3A_733, %parallel_loop3A_734, %parallel_loop3A_735] {strides = array<i32>} : memref<3x3x2048xf32, #tpu.memory_space<vmem>>, vector<1x1x16xf32>,
      %parallel_loop3A_737 = vector.shape_cast %parallel_loop3A_736 : vector<1x1x16xf32> to vector<16xf32>
      %parallel_loop3A_738 = arith.constant 0.000000e+00 : f32
      %parallel_loop3A_739 = vector.broadcast %parallel_loop3A_738 : f32 to vector<16xf32>
      %parallel_loop3A_740 = arith.cmpf oeq, %parallel_loop3A_737, %parallel_loop3A_739 : vector<16xf32>
      %parallel_loop3A_741 = arith.constant 2.000000e+00 : f32
      %parallel_loop3A_742 = vector.broadcast %parallel_loop3A_741 : f32 to vector<16xf32>
      %parallel_loop3A_743 = arith.select %parallel_loop3A_740, %parallel_loop3A_737, %parallel_loop3A_742 : vector<16xi1>, vector<16xf32>
      %parallel_loop3A_744 = arith.constant 0 : i32
      %parallel_loop3A_745 = arith.constant 2 : i32
      %parallel_loop3A_746 = arith.index_cast %parallel_loop3A_744 : i32 to index
      %parallel_loop3A_747 = arith.index_cast %parallel_loop3A_745 : i32 to index
      %parallel_loop3A_748 = arith.index_cast %parallel_loop3A_688 : i32 to index
      %parallel_loop3A_749 = tpu.vector_load %arg7[%parallel_loop3A_746, %parallel_loop3A_747, %parallel_loop3A_748] {strides = array<i32>} : memref<3x3x2048xf32, #tpu.memory_space<vmem>>, vector<1x1x16xf32>,
      %parallel_loop3A_750 = vector.shape_cast %parallel_loop3A_749 : vector<1x1x16xf32> to vector<16xf32>
      %parallel_loop3A_751 = vector.shape_cast %parallel_loop3A_743 : vector<16xf32> to vector<1x1x16xf32>
      tpu.vector_store %arg7[%parallel_loop3A_746, %parallel_loop3A_747, %parallel_loop3A_748], %parallel_loop3A_751 {strides = array<i32>} : memref<3x3x2048xf32, #tpu.memory_space<vmem>>, vector<1x1x16xf32>,
      %parallel_loop3A_752 = arith.constant 1 : i32
      %parallel_loop3A_753 = arith.constant 0 : i32
      %parallel_loop3A_754 = arith.index_cast %parallel_loop3A_752 : i32 to index
      %parallel_loop3A_755 = arith.index_cast %parallel_loop3A_753 : i32 to index
      %parallel_loop3A_756 = arith.index_cast %parallel_loop3A_688 : i32 to index
      %parallel_loop3A_757 = tpu.vector_load %arg4[%parallel_loop3A_754, %parallel_loop3A_755, %parallel_loop3A_756] {strides = array<i32>} : memref<3x3x2048xf32, #tpu.memory_space<vmem>>, vector<1x1x16xf32>,
      %parallel_loop3A_758 = vector.shape_cast %parallel_loop3A_757 : vector<1x1x16xf32> to vector<16xf32>
      %parallel_loop3A_759 = arith.constant 0.000000e+00 : f32
      %parallel_loop3A_760 = vector.broadcast %parallel_loop3A_759 : f32 to vector<16xf32>
      %parallel_loop3A_761 = arith.cmpf oeq, %parallel_loop3A_758, %parallel_loop3A_760 : vector<16xf32>
      %parallel_loop3A_762 = arith.constant 2.000000e+00 : f32
      %parallel_loop3A_763 = vector.broadcast %parallel_loop3A_762 : f32 to vector<16xf32>
      %parallel_loop3A_764 = arith.select %parallel_loop3A_761, %parallel_loop3A_758, %parallel_loop3A_763 : vector<16xi1>, vector<16xf32>
      %parallel_loop3A_765 = arith.constant 1 : i32
      %parallel_loop3A_766 = arith.constant 0 : i32
      %parallel_loop3A_767 = arith.index_cast %parallel_loop3A_765 : i32 to index
      %parallel_loop3A_768 = arith.index_cast %parallel_loop3A_766 : i32 to index
      %parallel_loop3A_769 = arith.index_cast %parallel_loop3A_688 : i32 to index
      %parallel_loop3A_770 = tpu.vector_load %arg7[%parallel_loop3A_767, %parallel_loop3A_768, %parallel_loop3A_769] {strides = array<i32>} : memref<3x3x2048xf32, #tpu.memory_space<vmem>>, vector<1x1x16xf32>,
      %parallel_loop3A_771 = vector.shape_cast %parallel_loop3A_770 : vector<1x1x16xf32> to vector<16xf32>
      %parallel_loop3A_772 = vector.shape_cast %parallel_loop3A_764 : vector<16xf32> to vector<1x1x16xf32>
      tpu.vector_store %arg7[%parallel_loop3A_767, %parallel_loop3A_768, %parallel_loop3A_769], %parallel_loop3A_772 {strides = array<i32>} : memref<3x3x2048xf32, #tpu.memory_space<vmem>>, vector<1x1x16xf32>,
      %parallel_loop3A_773 = arith.constant 1 : i32
      %parallel_loop3A_774 = arith.constant 1 : i32
      %parallel_loop3A_775 = arith.index_cast %parallel_loop3A_773 : i32 to index
      %parallel_loop3A_776 = arith.index_cast %parallel_loop3A_774 : i32 to index
      %parallel_loop3A_777 = arith.index_cast %parallel_loop3A_688 : i32 to index
      %parallel_loop3A_778 = tpu.vector_load %arg4[%parallel_loop3A_775, %parallel_loop3A_776, %parallel_loop3A_777] {strides = array<i32>} : memref<3x3x2048xf32, #tpu.memory_space<vmem>>, vector<1x1x16xf32>,
      %parallel_loop3A_779 = vector.shape_cast %parallel_loop3A_778 : vector<1x1x16xf32> to vector<16xf32>
      %parallel_loop3A_780 = arith.constant 0.000000e+00 : f32
      %parallel_loop3A_781 = vector.broadcast %parallel_loop3A_780 : f32 to vector<16xf32>
      %parallel_loop3A_782 = arith.cmpf oeq, %parallel_loop3A_779, %parallel_loop3A_781 : vector<16xf32>
      %parallel_loop3A_783 = arith.constant 2.000000e+00 : f32
      %parallel_loop3A_784 = vector.broadcast %parallel_loop3A_783 : f32 to vector<16xf32>
      %parallel_loop3A_785 = arith.select %parallel_loop3A_782, %parallel_loop3A_779, %parallel_loop3A_784 : vector<16xi1>, vector<16xf32>
      %parallel_loop3A_786 = arith.constant 1 : i32
      %parallel_loop3A_787 = arith.constant 1 : i32
      %parallel_loop3A_788 = arith.index_cast %parallel_loop3A_786 : i32 to index
      %parallel_loop3A_789 = arith.index_cast %parallel_loop3A_787 : i32 to index
      %parallel_loop3A_790 = arith.index_cast %parallel_loop3A_688 : i32 to index
      %parallel_loop3A_791 = tpu.vector_load %arg7[%parallel_loop3A_788, %parallel_loop3A_789, %parallel_loop3A_790] {strides = array<i32>} : memref<3x3x2048xf32, #tpu.memory_space<vmem>>, vector<1x1x16xf32>,
      %parallel_loop3A_792 = vector.shape_cast %parallel_loop3A_791 : vector<1x1x16xf32> to vector<16xf32>
      %parallel_loop3A_793 = vector.shape_cast %parallel_loop3A_785 : vector<16xf32> to vector<1x1x16xf32>
      tpu.vector_store %arg7[%parallel_loop3A_788, %parallel_loop3A_789, %parallel_loop3A_790], %parallel_loop3A_793 {strides = array<i32>} : memref<3x3x2048xf32, #tpu.memory_space<vmem>>, vector<1x1x16xf32>,
      %parallel_loop3A_794 = arith.constant 1 : i32
      %parallel_loop3A_795 = arith.constant 2 : i32
      %parallel_loop3A_796 = arith.index_cast %parallel_loop3A_794 : i32 to index
      %parallel_loop3A_797 = arith.index_cast %parallel_loop3A_795 : i32 to index
      %parallel_loop3A_798 = arith.index_cast %parallel_loop3A_688 : i32 to index
      %parallel_loop3A_799 = tpu.vector_load %arg4[%parallel_loop3A_796, %parallel_loop3A_797, %parallel_loop3A_798] {strides = array<i32>} : memref<3x3x2048xf32, #tpu.memory_space<vmem>>, vector<1x1x16xf32>,
      %parallel_loop3A_800 = vector.shape_cast %parallel_loop3A_799 : vector<1x1x16xf32> to vector<16xf32>
      %parallel_loop3A_801 = arith.constant 0.000000e+00 : f32
      %parallel_loop3A_802 = vector.broadcast %parallel_loop3A_801 : f32 to vector<16xf32>
      %parallel_loop3A_803 = arith.cmpf oeq, %parallel_loop3A_800, %parallel_loop3A_802 : vector<16xf32>
      %parallel_loop3A_804 = arith.constant 2.000000e+00 : f32
      %parallel_loop3A_805 = vector.broadcast %parallel_loop3A_804 : f32 to vector<16xf32>
      %parallel_loop3A_806 = arith.select %parallel_loop3A_803, %parallel_loop3A_800, %parallel_loop3A_805 : vector<16xi1>, vector<16xf32>
      %parallel_loop3A_807 = arith.constant 1 : i32
      %parallel_loop3A_808 = arith.constant 2 : i32
      %parallel_loop3A_809 = arith.index_cast %parallel_loop3A_807 : i32 to index
      %parallel_loop3A_810 = arith.index_cast %parallel_loop3A_808 : i32 to index
      %parallel_loop3A_811 = arith.index_cast %parallel_loop3A_688 : i32 to index
      %parallel_loop3A_812 = tpu.vector_load %arg7[%parallel_loop3A_809, %parallel_loop3A_810, %parallel_loop3A_811] {strides = array<i32>} : memref<3x3x2048xf32, #tpu.memory_space<vmem>>, vector<1x1x16xf32>,
      %parallel_loop3A_813 = vector.shape_cast %parallel_loop3A_812 : vector<1x1x16xf32> to vector<16xf32>
      %parallel_loop3A_814 = vector.shape_cast %parallel_loop3A_806 : vector<16xf32> to vector<1x1x16xf32>
      tpu.vector_store %arg7[%parallel_loop3A_809, %parallel_loop3A_810, %parallel_loop3A_811], %parallel_loop3A_814 {strides = array<i32>} : memref<3x3x2048xf32, #tpu.memory_space<vmem>>, vector<1x1x16xf32>,
      %parallel_loop3A_815 = arith.constant 2 : i32
      %parallel_loop3A_816 = arith.constant 0 : i32
      %parallel_loop3A_817 = arith.index_cast %parallel_loop3A_815 : i32 to index
      %parallel_loop3A_818 = arith.index_cast %parallel_loop3A_816 : i32 to index
      %parallel_loop3A_819 = arith.index_cast %parallel_loop3A_688 : i32 to index
      %parallel_loop3A_820 = tpu.vector_load %arg4[%parallel_loop3A_817, %parallel_loop3A_818, %parallel_loop3A_819] {strides = array<i32>} : memref<3x3x2048xf32, #tpu.memory_space<vmem>>, vector<1x1x16xf32>,
      %parallel_loop3A_821 = vector.shape_cast %parallel_loop3A_820 : vector<1x1x16xf32> to vector<16xf32>
      %parallel_loop3A_822 = arith.constant 0.000000e+00 : f32
      %parallel_loop3A_823 = vector.broadcast %parallel_loop3A_822 : f32 to vector<16xf32>
      %parallel_loop3A_824 = arith.cmpf oeq, %parallel_loop3A_821, %parallel_loop3A_823 : vector<16xf32>
      %parallel_loop3A_825 = arith.constant 2.000000e+00 : f32
      %parallel_loop3A_826 = vector.broadcast %parallel_loop3A_825 : f32 to vector<16xf32>
      %parallel_loop3A_827 = arith.select %parallel_loop3A_824, %parallel_loop3A_821, %parallel_loop3A_826 : vector<16xi1>, vector<16xf32>
      %parallel_loop3A_828 = arith.constant 2 : i32
      %parallel_loop3A_829 = arith.constant 0 : i32
      %parallel_loop3A_830 = arith.index_cast %parallel_loop3A_828 : i32 to index
      %parallel_loop3A_831 = arith.index_cast %parallel_loop3A_829 : i32 to index
      %parallel_loop3A_832 = arith.index_cast %parallel_loop3A_688 : i32 to index
      %parallel_loop3A_833 = tpu.vector_load %arg7[%parallel_loop3A_830, %parallel_loop3A_831, %parallel_loop3A_832] {strides = array<i32>} : memref<3x3x2048xf32, #tpu.memory_space<vmem>>, vector<1x1x16xf32>,
      %parallel_loop3A_834 = vector.shape_cast %parallel_loop3A_833 : vector<1x1x16xf32> to vector<16xf32>
      %parallel_loop3A_835 = vector.shape_cast %parallel_loop3A_827 : vector<16xf32> to vector<1x1x16xf32>
      tpu.vector_store %arg7[%parallel_loop3A_830, %parallel_loop3A_831, %parallel_loop3A_832], %parallel_loop3A_835 {strides = array<i32>} : memref<3x3x2048xf32, #tpu.memory_space<vmem>>, vector<1x1x16xf32>,
      %parallel_loop3A_836 = arith.constant 2 : i32
      %parallel_loop3A_837 = arith.constant 1 : i32
      %parallel_loop3A_838 = arith.index_cast %parallel_loop3A_836 : i32 to index
      %parallel_loop3A_839 = arith.index_cast %parallel_loop3A_837 : i32 to index
      %parallel_loop3A_840 = arith.index_cast %parallel_loop3A_688 : i32 to index
      %parallel_loop3A_841 = tpu.vector_load %arg4[%parallel_loop3A_838, %parallel_loop3A_839, %parallel_loop3A_840] {strides = array<i32>} : memref<3x3x2048xf32, #tpu.memory_space<vmem>>, vector<1x1x16xf32>,
      %parallel_loop3A_842 = vector.shape_cast %parallel_loop3A_841 : vector<1x1x16xf32> to vector<16xf32>
      %parallel_loop3A_843 = arith.constant 0.000000e+00 : f32
      %parallel_loop3A_844 = vector.broadcast %parallel_loop3A_843 : f32 to vector<16xf32>
      %parallel_loop3A_845 = arith.cmpf oeq, %parallel_loop3A_842, %parallel_loop3A_844 : vector<16xf32>
      %parallel_loop3A_846 = arith.constant 2.000000e+00 : f32
      %parallel_loop3A_847 = vector.broadcast %parallel_loop3A_846 : f32 to vector<16xf32>
      %parallel_loop3A_848 = arith.select %parallel_loop3A_845, %parallel_loop3A_842, %parallel_loop3A_847 : vector<16xi1>, vector<16xf32>
      %parallel_loop3A_849 = arith.constant 2 : i32
      %parallel_loop3A_850 = arith.constant 1 : i32
      %parallel_loop3A_851 = arith.index_cast %parallel_loop3A_849 : i32 to index
      %parallel_loop3A_852 = arith.index_cast %parallel_loop3A_850 : i32 to index
      %parallel_loop3A_853 = arith.index_cast %parallel_loop3A_688 : i32 to index
      %parallel_loop3A_854 = tpu.vector_load %arg7[%parallel_loop3A_851, %parallel_loop3A_852, %parallel_loop3A_853] {strides = array<i32>} : memref<3x3x2048xf32, #tpu.memory_space<vmem>>, vector<1x1x16xf32>,
      %parallel_loop3A_855 = vector.shape_cast %parallel_loop3A_854 : vector<1x1x16xf32> to vector<16xf32>
      %parallel_loop3A_856 = vector.shape_cast %parallel_loop3A_848 : vector<16xf32> to vector<1x1x16xf32>
      tpu.vector_store %arg7[%parallel_loop3A_851, %parallel_loop3A_852, %parallel_loop3A_853], %parallel_loop3A_856 {strides = array<i32>} : memref<3x3x2048xf32, #tpu.memory_space<vmem>>, vector<1x1x16xf32>,
      %parallel_loop3A_857 = arith.constant 2 : i32
      %parallel_loop3A_858 = arith.constant 2 : i32
      %parallel_loop3A_859 = arith.index_cast %parallel_loop3A_857 : i32 to index
      %parallel_loop3A_860 = arith.index_cast %parallel_loop3A_858 : i32 to index
      %parallel_loop3A_861 = arith.index_cast %parallel_loop3A_688 : i32 to index
      %parallel_loop3A_862 = tpu.vector_load %arg4[%parallel_loop3A_859, %parallel_loop3A_860, %parallel_loop3A_861] {strides = array<i32>} : memref<3x3x2048xf32, #tpu.memory_space<vmem>>, vector<1x1x16xf32>,
      %parallel_loop3A_863 = vector.shape_cast %parallel_loop3A_862 : vector<1x1x16xf32> to vector<16xf32>
      %parallel_loop3A_864 = arith.constant 0.000000e+00 : f32
      %parallel_loop3A_865 = vector.broadcast %parallel_loop3A_864 : f32 to vector<16xf32>
      %parallel_loop3A_866 = arith.cmpf oeq, %parallel_loop3A_863, %parallel_loop3A_865 : vector<16xf32>
      %parallel_loop3A_867 = arith.constant 2.000000e+00 : f32
      %parallel_loop3A_868 = vector.broadcast %parallel_loop3A_867 : f32 to vector<16xf32>
      %parallel_loop3A_869 = arith.select %parallel_loop3A_866, %parallel_loop3A_863, %parallel_loop3A_868 : vector<16xi1>, vector<16xf32>
      %parallel_loop3A_870 = arith.constant 2 : i32
      %parallel_loop3A_871 = arith.constant 2 : i32
      %parallel_loop3A_872 = arith.index_cast %parallel_loop3A_870 : i32 to index
      %parallel_loop3A_873 = arith.index_cast %parallel_loop3A_871 : i32 to index
      %parallel_loop3A_874 = arith.index_cast %parallel_loop3A_688 : i32 to index
      %parallel_loop3A_875 = tpu.vector_load %arg7[%parallel_loop3A_872, %parallel_loop3A_873, %parallel_loop3A_874] {strides = array<i32>} : memref<3x3x2048xf32, #tpu.memory_space<vmem>>, vector<1x1x16xf32>,
      %parallel_loop3A_876 = vector.shape_cast %parallel_loop3A_875 : vector<1x1x16xf32> to vector<16xf32>
      %parallel_loop3A_877 = vector.shape_cast %parallel_loop3A_869 : vector<16xf32> to vector<1x1x16xf32>
      tpu.vector_store %arg7[%parallel_loop3A_872, %parallel_loop3A_873, %parallel_loop3A_874], %parallel_loop3A_877 {strides = array<i32>} : memref<3x3x2048xf32, #tpu.memory_space<vmem>>, vector<1x1x16xf32>,
    } {sc.loop_unroll_factor = 1 : i64, sc.parallel_access}
    %add3A_57 = arith.constant 0 : i32
    %add3A_58 = arith.addi %mul3A_2, %add3A_57 : i32
    %dma_start3A_59 = arith.constant 0 : i32
    %dma_start3A_60 = arith.constant 0 : i32
    %dma_start3A_61 = arith.constant 0 : i32
    %dma_start3A_62 = tpu.memref_slice %arg7[%dma_start3A_59, %dma_start3A_60, %dma_start3A_61] : memref<3x3x2048xf32, #tpu.memory_space<vmem>> -> memref<3x3x1024xf32, #tpu.memory_space<vmem>>
    %dma_start3A_63 = arith.constant 0 : i32
    %dma_start3A_64 = arith.constant 0 : i32
    %dma_start3A_65 = tpu.memref_slice %arg3[%dma_start3A_63, %dma_start3A_64, %add3A_58] : memref<3x3x1048576xf32, #tpu.memory_space<hbm>> -> memref<3x3x1024xf32, #tpu.memory_space<hbm>>
    %dma_start3A_66 = arith.constant 0 : i32
    %dma_start3A_67 = arith.constant 0 : i32
    %dma_start3A_68 = tpu.memref_slice %arg3[%dma_start3A_66, %dma_start3A_67, %add3A_58] : memref<3x3x1048576xf32, #tpu.memory_space<hbm>> -> memref<3x3x1024xf32, #tpu.memory_space<hbm>>
    %dma_start3A_69 = arith.constant 0 : i32
    %dma_start3A_70 = arith.constant 0 : i32
    %dma_start3A_71 = arith.constant 0 : i32
    %dma_start3A_72 = tpu.memref_slice %arg7[%dma_start3A_69, %dma_start3A_70, %dma_start3A_71] : memref<3x3x2048xf32, #tpu.memory_space<vmem>> -> memref<3x3x1024xf32, #tpu.memory_space<vmem>>
    tpu.enqueue_dma source(%dma_start3A_72 : memref<3x3x1024xf32, #tpu.memory_space<vmem>>) target(%dma_start3A_68 : memref<3x3x1024xf32, #tpu.memory_space<hbm>>) target_semaphore(%arg12 : memref<!tpu.dma_semaphore, #tpu.memory_space<semaphore_mem>>)
    %add3A_73 = arith.constant 4096 : i32
    %add3A_74 = arith.addi %mul3A_2, %add3A_73 : i32
    %dma_start3A_75 = arith.constant 0 : i32
    %dma_start3A_76 = arith.constant 0 : i32
    %dma_start3A_77 = tpu.memref_slice %arg2[%dma_start3A_75, %dma_start3A_76, %add3A_74] : memref<3x3x1048576xf32, #tpu.memory_space<hbm>> -> memref<3x3x2048xf32, #tpu.memory_space<hbm>>
    %dma_start3A_78 = arith.constant 0 : i32
    %dma_start3A_79 = arith.constant 0 : i32
    %dma_start3A_80 = tpu.memref_slice %arg2[%dma_start3A_78, %dma_start3A_79, %add3A_74] : memref<3x3x1048576xf32, #tpu.memory_space<hbm>> -> memref<3x3x2048xf32, #tpu.memory_space<hbm>>
    tpu.enqueue_dma source(%dma_start3A_80 : memref<3x3x2048xf32, #tpu.memory_space<hbm>>) target(%arg4 : memref<3x3x2048xf32, #tpu.memory_space<vmem>>) target_semaphore(%arg9 : memref<!tpu.dma_semaphore, #tpu.memory_space<semaphore_mem>>)
    %dma_wait3A_81 = arith.constant 0 : i32
    %dma_wait3A_82 = arith.constant 0 : i32
    %dma_wait3A_83 = arith.constant 0 : i32
    %dma_wait3A_84 = tpu.memref_slice %arg5[%dma_wait3A_81, %dma_wait3A_82, %dma_wait3A_83] : memref<3x3x2048xf32, #tpu.memory_space<vmem>> -> memref<3x3x1024xf32, #tpu.memory_space<vmem>>
    %dma_wait3A_85 = arith.constant 0 : i32
    %dma_wait3A_86 = arith.constant 0 : i32
    %dma_wait3A_87 = tpu.memref_slice %arg2[%dma_wait3A_85, %dma_wait3A_86, %add3A_19] : memref<3x3x1048576xf32, #tpu.memory_space<hbm>> -> memref<3x3x1024xf32, #tpu.memory_space<hbm>>
    %dma_wait3A_88 = arith.constant 0 : i32
    %dma_wait3A_89 = arith.constant 0 : i32
    %dma_wait3A_90 = arith.constant 0 : i32
    %dma_wait3A_91 = tpu.memref_slice %arg5[%dma_wait3A_88, %dma_wait3A_89, %dma_wait3A_90] : memref<3x3x2048xf32, #tpu.memory_space<vmem>> -> memref<3x3x1024xf32, #tpu.memory_space<vmem>>
    %dma_wait3A_92 = arith.constant 0 : i32
    %dma_wait3A_93 = arith.constant 0 : i32
    %dma_wait3A_94 = tpu.memref_slice %arg2[%dma_wait3A_92, %dma_wait3A_93, %add3A_19] : memref<3x3x1048576xf32, #tpu.memory_space<hbm>> -> memref<3x3x1024xf32, #tpu.memory_space<hbm>>
    tpu.wait_dma2 semaphore(%arg10 : memref<!tpu.dma_semaphore, #tpu.memory_space<semaphore_mem>>) src(%dma_wait3A_94 : memref<3x3x1024xf32, #tpu.memory_space<hbm>>) dst(%dma_wait3A_91 : memref<3x3x1024xf32, #tpu.memory_space<vmem>>)
    %parallel_loop3A_95 = arith.constant 0 : i32
    %parallel_loop3A_96 = arith.constant 64 : i32
    %parallel_loop3A_97 = arith.constant 1 : i32
    scf.for %parallel_loop3A_686 = %parallel_loop3A_95 to %parallel_loop3A_96 step %parallel_loop3A_97  : i32 {
      %parallel_loop3A_687 = arith.constant 16 : i32
      %parallel_loop3A_688 = arith.muli %parallel_loop3A_686, %parallel_loop3A_687 : i32
      %parallel_loop3A_689 = arith.constant 0 : i32
      %parallel_loop3A_690 = arith.constant 0 : i32
      %parallel_loop3A_691 = arith.index_cast %parallel_loop3A_689 : i32 to index
      %parallel_loop3A_692 = arith.index_cast %parallel_loop3A_690 : i32 to index
      %parallel_loop3A_693 = arith.index_cast %parallel_loop3A_688 : i32 to index
      %parallel_loop3A_694 = tpu.vector_load %arg5[%parallel_loop3A_691, %parallel_loop3A_692, %parallel_loop3A_693] {strides = array<i32>} : memref<3x3x2048xf32, #tpu.memory_space<vmem>>, vector<1x1x16xf32>,
      %parallel_loop3A_695 = vector.shape_cast %parallel_loop3A_694 : vector<1x1x16xf32> to vector<16xf32>
      %parallel_loop3A_696 = arith.constant 0.000000e+00 : f32
      %parallel_loop3A_697 = vector.broadcast %parallel_loop3A_696 : f32 to vector<16xf32>
      %parallel_loop3A_698 = arith.cmpf oeq, %parallel_loop3A_695, %parallel_loop3A_697 : vector<16xf32>
      %parallel_loop3A_699 = arith.constant 2.000000e+00 : f32
      %parallel_loop3A_700 = vector.broadcast %parallel_loop3A_699 : f32 to vector<16xf32>
      %parallel_loop3A_701 = arith.select %parallel_loop3A_698, %parallel_loop3A_695, %parallel_loop3A_700 : vector<16xi1>, vector<16xf32>
      %parallel_loop3A_702 = arith.constant 0 : i32
      %parallel_loop3A_703 = arith.constant 0 : i32
      %parallel_loop3A_704 = arith.index_cast %parallel_loop3A_702 : i32 to index
      %parallel_loop3A_705 = arith.index_cast %parallel_loop3A_703 : i32 to index
      %parallel_loop3A_706 = arith.index_cast %parallel_loop3A_688 : i32 to index
      %parallel_loop3A_707 = tpu.vector_load %arg8[%parallel_loop3A_704, %parallel_loop3A_705, %parallel_loop3A_706] {strides = array<i32>} : memref<3x3x2048xf32, #tpu.memory_space<vmem>>, vector<1x1x16xf32>,
      %parallel_loop3A_708 = vector.shape_cast %parallel_loop3A_707 : vector<1x1x16xf32> to vector<16xf32>
      %parallel_loop3A_709 = vector.shape_cast %parallel_loop3A_701 : vector<16xf32> to vector<1x1x16xf32>
      tpu.vector_store %arg8[%parallel_loop3A_704, %parallel_loop3A_705, %parallel_loop3A_706], %parallel_loop3A_709 {strides = array<i32>} : memref<3x3x2048xf32, #tpu.memory_space<vmem>>, vector<1x1x16xf32>,
      %parallel_loop3A_710 = arith.constant 0 : i32
      %parallel_loop3A_711 = arith.constant 1 : i32
      %parallel_loop3A_712 = arith.index_cast %parallel_loop3A_710 : i32 to index
      %parallel_loop3A_713 = arith.index_cast %parallel_loop3A_711 : i32 to index
      %parallel_loop3A_714 = arith.index_cast %parallel_loop3A_688 : i32 to index
      %parallel_loop3A_715 = tpu.vector_load %arg5[%parallel_loop3A_712, %parallel_loop3A_713, %parallel_loop3A_714] {strides = array<i32>} : memref<3x3x2048xf32, #tpu.memory_space<vmem>>, vector<1x1x16xf32>,
      %parallel_loop3A_716 = vector.shape_cast %parallel_loop3A_715 : vector<1x1x16xf32> to vector<16xf32>
      %parallel_loop3A_717 = arith.constant 0.000000e+00 : f32
      %parallel_loop3A_718 = vector.broadcast %parallel_loop3A_717 : f32 to vector<16xf32>
      %parallel_loop3A_719 = arith.cmpf oeq, %parallel_loop3A_716, %parallel_loop3A_718 : vector<16xf32>
      %parallel_loop3A_720 = arith.constant 2.000000e+00 : f32
      %parallel_loop3A_721 = vector.broadcast %parallel_loop3A_720 : f32 to vector<16xf32>
      %parallel_loop3A_722 = arith.select %parallel_loop3A_719, %parallel_loop3A_716, %parallel_loop3A_721 : vector<16xi1>, vector<16xf32>
      %parallel_loop3A_723 = arith.constant 0 : i32
      %parallel_loop3A_724 = arith.constant 1 : i32
      %parallel_loop3A_725 = arith.index_cast %parallel_loop3A_723 : i32 to index
      %parallel_loop3A_726 = arith.index_cast %parallel_loop3A_724 : i32 to index
      %parallel_loop3A_727 = arith.index_cast %parallel_loop3A_688 : i32 to index
      %parallel_loop3A_728 = tpu.vector_load %arg8[%parallel_loop3A_725, %parallel_loop3A_726, %parallel_loop3A_727] {strides = array<i32>} : memref<3x3x2048xf32, #tpu.memory_space<vmem>>, vector<1x1x16xf32>,
      %parallel_loop3A_729 = vector.shape_cast %parallel_loop3A_728 : vector<1x1x16xf32> to vector<16xf32>
      %parallel_loop3A_730 = vector.shape_cast %parallel_loop3A_722 : vector<16xf32> to vector<1x1x16xf32>
      tpu.vector_store %arg8[%parallel_loop3A_725, %parallel_loop3A_726, %parallel_loop3A_727], %parallel_loop3A_730 {strides = array<i32>} : memref<3x3x2048xf32, #tpu.memory_space<vmem>>, vector<1x1x16xf32>,
      %parallel_loop3A_731 = arith.constant 0 : i32
      %parallel_loop3A_732 = arith.constant 2 : i32
      %parallel_loop3A_733 = arith.index_cast %parallel_loop3A_731 : i32 to index
      %parallel_loop3A_734 = arith.index_cast %parallel_loop3A_732 : i32 to index
      %parallel_loop3A_735 = arith.index_cast %parallel_loop3A_688 : i32 to index
      %parallel_loop3A_736 = tpu.vector_load %arg5[%parallel_loop3A_733, %parallel_loop3A_734, %parallel_loop3A_735] {strides = array<i32>} : memref<3x3x2048xf32, #tpu.memory_space<vmem>>, vector<1x1x16xf32>,
      %parallel_loop3A_737 = vector.shape_cast %parallel_loop3A_736 : vector<1x1x16xf32> to vector<16xf32>
      %parallel_loop3A_738 = arith.constant 0.000000e+00 : f32
      %parallel_loop3A_739 = vector.broadcast %parallel_loop3A_738 : f32 to vector<16xf32>
      %parallel_loop3A_740 = arith.cmpf oeq, %parallel_loop3A_737, %parallel_loop3A_739 : vector<16xf32>
      %parallel_loop3A_741 = arith.constant 2.000000e+00 : f32
      %parallel_loop3A_742 = vector.broadcast %parallel_loop3A_741 : f32 to vector<16xf32>
      %parallel_loop3A_743 = arith.select %parallel_loop3A_740, %parallel_loop3A_737, %parallel_loop3A_742 : vector<16xi1>, vector<16xf32>
      %parallel_loop3A_744 = arith.constant 0 : i32
      %parallel_loop3A_745 = arith.constant 2 : i32
      %parallel_loop3A_746 = arith.index_cast %parallel_loop3A_744 : i32 to index
      %parallel_loop3A_747 = arith.index_cast %parallel_loop3A_745 : i32 to index
      %parallel_loop3A_748 = arith.index_cast %parallel_loop3A_688 : i32 to index
      %parallel_loop3A_749 = tpu.vector_load %arg8[%parallel_loop3A_746, %parallel_loop3A_747, %parallel_loop3A_748] {strides = array<i32>} : memref<3x3x2048xf32, #tpu.memory_space<vmem>>, vector<1x1x16xf32>,
      %parallel_loop3A_750 = vector.shape_cast %parallel_loop3A_749 : vector<1x1x16xf32> to vector<16xf32>
      %parallel_loop3A_751 = vector.shape_cast %parallel_loop3A_743 : vector<16xf32> to vector<1x1x16xf32>
      tpu.vector_store %arg8[%parallel_loop3A_746, %parallel_loop3A_747, %parallel_loop3A_748], %parallel_loop3A_751 {strides = array<i32>} : memref<3x3x2048xf32, #tpu.memory_space<vmem>>, vector<1x1x16xf32>,
      %parallel_loop3A_752 = arith.constant 1 : i32
      %parallel_loop3A_753 = arith.constant 0 : i32
      %parallel_loop3A_754 = arith.index_cast %parallel_loop3A_752 : i32 to index
      %parallel_loop3A_755 = arith.index_cast %parallel_loop3A_753 : i32 to index
      %parallel_loop3A_756 = arith.index_cast %parallel_loop3A_688 : i32 to index
      %parallel_loop3A_757 = tpu.vector_load %arg5[%parallel_loop3A_754, %parallel_loop3A_755, %parallel_loop3A_756] {strides = array<i32>} : memref<3x3x2048xf32, #tpu.memory_space<vmem>>, vector<1x1x16xf32>,
      %parallel_loop3A_758 = vector.shape_cast %parallel_loop3A_757 : vector<1x1x16xf32> to vector<16xf32>
      %parallel_loop3A_759 = arith.constant 0.000000e+00 : f32
      %parallel_loop3A_760 = vector.broadcast %parallel_loop3A_759 : f32 to vector<16xf32>
      %parallel_loop3A_761 = arith.cmpf oeq, %parallel_loop3A_758, %parallel_loop3A_760 : vector<16xf32>
      %parallel_loop3A_762 = arith.constant 2.000000e+00 : f32
      %parallel_loop3A_763 = vector.broadcast %parallel_loop3A_762 : f32 to vector<16xf32>
      %parallel_loop3A_764 = arith.select %parallel_loop3A_761, %parallel_loop3A_758, %parallel_loop3A_763 : vector<16xi1>, vector<16xf32>
      %parallel_loop3A_765 = arith.constant 1 : i32
      %parallel_loop3A_766 = arith.constant 0 : i32
      %parallel_loop3A_767 = arith.index_cast %parallel_loop3A_765 : i32 to index
      %parallel_loop3A_768 = arith.index_cast %parallel_loop3A_766 : i32 to index
      %parallel_loop3A_769 = arith.index_cast %parallel_loop3A_688 : i32 to index
      %parallel_loop3A_770 = tpu.vector_load %arg8[%parallel_loop3A_767, %parallel_loop3A_768, %parallel_loop3A_769] {strides = array<i32>} : memref<3x3x2048xf32, #tpu.memory_space<vmem>>, vector<1x1x16xf32>,
      %parallel_loop3A_771 = vector.shape_cast %parallel_loop3A_770 : vector<1x1x16xf32> to vector<16xf32>
      %parallel_loop3A_772 = vector.shape_cast %parallel_loop3A_764 : vector<16xf32> to vector<1x1x16xf32>
      tpu.vector_store %arg8[%parallel_loop3A_767, %parallel_loop3A_768, %parallel_loop3A_769], %parallel_loop3A_772 {strides = array<i32>} : memref<3x3x2048xf32, #tpu.memory_space<vmem>>, vector<1x1x16xf32>,
      %parallel_loop3A_773 = arith.constant 1 : i32
      %parallel_loop3A_774 = arith.constant 1 : i32
      %parallel_loop3A_775 = arith.index_cast %parallel_loop3A_773 : i32 to index
      %parallel_loop3A_776 = arith.index_cast %parallel_loop3A_774 : i32 to index
      %parallel_loop3A_777 = arith.index_cast %parallel_loop3A_688 : i32 to index
      %parallel_loop3A_778 = tpu.vector_load %arg5[%parallel_loop3A_775, %parallel_loop3A_776, %parallel_loop3A_777] {strides = array<i32>} : memref<3x3x2048xf32, #tpu.memory_space<vmem>>, vector<1x1x16xf32>,
      %parallel_loop3A_779 = vector.shape_cast %parallel_loop3A_778 : vector<1x1x16xf32> to vector<16xf32>
      %parallel_loop3A_780 = arith.constant 0.000000e+00 : f32
      %parallel_loop3A_781 = vector.broadcast %parallel_loop3A_780 : f32 to vector<16xf32>
      %parallel_loop3A_782 = arith.cmpf oeq, %parallel_loop3A_779, %parallel_loop3A_781 : vector<16xf32>
      %parallel_loop3A_783 = arith.constant 2.000000e+00 : f32
      %parallel_loop3A_784 = vector.broadcast %parallel_loop3A_783 : f32 to vector<16xf32>
      %parallel_loop3A_785 = arith.select %parallel_loop3A_782, %parallel_loop3A_779, %parallel_loop3A_784 : vector<16xi1>, vector<16xf32>
      %parallel_loop3A_786 = arith.constant 1 : i32
      %parallel_loop3A_787 = arith.constant 1 : i32
      %parallel_loop3A_788 = arith.index_cast %parallel_loop3A_786 : i32 to index
      %parallel_loop3A_789 = arith.index_cast %parallel_loop3A_787 : i32 to index
      %parallel_loop3A_790 = arith.index_cast %parallel_loop3A_688 : i32 to index
      %parallel_loop3A_791 = tpu.vector_load %arg8[%parallel_loop3A_788, %parallel_loop3A_789, %parallel_loop3A_790] {strides = array<i32>} : memref<3x3x2048xf32, #tpu.memory_space<vmem>>, vector<1x1x16xf32>,
      %parallel_loop3A_792 = vector.shape_cast %parallel_loop3A_791 : vector<1x1x16xf32> to vector<16xf32>
      %parallel_loop3A_793 = vector.shape_cast %parallel_loop3A_785 : vector<16xf32> to vector<1x1x16xf32>
      tpu.vector_store %arg8[%parallel_loop3A_788, %parallel_loop3A_789, %parallel_loop3A_790], %parallel_loop3A_793 {strides = array<i32>} : memref<3x3x2048xf32, #tpu.memory_space<vmem>>, vector<1x1x16xf32>,
      %parallel_loop3A_794 = arith.constant 1 : i32
      %parallel_loop3A_795 = arith.constant 2 : i32
      %parallel_loop3A_796 = arith.index_cast %parallel_loop3A_794 : i32 to index
      %parallel_loop3A_797 = arith.index_cast %parallel_loop3A_795 : i32 to index
      %parallel_loop3A_798 = arith.index_cast %parallel_loop3A_688 : i32 to index
      %parallel_loop3A_799 = tpu.vector_load %arg5[%parallel_loop3A_796, %parallel_loop3A_797, %parallel_loop3A_798] {strides = array<i32>} : memref<3x3x2048xf32, #tpu.memory_space<vmem>>, vector<1x1x16xf32>,
      %parallel_loop3A_800 = vector.shape_cast %parallel_loop3A_799 : vector<1x1x16xf32> to vector<16xf32>
      %parallel_loop3A_801 = arith.constant 0.000000e+00 : f32
      %parallel_loop3A_802 = vector.broadcast %parallel_loop3A_801 : f32 to vector<16xf32>
      %parallel_loop3A_803 = arith.cmpf oeq, %parallel_loop3A_800, %parallel_loop3A_802 : vector<16xf32>
      %parallel_loop3A_804 = arith.constant 2.000000e+00 : f32
      %parallel_loop3A_805 = vector.broadcast %parallel_loop3A_804 : f32 to vector<16xf32>
      %parallel_loop3A_806 = arith.select %parallel_loop3A_803, %parallel_loop3A_800, %parallel_loop3A_805 : vector<16xi1>, vector<16xf32>
      %parallel_loop3A_807 = arith.constant 1 : i32
      %parallel_loop3A_808 = arith.constant 2 : i32
      %parallel_loop3A_809 = arith.index_cast %parallel_loop3A_807 : i32 to index
      %parallel_loop3A_810 = arith.index_cast %parallel_loop3A_808 : i32 to index
      %parallel_loop3A_811 = arith.index_cast %parallel_loop3A_688 : i32 to index
      %parallel_loop3A_812 = tpu.vector_load %arg8[%parallel_loop3A_809, %parallel_loop3A_810, %parallel_loop3A_811] {strides = array<i32>} : memref<3x3x2048xf32, #tpu.memory_space<vmem>>, vector<1x1x16xf32>,
      %parallel_loop3A_813 = vector.shape_cast %parallel_loop3A_812 : vector<1x1x16xf32> to vector<16xf32>
      %parallel_loop3A_814 = vector.shape_cast %parallel_loop3A_806 : vector<16xf32> to vector<1x1x16xf32>
      tpu.vector_store %arg8[%parallel_loop3A_809, %parallel_loop3A_810, %parallel_loop3A_811], %parallel_loop3A_814 {strides = array<i32>} : memref<3x3x2048xf32, #tpu.memory_space<vmem>>, vector<1x1x16xf32>,
      %parallel_loop3A_815 = arith.constant 2 : i32
      %parallel_loop3A_816 = arith.constant 0 : i32
      %parallel_loop3A_817 = arith.index_cast %parallel_loop3A_815 : i32 to index
      %parallel_loop3A_818 = arith.index_cast %parallel_loop3A_816 : i32 to index
      %parallel_loop3A_819 = arith.index_cast %parallel_loop3A_688 : i32 to index
      %parallel_loop3A_820 = tpu.vector_load %arg5[%parallel_loop3A_817, %parallel_loop3A_818, %parallel_loop3A_819] {strides = array<i32>} : memref<3x3x2048xf32, #tpu.memory_space<vmem>>, vector<1x1x16xf32>,
      %parallel_loop3A_821 = vector.shape_cast %parallel_loop3A_820 : vector<1x1x16xf32> to vector<16xf32>
      %parallel_loop3A_822 = arith.constant 0.000000e+00 : f32
      %parallel_loop3A_823 = vector.broadcast %parallel_loop3A_822 : f32 to vector<16xf32>
      %parallel_loop3A_824 = arith.cmpf oeq, %parallel_loop3A_821, %parallel_loop3A_823 : vector<16xf32>
      %parallel_loop3A_825 = arith.constant 2.000000e+00 : f32
      %parallel_loop3A_826 = vector.broadcast %parallel_loop3A_825 : f32 to vector<16xf32>
      %parallel_loop3A_827 = arith.select %parallel_loop3A_824, %parallel_loop3A_821, %parallel_loop3A_826 : vector<16xi1>, vector<16xf32>
      %parallel_loop3A_828 = arith.constant 2 : i32
      %parallel_loop3A_829 = arith.constant 0 : i32
      %parallel_loop3A_830 = arith.index_cast %parallel_loop3A_828 : i32 to index
      %parallel_loop3A_831 = arith.index_cast %parallel_loop3A_829 : i32 to index
      %parallel_loop3A_832 = arith.index_cast %parallel_loop3A_688 : i32 to index
      %parallel_loop3A_833 = tpu.vector_load %arg8[%parallel_loop3A_830, %parallel_loop3A_831, %parallel_loop3A_832] {strides = array<i32>} : memref<3x3x2048xf32, #tpu.memory_space<vmem>>, vector<1x1x16xf32>,
      %parallel_loop3A_834 = vector.shape_cast %parallel_loop3A_833 : vector<1x1x16xf32> to vector<16xf32>
      %parallel_loop3A_835 = vector.shape_cast %parallel_loop3A_827 : vector<16xf32> to vector<1x1x16xf32>
      tpu.vector_store %arg8[%parallel_loop3A_830, %parallel_loop3A_831, %parallel_loop3A_832], %parallel_loop3A_835 {strides = array<i32>} : memref<3x3x2048xf32, #tpu.memory_space<vmem>>, vector<1x1x16xf32>,
      %parallel_loop3A_836 = arith.constant 2 : i32
      %parallel_loop3A_837 = arith.constant 1 : i32
      %parallel_loop3A_838 = arith.index_cast %parallel_loop3A_836 : i32 to index
      %parallel_loop3A_839 = arith.index_cast %parallel_loop3A_837 : i32 to index
      %parallel_loop3A_840 = arith.index_cast %parallel_loop3A_688 : i32 to index
      %parallel_loop3A_841 = tpu.vector_load %arg5[%parallel_loop3A_838, %parallel_loop3A_839, %parallel_loop3A_840] {strides = array<i32>} : memref<3x3x2048xf32, #tpu.memory_space<vmem>>, vector<1x1x16xf32>,
      %parallel_loop3A_842 = vector.shape_cast %parallel_loop3A_841 : vector<1x1x16xf32> to vector<16xf32>
      %parallel_loop3A_843 = arith.constant 0.000000e+00 : f32
      %parallel_loop3A_844 = vector.broadcast %parallel_loop3A_843 : f32 to vector<16xf32>
      %parallel_loop3A_845 = arith.cmpf oeq, %parallel_loop3A_842, %parallel_loop3A_844 : vector<16xf32>
      %parallel_loop3A_846 = arith.constant 2.000000e+00 : f32
      %parallel_loop3A_847 = vector.broadcast %parallel_loop3A_846 : f32 to vector<16xf32>
      %parallel_loop3A_848 = arith.select %parallel_loop3A_845, %parallel_loop3A_842, %parallel_loop3A_847 : vector<16xi1>, vector<16xf32>
      %parallel_loop3A_849 = arith.constant 2 : i32
      %parallel_loop3A_850 = arith.constant 1 : i32
      %parallel_loop3A_851 = arith.index_cast %parallel_loop3A_849 : i32 to index
      %parallel_loop3A_852 = arith.index_cast %parallel_loop3A_850 : i32 to index
      %parallel_loop3A_853 = arith.index_cast %parallel_loop3A_688 : i32 to index
      %parallel_loop3A_854 = tpu.vector_load %arg8[%parallel_loop3A_851, %parallel_loop3A_852, %parallel_loop3A_853] {strides = array<i32>} : memref<3x3x2048xf32, #tpu.memory_space<vmem>>, vector<1x1x16xf32>,
      %parallel_loop3A_855 = vector.shape_cast %parallel_loop3A_854 : vector<1x1x16xf32> to vector<16xf32>
      %parallel_loop3A_856 = vector.shape_cast %parallel_loop3A_848 : vector<16xf32> to vector<1x1x16xf32>
      tpu.vector_store %arg8[%parallel_loop3A_851, %parallel_loop3A_852, %parallel_loop3A_853], %parallel_loop3A_856 {strides = array<i32>} : memref<3x3x2048xf32, #tpu.memory_space<vmem>>, vector<1x1x16xf32>,
      %parallel_loop3A_857 = arith.constant 2 : i32
      %parallel_loop3A_858 = arith.constant 2 : i32
      %parallel_loop3A_859 = arith.index_cast %parallel_loop3A_857 : i32 to index
      %parallel_loop3A_860 = arith.index_cast %parallel_loop3A_858 : i32 to index
      %parallel_loop3A_861 = arith.index_cast %parallel_loop3A_688 : i32 to index
      %parallel_loop3A_862 = tpu.vector_load %arg5[%parallel_loop3A_859, %parallel_loop3A_860, %parallel_loop3A_861] {strides = array<i32>} : memref<3x3x2048xf32, #tpu.memory_space<vmem>>, vector<1x1x16xf32>,
      %parallel_loop3A_863 = vector.shape_cast %parallel_loop3A_862 : vector<1x1x16xf32> to vector<16xf32>
      %parallel_loop3A_864 = arith.constant 0.000000e+00 : f32
      %parallel_loop3A_865 = vector.broadcast %parallel_loop3A_864 : f32 to vector<16xf32>
      %parallel_loop3A_866 = arith.cmpf oeq, %parallel_loop3A_863, %parallel_loop3A_865 : vector<16xf32>
      %parallel_loop3A_867 = arith.constant 2.000000e+00 : f32
      %parallel_loop3A_868 = vector.broadcast %parallel_loop3A_867 : f32 to vector<16xf32>
      %parallel_loop3A_869 = arith.select %parallel_loop3A_866, %parallel_loop3A_863, %parallel_loop3A_868 : vector<16xi1>, vector<16xf32>
      %parallel_loop3A_870 = arith.constant 2 : i32
      %parallel_loop3A_871 = arith.constant 2 : i32
      %parallel_loop3A_872 = arith.index_cast %parallel_loop3A_870 : i32 to index
      %parallel_loop3A_873 = arith.index_cast %parallel_loop3A_871 : i32 to index
      %parallel_loop3A_874 = arith.index_cast %parallel_loop3A_688 : i32 to index
      %parallel_loop3A_875 = tpu.vector_load %arg8[%parallel_loop3A_872, %parallel_loop3A_873, %parallel_loop3A_874] {strides = array<i32>} : memref<3x3x2048xf32, #tpu.memory_space<vmem>>, vector<1x1x16xf32>,
      %parallel_loop3A_876 = vector.shape_cast %parallel_loop3A_875 : vector<1x1x16xf32> to vector<16xf32>
      %parallel_loop3A_877 = vector.shape_cast %parallel_loop3A_869 : vector<16xf32> to vector<1x1x16xf32>
      tpu.vector_store %arg8[%parallel_loop3A_872, %parallel_loop3A_873, %parallel_loop3A_874], %parallel_loop3A_877 {strides = array<i32>} : memref<3x3x2048xf32, #tpu.memory_space<vmem>>, vector<1x1x16xf32>,
    } {sc.loop_unroll_factor = 1 : i64, sc.parallel_access}
    %add3A_98 = arith.constant 1024 : i32
    %add3A_99 = arith.addi %mul3A_2, %add3A_98 : i32
    %dma_start3A_100 = arith.constant 0 : i32
    %dma_start3A_101 = arith.constant 0 : i32
    %dma_start3A_102 = arith.constant 0 : i32
    %dma_start3A_103 = tpu.memref_slice %arg8[%dma_start3A_100, %dma_start3A_101, %dma_start3A_102] : memref<3x3x2048xf32, #tpu.memory_space<vmem>> -> memref<3x3x1024xf32, #tpu.memory_space<vmem>>
    %dma_start3A_104 = arith.constant 0 : i32
    %dma_start3A_105 = arith.constant 0 : i32
    %dma_start3A_106 = tpu.memref_slice %arg3[%dma_start3A_104, %dma_start3A_105, %add3A_99] : memref<3x3x1048576xf32, #tpu.memory_space<hbm>> -> memref<3x3x1024xf32, #tpu.memory_space<hbm>>
    %dma_start3A_107 = arith.constant 0 : i32
    %dma_start3A_108 = arith.constant 0 : i32
    %dma_start3A_109 = tpu.memref_slice %arg3[%dma_start3A_107, %dma_start3A_108, %add3A_99] : memref<3x3x1048576xf32, #tpu.memory_space<hbm>> -> memref<3x3x1024xf32, #tpu.memory_space<hbm>>
    %dma_start3A_110 = arith.constant 0 : i32
    %dma_start3A_111 = arith.constant 0 : i32
    %dma_start3A_112 = arith.constant 0 : i32
    %dma_start3A_113 = tpu.memref_slice %arg8[%dma_start3A_110, %dma_start3A_111, %dma_start3A_112] : memref<3x3x2048xf32, #tpu.memory_space<vmem>> -> memref<3x3x1024xf32, #tpu.memory_space<vmem>>
    tpu.enqueue_dma source(%dma_start3A_113 : memref<3x3x1024xf32, #tpu.memory_space<vmem>>) target(%dma_start3A_109 : memref<3x3x1024xf32, #tpu.memory_space<hbm>>) target_semaphore(%arg13 : memref<!tpu.dma_semaphore, #tpu.memory_space<semaphore_mem>>)
    %add3A_114 = arith.constant 6144 : i32
    %add3A_115 = arith.addi %mul3A_2, %add3A_114 : i32
    %dma_start3A_116 = arith.constant 0 : i32
    %dma_start3A_117 = arith.constant 0 : i32
    %dma_start3A_118 = tpu.memref_slice %arg2[%dma_start3A_116, %dma_start3A_117, %add3A_115] : memref<3x3x1048576xf32, #tpu.memory_space<hbm>> -> memref<3x3x2048xf32, #tpu.memory_space<hbm>>
    %dma_start3A_119 = arith.constant 0 : i32
    %dma_start3A_120 = arith.constant 0 : i32
    %dma_start3A_121 = tpu.memref_slice %arg2[%dma_start3A_119, %dma_start3A_120, %add3A_115] : memref<3x3x1048576xf32, #tpu.memory_space<hbm>> -> memref<3x3x2048xf32, #tpu.memory_space<hbm>>
    tpu.enqueue_dma source(%dma_start3A_121 : memref<3x3x2048xf32, #tpu.memory_space<hbm>>) target(%arg5 : memref<3x3x2048xf32, #tpu.memory_space<vmem>>) target_semaphore(%arg10 : memref<!tpu.dma_semaphore, #tpu.memory_space<semaphore_mem>>)
    %dma_wait3A_122 = arith.constant 0 : i32
    %dma_wait3A_123 = arith.constant 0 : i32
    %dma_wait3A_124 = tpu.memref_slice %arg2[%dma_wait3A_122, %dma_wait3A_123, %add3A_35] : memref<3x3x1048576xf32, #tpu.memory_space<hbm>> -> memref<3x3x2048xf32, #tpu.memory_space<hbm>>
    %dma_wait3A_125 = arith.constant 0 : i32
    %dma_wait3A_126 = arith.constant 0 : i32
    %dma_wait3A_127 = tpu.memref_slice %arg2[%dma_wait3A_125, %dma_wait3A_126, %add3A_35] : memref<3x3x1048576xf32, #tpu.memory_space<hbm>> -> memref<3x3x2048xf32, #tpu.memory_space<hbm>>
    tpu.wait_dma2 semaphore(%arg11 : memref<!tpu.dma_semaphore, #tpu.memory_space<semaphore_mem>>) src(%dma_wait3A_127 : memref<3x3x2048xf32, #tpu.memory_space<hbm>>) dst(%arg6 : memref<3x3x2048xf32, #tpu.memory_space<vmem>>)
    %dma_wait3A_128 = arith.constant 0 : i32
    %dma_wait3A_129 = arith.constant 0 : i32
    %dma_wait3A_130 = arith.constant 0 : i32
    %dma_wait3A_131 = tpu.memref_slice %arg7[%dma_wait3A_128, %dma_wait3A_129, %dma_wait3A_130] : memref<3x3x2048xf32, #tpu.memory_space<vmem>> -> memref<3x3x1024xf32, #tpu.memory_space<vmem>>
    %dma_wait3A_132 = arith.constant 0 : i32
    %dma_wait3A_133 = arith.constant 0 : i32
    %dma_wait3A_134 = tpu.memref_slice %arg3[%dma_wait3A_132, %dma_wait3A_133, %add3A_58] : memref<3x3x1048576xf32, #tpu.memory_space<hbm>> -> memref<3x3x1024xf32, #tpu.memory_space<hbm>>
    %dma_wait3A_135 = arith.constant 0 : i32
    %dma_wait3A_136 = arith.constant 0 : i32
    %dma_wait3A_137 = tpu.memref_slice %arg3[%dma_wait3A_135, %dma_wait3A_136, %add3A_58] : memref<3x3x1048576xf32, #tpu.memory_space<hbm>> -> memref<3x3x1024xf32, #tpu.memory_space<hbm>>
    %dma_wait3A_138 = arith.constant 0 : i32
    %dma_wait3A_139 = arith.constant 0 : i32
    %dma_wait3A_140 = arith.constant 0 : i32
    %dma_wait3A_141 = tpu.memref_slice %arg7[%dma_wait3A_138, %dma_wait3A_139, %dma_wait3A_140] : memref<3x3x2048xf32, #tpu.memory_space<vmem>> -> memref<3x3x1024xf32, #tpu.memory_space<vmem>>
    tpu.wait_dma2 semaphore(%arg12 : memref<!tpu.dma_semaphore, #tpu.memory_space<semaphore_mem>>) src(%dma_wait3A_141 : memref<3x3x1024xf32, #tpu.memory_space<vmem>>) dst(%dma_wait3A_137 : memref<3x3x1024xf32, #tpu.memory_space<hbm>>)
    %parallel_loop3A_142 = arith.constant 0 : i32
    %parallel_loop3A_143 = arith.constant 128 : i32
    %parallel_loop3A_144 = arith.constant 1 : i32
    scf.for %parallel_loop3A_686 = %parallel_loop3A_142 to %parallel_loop3A_143 step %parallel_loop3A_144  : i32 {
      %parallel_loop3A_687 = arith.constant 16 : i32
      %parallel_loop3A_688 = arith.muli %parallel_loop3A_686, %parallel_loop3A_687 : i32
      %parallel_loop3A_689 = arith.constant 0 : i32
      %parallel_loop3A_690 = arith.constant 0 : i32
      %parallel_loop3A_691 = arith.index_cast %parallel_loop3A_689 : i32 to index
      %parallel_loop3A_692 = arith.index_cast %parallel_loop3A_690 : i32 to index
      %parallel_loop3A_693 = arith.index_cast %parallel_loop3A_688 : i32 to index
      %parallel_loop3A_694 = tpu.vector_load %arg6[%parallel_loop3A_691, %parallel_loop3A_692, %parallel_loop3A_693] {strides = array<i32>} : memref<3x3x2048xf32, #tpu.memory_space<vmem>>, vector<1x1x16xf32>,
      %parallel_loop3A_695 = vector.shape_cast %parallel_loop3A_694 : vector<1x1x16xf32> to vector<16xf32>
      %parallel_loop3A_696 = arith.constant 0.000000e+00 : f32
      %parallel_loop3A_697 = vector.broadcast %parallel_loop3A_696 : f32 to vector<16xf32>
      %parallel_loop3A_698 = arith.cmpf oeq, %parallel_loop3A_695, %parallel_loop3A_697 : vector<16xf32>
      %parallel_loop3A_699 = arith.constant 2.000000e+00 : f32
      %parallel_loop3A_700 = vector.broadcast %parallel_loop3A_699 : f32 to vector<16xf32>
      %parallel_loop3A_701 = arith.select %parallel_loop3A_698, %parallel_loop3A_695, %parallel_loop3A_700 : vector<16xi1>, vector<16xf32>
      %parallel_loop3A_702 = arith.constant 0 : i32
      %parallel_loop3A_703 = arith.constant 0 : i32
      %parallel_loop3A_704 = arith.index_cast %parallel_loop3A_702 : i32 to index
      %parallel_loop3A_705 = arith.index_cast %parallel_loop3A_703 : i32 to index
      %parallel_loop3A_706 = arith.index_cast %parallel_loop3A_688 : i32 to index
      %parallel_loop3A_707 = tpu.vector_load %arg7[%parallel_loop3A_704, %parallel_loop3A_705, %parallel_loop3A_706] {strides = array<i32>} : memref<3x3x2048xf32, #tpu.memory_space<vmem>>, vector<1x1x16xf32>,
      %parallel_loop3A_708 = vector.shape_cast %parallel_loop3A_707 : vector<1x1x16xf32> to vector<16xf32>
      %parallel_loop3A_709 = vector.shape_cast %parallel_loop3A_701 : vector<16xf32> to vector<1x1x16xf32>
      tpu.vector_store %arg7[%parallel_loop3A_704, %parallel_loop3A_705, %parallel_loop3A_706], %parallel_loop3A_709 {strides = array<i32>} : memref<3x3x2048xf32, #tpu.memory_space<vmem>>, vector<1x1x16xf32>,
      %parallel_loop3A_710 = arith.constant 0 : i32
      %parallel_loop3A_711 = arith.constant 1 : i32
      %parallel_loop3A_712 = arith.index_cast %parallel_loop3A_710 : i32 to index
      %parallel_loop3A_713 = arith.index_cast %parallel_loop3A_711 : i32 to index
      %parallel_loop3A_714 = arith.index_cast %parallel_loop3A_688 : i32 to index
      %parallel_loop3A_715 = tpu.vector_load %arg6[%parallel_loop3A_712, %parallel_loop3A_713, %parallel_loop3A_714] {strides = array<i32>} : memref<3x3x2048xf32, #tpu.memory_space<vmem>>, vector<1x1x16xf32>,
      %parallel_loop3A_716 = vector.shape_cast %parallel_loop3A_715 : vector<1x1x16xf32> to vector<16xf32>
      %parallel_loop3A_717 = arith.constant 0.000000e+00 : f32
      %parallel_loop3A_718 = vector.broadcast %parallel_loop3A_717 : f32 to vector<16xf32>
      %parallel_loop3A_719 = arith.cmpf oeq, %parallel_loop3A_716, %parallel_loop3A_718 : vector<16xf32>
      %parallel_loop3A_720 = arith.constant 2.000000e+00 : f32
      %parallel_loop3A_721 = vector.broadcast %parallel_loop3A_720 : f32 to vector<16xf32>
      %parallel_loop3A_722 = arith.select %parallel_loop3A_719, %parallel_loop3A_716, %parallel_loop3A_721 : vector<16xi1>, vector<16xf32>
      %parallel_loop3A_723 = arith.constant 0 : i32
      %parallel_loop3A_724 = arith.constant 1 : i32
      %parallel_loop3A_725 = arith.index_cast %parallel_loop3A_723 : i32 to index
      %parallel_loop3A_726 = arith.index_cast %parallel_loop3A_724 : i32 to index
      %parallel_loop3A_727 = arith.index_cast %parallel_loop3A_688 : i32 to index
      %parallel_loop3A_728 = tpu.vector_load %arg7[%parallel_loop3A_725, %parallel_loop3A_726, %parallel_loop3A_727] {strides = array<i32>} : memref<3x3x2048xf32, #tpu.memory_space<vmem>>, vector<1x1x16xf32>,
      %parallel_loop3A_729 = vector.shape_cast %parallel_loop3A_728 : vector<1x1x16xf32> to vector<16xf32>
      %parallel_loop3A_730 = vector.shape_cast %parallel_loop3A_722 : vector<16xf32> to vector<1x1x16xf32>
      tpu.vector_store %arg7[%parallel_loop3A_725, %parallel_loop3A_726, %parallel_loop3A_727], %parallel_loop3A_730 {strides = array<i32>} : memref<3x3x2048xf32, #tpu.memory_space<vmem>>, vector<1x1x16xf32>,
      %parallel_loop3A_731 = arith.constant 0 : i32
      %parallel_loop3A_732 = arith.constant 2 : i32
      %parallel_loop3A_733 = arith.index_cast %parallel_loop3A_731 : i32 to index
      %parallel_loop3A_734 = arith.index_cast %parallel_loop3A_732 : i32 to index
      %parallel_loop3A_735 = arith.index_cast %parallel_loop3A_688 : i32 to index
      %parallel_loop3A_736 = tpu.vector_load %arg6[%parallel_loop3A_733, %parallel_loop3A_734, %parallel_loop3A_735] {strides = array<i32>} : memref<3x3x2048xf32, #tpu.memory_space<vmem>>, vector<1x1x16xf32>,
      %parallel_loop3A_737 = vector.shape_cast %parallel_loop3A_736 : vector<1x1x16xf32> to vector<16xf32>
      %parallel_loop3A_738 = arith.constant 0.000000e+00 : f32
      %parallel_loop3A_739 = vector.broadcast %parallel_loop3A_738 : f32 to vector<16xf32>
      %parallel_loop3A_740 = arith.cmpf oeq, %parallel_loop3A_737, %parallel_loop3A_739 : vector<16xf32>
      %parallel_loop3A_741 = arith.constant 2.000000e+00 : f32
      %parallel_loop3A_742 = vector.broadcast %parallel_loop3A_741 : f32 to vector<16xf32>
      %parallel_loop3A_743 = arith.select %parallel_loop3A_740, %parallel_loop3A_737, %parallel_loop3A_742 : vector<16xi1>, vector<16xf32>
      %parallel_loop3A_744 = arith.constant 0 : i32
      %parallel_loop3A_745 = arith.constant 2 : i32
      %parallel_loop3A_746 = arith.index_cast %parallel_loop3A_744 : i32 to index
      %parallel_loop3A_747 = arith.index_cast %parallel_loop3A_745 : i32 to index
      %parallel_loop3A_748 = arith.index_cast %parallel_loop3A_688 : i32 to index
      %parallel_loop3A_749 = tpu.vector_load %arg7[%parallel_loop3A_746, %parallel_loop3A_747, %parallel_loop3A_748] {strides = array<i32>} : memref<3x3x2048xf32, #tpu.memory_space<vmem>>, vector<1x1x16xf32>,
      %parallel_loop3A_750 = vector.shape_cast %parallel_loop3A_749 : vector<1x1x16xf32> to vector<16xf32>
      %parallel_loop3A_751 = vector.shape_cast %parallel_loop3A_743 : vector<16xf32> to vector<1x1x16xf32>
      tpu.vector_store %arg7[%parallel_loop3A_746, %parallel_loop3A_747, %parallel_loop3A_748], %parallel_loop3A_751 {strides = array<i32>} : memref<3x3x2048xf32, #tpu.memory_space<vmem>>, vector<1x1x16xf32>,
      %parallel_loop3A_752 = arith.constant 1 : i32
      %parallel_loop3A_753 = arith.constant 0 : i32
      %parallel_loop3A_754 = arith.index_cast %parallel_loop3A_752 : i32 to index
      %parallel_loop3A_755 = arith.index_cast %parallel_loop3A_753 : i32 to index
      %parallel_loop3A_756 = arith.index_cast %parallel_loop3A_688 : i32 to index
      %parallel_loop3A_757 = tpu.vector_load %arg6[%parallel_loop3A_754, %parallel_loop3A_755, %parallel_loop3A_756] {strides = array<i32>} : memref<3x3x2048xf32, #tpu.memory_space<vmem>>, vector<1x1x16xf32>,
      %parallel_loop3A_758 = vector.shape_cast %parallel_loop3A_757 : vector<1x1x16xf32> to vector<16xf32>
      %parallel_loop3A_759 = arith.constant 0.000000e+00 : f32
      %parallel_loop3A_760 = vector.broadcast %parallel_loop3A_759 : f32 to vector<16xf32>
      %parallel_loop3A_761 = arith.cmpf oeq, %parallel_loop3A_758, %parallel_loop3A_760 : vector<16xf32>
      %parallel_loop3A_762 = arith.constant 2.000000e+00 : f32
      %parallel_loop3A_763 = vector.broadcast %parallel_loop3A_762 : f32 to vector<16xf32>
      %parallel_loop3A_764 = arith.select %parallel_loop3A_761, %parallel_loop3A_758, %parallel_loop3A_763 : vector<16xi1>, vector<16xf32>
      %parallel_loop3A_765 = arith.constant 1 : i32
      %parallel_loop3A_766 = arith.constant 0 : i32
      %parallel_loop3A_767 = arith.index_cast %parallel_loop3A_765 : i32 to index
      %parallel_loop3A_768 = arith.index_cast %parallel_loop3A_766 : i32 to index
      %parallel_loop3A_769 = arith.index_cast %parallel_loop3A_688 : i32 to index
      %parallel_loop3A_770 = tpu.vector_load %arg7[%parallel_loop3A_767, %parallel_loop3A_768, %parallel_loop3A_769] {strides = array<i32>} : memref<3x3x2048xf32, #tpu.memory_space<vmem>>, vector<1x1x16xf32>,
      %parallel_loop3A_771 = vector.shape_cast %parallel_loop3A_770 : vector<1x1x16xf32> to vector<16xf32>
      %parallel_loop3A_772 = vector.shape_cast %parallel_loop3A_764 : vector<16xf32> to vector<1x1x16xf32>
      tpu.vector_store %arg7[%parallel_loop3A_767, %parallel_loop3A_768, %parallel_loop3A_769], %parallel_loop3A_772 {strides = array<i32>} : memref<3x3x2048xf32, #tpu.memory_space<vmem>>, vector<1x1x16xf32>,
      %parallel_loop3A_773 = arith.constant 1 : i32
      %parallel_loop3A_774 = arith.constant 1 : i32
      %parallel_loop3A_775 = arith.index_cast %parallel_loop3A_773 : i32 to index
      %parallel_loop3A_776 = arith.index_cast %parallel_loop3A_774 : i32 to index
      %parallel_loop3A_777 = arith.index_cast %parallel_loop3A_688 : i32 to index
      %parallel_loop3A_778 = tpu.vector_load %arg6[%parallel_loop3A_775, %parallel_loop3A_776, %parallel_loop3A_777] {strides = array<i32>} : memref<3x3x2048xf32, #tpu.memory_space<vmem>>, vector<1x1x16xf32>,
      %parallel_loop3A_779 = vector.shape_cast %parallel_loop3A_778 : vector<1x1x16xf32> to vector<16xf32>
      %parallel_loop3A_780 = arith.constant 0.000000e+00 : f32
      %parallel_loop3A_781 = vector.broadcast %parallel_loop3A_780 : f32 to vector<16xf32>
      %parallel_loop3A_782 = arith.cmpf oeq, %parallel_loop3A_779, %parallel_loop3A_781 : vector<16xf32>
      %parallel_loop3A_783 = arith.constant 2.000000e+00 : f32
      %parallel_loop3A_784 = vector.broadcast %parallel_loop3A_783 : f32 to vector<16xf32>
      %parallel_loop3A_785 = arith.select %parallel_loop3A_782, %parallel_loop3A_779, %parallel_loop3A_784 : vector<16xi1>, vector<16xf32>
      %parallel_loop3A_786 = arith.constant 1 : i32
      %parallel_loop3A_787 = arith.constant 1 : i32
      %parallel_loop3A_788 = arith.index_cast %parallel_loop3A_786 : i32 to index
      %parallel_loop3A_789 = arith.index_cast %parallel_loop3A_787 : i32 to index
      %parallel_loop3A_790 = arith.index_cast %parallel_loop3A_688 : i32 to index
      %parallel_loop3A_791 = tpu.vector_load %arg7[%parallel_loop3A_788, %parallel_loop3A_789, %parallel_loop3A_790] {strides = array<i32>} : memref<3x3x2048xf32, #tpu.memory_space<vmem>>, vector<1x1x16xf32>,
      %parallel_loop3A_792 = vector.shape_cast %parallel_loop3A_791 : vector<1x1x16xf32> to vector<16xf32>
      %parallel_loop3A_793 = vector.shape_cast %parallel_loop3A_785 : vector<16xf32> to vector<1x1x16xf32>
      tpu.vector_store %arg7[%parallel_loop3A_788, %parallel_loop3A_789, %parallel_loop3A_790], %parallel_loop3A_793 {strides = array<i32>} : memref<3x3x2048xf32, #tpu.memory_space<vmem>>, vector<1x1x16xf32>,
      %parallel_loop3A_794 = arith.constant 1 : i32
      %parallel_loop3A_795 = arith.constant 2 : i32
      %parallel_loop3A_796 = arith.index_cast %parallel_loop3A_794 : i32 to index
      %parallel_loop3A_797 = arith.index_cast %parallel_loop3A_795 : i32 to index
      %parallel_loop3A_798 = arith.index_cast %parallel_loop3A_688 : i32 to index
      %parallel_loop3A_799 = tpu.vector_load %arg6[%parallel_loop3A_796, %parallel_loop3A_797, %parallel_loop3A_798] {strides = array<i32>} : memref<3x3x2048xf32, #tpu.memory_space<vmem>>, vector<1x1x16xf32>,
      %parallel_loop3A_800 = vector.shape_cast %parallel_loop3A_799 : vector<1x1x16xf32> to vector<16xf32>
      %parallel_loop3A_801 = arith.constant 0.000000e+00 : f32
      %parallel_loop3A_802 = vector.broadcast %parallel_loop3A_801 : f32 to vector<16xf32>
      %parallel_loop3A_803 = arith.cmpf oeq, %parallel_loop3A_800, %parallel_loop3A_802 : vector<16xf32>
      %parallel_loop3A_804 = arith.constant 2.000000e+00 : f32
      %parallel_loop3A_805 = vector.broadcast %parallel_loop3A_804 : f32 to vector<16xf32>
      %parallel_loop3A_806 = arith.select %parallel_loop3A_803, %parallel_loop3A_800, %parallel_loop3A_805 : vector<16xi1>, vector<16xf32>
      %parallel_loop3A_807 = arith.constant 1 : i32
      %parallel_loop3A_808 = arith.constant 2 : i32
      %parallel_loop3A_809 = arith.index_cast %parallel_loop3A_807 : i32 to index
      %parallel_loop3A_810 = arith.index_cast %parallel_loop3A_808 : i32 to index
      %parallel_loop3A_811 = arith.index_cast %parallel_loop3A_688 : i32 to index
      %parallel_loop3A_812 = tpu.vector_load %arg7[%parallel_loop3A_809, %parallel_loop3A_810, %parallel_loop3A_811] {strides = array<i32>} : memref<3x3x2048xf32, #tpu.memory_space<vmem>>, vector<1x1x16xf32>,
      %parallel_loop3A_813 = vector.shape_cast %parallel_loop3A_812 : vector<1x1x16xf32> to vector<16xf32>
      %parallel_loop3A_814 = vector.shape_cast %parallel_loop3A_806 : vector<16xf32> to vector<1x1x16xf32>
      tpu.vector_store %arg7[%parallel_loop3A_809, %parallel_loop3A_810, %parallel_loop3A_811], %parallel_loop3A_814 {strides = array<i32>} : memref<3x3x2048xf32, #tpu.memory_space<vmem>>, vector<1x1x16xf32>,
      %parallel_loop3A_815 = arith.constant 2 : i32
      %parallel_loop3A_816 = arith.constant 0 : i32
      %parallel_loop3A_817 = arith.index_cast %parallel_loop3A_815 : i32 to index
      %parallel_loop3A_818 = arith.index_cast %parallel_loop3A_816 : i32 to index
      %parallel_loop3A_819 = arith.index_cast %parallel_loop3A_688 : i32 to index
      %parallel_loop3A_820 = tpu.vector_load %arg6[%parallel_loop3A_817, %parallel_loop3A_818, %parallel_loop3A_819] {strides = array<i32>} : memref<3x3x2048xf32, #tpu.memory_space<vmem>>, vector<1x1x16xf32>,
      %parallel_loop3A_821 = vector.shape_cast %parallel_loop3A_820 : vector<1x1x16xf32> to vector<16xf32>
      %parallel_loop3A_822 = arith.constant 0.000000e+00 : f32
      %parallel_loop3A_823 = vector.broadcast %parallel_loop3A_822 : f32 to vector<16xf32>
      %parallel_loop3A_824 = arith.cmpf oeq, %parallel_loop3A_821, %parallel_loop3A_823 : vector<16xf32>
      %parallel_loop3A_825 = arith.constant 2.000000e+00 : f32
      %parallel_loop3A_826 = vector.broadcast %parallel_loop3A_825 : f32 to vector<16xf32>
      %parallel_loop3A_827 = arith.select %parallel_loop3A_824, %parallel_loop3A_821, %parallel_loop3A_826 : vector<16xi1>, vector<16xf32>
      %parallel_loop3A_828 = arith.constant 2 : i32
      %parallel_loop3A_829 = arith.constant 0 : i32
      %parallel_loop3A_830 = arith.index_cast %parallel_loop3A_828 : i32 to index
      %parallel_loop3A_831 = arith.index_cast %parallel_loop3A_829 : i32 to index
      %parallel_loop3A_832 = arith.index_cast %parallel_loop3A_688 : i32 to index
      %parallel_loop3A_833 = tpu.vector_load %arg7[%parallel_loop3A_830, %parallel_loop3A_831, %parallel_loop3A_832] {strides = array<i32>} : memref<3x3x2048xf32, #tpu.memory_space<vmem>>, vector<1x1x16xf32>,
      %parallel_loop3A_834 = vector.shape_cast %parallel_loop3A_833 : vector<1x1x16xf32> to vector<16xf32>
      %parallel_loop3A_835 = vector.shape_cast %parallel_loop3A_827 : vector<16xf32> to vector<1x1x16xf32>
      tpu.vector_store %arg7[%parallel_loop3A_830, %parallel_loop3A_831, %parallel_loop3A_832], %parallel_loop3A_835 {strides = array<i32>} : memref<3x3x2048xf32, #tpu.memory_space<vmem>>, vector<1x1x16xf32>,
      %parallel_loop3A_836 = arith.constant 2 : i32
      %parallel_loop3A_837 = arith.constant 1 : i32
      %parallel_loop3A_838 = arith.index_cast %parallel_loop3A_836 : i32 to index
      %parallel_loop3A_839 = arith.index_cast %parallel_loop3A_837 : i32 to index
      %parallel_loop3A_840 = arith.index_cast %parallel_loop3A_688 : i32 to index
      %parallel_loop3A_841 = tpu.vector_load %arg6[%parallel_loop3A_838, %parallel_loop3A_839, %parallel_loop3A_840] {strides = array<i32>} : memref<3x3x2048xf32, #tpu.memory_space<vmem>>, vector<1x1x16xf32>,
      %parallel_loop3A_842 = vector.shape_cast %parallel_loop3A_841 : vector<1x1x16xf32> to vector<16xf32>
      %parallel_loop3A_843 = arith.constant 0.000000e+00 : f32
      %parallel_loop3A_844 = vector.broadcast %parallel_loop3A_843 : f32 to vector<16xf32>
      %parallel_loop3A_845 = arith.cmpf oeq, %parallel_loop3A_842, %parallel_loop3A_844 : vector<16xf32>
      %parallel_loop3A_846 = arith.constant 2.000000e+00 : f32
      %parallel_loop3A_847 = vector.broadcast %parallel_loop3A_846 : f32 to vector<16xf32>
      %parallel_loop3A_848 = arith.select %parallel_loop3A_845, %parallel_loop3A_842, %parallel_loop3A_847 : vector<16xi1>, vector<16xf32>
      %parallel_loop3A_849 = arith.constant 2 : i32
      %parallel_loop3A_850 = arith.constant 1 : i32
      %parallel_loop3A_851 = arith.index_cast %parallel_loop3A_849 : i32 to index
      %parallel_loop3A_852 = arith.index_cast %parallel_loop3A_850 : i32 to index
      %parallel_loop3A_853 = arith.index_cast %parallel_loop3A_688 : i32 to index
      %parallel_loop3A_854 = tpu.vector_load %arg7[%parallel_loop3A_851, %parallel_loop3A_852, %parallel_loop3A_853] {strides = array<i32>} : memref<3x3x2048xf32, #tpu.memory_space<vmem>>, vector<1x1x16xf32>,
      %parallel_loop3A_855 = vector.shape_cast %parallel_loop3A_854 : vector<1x1x16xf32> to vector<16xf32>
      %parallel_loop3A_856 = vector.shape_cast %parallel_loop3A_848 : vector<16xf32> to vector<1x1x16xf32>
      tpu.vector_store %arg7[%parallel_loop3A_851, %parallel_loop3A_852, %parallel_loop3A_853], %parallel_loop3A_856 {strides = array<i32>} : memref<3x3x2048xf32, #tpu.memory_space<vmem>>, vector<1x1x16xf32>,
      %parallel_loop3A_857 = arith.constant 2 : i32
      %parallel_loop3A_858 = arith.constant 2 : i32
      %parallel_loop3A_859 = arith.index_cast %parallel_loop3A_857 : i32 to index
      %parallel_loop3A_860 = arith.index_cast %parallel_loop3A_858 : i32 to index
      %parallel_loop3A_861 = arith.index_cast %parallel_loop3A_688 : i32 to index
      %parallel_loop3A_862 = tpu.vector_load %arg6[%parallel_loop3A_859, %parallel_loop3A_860, %parallel_loop3A_861] {strides = array<i32>} : memref<3x3x2048xf32, #tpu.memory_space<vmem>>, vector<1x1x16xf32>,
      %parallel_loop3A_863 = vector.shape_cast %parallel_loop3A_862 : vector<1x1x16xf32> to vector<16xf32>
      %parallel_loop3A_864 = arith.constant 0.000000e+00 : f32
      %parallel_loop3A_865 = vector.broadcast %parallel_loop3A_864 : f32 to vector<16xf32>
      %parallel_loop3A_866 = arith.cmpf oeq, %parallel_loop3A_863, %parallel_loop3A_865 : vector<16xf32>
      %parallel_loop3A_867 = arith.constant 2.000000e+00 : f32
      %parallel_loop3A_868 = vector.broadcast %parallel_loop3A_867 : f32 to vector<16xf32>
      %parallel_loop3A_869 = arith.select %parallel_loop3A_866, %parallel_loop3A_863, %parallel_loop3A_868 : vector<16xi1>, vector<16xf32>
      %parallel_loop3A_870 = arith.constant 2 : i32
      %parallel_loop3A_871 = arith.constant 2 : i32
      %parallel_loop3A_872 = arith.index_cast %parallel_loop3A_870 : i32 to index
      %parallel_loop3A_873 = arith.index_cast %parallel_loop3A_871 : i32 to index
      %parallel_loop3A_874 = arith.index_cast %parallel_loop3A_688 : i32 to index
      %parallel_loop3A_875 = tpu.vector_load %arg7[%parallel_loop3A_872, %parallel_loop3A_873, %parallel_loop3A_874] {strides = array<i32>} : memref<3x3x2048xf32, #tpu.memory_space<vmem>>, vector<1x1x16xf32>,
      %parallel_loop3A_876 = vector.shape_cast %parallel_loop3A_875 : vector<1x1x16xf32> to vector<16xf32>
      %parallel_loop3A_877 = vector.shape_cast %parallel_loop3A_869 : vector<16xf32> to vector<1x1x16xf32>
      tpu.vector_store %arg7[%parallel_loop3A_872, %parallel_loop3A_873, %parallel_loop3A_874], %parallel_loop3A_877 {strides = array<i32>} : memref<3x3x2048xf32, #tpu.memory_space<vmem>>, vector<1x1x16xf32>,
    } {sc.loop_unroll_factor = 1 : i64, sc.parallel_access}
    %add3A_145 = arith.constant 2048 : i32
    %add3A_146 = arith.addi %mul3A_2, %add3A_145 : i32
    %dma_start3A_147 = arith.constant 0 : i32
    %dma_start3A_148 = arith.constant 0 : i32
    %dma_start3A_149 = tpu.memref_slice %arg3[%dma_start3A_147, %dma_start3A_148, %add3A_146] : memref<3x3x1048576xf32, #tpu.memory_space<hbm>> -> memref<3x3x2048xf32, #tpu.memory_space<hbm>>
    %dma_start3A_150 = arith.constant 0 : i32
    %dma_start3A_151 = arith.constant 0 : i32
    %dma_start3A_152 = tpu.memref_slice %arg3[%dma_start3A_150, %dma_start3A_151, %add3A_146] : memref<3x3x1048576xf32, #tpu.memory_space<hbm>> -> memref<3x3x2048xf32, #tpu.memory_space<hbm>>
    tpu.enqueue_dma source(%arg7 : memref<3x3x2048xf32, #tpu.memory_space<vmem>>) target(%dma_start3A_152 : memref<3x3x2048xf32, #tpu.memory_space<hbm>>) target_semaphore(%arg12 : memref<!tpu.dma_semaphore, #tpu.memory_space<semaphore_mem>>)
    %add3A_153 = arith.constant 8192 : i32
    %add3A_154 = arith.addi %mul3A_2, %add3A_153 : i32
    %dma_start3A_155 = arith.constant 0 : i32
    %dma_start3A_156 = arith.constant 0 : i32
    %dma_start3A_157 = tpu.memref_slice %arg2[%dma_start3A_155, %dma_start3A_156, %add3A_154] : memref<3x3x1048576xf32, #tpu.memory_space<hbm>> -> memref<3x3x2048xf32, #tpu.memory_space<hbm>>
    %dma_start3A_158 = arith.constant 0 : i32
    %dma_start3A_159 = arith.constant 0 : i32
    %dma_start3A_160 = tpu.memref_slice %arg2[%dma_start3A_158, %dma_start3A_159, %add3A_154] : memref<3x3x1048576xf32, #tpu.memory_space<hbm>> -> memref<3x3x2048xf32, #tpu.memory_space<hbm>>
    tpu.enqueue_dma source(%dma_start3A_160 : memref<3x3x2048xf32, #tpu.memory_space<hbm>>) target(%arg6 : memref<3x3x2048xf32, #tpu.memory_space<vmem>>) target_semaphore(%arg11 : memref<!tpu.dma_semaphore, #tpu.memory_space<semaphore_mem>>)
    %dma_wait3A_161 = arith.constant 0 : i32
    %dma_wait3A_162 = arith.constant 0 : i32
    %dma_wait3A_163 = tpu.memref_slice %arg2[%dma_wait3A_161, %dma_wait3A_162, %add3A_74] : memref<3x3x1048576xf32, #tpu.memory_space<hbm>> -> memref<3x3x2048xf32, #tpu.memory_space<hbm>>
    %dma_wait3A_164 = arith.constant 0 : i32
    %dma_wait3A_165 = arith.constant 0 : i32
    %dma_wait3A_166 = tpu.memref_slice %arg2[%dma_wait3A_164, %dma_wait3A_165, %add3A_74] : memref<3x3x1048576xf32, #tpu.memory_space<hbm>> -> memref<3x3x2048xf32, #tpu.memory_space<hbm>>
    tpu.wait_dma2 semaphore(%arg9 : memref<!tpu.dma_semaphore, #tpu.memory_space<semaphore_mem>>) src(%dma_wait3A_166 : memref<3x3x2048xf32, #tpu.memory_space<hbm>>) dst(%arg4 : memref<3x3x2048xf32, #tpu.memory_space<vmem>>)
    %dma_wait3A_167 = arith.constant 0 : i32
    %dma_wait3A_168 = arith.constant 0 : i32
    %dma_wait3A_169 = arith.constant 0 : i32
    %dma_wait3A_170 = tpu.memref_slice %arg8[%dma_wait3A_167, %dma_wait3A_168, %dma_wait3A_169] : memref<3x3x2048xf32, #tpu.memory_space<vmem>> -> memref<3x3x1024xf32, #tpu.memory_space<vmem>>
    %dma_wait3A_171 = arith.constant 0 : i32
    %dma_wait3A_172 = arith.constant 0 : i32
    %dma_wait3A_173 = tpu.memref_slice %arg3[%dma_wait3A_171, %dma_wait3A_172, %add3A_99] : memref<3x3x1048576xf32, #tpu.memory_space<hbm>> -> memref<3x3x1024xf32, #tpu.memory_space<hbm>>
    %dma_wait3A_174 = arith.constant 0 : i32
    %dma_wait3A_175 = arith.constant 0 : i32
    %dma_wait3A_176 = tpu.memref_slice %arg3[%dma_wait3A_174, %dma_wait3A_175, %add3A_99] : memref<3x3x1048576xf32, #tpu.memory_space<hbm>> -> memref<3x3x1024xf32, #tpu.memory_space<hbm>>
    %dma_wait3A_177 = arith.constant 0 : i32
    %dma_wait3A_178 = arith.constant 0 : i32
    %dma_wait3A_179 = arith.constant 0 : i32
    %dma_wait3A_180 = tpu.memref_slice %arg8[%dma_wait3A_177, %dma_wait3A_178, %dma_wait3A_179] : memref<3x3x2048xf32, #tpu.memory_space<vmem>> -> memref<3x3x1024xf32, #tpu.memory_space<vmem>>
    tpu.wait_dma2 semaphore(%arg13 : memref<!tpu.dma_semaphore, #tpu.memory_space<semaphore_mem>>) src(%dma_wait3A_180 : memref<3x3x1024xf32, #tpu.memory_space<vmem>>) dst(%dma_wait3A_176 : memref<3x3x1024xf32, #tpu.memory_space<hbm>>)
    %parallel_loop3A_181 = arith.constant 0 : i32
    %parallel_loop3A_182 = arith.constant 128 : i32
    %parallel_loop3A_183 = arith.constant 1 : i32
    scf.for %parallel_loop3A_686 = %parallel_loop3A_181 to %parallel_loop3A_182 step %parallel_loop3A_183  : i32 {
      %parallel_loop3A_687 = arith.constant 16 : i32
      %parallel_loop3A_688 = arith.muli %parallel_loop3A_686, %parallel_loop3A_687 : i32
      %parallel_loop3A_689 = arith.constant 0 : i32
      %parallel_loop3A_690 = arith.constant 0 : i32
      %parallel_loop3A_691 = arith.index_cast %parallel_loop3A_689 : i32 to index
      %parallel_loop3A_692 = arith.index_cast %parallel_loop3A_690 : i32 to index
      %parallel_loop3A_693 = arith.index_cast %parallel_loop3A_688 : i32 to index
      %parallel_loop3A_694 = tpu.vector_load %arg4[%parallel_loop3A_691, %parallel_loop3A_692, %parallel_loop3A_693] {strides = array<i32>} : memref<3x3x2048xf32, #tpu.memory_space<vmem>>, vector<1x1x16xf32>,
      %parallel_loop3A_695 = vector.shape_cast %parallel_loop3A_694 : vector<1x1x16xf32> to vector<16xf32>
      %parallel_loop3A_696 = arith.constant 0.000000e+00 : f32
      %parallel_loop3A_697 = vector.broadcast %parallel_loop3A_696 : f32 to vector<16xf32>
      %parallel_loop3A_698 = arith.cmpf oeq, %parallel_loop3A_695, %parallel_loop3A_697 : vector<16xf32>
      %parallel_loop3A_699 = arith.constant 2.000000e+00 : f32
      %parallel_loop3A_700 = vector.broadcast %parallel_loop3A_699 : f32 to vector<16xf32>
      %parallel_loop3A_701 = arith.select %parallel_loop3A_698, %parallel_loop3A_695, %parallel_loop3A_700 : vector<16xi1>, vector<16xf32>
      %parallel_loop3A_702 = arith.constant 0 : i32
      %parallel_loop3A_703 = arith.constant 0 : i32
      %parallel_loop3A_704 = arith.index_cast %parallel_loop3A_702 : i32 to index
      %parallel_loop3A_705 = arith.index_cast %parallel_loop3A_703 : i32 to index
      %parallel_loop3A_706 = arith.index_cast %parallel_loop3A_688 : i32 to index
      %parallel_loop3A_707 = tpu.vector_load %arg8[%parallel_loop3A_704, %parallel_loop3A_705, %parallel_loop3A_706] {strides = array<i32>} : memref<3x3x2048xf32, #tpu.memory_space<vmem>>, vector<1x1x16xf32>,
      %parallel_loop3A_708 = vector.shape_cast %parallel_loop3A_707 : vector<1x1x16xf32> to vector<16xf32>
      %parallel_loop3A_709 = vector.shape_cast %parallel_loop3A_701 : vector<16xf32> to vector<1x1x16xf32>
      tpu.vector_store %arg8[%parallel_loop3A_704, %parallel_loop3A_705, %parallel_loop3A_706], %parallel_loop3A_709 {strides = array<i32>} : memref<3x3x2048xf32, #tpu.memory_space<vmem>>, vector<1x1x16xf32>,
      %parallel_loop3A_710 = arith.constant 0 : i32
      %parallel_loop3A_711 = arith.constant 1 : i32
      %parallel_loop3A_712 = arith.index_cast %parallel_loop3A_710 : i32 to index
      %parallel_loop3A_713 = arith.index_cast %parallel_loop3A_711 : i32 to index
      %parallel_loop3A_714 = arith.index_cast %parallel_loop3A_688 : i32 to index
      %parallel_loop3A_715 = tpu.vector_load %arg4[%parallel_loop3A_712, %parallel_loop3A_713, %parallel_loop3A_714] {strides = array<i32>} : memref<3x3x2048xf32, #tpu.memory_space<vmem>>, vector<1x1x16xf32>,
      %parallel_loop3A_716 = vector.shape_cast %parallel_loop3A_715 : vector<1x1x16xf32> to vector<16xf32>
      %parallel_loop3A_717 = arith.constant 0.000000e+00 : f32
      %parallel_loop3A_718 = vector.broadcast %parallel_loop3A_717 : f32 to vector<16xf32>
      %parallel_loop3A_719 = arith.cmpf oeq, %parallel_loop3A_716, %parallel_loop3A_718 : vector<16xf32>
      %parallel_loop3A_720 = arith.constant 2.000000e+00 : f32
      %parallel_loop3A_721 = vector.broadcast %parallel_loop3A_720 : f32 to vector<16xf32>
      %parallel_loop3A_722 = arith.select %parallel_loop3A_719, %parallel_loop3A_716, %parallel_loop3A_721 : vector<16xi1>, vector<16xf32>
      %parallel_loop3A_723 = arith.constant 0 : i32
      %parallel_loop3A_724 = arith.constant 1 : i32
      %parallel_loop3A_725 = arith.index_cast %parallel_loop3A_723 : i32 to index
      %parallel_loop3A_726 = arith.index_cast %parallel_loop3A_724 : i32 to index
      %parallel_loop3A_727 = arith.index_cast %parallel_loop3A_688 : i32 to index
      %parallel_loop3A_728 = tpu.vector_load %arg8[%parallel_loop3A_725, %parallel_loop3A_726, %parallel_loop3A_727] {strides = array<i32>} : memref<3x3x2048xf32, #tpu.memory_space<vmem>>, vector<1x1x16xf32>,
      %parallel_loop3A_729 = vector.shape_cast %parallel_loop3A_728 : vector<1x1x16xf32> to vector<16xf32>
      %parallel_loop3A_730 = vector.shape_cast %parallel_loop3A_722 : vector<16xf32> to vector<1x1x16xf32>
      tpu.vector_store %arg8[%parallel_loop3A_725, %parallel_loop3A_726, %parallel_loop3A_727], %parallel_loop3A_730 {strides = array<i32>} : memref<3x3x2048xf32, #tpu.memory_space<vmem>>, vector<1x1x16xf32>,
      %parallel_loop3A_731 = arith.constant 0 : i32
      %parallel_loop3A_732 = arith.constant 2 : i32
      %parallel_loop3A_733 = arith.index_cast %parallel_loop3A_731 : i32 to index
      %parallel_loop3A_734 = arith.index_cast %parallel_loop3A_732 : i32 to index
      %parallel_loop3A_735 = arith.index_cast %parallel_loop3A_688 : i32 to index
      %parallel_loop3A_736 = tpu.vector_load %arg4[%parallel_loop3A_733, %parallel_loop3A_734, %parallel_loop3A_735] {strides = array<i32>} : memref<3x3x2048xf32, #tpu.memory_space<vmem>>, vector<1x1x16xf32>,
      %parallel_loop3A_737 = vector.shape_cast %parallel_loop3A_736 : vector<1x1x16xf32> to vector<16xf32>
      %parallel_loop3A_738 = arith.constant 0.000000e+00 : f32
      %parallel_loop3A_739 = vector.broadcast %parallel_loop3A_738 : f32 to vector<16xf32>
      %parallel_loop3A_740 = arith.cmpf oeq, %parallel_loop3A_737, %parallel_loop3A_739 : vector<16xf32>
      %parallel_loop3A_741 = arith.constant 2.000000e+00 : f32
      %parallel_loop3A_742 = vector.broadcast %parallel_loop3A_741 : f32 to vector<16xf32>
      %parallel_loop3A_743 = arith.select %parallel_loop3A_740, %parallel_loop3A_737, %parallel_loop3A_742 : vector<16xi1>, vector<16xf32>
      %parallel_loop3A_744 = arith.constant 0 : i32
      %parallel_loop3A_745 = arith.constant 2 : i32
      %parallel_loop3A_746 = arith.index_cast %parallel_loop3A_744 : i32 to index
      %parallel_loop3A_747 = arith.index_cast %parallel_loop3A_745 : i32 to index
      %parallel_loop3A_748 = arith.index_cast %parallel_loop3A_688 : i32 to index
      %parallel_loop3A_749 = tpu.vector_load %arg8[%parallel_loop3A_746, %parallel_loop3A_747, %parallel_loop3A_748] {strides = array<i32>} : memref<3x3x2048xf32, #tpu.memory_space<vmem>>, vector<1x1x16xf32>,
      %parallel_loop3A_750 = vector.shape_cast %parallel_loop3A_749 : vector<1x1x16xf32> to vector<16xf32>
      %parallel_loop3A_751 = vector.shape_cast %parallel_loop3A_743 : vector<16xf32> to vector<1x1x16xf32>
      tpu.vector_store %arg8[%parallel_loop3A_746, %parallel_loop3A_747, %parallel_loop3A_748], %parallel_loop3A_751 {strides = array<i32>} : memref<3x3x2048xf32, #tpu.memory_space<vmem>>, vector<1x1x16xf32>,
      %parallel_loop3A_752 = arith.constant 1 : i32
      %parallel_loop3A_753 = arith.constant 0 : i32
      %parallel_loop3A_754 = arith.index_cast %parallel_loop3A_752 : i32 to index
      %parallel_loop3A_755 = arith.index_cast %parallel_loop3A_753 : i32 to index
      %parallel_loop3A_756 = arith.index_cast %parallel_loop3A_688 : i32 to index
      %parallel_loop3A_757 = tpu.vector_load %arg4[%parallel_loop3A_754, %parallel_loop3A_755, %parallel_loop3A_756] {strides = array<i32>} : memref<3x3x2048xf32, #tpu.memory_space<vmem>>, vector<1x1x16xf32>,
      %parallel_loop3A_758 = vector.shape_cast %parallel_loop3A_757 : vector<1x1x16xf32> to vector<16xf32>
      %parallel_loop3A_759 = arith.constant 0.000000e+00 : f32
      %parallel_loop3A_760 = vector.broadcast %parallel_loop3A_759 : f32 to vector<16xf32>
      %parallel_loop3A_761 = arith.cmpf oeq, %parallel_loop3A_758, %parallel_loop3A_760 : vector<16xf32>
      %parallel_loop3A_762 = arith.constant 2.000000e+00 : f32
      %parallel_loop3A_763 = vector.broadcast %parallel_loop3A_762 : f32 to vector<16xf32>
      %parallel_loop3A_764 = arith.select %parallel_loop3A_761, %parallel_loop3A_758, %parallel_loop3A_763 : vector<16xi1>, vector<16xf32>
      %parallel_loop3A_765 = arith.constant 1 : i32
      %parallel_loop3A_766 = arith.constant 0 : i32
      %parallel_loop3A_767 = arith.index_cast %parallel_loop3A_765 : i32 to index
      %parallel_loop3A_768 = arith.index_cast %parallel_loop3A_766 : i32 to index
      %parallel_loop3A_769 = arith.index_cast %parallel_loop3A_688 : i32 to index
      %parallel_loop3A_770 = tpu.vector_load %arg8[%parallel_loop3A_767, %parallel_loop3A_768, %parallel_loop3A_769] {strides = array<i32>} : memref<3x3x2048xf32, #tpu.memory_space<vmem>>, vector<1x1x16xf32>,
      %parallel_loop3A_771 = vector.shape_cast %parallel_loop3A_770 : vector<1x1x16xf32> to vector<16xf32>
      %parallel_loop3A_772 = vector.shape_cast %parallel_loop3A_764 : vector<16xf32> to vector<1x1x16xf32>
      tpu.vector_store %arg8[%parallel_loop3A_767, %parallel_loop3A_768, %parallel_loop3A_769], %parallel_loop3A_772 {strides = array<i32>} : memref<3x3x2048xf32, #tpu.memory_space<vmem>>, vector<1x1x16xf32>,
      %parallel_loop3A_773 = arith.constant 1 : i32
      %parallel_loop3A_774 = arith.constant 1 : i32
      %parallel_loop3A_775 = arith.index_cast %parallel_loop3A_773 : i32 to index
      %parallel_loop3A_776 = arith.index_cast %parallel_loop3A_774 : i32 to index
      %parallel_loop3A_777 = arith.index_cast %parallel_loop3A_688 : i32 to index
      %parallel_loop3A_778 = tpu.vector_load %arg4[%parallel_loop3A_775, %parallel_loop3A_776, %parallel_loop3A_777] {strides = array<i32>} : memref<3x3x2048xf32, #tpu.memory_space<vmem>>, vector<1x1x16xf32>,
      %parallel_loop3A_779 = vector.shape_cast %parallel_loop3A_778 : vector<1x1x16xf32> to vector<16xf32>
      %parallel_loop3A_780 = arith.constant 0.000000e+00 : f32
      %parallel_loop3A_781 = vector.broadcast %parallel_loop3A_780 : f32 to vector<16xf32>
      %parallel_loop3A_782 = arith.cmpf oeq, %parallel_loop3A_779, %parallel_loop3A_781 : vector<16xf32>
      %parallel_loop3A_783 = arith.constant 2.000000e+00 : f32
      %parallel_loop3A_784 = vector.broadcast %parallel_loop3A_783 : f32 to vector<16xf32>
      %parallel_loop3A_785 = arith.select %parallel_loop3A_782, %parallel_loop3A_779, %parallel_loop3A_784 : vector<16xi1>, vector<16xf32>
      %parallel_loop3A_786 = arith.constant 1 : i32
      %parallel_loop3A_787 = arith.constant 1 : i32
      %parallel_loop3A_788 = arith.index_cast %parallel_loop3A_786 : i32 to index
      %parallel_loop3A_789 = arith.index_cast %parallel_loop3A_787 : i32 to index
      %parallel_loop3A_790 = arith.index_cast %parallel_loop3A_688 : i32 to index
      %parallel_loop3A_791 = tpu.vector_load %arg8[%parallel_loop3A_788, %parallel_loop3A_789, %parallel_loop3A_790] {strides = array<i32>} : memref<3x3x2048xf32, #tpu.memory_space<vmem>>, vector<1x1x16xf32>,
      %parallel_loop3A_792 = vector.shape_cast %parallel_loop3A_791 : vector<1x1x16xf32> to vector<16xf32>
      %parallel_loop3A_793 = vector.shape_cast %parallel_loop3A_785 : vector<16xf32> to vector<1x1x16xf32>
      tpu.vector_store %arg8[%parallel_loop3A_788, %parallel_loop3A_789, %parallel_loop3A_790], %parallel_loop3A_793 {strides = array<i32>} : memref<3x3x2048xf32, #tpu.memory_space<vmem>>, vector<1x1x16xf32>,
      %parallel_loop3A_794 = arith.constant 1 : i32
      %parallel_loop3A_795 = arith.constant 2 : i32
      %parallel_loop3A_796 = arith.index_cast %parallel_loop3A_794 : i32 to index
      %parallel_loop3A_797 = arith.index_cast %parallel_loop3A_795 : i32 to index
      %parallel_loop3A_798 = arith.index_cast %parallel_loop3A_688 : i32 to index
      %parallel_loop3A_799 = tpu.vector_load %arg4[%parallel_loop3A_796, %parallel_loop3A_797, %parallel_loop3A_798] {strides = array<i32>} : memref<3x3x2048xf32, #tpu.memory_space<vmem>>, vector<1x1x16xf32>,
      %parallel_loop3A_800 = vector.shape_cast %parallel_loop3A_799 : vector<1x1x16xf32> to vector<16xf32>
      %parallel_loop3A_801 = arith.constant 0.000000e+00 : f32
      %parallel_loop3A_802 = vector.broadcast %parallel_loop3A_801 : f32 to vector<16xf32>
      %parallel_loop3A_803 = arith.cmpf oeq, %parallel_loop3A_800, %parallel_loop3A_802 : vector<16xf32>
      %parallel_loop3A_804 = arith.constant 2.000000e+00 : f32
      %parallel_loop3A_805 = vector.broadcast %parallel_loop3A_804 : f32 to vector<16xf32>
      %parallel_loop3A_806 = arith.select %parallel_loop3A_803, %parallel_loop3A_800, %parallel_loop3A_805 : vector<16xi1>, vector<16xf32>
      %parallel_loop3A_807 = arith.constant 1 : i32
      %parallel_loop3A_808 = arith.constant 2 : i32
      %parallel_loop3A_809 = arith.index_cast %parallel_loop3A_807 : i32 to index
      %parallel_loop3A_810 = arith.index_cast %parallel_loop3A_808 : i32 to index
      %parallel_loop3A_811 = arith.index_cast %parallel_loop3A_688 : i32 to index
      %parallel_loop3A_812 = tpu.vector_load %arg8[%parallel_loop3A_809, %parallel_loop3A_810, %parallel_loop3A_811] {strides = array<i32>} : memref<3x3x2048xf32, #tpu.memory_space<vmem>>, vector<1x1x16xf32>,
      %parallel_loop3A_813 = vector.shape_cast %parallel_loop3A_812 : vector<1x1x16xf32> to vector<16xf32>
      %parallel_loop3A_814 = vector.shape_cast %parallel_loop3A_806 : vector<16xf32> to vector<1x1x16xf32>
      tpu.vector_store %arg8[%parallel_loop3A_809, %parallel_loop3A_810, %parallel_loop3A_811], %parallel_loop3A_814 {strides = array<i32>} : memref<3x3x2048xf32, #tpu.memory_space<vmem>>, vector<1x1x16xf32>,
      %parallel_loop3A_815 = arith.constant 2 : i32
      %parallel_loop3A_816 = arith.constant 0 : i32
      %parallel_loop3A_817 = arith.index_cast %parallel_loop3A_815 : i32 to index
      %parallel_loop3A_818 = arith.index_cast %parallel_loop3A_816 : i32 to index
      %parallel_loop3A_819 = arith.index_cast %parallel_loop3A_688 : i32 to index
      %parallel_loop3A_820 = tpu.vector_load %arg4[%parallel_loop3A_817, %parallel_loop3A_818, %parallel_loop3A_819] {strides = array<i32>} : memref<3x3x2048xf32, #tpu.memory_space<vmem>>, vector<1x1x16xf32>,
      %parallel_loop3A_821 = vector.shape_cast %parallel_loop3A_820 : vector<1x1x16xf32> to vector<16xf32>
      %parallel_loop3A_822 = arith.constant 0.000000e+00 : f32
      %parallel_loop3A_823 = vector.broadcast %parallel_loop3A_822 : f32 to vector<16xf32>
      %parallel_loop3A_824 = arith.cmpf oeq, %parallel_loop3A_821, %parallel_loop3A_823 : vector<16xf32>
      %parallel_loop3A_825 = arith.constant 2.000000e+00 : f32
      %parallel_loop3A_826 = vector.broadcast %parallel_loop3A_825 : f32 to vector<16xf32>
      %parallel_loop3A_827 = arith.select %parallel_loop3A_824, %parallel_loop3A_821, %parallel_loop3A_826 : vector<16xi1>, vector<16xf32>
      %parallel_loop3A_828 = arith.constant 2 : i32
      %parallel_loop3A_829 = arith.constant 0 : i32
      %parallel_loop3A_830 = arith.index_cast %parallel_loop3A_828 : i32 to index
      %parallel_loop3A_831 = arith.index_cast %parallel_loop3A_829 : i32 to index
      %parallel_loop3A_832 = arith.index_cast %parallel_loop3A_688 : i32 to index
      %parallel_loop3A_833 = tpu.vector_load %arg8[%parallel_loop3A_830, %parallel_loop3A_831, %parallel_loop3A_832] {strides = array<i32>} : memref<3x3x2048xf32, #tpu.memory_space<vmem>>, vector<1x1x16xf32>,
      %parallel_loop3A_834 = vector.shape_cast %parallel_loop3A_833 : vector<1x1x16xf32> to vector<16xf32>
      %parallel_loop3A_835 = vector.shape_cast %parallel_loop3A_827 : vector<16xf32> to vector<1x1x16xf32>
      tpu.vector_store %arg8[%parallel_loop3A_830, %parallel_loop3A_831, %parallel_loop3A_832], %parallel_loop3A_835 {strides = array<i32>} : memref<3x3x2048xf32, #tpu.memory_space<vmem>>, vector<1x1x16xf32>,
      %parallel_loop3A_836 = arith.constant 2 : i32
      %parallel_loop3A_837 = arith.constant 1 : i32
      %parallel_loop3A_838 = arith.index_cast %parallel_loop3A_836 : i32 to index
      %parallel_loop3A_839 = arith.index_cast %parallel_loop3A_837 : i32 to index
      %parallel_loop3A_840 = arith.index_cast %parallel_loop3A_688 : i32 to index
      %parallel_loop3A_841 = tpu.vector_load %arg4[%parallel_loop3A_838, %parallel_loop3A_839, %parallel_loop3A_840] {strides = array<i32>} : memref<3x3x2048xf32, #tpu.memory_space<vmem>>, vector<1x1x16xf32>,
      %parallel_loop3A_842 = vector.shape_cast %parallel_loop3A_841 : vector<1x1x16xf32> to vector<16xf32>
      %parallel_loop3A_843 = arith.constant 0.000000e+00 : f32
      %parallel_loop3A_844 = vector.broadcast %parallel_loop3A_843 : f32 to vector<16xf32>
      %parallel_loop3A_845 = arith.cmpf oeq, %parallel_loop3A_842, %parallel_loop3A_844 : vector<16xf32>
      %parallel_loop3A_846 = arith.constant 2.000000e+00 : f32
      %parallel_loop3A_847 = vector.broadcast %parallel_loop3A_846 : f32 to vector<16xf32>
      %parallel_loop3A_848 = arith.select %parallel_loop3A_845, %parallel_loop3A_842, %parallel_loop3A_847 : vector<16xi1>, vector<16xf32>
      %parallel_loop3A_849 = arith.constant 2 : i32
      %parallel_loop3A_850 = arith.constant 1 : i32
      %parallel_loop3A_851 = arith.index_cast %parallel_loop3A_849 : i32 to index
      %parallel_loop3A_852 = arith.index_cast %parallel_loop3A_850 : i32 to index
      %parallel_loop3A_853 = arith.index_cast %parallel_loop3A_688 : i32 to index
      %parallel_loop3A_854 = tpu.vector_load %arg8[%parallel_loop3A_851, %parallel_loop3A_852, %parallel_loop3A_853] {strides = array<i32>} : memref<3x3x2048xf32, #tpu.memory_space<vmem>>, vector<1x1x16xf32>,
      %parallel_loop3A_855 = vector.shape_cast %parallel_loop3A_854 : vector<1x1x16xf32> to vector<16xf32>
      %parallel_loop3A_856 = vector.shape_cast %parallel_loop3A_848 : vector<16xf32> to vector<1x1x16xf32>
      tpu.vector_store %arg8[%parallel_loop3A_851, %parallel_loop3A_852, %parallel_loop3A_853], %parallel_loop3A_856 {strides = array<i32>} : memref<3x3x2048xf32, #tpu.memory_space<vmem>>, vector<1x1x16xf32>,
      %parallel_loop3A_857 = arith.constant 2 : i32
      %parallel_loop3A_858 = arith.constant 2 : i32
      %parallel_loop3A_859 = arith.index_cast %parallel_loop3A_857 : i32 to index
      %parallel_loop3A_860 = arith.index_cast %parallel_loop3A_858 : i32 to index
      %parallel_loop3A_861 = arith.index_cast %parallel_loop3A_688 : i32 to index
      %parallel_loop3A_862 = tpu.vector_load %arg4[%parallel_loop3A_859, %parallel_loop3A_860, %parallel_loop3A_861] {strides = array<i32>} : memref<3x3x2048xf32, #tpu.memory_space<vmem>>, vector<1x1x16xf32>,
      %parallel_loop3A_863 = vector.shape_cast %parallel_loop3A_862 : vector<1x1x16xf32> to vector<16xf32>
      %parallel_loop3A_864 = arith.constant 0.000000e+00 : f32
      %parallel_loop3A_865 = vector.broadcast %parallel_loop3A_864 : f32 to vector<16xf32>
      %parallel_loop3A_866 = arith.cmpf oeq, %parallel_loop3A_863, %parallel_loop3A_865 : vector<16xf32>
      %parallel_loop3A_867 = arith.constant 2.000000e+00 : f32
      %parallel_loop3A_868 = vector.broadcast %parallel_loop3A_867 : f32 to vector<16xf32>
      %parallel_loop3A_869 = arith.select %parallel_loop3A_866, %parallel_loop3A_863, %parallel_loop3A_868 : vector<16xi1>, vector<16xf32>
      %parallel_loop3A_870 = arith.constant 2 : i32
      %parallel_loop3A_871 = arith.constant 2 : i32
      %parallel_loop3A_872 = arith.index_cast %parallel_loop3A_870 : i32 to index
      %parallel_loop3A_873 = arith.index_cast %parallel_loop3A_871 : i32 to index
      %parallel_loop3A_874 = arith.index_cast %parallel_loop3A_688 : i32 to index
      %parallel_loop3A_875 = tpu.vector_load %arg8[%parallel_loop3A_872, %parallel_loop3A_873, %parallel_loop3A_874] {strides = array<i32>} : memref<3x3x2048xf32, #tpu.memory_space<vmem>>, vector<1x1x16xf32>,
      %parallel_loop3A_876 = vector.shape_cast %parallel_loop3A_875 : vector<1x1x16xf32> to vector<16xf32>
      %parallel_loop3A_877 = vector.shape_cast %parallel_loop3A_869 : vector<16xf32> to vector<1x1x16xf32>
      tpu.vector_store %arg8[%parallel_loop3A_872, %parallel_loop3A_873, %parallel_loop3A_874], %parallel_loop3A_877 {strides = array<i32>} : memref<3x3x2048xf32, #tpu.memory_space<vmem>>, vector<1x1x16xf32>,
    } {sc.loop_unroll_factor = 1 : i64, sc.parallel_access}
    %add3A_184 = arith.constant 4096 : i32
    %add3A_185 = arith.addi %mul3A_2, %add3A_184 : i32
    %dma_start3A_186 = arith.constant 0 : i32
    %dma_start3A_187 = arith.constant 0 : i32
    %dma_start3A_188 = tpu.memref_slice %arg3[%dma_start3A_186, %dma_start3A_187, %add3A_185] : memref<3x3x1048576xf32, #tpu.memory_space<hbm>> -> memref<3x3x2048xf32, #tpu.memory_space<hbm>>
    %dma_start3A_189 = arith.constant 0 : i32
    %dma_start3A_190 = arith.constant 0 : i32
    %dma_start3A_191 = tpu.memref_slice %arg3[%dma_start3A_189, %dma_start3A_190, %add3A_185] : memref<3x3x1048576xf32, #tpu.memory_space<hbm>> -> memref<3x3x2048xf32, #tpu.memory_space<hbm>>
    tpu.enqueue_dma source(%arg8 : memref<3x3x2048xf32, #tpu.memory_space<vmem>>) target(%dma_start3A_191 : memref<3x3x2048xf32, #tpu.memory_space<hbm>>) target_semaphore(%arg13 : memref<!tpu.dma_semaphore, #tpu.memory_space<semaphore_mem>>)
    %add3A_192 = arith.constant 10240 : i32
    %add3A_193 = arith.addi %mul3A_2, %add3A_192 : i32
    %dma_start3A_194 = arith.constant 0 : i32
    %dma_start3A_195 = arith.constant 0 : i32
    %dma_start3A_196 = tpu.memref_slice %arg2[%dma_start3A_194, %dma_start3A_195, %add3A_193] : memref<3x3x1048576xf32, #tpu.memory_space<hbm>> -> memref<3x3x2048xf32, #tpu.memory_space<hbm>>
    %dma_start3A_197 = arith.constant 0 : i32
    %dma_start3A_198 = arith.constant 0 : i32
    %dma_start3A_199 = tpu.memref_slice %arg2[%dma_start3A_197, %dma_start3A_198, %add3A_193] : memref<3x3x1048576xf32, #tpu.memory_space<hbm>> -> memref<3x3x2048xf32, #tpu.memory_space<hbm>>
    tpu.enqueue_dma source(%dma_start3A_199 : memref<3x3x2048xf32, #tpu.memory_space<hbm>>) target(%arg4 : memref<3x3x2048xf32, #tpu.memory_space<vmem>>) target_semaphore(%arg9 : memref<!tpu.dma_semaphore, #tpu.memory_space<semaphore_mem>>)
    %dma_wait3A_200 = arith.constant 0 : i32
    %dma_wait3A_201 = arith.constant 0 : i32
    %dma_wait3A_202 = tpu.memref_slice %arg2[%dma_wait3A_200, %dma_wait3A_201, %add3A_115] : memref<3x3x1048576xf32, #tpu.memory_space<hbm>> -> memref<3x3x2048xf32, #tpu.memory_space<hbm>>
    %dma_wait3A_203 = arith.constant 0 : i32
    %dma_wait3A_204 = arith.constant 0 : i32
    %dma_wait3A_205 = tpu.memref_slice %arg2[%dma_wait3A_203, %dma_wait3A_204, %add3A_115] : memref<3x3x1048576xf32, #tpu.memory_space<hbm>> -> memref<3x3x2048xf32, #tpu.memory_space<hbm>>
    tpu.wait_dma2 semaphore(%arg10 : memref<!tpu.dma_semaphore, #tpu.memory_space<semaphore_mem>>) src(%dma_wait3A_205 : memref<3x3x2048xf32, #tpu.memory_space<hbm>>) dst(%arg5 : memref<3x3x2048xf32, #tpu.memory_space<vmem>>)
    %dma_wait3A_206 = arith.constant 0 : i32
    %dma_wait3A_207 = arith.constant 0 : i32
    %dma_wait3A_208 = tpu.memref_slice %arg3[%dma_wait3A_206, %dma_wait3A_207, %add3A_146] : memref<3x3x1048576xf32, #tpu.memory_space<hbm>> -> memref<3x3x2048xf32, #tpu.memory_space<hbm>>
    %dma_wait3A_209 = arith.constant 0 : i32
    %dma_wait3A_210 = arith.constant 0 : i32
    %dma_wait3A_211 = tpu.memref_slice %arg3[%dma_wait3A_209, %dma_wait3A_210, %add3A_146] : memref<3x3x1048576xf32, #tpu.memory_space<hbm>> -> memref<3x3x2048xf32, #tpu.memory_space<hbm>>
    tpu.wait_dma2 semaphore(%arg12 : memref<!tpu.dma_semaphore, #tpu.memory_space<semaphore_mem>>) src(%arg7 : memref<3x3x2048xf32, #tpu.memory_space<vmem>>) dst(%dma_wait3A_211 : memref<3x3x2048xf32, #tpu.memory_space<hbm>>)
    %parallel_loop3A_212 = arith.constant 0 : i32
    %parallel_loop3A_213 = arith.constant 128 : i32
    %parallel_loop3A_214 = arith.constant 1 : i32
    scf.for %parallel_loop3A_686 = %parallel_loop3A_212 to %parallel_loop3A_213 step %parallel_loop3A_214  : i32 {
      %parallel_loop3A_687 = arith.constant 16 : i32
      %parallel_loop3A_688 = arith.muli %parallel_loop3A_686, %parallel_loop3A_687 : i32
      %parallel_loop3A_689 = arith.constant 0 : i32
      %parallel_loop3A_690 = arith.constant 0 : i32
      %parallel_loop3A_691 = arith.index_cast %parallel_loop3A_689 : i32 to index
      %parallel_loop3A_692 = arith.index_cast %parallel_loop3A_690 : i32 to index
      %parallel_loop3A_693 = arith.index_cast %parallel_loop3A_688 : i32 to index
      %parallel_loop3A_694 = tpu.vector_load %arg5[%parallel_loop3A_691, %parallel_loop3A_692, %parallel_loop3A_693] {strides = array<i32>} : memref<3x3x2048xf32, #tpu.memory_space<vmem>>, vector<1x1x16xf32>,
      %parallel_loop3A_695 = vector.shape_cast %parallel_loop3A_694 : vector<1x1x16xf32> to vector<16xf32>
      %parallel_loop3A_696 = arith.constant 0.000000e+00 : f32
      %parallel_loop3A_697 = vector.broadcast %parallel_loop3A_696 : f32 to vector<16xf32>
      %parallel_loop3A_698 = arith.cmpf oeq, %parallel_loop3A_695, %parallel_loop3A_697 : vector<16xf32>
      %parallel_loop3A_699 = arith.constant 2.000000e+00 : f32
      %parallel_loop3A_700 = vector.broadcast %parallel_loop3A_699 : f32 to vector<16xf32>
      %parallel_loop3A_701 = arith.select %parallel_loop3A_698, %parallel_loop3A_695, %parallel_loop3A_700 : vector<16xi1>, vector<16xf32>
      %parallel_loop3A_702 = arith.constant 0 : i32
      %parallel_loop3A_703 = arith.constant 0 : i32
      %parallel_loop3A_704 = arith.index_cast %parallel_loop3A_702 : i32 to index
      %parallel_loop3A_705 = arith.index_cast %parallel_loop3A_703 : i32 to index
      %parallel_loop3A_706 = arith.index_cast %parallel_loop3A_688 : i32 to index
      %parallel_loop3A_707 = tpu.vector_load %arg7[%parallel_loop3A_704, %parallel_loop3A_705, %parallel_loop3A_706] {strides = array<i32>} : memref<3x3x2048xf32, #tpu.memory_space<vmem>>, vector<1x1x16xf32>,
      %parallel_loop3A_708 = vector.shape_cast %parallel_loop3A_707 : vector<1x1x16xf32> to vector<16xf32>
      %parallel_loop3A_709 = vector.shape_cast %parallel_loop3A_701 : vector<16xf32> to vector<1x1x16xf32>
      tpu.vector_store %arg7[%parallel_loop3A_704, %parallel_loop3A_705, %parallel_loop3A_706], %parallel_loop3A_709 {strides = array<i32>} : memref<3x3x2048xf32, #tpu.memory_space<vmem>>, vector<1x1x16xf32>,
      %parallel_loop3A_710 = arith.constant 0 : i32
      %parallel_loop3A_711 = arith.constant 1 : i32
      %parallel_loop3A_712 = arith.index_cast %parallel_loop3A_710 : i32 to index
      %parallel_loop3A_713 = arith.index_cast %parallel_loop3A_711 : i32 to index
      %parallel_loop3A_714 = arith.index_cast %parallel_loop3A_688 : i32 to index
      %parallel_loop3A_715 = tpu.vector_load %arg5[%parallel_loop3A_712, %parallel_loop3A_713, %parallel_loop3A_714] {strides = array<i32>} : memref<3x3x2048xf32, #tpu.memory_space<vmem>>, vector<1x1x16xf32>,
      %parallel_loop3A_716 = vector.shape_cast %parallel_loop3A_715 : vector<1x1x16xf32> to vector<16xf32>
      %parallel_loop3A_717 = arith.constant 0.000000e+00 : f32
      %parallel_loop3A_718 = vector.broadcast %parallel_loop3A_717 : f32 to vector<16xf32>
      %parallel_loop3A_719 = arith.cmpf oeq, %parallel_loop3A_716, %parallel_loop3A_718 : vector<16xf32>
      %parallel_loop3A_720 = arith.constant 2.000000e+00 : f32
      %parallel_loop3A_721 = vector.broadcast %parallel_loop3A_720 : f32 to vector<16xf32>
      %parallel_loop3A_722 = arith.select %parallel_loop3A_719, %parallel_loop3A_716, %parallel_loop3A_721 : vector<16xi1>, vector<16xf32>
      %parallel_loop3A_723 = arith.constant 0 : i32
      %parallel_loop3A_724 = arith.constant 1 : i32
      %parallel_loop3A_725 = arith.index_cast %parallel_loop3A_723 : i32 to index
      %parallel_loop3A_726 = arith.index_cast %parallel_loop3A_724 : i32 to index
      %parallel_loop3A_727 = arith.index_cast %parallel_loop3A_688 : i32 to index
      %parallel_loop3A_728 = tpu.vector_load %arg7[%parallel_loop3A_725, %parallel_loop3A_726, %parallel_loop3A_727] {strides = array<i32>} : memref<3x3x2048xf32, #tpu.memory_space<vmem>>, vector<1x1x16xf32>,
      %parallel_loop3A_729 = vector.shape_cast %parallel_loop3A_728 : vector<1x1x16xf32> to vector<16xf32>
      %parallel_loop3A_730 = vector.shape_cast %parallel_loop3A_722 : vector<16xf32> to vector<1x1x16xf32>
      tpu.vector_store %arg7[%parallel_loop3A_725, %parallel_loop3A_726, %parallel_loop3A_727], %parallel_loop3A_730 {strides = array<i32>} : memref<3x3x2048xf32, #tpu.memory_space<vmem>>, vector<1x1x16xf32>,
      %parallel_loop3A_731 = arith.constant 0 : i32
      %parallel_loop3A_732 = arith.constant 2 : i32
      %parallel_loop3A_733 = arith.index_cast %parallel_loop3A_731 : i32 to index
      %parallel_loop3A_734 = arith.index_cast %parallel_loop3A_732 : i32 to index
      %parallel_loop3A_735 = arith.index_cast %parallel_loop3A_688 : i32 to index
      %parallel_loop3A_736 = tpu.vector_load %arg5[%parallel_loop3A_733, %parallel_loop3A_734, %parallel_loop3A_735] {strides = array<i32>} : memref<3x3x2048xf32, #tpu.memory_space<vmem>>, vector<1x1x16xf32>,
      %parallel_loop3A_737 = vector.shape_cast %parallel_loop3A_736 : vector<1x1x16xf32> to vector<16xf32>
      %parallel_loop3A_738 = arith.constant 0.000000e+00 : f32
      %parallel_loop3A_739 = vector.broadcast %parallel_loop3A_738 : f32 to vector<16xf32>
      %parallel_loop3A_740 = arith.cmpf oeq, %parallel_loop3A_737, %parallel_loop3A_739 : vector<16xf32>
      %parallel_loop3A_741 = arith.constant 2.000000e+00 : f32
      %parallel_loop3A_742 = vector.broadcast %parallel_loop3A_741 : f32 to vector<16xf32>
      %parallel_loop3A_743 = arith.select %parallel_loop3A_740, %parallel_loop3A_737, %parallel_loop3A_742 : vector<16xi1>, vector<16xf32>
      %parallel_loop3A_744 = arith.constant 0 : i32
      %parallel_loop3A_745 = arith.constant 2 : i32
      %parallel_loop3A_746 = arith.index_cast %parallel_loop3A_744 : i32 to index
      %parallel_loop3A_747 = arith.index_cast %parallel_loop3A_745 : i32 to index
      %parallel_loop3A_748 = arith.index_cast %parallel_loop3A_688 : i32 to index
      %parallel_loop3A_749 = tpu.vector_load %arg7[%parallel_loop3A_746, %parallel_loop3A_747, %parallel_loop3A_748] {strides = array<i32>} : memref<3x3x2048xf32, #tpu.memory_space<vmem>>, vector<1x1x16xf32>,
      %parallel_loop3A_750 = vector.shape_cast %parallel_loop3A_749 : vector<1x1x16xf32> to vector<16xf32>
      %parallel_loop3A_751 = vector.shape_cast %parallel_loop3A_743 : vector<16xf32> to vector<1x1x16xf32>
      tpu.vector_store %arg7[%parallel_loop3A_746, %parallel_loop3A_747, %parallel_loop3A_748], %parallel_loop3A_751 {strides = array<i32>} : memref<3x3x2048xf32, #tpu.memory_space<vmem>>, vector<1x1x16xf32>,
      %parallel_loop3A_752 = arith.constant 1 : i32
      %parallel_loop3A_753 = arith.constant 0 : i32
      %parallel_loop3A_754 = arith.index_cast %parallel_loop3A_752 : i32 to index
      %parallel_loop3A_755 = arith.index_cast %parallel_loop3A_753 : i32 to index
      %parallel_loop3A_756 = arith.index_cast %parallel_loop3A_688 : i32 to index
      %parallel_loop3A_757 = tpu.vector_load %arg5[%parallel_loop3A_754, %parallel_loop3A_755, %parallel_loop3A_756] {strides = array<i32>} : memref<3x3x2048xf32, #tpu.memory_space<vmem>>, vector<1x1x16xf32>,
      %parallel_loop3A_758 = vector.shape_cast %parallel_loop3A_757 : vector<1x1x16xf32> to vector<16xf32>
      %parallel_loop3A_759 = arith.constant 0.000000e+00 : f32
      %parallel_loop3A_760 = vector.broadcast %parallel_loop3A_759 : f32 to vector<16xf32>
      %parallel_loop3A_761 = arith.cmpf oeq, %parallel_loop3A_758, %parallel_loop3A_760 : vector<16xf32>
      %parallel_loop3A_762 = arith.constant 2.000000e+00 : f32
      %parallel_loop3A_763 = vector.broadcast %parallel_loop3A_762 : f32 to vector<16xf32>
      %parallel_loop3A_764 = arith.select %parallel_loop3A_761, %parallel_loop3A_758, %parallel_loop3A_763 : vector<16xi1>, vector<16xf32>
      %parallel_loop3A_765 = arith.constant 1 : i32
      %parallel_loop3A_766 = arith.constant 0 : i32
      %parallel_loop3A_767 = arith.index_cast %parallel_loop3A_765 : i32 to index
      %parallel_loop3A_768 = arith.index_cast %parallel_loop3A_766 : i32 to index
      %parallel_loop3A_769 = arith.index_cast %parallel_loop3A_688 : i32 to index
      %parallel_loop3A_770 = tpu.vector_load %arg7[%parallel_loop3A_767, %parallel_loop3A_768, %parallel_loop3A_769] {strides = array<i32>} : memref<3x3x2048xf32, #tpu.memory_space<vmem>>, vector<1x1x16xf32>,
      %parallel_loop3A_771 = vector.shape_cast %parallel_loop3A_770 : vector<1x1x16xf32> to vector<16xf32>
      %parallel_loop3A_772 = vector.shape_cast %parallel_loop3A_764 : vector<16xf32> to vector<1x1x16xf32>
      tpu.vector_store %arg7[%parallel_loop3A_767, %parallel_loop3A_768, %parallel_loop3A_769], %parallel_loop3A_772 {strides = array<i32>} : memref<3x3x2048xf32, #tpu.memory_space<vmem>>, vector<1x1x16xf32>,
      %parallel_loop3A_773 = arith.constant 1 : i32
      %parallel_loop3A_774 = arith.constant 1 : i32
      %parallel_loop3A_775 = arith.index_cast %parallel_loop3A_773 : i32 to index
      %parallel_loop3A_776 = arith.index_cast %parallel_loop3A_774 : i32 to index
      %parallel_loop3A_777 = arith.index_cast %parallel_loop3A_688 : i32 to index
      %parallel_loop3A_778 = tpu.vector_load %arg5[%parallel_loop3A_775, %parallel_loop3A_776, %parallel_loop3A_777] {strides = array<i32>} : memref<3x3x2048xf32, #tpu.memory_space<vmem>>, vector<1x1x16xf32>,
      %parallel_loop3A_779 = vector.shape_cast %parallel_loop3A_778 : vector<1x1x16xf32> to vector<16xf32>
      %parallel_loop3A_780 = arith.constant 0.000000e+00 : f32
      %parallel_loop3A_781 = vector.broadcast %parallel_loop3A_780 : f32 to vector<16xf32>
      %parallel_loop3A_782 = arith.cmpf oeq, %parallel_loop3A_779, %parallel_loop3A_781 : vector<16xf32>
      %parallel_loop3A_783 = arith.constant 2.000000e+00 : f32
      %parallel_loop3A_784 = vector.broadcast %parallel_loop3A_783 : f32 to vector<16xf32>
      %parallel_loop3A_785 = arith.select %parallel_loop3A_782, %parallel_loop3A_779, %parallel_loop3A_784 : vector<16xi1>, vector<16xf32>
      %parallel_loop3A_786 = arith.constant 1 : i32
      %parallel_loop3A_787 = arith.constant 1 : i32
      %parallel_loop3A_788 = arith.index_cast %parallel_loop3A_786 : i32 to index
      %parallel_loop3A_789 = arith.index_cast %parallel_loop3A_787 : i32 to index
      %parallel_loop3A_790 = arith.index_cast %parallel_loop3A_688 : i32 to index
      %parallel_loop3A_791 = tpu.vector_load %arg7[%parallel_loop3A_788, %parallel_loop3A_789, %parallel_loop3A_790] {strides = array<i32>} : memref<3x3x2048xf32, #tpu.memory_space<vmem>>, vector<1x1x16xf32>,
      %parallel_loop3A_792 = vector.shape_cast %parallel_loop3A_791 : vector<1x1x16xf32> to vector<16xf32>
      %parallel_loop3A_793 = vector.shape_cast %parallel_loop3A_785 : vector<16xf32> to vector<1x1x16xf32>
      tpu.vector_store %arg7[%parallel_loop3A_788, %parallel_loop3A_789, %parallel_loop3A_790], %parallel_loop3A_793 {strides = array<i32>} : memref<3x3x2048xf32, #tpu.memory_space<vmem>>, vector<1x1x16xf32>,
      %parallel_loop3A_794 = arith.constant 1 : i32
      %parallel_loop3A_795 = arith.constant 2 : i32
      %parallel_loop3A_796 = arith.index_cast %parallel_loop3A_794 : i32 to index
      %parallel_loop3A_797 = arith.index_cast %parallel_loop3A_795 : i32 to index
      %parallel_loop3A_798 = arith.index_cast %parallel_loop3A_688 : i32 to index
      %parallel_loop3A_799 = tpu.vector_load %arg5[%parallel_loop3A_796, %parallel_loop3A_797, %parallel_loop3A_798] {strides = array<i32>} : memref<3x3x2048xf32, #tpu.memory_space<vmem>>, vector<1x1x16xf32>,
      %parallel_loop3A_800 = vector.shape_cast %parallel_loop3A_799 : vector<1x1x16xf32> to vector<16xf32>
      %parallel_loop3A_801 = arith.constant 0.000000e+00 : f32
      %parallel_loop3A_802 = vector.broadcast %parallel_loop3A_801 : f32 to vector<16xf32>
      %parallel_loop3A_803 = arith.cmpf oeq, %parallel_loop3A_800, %parallel_loop3A_802 : vector<16xf32>
      %parallel_loop3A_804 = arith.constant 2.000000e+00 : f32
      %parallel_loop3A_805 = vector.broadcast %parallel_loop3A_804 : f32 to vector<16xf32>
      %parallel_loop3A_806 = arith.select %parallel_loop3A_803, %parallel_loop3A_800, %parallel_loop3A_805 : vector<16xi1>, vector<16xf32>
      %parallel_loop3A_807 = arith.constant 1 : i32
      %parallel_loop3A_808 = arith.constant 2 : i32
      %parallel_loop3A_809 = arith.index_cast %parallel_loop3A_807 : i32 to index
      %parallel_loop3A_810 = arith.index_cast %parallel_loop3A_808 : i32 to index
      %parallel_loop3A_811 = arith.index_cast %parallel_loop3A_688 : i32 to index
      %parallel_loop3A_812 = tpu.vector_load %arg7[%parallel_loop3A_809, %parallel_loop3A_810, %parallel_loop3A_811] {strides = array<i32>} : memref<3x3x2048xf32, #tpu.memory_space<vmem>>, vector<1x1x16xf32>,
      %parallel_loop3A_813 = vector.shape_cast %parallel_loop3A_812 : vector<1x1x16xf32> to vector<16xf32>
      %parallel_loop3A_814 = vector.shape_cast %parallel_loop3A_806 : vector<16xf32> to vector<1x1x16xf32>
      tpu.vector_store %arg7[%parallel_loop3A_809, %parallel_loop3A_810, %parallel_loop3A_811], %parallel_loop3A_814 {strides = array<i32>} : memref<3x3x2048xf32, #tpu.memory_space<vmem>>, vector<1x1x16xf32>,
      %parallel_loop3A_815 = arith.constant 2 : i32
      %parallel_loop3A_816 = arith.constant 0 : i32
      %parallel_loop3A_817 = arith.index_cast %parallel_loop3A_815 : i32 to index
      %parallel_loop3A_818 = arith.index_cast %parallel_loop3A_816 : i32 to index
      %parallel_loop3A_819 = arith.index_cast %parallel_loop3A_688 : i32 to index
      %parallel_loop3A_820 = tpu.vector_load %arg5[%parallel_loop3A_817, %parallel_loop3A_818, %parallel_loop3A_819] {strides = array<i32>} : memref<3x3x2048xf32, #tpu.memory_space<vmem>>, vector<1x1x16xf32>,
      %parallel_loop3A_821 = vector.shape_cast %parallel_loop3A_820 : vector<1x1x16xf32> to vector<16xf32>
      %parallel_loop3A_822 = arith.constant 0.000000e+00 : f32
      %parallel_loop3A_823 = vector.broadcast %parallel_loop3A_822 : f32 to vector<16xf32>
      %parallel_loop3A_824 = arith.cmpf oeq, %parallel_loop3A_821, %parallel_loop3A_823 : vector<16xf32>
      %parallel_loop3A_825 = arith.constant 2.000000e+00 : f32
      %parallel_loop3A_826 = vector.broadcast %parallel_loop3A_825 : f32 to vector<16xf32>
      %parallel_loop3A_827 = arith.select %parallel_loop3A_824, %parallel_loop3A_821, %parallel_loop3A_826 : vector<16xi1>, vector<16xf32>
      %parallel_loop3A_828 = arith.constant 2 : i32
      %parallel_loop3A_829 = arith.constant 0 : i32
      %parallel_loop3A_830 = arith.index_cast %parallel_loop3A_828 : i32 to index
      %parallel_loop3A_831 = arith.index_cast %parallel_loop3A_829 : i32 to index
      %parallel_loop3A_832 = arith.index_cast %parallel_loop3A_688 : i32 to index
      %parallel_loop3A_833 = tpu.vector_load %arg7[%parallel_loop3A_830, %parallel_loop3A_831, %parallel_loop3A_832] {strides = array<i32>} : memref<3x3x2048xf32, #tpu.memory_space<vmem>>, vector<1x1x16xf32>,
      %parallel_loop3A_834 = vector.shape_cast %parallel_loop3A_833 : vector<1x1x16xf32> to vector<16xf32>
      %parallel_loop3A_835 = vector.shape_cast %parallel_loop3A_827 : vector<16xf32> to vector<1x1x16xf32>
      tpu.vector_store %arg7[%parallel_loop3A_830, %parallel_loop3A_831, %parallel_loop3A_832], %parallel_loop3A_835 {strides = array<i32>} : memref<3x3x2048xf32, #tpu.memory_space<vmem>>, vector<1x1x16xf32>,
      %parallel_loop3A_836 = arith.constant 2 : i32
      %parallel_loop3A_837 = arith.constant 1 : i32
      %parallel_loop3A_838 = arith.index_cast %parallel_loop3A_836 : i32 to index
      %parallel_loop3A_839 = arith.index_cast %parallel_loop3A_837 : i32 to index
      %parallel_loop3A_840 = arith.index_cast %parallel_loop3A_688 : i32 to index
      %parallel_loop3A_841 = tpu.vector_load %arg5[%parallel_loop3A_838, %parallel_loop3A_839, %parallel_loop3A_840] {strides = array<i32>} : memref<3x3x2048xf32, #tpu.memory_space<vmem>>, vector<1x1x16xf32>,
      %parallel_loop3A_842 = vector.shape_cast %parallel_loop3A_841 : vector<1x1x16xf32> to vector<16xf32>
      %parallel_loop3A_843 = arith.constant 0.000000e+00 : f32
      %parallel_loop3A_844 = vector.broadcast %parallel_loop3A_843 : f32 to vector<16xf32>
      %parallel_loop3A_845 = arith.cmpf oeq, %parallel_loop3A_842, %parallel_loop3A_844 : vector<16xf32>
      %parallel_loop3A_846 = arith.constant 2.000000e+00 : f32
      %parallel_loop3A_847 = vector.broadcast %parallel_loop3A_846 : f32 to vector<16xf32>
      %parallel_loop3A_848 = arith.select %parallel_loop3A_845, %parallel_loop3A_842, %parallel_loop3A_847 : vector<16xi1>, vector<16xf32>
      %parallel_loop3A_849 = arith.constant 2 : i32
      %parallel_loop3A_850 = arith.constant 1 : i32
      %parallel_loop3A_851 = arith.index_cast %parallel_loop3A_849 : i32 to index
      %parallel_loop3A_852 = arith.index_cast %parallel_loop3A_850 : i32 to index
      %parallel_loop3A_853 = arith.index_cast %parallel_loop3A_688 : i32 to index
      %parallel_loop3A_854 = tpu.vector_load %arg7[%parallel_loop3A_851, %parallel_loop3A_852, %parallel_loop3A_853] {strides = array<i32>} : memref<3x3x2048xf32, #tpu.memory_space<vmem>>, vector<1x1x16xf32>,
      %parallel_loop3A_855 = vector.shape_cast %parallel_loop3A_854 : vector<1x1x16xf32> to vector<16xf32>
      %parallel_loop3A_856 = vector.shape_cast %parallel_loop3A_848 : vector<16xf32> to vector<1x1x16xf32>
      tpu.vector_store %arg7[%parallel_loop3A_851, %parallel_loop3A_852, %parallel_loop3A_853], %parallel_loop3A_856 {strides = array<i32>} : memref<3x3x2048xf32, #tpu.memory_space<vmem>>, vector<1x1x16xf32>,
      %parallel_loop3A_857 = arith.constant 2 : i32
      %parallel_loop3A_858 = arith.constant 2 : i32
      %parallel_loop3A_859 = arith.index_cast %parallel_loop3A_857 : i32 to index
      %parallel_loop3A_860 = arith.index_cast %parallel_loop3A_858 : i32 to index
      %parallel_loop3A_861 = arith.index_cast %parallel_loop3A_688 : i32 to index
      %parallel_loop3A_862 = tpu.vector_load %arg5[%parallel_loop3A_859, %parallel_loop3A_860, %parallel_loop3A_861] {strides = array<i32>} : memref<3x3x2048xf32, #tpu.memory_space<vmem>>, vector<1x1x16xf32>,
      %parallel_loop3A_863 = vector.shape_cast %parallel_loop3A_862 : vector<1x1x16xf32> to vector<16xf32>
      %parallel_loop3A_864 = arith.constant 0.000000e+00 : f32
      %parallel_loop3A_865 = vector.broadcast %parallel_loop3A_864 : f32 to vector<16xf32>
      %parallel_loop3A_866 = arith.cmpf oeq, %parallel_loop3A_863, %parallel_loop3A_865 : vector<16xf32>
      %parallel_loop3A_867 = arith.constant 2.000000e+00 : f32
      %parallel_loop3A_868 = vector.broadcast %parallel_loop3A_867 : f32 to vector<16xf32>
      %parallel_loop3A_869 = arith.select %parallel_loop3A_866, %parallel_loop3A_863, %parallel_loop3A_868 : vector<16xi1>, vector<16xf32>
      %parallel_loop3A_870 = arith.constant 2 : i32
      %parallel_loop3A_871 = arith.constant 2 : i32
      %parallel_loop3A_872 = arith.index_cast %parallel_loop3A_870 : i32 to index
      %parallel_loop3A_873 = arith.index_cast %parallel_loop3A_871 : i32 to index
      %parallel_loop3A_874 = arith.index_cast %parallel_loop3A_688 : i32 to index
      %parallel_loop3A_875 = tpu.vector_load %arg7[%parallel_loop3A_872, %parallel_loop3A_873, %parallel_loop3A_874] {strides = array<i32>} : memref<3x3x2048xf32, #tpu.memory_space<vmem>>, vector<1x1x16xf32>,
      %parallel_loop3A_876 = vector.shape_cast %parallel_loop3A_875 : vector<1x1x16xf32> to vector<16xf32>
      %parallel_loop3A_877 = vector.shape_cast %parallel_loop3A_869 : vector<16xf32> to vector<1x1x16xf32>
      tpu.vector_store %arg7[%parallel_loop3A_872, %parallel_loop3A_873, %parallel_loop3A_874], %parallel_loop3A_877 {strides = array<i32>} : memref<3x3x2048xf32, #tpu.memory_space<vmem>>, vector<1x1x16xf32>,
    } {sc.loop_unroll_factor = 1 : i64, sc.parallel_access}
    %add3A_215 = arith.constant 6144 : i32
    %add3A_216 = arith.addi %mul3A_2, %add3A_215 : i32
    %dma_start3A_217 = arith.constant 0 : i32
    %dma_start3A_218 = arith.constant 0 : i32
    %dma_start3A_219 = tpu.memref_slice %arg3[%dma_start3A_217, %dma_start3A_218, %add3A_216] : memref<3x3x1048576xf32, #tpu.memory_space<hbm>> -> memref<3x3x2048xf32, #tpu.memory_space<hbm>>
    %dma_start3A_220 = arith.constant 0 : i32
    %dma_start3A_221 = arith.constant 0 : i32
    %dma_start3A_222 = tpu.memref_slice %arg3[%dma_start3A_220, %dma_start3A_221, %add3A_216] : memref<3x3x1048576xf32, #tpu.memory_space<hbm>> -> memref<3x3x2048xf32, #tpu.memory_space<hbm>>
    tpu.enqueue_dma source(%arg7 : memref<3x3x2048xf32, #tpu.memory_space<vmem>>) target(%dma_start3A_222 : memref<3x3x2048xf32, #tpu.memory_space<hbm>>) target_semaphore(%arg12 : memref<!tpu.dma_semaphore, #tpu.memory_space<semaphore_mem>>)
    %add3A_223 = arith.constant 12288 : i32
    %add3A_224 = arith.addi %mul3A_2, %add3A_223 : i32
    %dma_start3A_225 = arith.constant 0 : i32
    %dma_start3A_226 = arith.constant 0 : i32
    %dma_start3A_227 = tpu.memref_slice %arg2[%dma_start3A_225, %dma_start3A_226, %add3A_224] : memref<3x3x1048576xf32, #tpu.memory_space<hbm>> -> memref<3x3x2048xf32, #tpu.memory_space<hbm>>
    %dma_start3A_228 = arith.constant 0 : i32
    %dma_start3A_229 = arith.constant 0 : i32
    %dma_start3A_230 = tpu.memref_slice %arg2[%dma_start3A_228, %dma_start3A_229, %add3A_224] : memref<3x3x1048576xf32, #tpu.memory_space<hbm>> -> memref<3x3x2048xf32, #tpu.memory_space<hbm>>
    tpu.enqueue_dma source(%dma_start3A_230 : memref<3x3x2048xf32, #tpu.memory_space<hbm>>) target(%arg5 : memref<3x3x2048xf32, #tpu.memory_space<vmem>>) target_semaphore(%arg10 : memref<!tpu.dma_semaphore, #tpu.memory_space<semaphore_mem>>)
    %dma_wait3A_231 = arith.constant 0 : i32
    %dma_wait3A_232 = arith.constant 0 : i32
    %dma_wait3A_233 = tpu.memref_slice %arg2[%dma_wait3A_231, %dma_wait3A_232, %add3A_154] : memref<3x3x1048576xf32, #tpu.memory_space<hbm>> -> memref<3x3x2048xf32, #tpu.memory_space<hbm>>
    %dma_wait3A_234 = arith.constant 0 : i32
    %dma_wait3A_235 = arith.constant 0 : i32
    %dma_wait3A_236 = tpu.memref_slice %arg2[%dma_wait3A_234, %dma_wait3A_235, %add3A_154] : memref<3x3x1048576xf32, #tpu.memory_space<hbm>> -> memref<3x3x2048xf32, #tpu.memory_space<hbm>>
    tpu.wait_dma2 semaphore(%arg11 : memref<!tpu.dma_semaphore, #tpu.memory_space<semaphore_mem>>) src(%dma_wait3A_236 : memref<3x3x2048xf32, #tpu.memory_space<hbm>>) dst(%arg6 : memref<3x3x2048xf32, #tpu.memory_space<vmem>>)
    %dma_wait3A_237 = arith.constant 0 : i32
    %dma_wait3A_238 = arith.constant 0 : i32
    %dma_wait3A_239 = tpu.memref_slice %arg3[%dma_wait3A_237, %dma_wait3A_238, %add3A_185] : memref<3x3x1048576xf32, #tpu.memory_space<hbm>> -> memref<3x3x2048xf32, #tpu.memory_space<hbm>>
    %dma_wait3A_240 = arith.constant 0 : i32
    %dma_wait3A_241 = arith.constant 0 : i32
    %dma_wait3A_242 = tpu.memref_slice %arg3[%dma_wait3A_240, %dma_wait3A_241, %add3A_185] : memref<3x3x1048576xf32, #tpu.memory_space<hbm>> -> memref<3x3x2048xf32, #tpu.memory_space<hbm>>
    tpu.wait_dma2 semaphore(%arg13 : memref<!tpu.dma_semaphore, #tpu.memory_space<semaphore_mem>>) src(%arg8 : memref<3x3x2048xf32, #tpu.memory_space<vmem>>) dst(%dma_wait3A_242 : memref<3x3x2048xf32, #tpu.memory_space<hbm>>)
    %parallel_loop3A_243 = arith.constant 0 : i32
    %parallel_loop3A_244 = arith.constant 128 : i32
    %parallel_loop3A_245 = arith.constant 1 : i32
    scf.for %parallel_loop3A_686 = %parallel_loop3A_243 to %parallel_loop3A_244 step %parallel_loop3A_245  : i32 {
      %parallel_loop3A_687 = arith.constant 16 : i32
      %parallel_loop3A_688 = arith.muli %parallel_loop3A_686, %parallel_loop3A_687 : i32
      %parallel_loop3A_689 = arith.constant 0 : i32
      %parallel_loop3A_690 = arith.constant 0 : i32
      %parallel_loop3A_691 = arith.index_cast %parallel_loop3A_689 : i32 to index
      %parallel_loop3A_692 = arith.index_cast %parallel_loop3A_690 : i32 to index
      %parallel_loop3A_693 = arith.index_cast %parallel_loop3A_688 : i32 to index
      %parallel_loop3A_694 = tpu.vector_load %arg6[%parallel_loop3A_691, %parallel_loop3A_692, %parallel_loop3A_693] {strides = array<i32>} : memref<3x3x2048xf32, #tpu.memory_space<vmem>>, vector<1x1x16xf32>,
      %parallel_loop3A_695 = vector.shape_cast %parallel_loop3A_694 : vector<1x1x16xf32> to vector<16xf32>
      %parallel_loop3A_696 = arith.constant 0.000000e+00 : f32
      %parallel_loop3A_697 = vector.broadcast %parallel_loop3A_696 : f32 to vector<16xf32>
      %parallel_loop3A_698 = arith.cmpf oeq, %parallel_loop3A_695, %parallel_loop3A_697 : vector<16xf32>
      %parallel_loop3A_699 = arith.constant 2.000000e+00 : f32
      %parallel_loop3A_700 = vector.broadcast %parallel_loop3A_699 : f32 to vector<16xf32>
      %parallel_loop3A_701 = arith.select %parallel_loop3A_698, %parallel_loop3A_695, %parallel_loop3A_700 : vector<16xi1>, vector<16xf32>
      %parallel_loop3A_702 = arith.constant 0 : i32
      %parallel_loop3A_703 = arith.constant 0 : i32
      %parallel_loop3A_704 = arith.index_cast %parallel_loop3A_702 : i32 to index
      %parallel_loop3A_705 = arith.index_cast %parallel_loop3A_703 : i32 to index
      %parallel_loop3A_706 = arith.index_cast %parallel_loop3A_688 : i32 to index
      %parallel_loop3A_707 = tpu.vector_load %arg8[%parallel_loop3A_704, %parallel_loop3A_705, %parallel_loop3A_706] {strides = array<i32>} : memref<3x3x2048xf32, #tpu.memory_space<vmem>>, vector<1x1x16xf32>,
      %parallel_loop3A_708 = vector.shape_cast %parallel_loop3A_707 : vector<1x1x16xf32> to vector<16xf32>
      %parallel_loop3A_709 = vector.shape_cast %parallel_loop3A_701 : vector<16xf32> to vector<1x1x16xf32>
      tpu.vector_store %arg8[%parallel_loop3A_704, %parallel_loop3A_705, %parallel_loop3A_706], %parallel_loop3A_709 {strides = array<i32>} : memref<3x3x2048xf32, #tpu.memory_space<vmem>>, vector<1x1x16xf32>,
      %parallel_loop3A_710 = arith.constant 0 : i32
      %parallel_loop3A_711 = arith.constant 1 : i32
      %parallel_loop3A_712 = arith.index_cast %parallel_loop3A_710 : i32 to index
      %parallel_loop3A_713 = arith.index_cast %parallel_loop3A_711 : i32 to index
      %parallel_loop3A_714 = arith.index_cast %parallel_loop3A_688 : i32 to index
      %parallel_loop3A_715 = tpu.vector_load %arg6[%parallel_loop3A_712, %parallel_loop3A_713, %parallel_loop3A_714] {strides = array<i32>} : memref<3x3x2048xf32, #tpu.memory_space<vmem>>, vector<1x1x16xf32>,
      %parallel_loop3A_716 = vector.shape_cast %parallel_loop3A_715 : vector<1x1x16xf32> to vector<16xf32>
      %parallel_loop3A_717 = arith.constant 0.000000e+00 : f32
      %parallel_loop3A_718 = vector.broadcast %parallel_loop3A_717 : f32 to vector<16xf32>
      %parallel_loop3A_719 = arith.cmpf oeq, %parallel_loop3A_716, %parallel_loop3A_718 : vector<16xf32>
      %parallel_loop3A_720 = arith.constant 2.000000e+00 : f32
      %parallel_loop3A_721 = vector.broadcast %parallel_loop3A_720 : f32 to vector<16xf32>
      %parallel_loop3A_722 = arith.select %parallel_loop3A_719, %parallel_loop3A_716, %parallel_loop3A_721 : vector<16xi1>, vector<16xf32>
      %parallel_loop3A_723 = arith.constant 0 : i32
      %parallel_loop3A_724 = arith.constant 1 : i32
      %parallel_loop3A_725 = arith.index_cast %parallel_loop3A_723 : i32 to index
      %parallel_loop3A_726 = arith.index_cast %parallel_loop3A_724 : i32 to index
      %parallel_loop3A_727 = arith.index_cast %parallel_loop3A_688 : i32 to index
      %parallel_loop3A_728 = tpu.vector_load %arg8[%parallel_loop3A_725, %parallel_loop3A_726, %parallel_loop3A_727] {strides = array<i32>} : memref<3x3x2048xf32, #tpu.memory_space<vmem>>, vector<1x1x16xf32>,
      %parallel_loop3A_729 = vector.shape_cast %parallel_loop3A_728 : vector<1x1x16xf32> to vector<16xf32>
      %parallel_loop3A_730 = vector.shape_cast %parallel_loop3A_722 : vector<16xf32> to vector<1x1x16xf32>
      tpu.vector_store %arg8[%parallel_loop3A_725, %parallel_loop3A_726, %parallel_loop3A_727], %parallel_loop3A_730 {strides = array<i32>} : memref<3x3x2048xf32, #tpu.memory_space<vmem>>, vector<1x1x16xf32>,
      %parallel_loop3A_731 = arith.constant 0 : i32
      %parallel_loop3A_732 = arith.constant 2 : i32
      %parallel_loop3A_733 = arith.index_cast %parallel_loop3A_731 : i32 to index
      %parallel_loop3A_734 = arith.index_cast %parallel_loop3A_732 : i32 to index
      %parallel_loop3A_735 = arith.index_cast %parallel_loop3A_688 : i32 to index
      %parallel_loop3A_736 = tpu.vector_load %arg6[%parallel_loop3A_733, %parallel_loop3A_734, %parallel_loop3A_735] {strides = array<i32>} : memref<3x3x2048xf32, #tpu.memory_space<vmem>>, vector<1x1x16xf32>,
      %parallel_loop3A_737 = vector.shape_cast %parallel_loop3A_736 : vector<1x1x16xf32> to vector<16xf32>
      %parallel_loop3A_738 = arith.constant 0.000000e+00 : f32
      %parallel_loop3A_739 = vector.broadcast %parallel_loop3A_738 : f32 to vector<16xf32>
      %parallel_loop3A_740 = arith.cmpf oeq, %parallel_loop3A_737, %parallel_loop3A_739 : vector<16xf32>
      %parallel_loop3A_741 = arith.constant 2.000000e+00 : f32
      %parallel_loop3A_742 = vector.broadcast %parallel_loop3A_741 : f32 to vector<16xf32>
      %parallel_loop3A_743 = arith.select %parallel_loop3A_740, %parallel_loop3A_737, %parallel_loop3A_742 : vector<16xi1>, vector<16xf32>
      %parallel_loop3A_744 = arith.constant 0 : i32
      %parallel_loop3A_745 = arith.constant 2 : i32
      %parallel_loop3A_746 = arith.index_cast %parallel_loop3A_744 : i32 to index
      %parallel_loop3A_747 = arith.index_cast %parallel_loop3A_745 : i32 to index
      %parallel_loop3A_748 = arith.index_cast %parallel_loop3A_688 : i32 to index
      %parallel_loop3A_749 = tpu.vector_load %arg8[%parallel_loop3A_746, %parallel_loop3A_747, %parallel_loop3A_748] {strides = array<i32>} : memref<3x3x2048xf32, #tpu.memory_space<vmem>>, vector<1x1x16xf32>,
      %parallel_loop3A_750 = vector.shape_cast %parallel_loop3A_749 : vector<1x1x16xf32> to vector<16xf32>
      %parallel_loop3A_751 = vector.shape_cast %parallel_loop3A_743 : vector<16xf32> to vector<1x1x16xf32>
      tpu.vector_store %arg8[%parallel_loop3A_746, %parallel_loop3A_747, %parallel_loop3A_748], %parallel_loop3A_751 {strides = array<i32>} : memref<3x3x2048xf32, #tpu.memory_space<vmem>>, vector<1x1x16xf32>,
      %parallel_loop3A_752 = arith.constant 1 : i32
      %parallel_loop3A_753 = arith.constant 0 : i32
      %parallel_loop3A_754 = arith.index_cast %parallel_loop3A_752 : i32 to index
      %parallel_loop3A_755 = arith.index_cast %parallel_loop3A_753 : i32 to index
      %parallel_loop3A_756 = arith.index_cast %parallel_loop3A_688 : i32 to index
      %parallel_loop3A_757 = tpu.vector_load %arg6[%parallel_loop3A_754, %parallel_loop3A_755, %parallel_loop3A_756] {strides = array<i32>} : memref<3x3x2048xf32, #tpu.memory_space<vmem>>, vector<1x1x16xf32>,
      %parallel_loop3A_758 = vector.shape_cast %parallel_loop3A_757 : vector<1x1x16xf32> to vector<16xf32>
      %parallel_loop3A_759 = arith.constant 0.000000e+00 : f32
      %parallel_loop3A_760 = vector.broadcast %parallel_loop3A_759 : f32 to vector<16xf32>
      %parallel_loop3A_761 = arith.cmpf oeq, %parallel_loop3A_758, %parallel_loop3A_760 : vector<16xf32>
      %parallel_loop3A_762 = arith.constant 2.000000e+00 : f32
      %parallel_loop3A_763 = vector.broadcast %parallel_loop3A_762 : f32 to vector<16xf32>
      %parallel_loop3A_764 = arith.select %parallel_loop3A_761, %parallel_loop3A_758, %parallel_loop3A_763 : vector<16xi1>, vector<16xf32>
      %parallel_loop3A_765 = arith.constant 1 : i32
      %parallel_loop3A_766 = arith.constant 0 : i32
      %parallel_loop3A_767 = arith.index_cast %parallel_loop3A_765 : i32 to index
      %parallel_loop3A_768 = arith.index_cast %parallel_loop3A_766 : i32 to index
      %parallel_loop3A_769 = arith.index_cast %parallel_loop3A_688 : i32 to index
      %parallel_loop3A_770 = tpu.vector_load %arg8[%parallel_loop3A_767, %parallel_loop3A_768, %parallel_loop3A_769] {strides = array<i32>} : memref<3x3x2048xf32, #tpu.memory_space<vmem>>, vector<1x1x16xf32>,
      %parallel_loop3A_771 = vector.shape_cast %parallel_loop3A_770 : vector<1x1x16xf32> to vector<16xf32>
      %parallel_loop3A_772 = vector.shape_cast %parallel_loop3A_764 : vector<16xf32> to vector<1x1x16xf32>
      tpu.vector_store %arg8[%parallel_loop3A_767, %parallel_loop3A_768, %parallel_loop3A_769], %parallel_loop3A_772 {strides = array<i32>} : memref<3x3x2048xf32, #tpu.memory_space<vmem>>, vector<1x1x16xf32>,
      %parallel_loop3A_773 = arith.constant 1 : i32
      %parallel_loop3A_774 = arith.constant 1 : i32
      %parallel_loop3A_775 = arith.index_cast %parallel_loop3A_773 : i32 to index
      %parallel_loop3A_776 = arith.index_cast %parallel_loop3A_774 : i32 to index
      %parallel_loop3A_777 = arith.index_cast %parallel_loop3A_688 : i32 to index
      %parallel_loop3A_778 = tpu.vector_load %arg6[%parallel_loop3A_775, %parallel_loop3A_776, %parallel_loop3A_777] {strides = array<i32>} : memref<3x3x2048xf32, #tpu.memory_space<vmem>>, vector<1x1x16xf32>,
      %parallel_loop3A_779 = vector.shape_cast %parallel_loop3A_778 : vector<1x1x16xf32> to vector<16xf32>
      %parallel_loop3A_780 = arith.constant 0.000000e+00 : f32
      %parallel_loop3A_781 = vector.broadcast %parallel_loop3A_780 : f32 to vector<16xf32>
      %parallel_loop3A_782 = arith.cmpf oeq, %parallel_loop3A_779, %parallel_loop3A_781 : vector<16xf32>
      %parallel_loop3A_783 = arith.constant 2.000000e+00 : f32
      %parallel_loop3A_784 = vector.broadcast %parallel_loop3A_783 : f32 to vector<16xf32>
      %parallel_loop3A_785 = arith.select %parallel_loop3A_782, %parallel_loop3A_779, %parallel_loop3A_784 : vector<16xi1>, vector<16xf32>
      %parallel_loop3A_786 = arith.constant 1 : i32
      %parallel_loop3A_787 = arith.constant 1 : i32
      %parallel_loop3A_788 = arith.index_cast %parallel_loop3A_786 : i32 to index
      %parallel_loop3A_789 = arith.index_cast %parallel_loop3A_787 : i32 to index
      %parallel_loop3A_790 = arith.index_cast %parallel_loop3A_688 : i32 to index
      %parallel_loop3A_791 = tpu.vector_load %arg8[%parallel_loop3A_788, %parallel_loop3A_789, %parallel_loop3A_790] {strides = array<i32>} : memref<3x3x2048xf32, #tpu.memory_space<vmem>>, vector<1x1x16xf32>,
      %parallel_loop3A_792 = vector.shape_cast %parallel_loop3A_791 : vector<1x1x16xf32> to vector<16xf32>
      %parallel_loop3A_793 = vector.shape_cast %parallel_loop3A_785 : vector<16xf32> to vector<1x1x16xf32>
      tpu.vector_store %arg8[%parallel_loop3A_788, %parallel_loop3A_789, %parallel_loop3A_790], %parallel_loop3A_793 {strides = array<i32>} : memref<3x3x2048xf32, #tpu.memory_space<vmem>>, vector<1x1x16xf32>,
      %parallel_loop3A_794 = arith.constant 1 : i32
      %parallel_loop3A_795 = arith.constant 2 : i32
      %parallel_loop3A_796 = arith.index_cast %parallel_loop3A_794 : i32 to index
      %parallel_loop3A_797 = arith.index_cast %parallel_loop3A_795 : i32 to index
      %parallel_loop3A_798 = arith.index_cast %parallel_loop3A_688 : i32 to index
      %parallel_loop3A_799 = tpu.vector_load %arg6[%parallel_loop3A_796, %parallel_loop3A_797, %parallel_loop3A_798] {strides = array<i32>} : memref<3x3x2048xf32, #tpu.memory_space<vmem>>, vector<1x1x16xf32>,
      %parallel_loop3A_800 = vector.shape_cast %parallel_loop3A_799 : vector<1x1x16xf32> to vector<16xf32>
      %parallel_loop3A_801 = arith.constant 0.000000e+00 : f32
      %parallel_loop3A_802 = vector.broadcast %parallel_loop3A_801 : f32 to vector<16xf32>
      %parallel_loop3A_803 = arith.cmpf oeq, %parallel_loop3A_800, %parallel_loop3A_802 : vector<16xf32>
      %parallel_loop3A_804 = arith.constant 2.000000e+00 : f32
      %parallel_loop3A_805 = vector.broadcast %parallel_loop3A_804 : f32 to vector<16xf32>
      %parallel_loop3A_806 = arith.select %parallel_loop3A_803, %parallel_loop3A_800, %parallel_loop3A_805 : vector<16xi1>, vector<16xf32>
      %parallel_loop3A_807 = arith.constant 1 : i32
      %parallel_loop3A_808 = arith.constant 2 : i32
      %parallel_loop3A_809 = arith.index_cast %parallel_loop3A_807 : i32 to index
      %parallel_loop3A_810 = arith.index_cast %parallel_loop3A_808 : i32 to index
      %parallel_loop3A_811 = arith.index_cast %parallel_loop3A_688 : i32 to index
      %parallel_loop3A_812 = tpu.vector_load %arg8[%parallel_loop3A_809, %parallel_loop3A_810, %parallel_loop3A_811] {strides = array<i32>} : memref<3x3x2048xf32, #tpu.memory_space<vmem>>, vector<1x1x16xf32>,
      %parallel_loop3A_813 = vector.shape_cast %parallel_loop3A_812 : vector<1x1x16xf32> to vector<16xf32>
      %parallel_loop3A_814 = vector.shape_cast %parallel_loop3A_806 : vector<16xf32> to vector<1x1x16xf32>
      tpu.vector_store %arg8[%parallel_loop3A_809, %parallel_loop3A_810, %parallel_loop3A_811], %parallel_loop3A_814 {strides = array<i32>} : memref<3x3x2048xf32, #tpu.memory_space<vmem>>, vector<1x1x16xf32>,
      %parallel_loop3A_815 = arith.constant 2 : i32
      %parallel_loop3A_816 = arith.constant 0 : i32
      %parallel_loop3A_817 = arith.index_cast %parallel_loop3A_815 : i32 to index
      %parallel_loop3A_818 = arith.index_cast %parallel_loop3A_816 : i32 to index
      %parallel_loop3A_819 = arith.index_cast %parallel_loop3A_688 : i32 to index
      %parallel_loop3A_820 = tpu.vector_load %arg6[%parallel_loop3A_817, %parallel_loop3A_818, %parallel_loop3A_819] {strides = array<i32>} : memref<3x3x2048xf32, #tpu.memory_space<vmem>>, vector<1x1x16xf32>,
      %parallel_loop3A_821 = vector.shape_cast %parallel_loop3A_820 : vector<1x1x16xf32> to vector<16xf32>
      %parallel_loop3A_822 = arith.constant 0.000000e+00 : f32
      %parallel_loop3A_823 = vector.broadcast %parallel_loop3A_822 : f32 to vector<16xf32>
      %parallel_loop3A_824 = arith.cmpf oeq, %parallel_loop3A_821, %parallel_loop3A_823 : vector<16xf32>
      %parallel_loop3A_825 = arith.constant 2.000000e+00 : f32
      %parallel_loop3A_826 = vector.broadcast %parallel_loop3A_825 : f32 to vector<16xf32>
      %parallel_loop3A_827 = arith.select %parallel_loop3A_824, %parallel_loop3A_821, %parallel_loop3A_826 : vector<16xi1>, vector<16xf32>
      %parallel_loop3A_828 = arith.constant 2 : i32
      %parallel_loop3A_829 = arith.constant 0 : i32
      %parallel_loop3A_830 = arith.index_cast %parallel_loop3A_828 : i32 to index
      %parallel_loop3A_831 = arith.index_cast %parallel_loop3A_829 : i32 to index
      %parallel_loop3A_832 = arith.index_cast %parallel_loop3A_688 : i32 to index
      %parallel_loop3A_833 = tpu.vector_load %arg8[%parallel_loop3A_830, %parallel_loop3A_831, %parallel_loop3A_832] {strides = array<i32>} : memref<3x3x2048xf32, #tpu.memory_space<vmem>>, vector<1x1x16xf32>,
      %parallel_loop3A_834 = vector.shape_cast %parallel_loop3A_833 : vector<1x1x16xf32> to vector<16xf32>
      %parallel_loop3A_835 = vector.shape_cast %parallel_loop3A_827 : vector<16xf32> to vector<1x1x16xf32>
      tpu.vector_store %arg8[%parallel_loop3A_830, %parallel_loop3A_831, %parallel_loop3A_832], %parallel_loop3A_835 {strides = array<i32>} : memref<3x3x2048xf32, #tpu.memory_space<vmem>>, vector<1x1x16xf32>,
      %parallel_loop3A_836 = arith.constant 2 : i32
      %parallel_loop3A_837 = arith.constant 1 : i32
      %parallel_loop3A_838 = arith.index_cast %parallel_loop3A_836 : i32 to index
      %parallel_loop3A_839 = arith.index_cast %parallel_loop3A_837 : i32 to index
      %parallel_loop3A_840 = arith.index_cast %parallel_loop3A_688 : i32 to index
      %parallel_loop3A_841 = tpu.vector_load %arg6[%parallel_loop3A_838, %parallel_loop3A_839, %parallel_loop3A_840] {strides = array<i32>} : memref<3x3x2048xf32, #tpu.memory_space<vmem>>, vector<1x1x16xf32>,
      %parallel_loop3A_842 = vector.shape_cast %parallel_loop3A_841 : vector<1x1x16xf32> to vector<16xf32>
      %parallel_loop3A_843 = arith.constant 0.000000e+00 : f32
      %parallel_loop3A_844 = vector.broadcast %parallel_loop3A_843 : f32 to vector<16xf32>
      %parallel_loop3A_845 = arith.cmpf oeq, %parallel_loop3A_842, %parallel_loop3A_844 : vector<16xf32>
      %parallel_loop3A_846 = arith.constant 2.000000e+00 : f32
      %parallel_loop3A_847 = vector.broadcast %parallel_loop3A_846 : f32 to vector<16xf32>
      %parallel_loop3A_848 = arith.select %parallel_loop3A_845, %parallel_loop3A_842, %parallel_loop3A_847 : vector<16xi1>, vector<16xf32>
      %parallel_loop3A_849 = arith.constant 2 : i32
      %parallel_loop3A_850 = arith.constant 1 : i32
      %parallel_loop3A_851 = arith.index_cast %parallel_loop3A_849 : i32 to index
      %parallel_loop3A_852 = arith.index_cast %parallel_loop3A_850 : i32 to index
      %parallel_loop3A_853 = arith.index_cast %parallel_loop3A_688 : i32 to index
      %parallel_loop3A_854 = tpu.vector_load %arg8[%parallel_loop3A_851, %parallel_loop3A_852, %parallel_loop3A_853] {strides = array<i32>} : memref<3x3x2048xf32, #tpu.memory_space<vmem>>, vector<1x1x16xf32>,
      %parallel_loop3A_855 = vector.shape_cast %parallel_loop3A_854 : vector<1x1x16xf32> to vector<16xf32>
      %parallel_loop3A_856 = vector.shape_cast %parallel_loop3A_848 : vector<16xf32> to vector<1x1x16xf32>
      tpu.vector_store %arg8[%parallel_loop3A_851, %parallel_loop3A_852, %parallel_loop3A_853], %parallel_loop3A_856 {strides = array<i32>} : memref<3x3x2048xf32, #tpu.memory_space<vmem>>, vector<1x1x16xf32>,
      %parallel_loop3A_857 = arith.constant 2 : i32
      %parallel_loop3A_858 = arith.constant 2 : i32
      %parallel_loop3A_859 = arith.index_cast %parallel_loop3A_857 : i32 to index
      %parallel_loop3A_860 = arith.index_cast %parallel_loop3A_858 : i32 to index
      %parallel_loop3A_861 = arith.index_cast %parallel_loop3A_688 : i32 to index
      %parallel_loop3A_862 = tpu.vector_load %arg6[%parallel_loop3A_859, %parallel_loop3A_860, %parallel_loop3A_861] {strides = array<i32>} : memref<3x3x2048xf32, #tpu.memory_space<vmem>>, vector<1x1x16xf32>,
      %parallel_loop3A_863 = vector.shape_cast %parallel_loop3A_862 : vector<1x1x16xf32> to vector<16xf32>
      %parallel_loop3A_864 = arith.constant 0.000000e+00 : f32
      %parallel_loop3A_865 = vector.broadcast %parallel_loop3A_864 : f32 to vector<16xf32>
      %parallel_loop3A_866 = arith.cmpf oeq, %parallel_loop3A_863, %parallel_loop3A_865 : vector<16xf32>
      %parallel_loop3A_867 = arith.constant 2.000000e+00 : f32
      %parallel_loop3A_868 = vector.broadcast %parallel_loop3A_867 : f32 to vector<16xf32>
      %parallel_loop3A_869 = arith.select %parallel_loop3A_866, %parallel_loop3A_863, %parallel_loop3A_868 : vector<16xi1>, vector<16xf32>
      %parallel_loop3A_870 = arith.constant 2 : i32
      %parallel_loop3A_871 = arith.constant 2 : i32
      %parallel_loop3A_872 = arith.index_cast %parallel_loop3A_870 : i32 to index
      %parallel_loop3A_873 = arith.index_cast %parallel_loop3A_871 : i32 to index
      %parallel_loop3A_874 = arith.index_cast %parallel_loop3A_688 : i32 to index
      %parallel_loop3A_875 = tpu.vector_load %arg8[%parallel_loop3A_872, %parallel_loop3A_873, %parallel_loop3A_874] {strides = array<i32>} : memref<3x3x2048xf32, #tpu.memory_space<vmem>>, vector<1x1x16xf32>,
      %parallel_loop3A_876 = vector.shape_cast %parallel_loop3A_875 : vector<1x1x16xf32> to vector<16xf32>
      %parallel_loop3A_877 = vector.shape_cast %parallel_loop3A_869 : vector<16xf32> to vector<1x1x16xf32>
      tpu.vector_store %arg8[%parallel_loop3A_872, %parallel_loop3A_873, %parallel_loop3A_874], %parallel_loop3A_877 {strides = array<i32>} : memref<3x3x2048xf32, #tpu.memory_space<vmem>>, vector<1x1x16xf32>,
    } {sc.loop_unroll_factor = 1 : i64, sc.parallel_access}
    %add3A_246 = arith.constant 8192 : i32
    %add3A_247 = arith.addi %mul3A_2, %add3A_246 : i32
    %dma_start3A_248 = arith.constant 0 : i32
    %dma_start3A_249 = arith.constant 0 : i32
    %dma_start3A_250 = tpu.memref_slice %arg3[%dma_start3A_248, %dma_start3A_249, %add3A_247] : memref<3x3x1048576xf32, #tpu.memory_space<hbm>> -> memref<3x3x2048xf32, #tpu.memory_space<hbm>>
    %dma_start3A_251 = arith.constant 0 : i32
    %dma_start3A_252 = arith.constant 0 : i32
    %dma_start3A_253 = tpu.memref_slice %arg3[%dma_start3A_251, %dma_start3A_252, %add3A_247] : memref<3x3x1048576xf32, #tpu.memory_space<hbm>> -> memref<3x3x2048xf32, #tpu.memory_space<hbm>>
    tpu.enqueue_dma source(%arg8 : memref<3x3x2048xf32, #tpu.memory_space<vmem>>) target(%dma_start3A_253 : memref<3x3x2048xf32, #tpu.memory_space<hbm>>) target_semaphore(%arg13 : memref<!tpu.dma_semaphore, #tpu.memory_space<semaphore_mem>>)
    %add3A_254 = arith.constant 14336 : i32
    %add3A_255 = arith.addi %mul3A_2, %add3A_254 : i32
    %dma_start3A_256 = arith.constant 0 : i32
    %dma_start3A_257 = arith.constant 0 : i32
    %dma_start3A_258 = tpu.memref_slice %arg2[%dma_start3A_256, %dma_start3A_257, %add3A_255] : memref<3x3x1048576xf32, #tpu.memory_space<hbm>> -> memref<3x3x2048xf32, #tpu.memory_space<hbm>>
    %dma_start3A_259 = arith.constant 0 : i32
    %dma_start3A_260 = arith.constant 0 : i32
    %dma_start3A_261 = tpu.memref_slice %arg2[%dma_start3A_259, %dma_start3A_260, %add3A_255] : memref<3x3x1048576xf32, #tpu.memory_space<hbm>> -> memref<3x3x2048xf32, #tpu.memory_space<hbm>>
    tpu.enqueue_dma source(%dma_start3A_261 : memref<3x3x2048xf32, #tpu.memory_space<hbm>>) target(%arg6 : memref<3x3x2048xf32, #tpu.memory_space<vmem>>) target_semaphore(%arg11 : memref<!tpu.dma_semaphore, #tpu.memory_space<semaphore_mem>>)
    %dma_wait3A_262 = arith.constant 0 : i32
    %dma_wait3A_263 = arith.constant 0 : i32
    %dma_wait3A_264 = tpu.memref_slice %arg2[%dma_wait3A_262, %dma_wait3A_263, %add3A_193] : memref<3x3x1048576xf32, #tpu.memory_space<hbm>> -> memref<3x3x2048xf32, #tpu.memory_space<hbm>>
    %dma_wait3A_265 = arith.constant 0 : i32
    %dma_wait3A_266 = arith.constant 0 : i32
    %dma_wait3A_267 = tpu.memref_slice %arg2[%dma_wait3A_265, %dma_wait3A_266, %add3A_193] : memref<3x3x1048576xf32, #tpu.memory_space<hbm>> -> memref<3x3x2048xf32, #tpu.memory_space<hbm>>
    tpu.wait_dma2 semaphore(%arg9 : memref<!tpu.dma_semaphore, #tpu.memory_space<semaphore_mem>>) src(%dma_wait3A_267 : memref<3x3x2048xf32, #tpu.memory_space<hbm>>) dst(%arg4 : memref<3x3x2048xf32, #tpu.memory_space<vmem>>)
    %dma_wait3A_268 = arith.constant 0 : i32
    %dma_wait3A_269 = arith.constant 0 : i32
    %dma_wait3A_270 = tpu.memref_slice %arg3[%dma_wait3A_268, %dma_wait3A_269, %add3A_216] : memref<3x3x1048576xf32, #tpu.memory_space<hbm>> -> memref<3x3x2048xf32, #tpu.memory_space<hbm>>
    %dma_wait3A_271 = arith.constant 0 : i32
    %dma_wait3A_272 = arith.constant 0 : i32
    %dma_wait3A_273 = tpu.memref_slice %arg3[%dma_wait3A_271, %dma_wait3A_272, %add3A_216] : memref<3x3x1048576xf32, #tpu.memory_space<hbm>> -> memref<3x3x2048xf32, #tpu.memory_space<hbm>>
    tpu.wait_dma2 semaphore(%arg12 : memref<!tpu.dma_semaphore, #tpu.memory_space<semaphore_mem>>) src(%arg7 : memref<3x3x2048xf32, #tpu.memory_space<vmem>>) dst(%dma_wait3A_273 : memref<3x3x2048xf32, #tpu.memory_space<hbm>>)
    %parallel_loop3A_274 = arith.constant 0 : i32
    %parallel_loop3A_275 = arith.constant 128 : i32
    %parallel_loop3A_276 = arith.constant 1 : i32
    scf.for %parallel_loop3A_686 = %parallel_loop3A_274 to %parallel_loop3A_275 step %parallel_loop3A_276  : i32 {
      %parallel_loop3A_687 = arith.constant 16 : i32
      %parallel_loop3A_688 = arith.muli %parallel_loop3A_686, %parallel_loop3A_687 : i32
      %parallel_loop3A_689 = arith.constant 0 : i32
      %parallel_loop3A_690 = arith.constant 0 : i32
      %parallel_loop3A_691 = arith.index_cast %parallel_loop3A_689 : i32 to index
      %parallel_loop3A_692 = arith.index_cast %parallel_loop3A_690 : i32 to index
      %parallel_loop3A_693 = arith.index_cast %parallel_loop3A_688 : i32 to index
      %parallel_loop3A_694 = tpu.vector_load %arg4[%parallel_loop3A_691, %parallel_loop3A_692, %parallel_loop3A_693] {strides = array<i32>} : memref<3x3x2048xf32, #tpu.memory_space<vmem>>, vector<1x1x16xf32>,
      %parallel_loop3A_695 = vector.shape_cast %parallel_loop3A_694 : vector<1x1x16xf32> to vector<16xf32>
      %parallel_loop3A_696 = arith.constant 0.000000e+00 : f32
      %parallel_loop3A_697 = vector.broadcast %parallel_loop3A_696 : f32 to vector<16xf32>
      %parallel_loop3A_698 = arith.cmpf oeq, %parallel_loop3A_695, %parallel_loop3A_697 : vector<16xf32>
      %parallel_loop3A_699 = arith.constant 2.000000e+00 : f32
      %parallel_loop3A_700 = vector.broadcast %parallel_loop3A_699 : f32 to vector<16xf32>
      %parallel_loop3A_701 = arith.select %parallel_loop3A_698, %parallel_loop3A_695, %parallel_loop3A_700 : vector<16xi1>, vector<16xf32>
      %parallel_loop3A_702 = arith.constant 0 : i32
      %parallel_loop3A_703 = arith.constant 0 : i32
      %parallel_loop3A_704 = arith.index_cast %parallel_loop3A_702 : i32 to index
      %parallel_loop3A_705 = arith.index_cast %parallel_loop3A_703 : i32 to index
      %parallel_loop3A_706 = arith.index_cast %parallel_loop3A_688 : i32 to index
      %parallel_loop3A_707 = tpu.vector_load %arg7[%parallel_loop3A_704, %parallel_loop3A_705, %parallel_loop3A_706] {strides = array<i32>} : memref<3x3x2048xf32, #tpu.memory_space<vmem>>, vector<1x1x16xf32>,
      %parallel_loop3A_708 = vector.shape_cast %parallel_loop3A_707 : vector<1x1x16xf32> to vector<16xf32>
      %parallel_loop3A_709 = vector.shape_cast %parallel_loop3A_701 : vector<16xf32> to vector<1x1x16xf32>
      tpu.vector_store %arg7[%parallel_loop3A_704, %parallel_loop3A_705, %parallel_loop3A_706], %parallel_loop3A_709 {strides = array<i32>} : memref<3x3x2048xf32, #tpu.memory_space<vmem>>, vector<1x1x16xf32>,
      %parallel_loop3A_710 = arith.constant 0 : i32
      %parallel_loop3A_711 = arith.constant 1 : i32
      %parallel_loop3A_712 = arith.index_cast %parallel_loop3A_710 : i32 to index
      %parallel_loop3A_713 = arith.index_cast %parallel_loop3A_711 : i32 to index
      %parallel_loop3A_714 = arith.index_cast %parallel_loop3A_688 : i32 to index
      %parallel_loop3A_715 = tpu.vector_load %arg4[%parallel_loop3A_712, %parallel_loop3A_713, %parallel_loop3A_714] {strides = array<i32>} : memref<3x3x2048xf32, #tpu.memory_space<vmem>>, vector<1x1x16xf32>,
      %parallel_loop3A_716 = vector.shape_cast %parallel_loop3A_715 : vector<1x1x16xf32> to vector<16xf32>
      %parallel_loop3A_717 = arith.constant 0.000000e+00 : f32
      %parallel_loop3A_718 = vector.broadcast %parallel_loop3A_717 : f32 to vector<16xf32>
      %parallel_loop3A_719 = arith.cmpf oeq, %parallel_loop3A_716, %parallel_loop3A_718 : vector<16xf32>
      %parallel_loop3A_720 = arith.constant 2.000000e+00 : f32
      %parallel_loop3A_721 = vector.broadcast %parallel_loop3A_720 : f32 to vector<16xf32>
      %parallel_loop3A_722 = arith.select %parallel_loop3A_719, %parallel_loop3A_716, %parallel_loop3A_721 : vector<16xi1>, vector<16xf32>
      %parallel_loop3A_723 = arith.constant 0 : i32
      %parallel_loop3A_724 = arith.constant 1 : i32
      %parallel_loop3A_725 = arith.index_cast %parallel_loop3A_723 : i32 to index
      %parallel_loop3A_726 = arith.index_cast %parallel_loop3A_724 : i32 to index
      %parallel_loop3A_727 = arith.index_cast %parallel_loop3A_688 : i32 to index
      %parallel_loop3A_728 = tpu.vector_load %arg7[%parallel_loop3A_725, %parallel_loop3A_726, %parallel_loop3A_727] {strides = array<i32>} : memref<3x3x2048xf32, #tpu.memory_space<vmem>>, vector<1x1x16xf32>,
      %parallel_loop3A_729 = vector.shape_cast %parallel_loop3A_728 : vector<1x1x16xf32> to vector<16xf32>
      %parallel_loop3A_730 = vector.shape_cast %parallel_loop3A_722 : vector<16xf32> to vector<1x1x16xf32>
      tpu.vector_store %arg7[%parallel_loop3A_725, %parallel_loop3A_726, %parallel_loop3A_727], %parallel_loop3A_730 {strides = array<i32>} : memref<3x3x2048xf32, #tpu.memory_space<vmem>>, vector<1x1x16xf32>,
      %parallel_loop3A_731 = arith.constant 0 : i32
      %parallel_loop3A_732 = arith.constant 2 : i32
      %parallel_loop3A_733 = arith.index_cast %parallel_loop3A_731 : i32 to index
      %parallel_loop3A_734 = arith.index_cast %parallel_loop3A_732 : i32 to index
      %parallel_loop3A_735 = arith.index_cast %parallel_loop3A_688 : i32 to index
      %parallel_loop3A_736 = tpu.vector_load %arg4[%parallel_loop3A_733, %parallel_loop3A_734, %parallel_loop3A_735] {strides = array<i32>} : memref<3x3x2048xf32, #tpu.memory_space<vmem>>, vector<1x1x16xf32>,
      %parallel_loop3A_737 = vector.shape_cast %parallel_loop3A_736 : vector<1x1x16xf32> to vector<16xf32>
      %parallel_loop3A_738 = arith.constant 0.000000e+00 : f32
      %parallel_loop3A_739 = vector.broadcast %parallel_loop3A_738 : f32 to vector<16xf32>
      %parallel_loop3A_740 = arith.cmpf oeq, %parallel_loop3A_737, %parallel_loop3A_739 : vector<16xf32>
      %parallel_loop3A_741 = arith.constant 2.000000e+00 : f32
      %parallel_loop3A_742 = vector.broadcast %parallel_loop3A_741 : f32 to vector<16xf32>
      %parallel_loop3A_743 = arith.select %parallel_loop3A_740, %parallel_loop3A_737, %parallel_loop3A_742 : vector<16xi1>, vector<16xf32>
      %parallel_loop3A_744 = arith.constant 0 : i32
      %parallel_loop3A_745 = arith.constant 2 : i32
      %parallel_loop3A_746 = arith.index_cast %parallel_loop3A_744 : i32 to index
      %parallel_loop3A_747 = arith.index_cast %parallel_loop3A_745 : i32 to index
      %parallel_loop3A_748 = arith.index_cast %parallel_loop3A_688 : i32 to index
      %parallel_loop3A_749 = tpu.vector_load %arg7[%parallel_loop3A_746, %parallel_loop3A_747, %parallel_loop3A_748] {strides = array<i32>} : memref<3x3x2048xf32, #tpu.memory_space<vmem>>, vector<1x1x16xf32>,
      %parallel_loop3A_750 = vector.shape_cast %parallel_loop3A_749 : vector<1x1x16xf32> to vector<16xf32>
      %parallel_loop3A_751 = vector.shape_cast %parallel_loop3A_743 : vector<16xf32> to vector<1x1x16xf32>
      tpu.vector_store %arg7[%parallel_loop3A_746, %parallel_loop3A_747, %parallel_loop3A_748], %parallel_loop3A_751 {strides = array<i32>} : memref<3x3x2048xf32, #tpu.memory_space<vmem>>, vector<1x1x16xf32>,
      %parallel_loop3A_752 = arith.constant 1 : i32
      %parallel_loop3A_753 = arith.constant 0 : i32
      %parallel_loop3A_754 = arith.index_cast %parallel_loop3A_752 : i32 to index
      %parallel_loop3A_755 = arith.index_cast %parallel_loop3A_753 : i32 to index
      %parallel_loop3A_756 = arith.index_cast %parallel_loop3A_688 : i32 to index
      %parallel_loop3A_757 = tpu.vector_load %arg4[%parallel_loop3A_754, %parallel_loop3A_755, %parallel_loop3A_756] {strides = array<i32>} : memref<3x3x2048xf32, #tpu.memory_space<vmem>>, vector<1x1x16xf32>,
      %parallel_loop3A_758 = vector.shape_cast %parallel_loop3A_757 : vector<1x1x16xf32> to vector<16xf32>
      %parallel_loop3A_759 = arith.constant 0.000000e+00 : f32
      %parallel_loop3A_760 = vector.broadcast %parallel_loop3A_759 : f32 to vector<16xf32>
      %parallel_loop3A_761 = arith.cmpf oeq, %parallel_loop3A_758, %parallel_loop3A_760 : vector<16xf32>
      %parallel_loop3A_762 = arith.constant 2.000000e+00 : f32
      %parallel_loop3A_763 = vector.broadcast %parallel_loop3A_762 : f32 to vector<16xf32>
      %parallel_loop3A_764 = arith.select %parallel_loop3A_761, %parallel_loop3A_758, %parallel_loop3A_763 : vector<16xi1>, vector<16xf32>
      %parallel_loop3A_765 = arith.constant 1 : i32
      %parallel_loop3A_766 = arith.constant 0 : i32
      %parallel_loop3A_767 = arith.index_cast %parallel_loop3A_765 : i32 to index
      %parallel_loop3A_768 = arith.index_cast %parallel_loop3A_766 : i32 to index
      %parallel_loop3A_769 = arith.index_cast %parallel_loop3A_688 : i32 to index
      %parallel_loop3A_770 = tpu.vector_load %arg7[%parallel_loop3A_767, %parallel_loop3A_768, %parallel_loop3A_769] {strides = array<i32>} : memref<3x3x2048xf32, #tpu.memory_space<vmem>>, vector<1x1x16xf32>,
      %parallel_loop3A_771 = vector.shape_cast %parallel_loop3A_770 : vector<1x1x16xf32> to vector<16xf32>
      %parallel_loop3A_772 = vector.shape_cast %parallel_loop3A_764 : vector<16xf32> to vector<1x1x16xf32>
      tpu.vector_store %arg7[%parallel_loop3A_767, %parallel_loop3A_768, %parallel_loop3A_769], %parallel_loop3A_772 {strides = array<i32>} : memref<3x3x2048xf32, #tpu.memory_space<vmem>>, vector<1x1x16xf32>,
      %parallel_loop3A_773 = arith.constant 1 : i32
      %parallel_loop3A_774 = arith.constant 1 : i32
      %parallel_loop3A_775 = arith.index_cast %parallel_loop3A_773 : i32 to index
      %parallel_loop3A_776 = arith.index_cast %parallel_loop3A_774 : i32 to index
      %parallel_loop3A_777 = arith.index_cast %parallel_loop3A_688 : i32 to index
      %parallel_loop3A_778 = tpu.vector_load %arg4[%parallel_loop3A_775, %parallel_loop3A_776, %parallel_loop3A_777] {strides = array<i32>} : memref<3x3x2048xf32, #tpu.memory_space<vmem>>, vector<1x1x16xf32>,
      %parallel_loop3A_779 = vector.shape_cast %parallel_loop3A_778 : vector<1x1x16xf32> to vector<16xf32>
      %parallel_loop3A_780 = arith.constant 0.000000e+00 : f32
      %parallel_loop3A_781 = vector.broadcast %parallel_loop3A_780 : f32 to vector<16xf32>
      %parallel_loop3A_782 = arith.cmpf oeq, %parallel_loop3A_779, %parallel_loop3A_781 : vector<16xf32>
      %parallel_loop3A_783 = arith.constant 2.000000e+00 : f32
      %parallel_loop3A_784 = vector.broadcast %parallel_loop3A_783 : f32 to vector<16xf32>
      %parallel_loop3A_785 = arith.select %parallel_loop3A_782, %parallel_loop3A_779, %parallel_loop3A_784 : vector<16xi1>, vector<16xf32>
      %parallel_loop3A_786 = arith.constant 1 : i32
      %parallel_loop3A_787 = arith.constant 1 : i32
      %parallel_loop3A_788 = arith.index_cast %parallel_loop3A_786 : i32 to index
      %parallel_loop3A_789 = arith.index_cast %parallel_loop3A_787 : i32 to index
      %parallel_loop3A_790 = arith.index_cast %parallel_loop3A_688 : i32 to index
      %parallel_loop3A_791 = tpu.vector_load %arg7[%parallel_loop3A_788, %parallel_loop3A_789, %parallel_loop3A_790] {strides = array<i32>} : memref<3x3x2048xf32, #tpu.memory_space<vmem>>, vector<1x1x16xf32>,
      %parallel_loop3A_792 = vector.shape_cast %parallel_loop3A_791 : vector<1x1x16xf32> to vector<16xf32>
      %parallel_loop3A_793 = vector.shape_cast %parallel_loop3A_785 : vector<16xf32> to vector<1x1x16xf32>
      tpu.vector_store %arg7[%parallel_loop3A_788, %parallel_loop3A_789, %parallel_loop3A_790], %parallel_loop3A_793 {strides = array<i32>} : memref<3x3x2048xf32, #tpu.memory_space<vmem>>, vector<1x1x16xf32>,
      %parallel_loop3A_794 = arith.constant 1 : i32
      %parallel_loop3A_795 = arith.constant 2 : i32
      %parallel_loop3A_796 = arith.index_cast %parallel_loop3A_794 : i32 to index
      %parallel_loop3A_797 = arith.index_cast %parallel_loop3A_795 : i32 to index
      %parallel_loop3A_798 = arith.index_cast %parallel_loop3A_688 : i32 to index
      %parallel_loop3A_799 = tpu.vector_load %arg4[%parallel_loop3A_796, %parallel_loop3A_797, %parallel_loop3A_798] {strides = array<i32>} : memref<3x3x2048xf32, #tpu.memory_space<vmem>>, vector<1x1x16xf32>,
      %parallel_loop3A_800 = vector.shape_cast %parallel_loop3A_799 : vector<1x1x16xf32> to vector<16xf32>
      %parallel_loop3A_801 = arith.constant 0.000000e+00 : f32
      %parallel_loop3A_802 = vector.broadcast %parallel_loop3A_801 : f32 to vector<16xf32>
      %parallel_loop3A_803 = arith.cmpf oeq, %parallel_loop3A_800, %parallel_loop3A_802 : vector<16xf32>
      %parallel_loop3A_804 = arith.constant 2.000000e+00 : f32
      %parallel_loop3A_805 = vector.broadcast %parallel_loop3A_804 : f32 to vector<16xf32>
      %parallel_loop3A_806 = arith.select %parallel_loop3A_803, %parallel_loop3A_800, %parallel_loop3A_805 : vector<16xi1>, vector<16xf32>
      %parallel_loop3A_807 = arith.constant 1 : i32
      %parallel_loop3A_808 = arith.constant 2 : i32
      %parallel_loop3A_809 = arith.index_cast %parallel_loop3A_807 : i32 to index
      %parallel_loop3A_810 = arith.index_cast %parallel_loop3A_808 : i32 to index
      %parallel_loop3A_811 = arith.index_cast %parallel_loop3A_688 : i32 to index
      %parallel_loop3A_812 = tpu.vector_load %arg7[%parallel_loop3A_809, %parallel_loop3A_810, %parallel_loop3A_811] {strides = array<i32>} : memref<3x3x2048xf32, #tpu.memory_space<vmem>>, vector<1x1x16xf32>,
      %parallel_loop3A_813 = vector.shape_cast %parallel_loop3A_812 : vector<1x1x16xf32> to vector<16xf32>
      %parallel_loop3A_814 = vector.shape_cast %parallel_loop3A_806 : vector<16xf32> to vector<1x1x16xf32>
      tpu.vector_store %arg7[%parallel_loop3A_809, %parallel_loop3A_810, %parallel_loop3A_811], %parallel_loop3A_814 {strides = array<i32>} : memref<3x3x2048xf32, #tpu.memory_space<vmem>>, vector<1x1x16xf32>,
      %parallel_loop3A_815 = arith.constant 2 : i32
      %parallel_loop3A_816 = arith.constant 0 : i32
      %parallel_loop3A_817 = arith.index_cast %parallel_loop3A_815 : i32 to index
      %parallel_loop3A_818 = arith.index_cast %parallel_loop3A_816 : i32 to index
      %parallel_loop3A_819 = arith.index_cast %parallel_loop3A_688 : i32 to index
      %parallel_loop3A_820 = tpu.vector_load %arg4[%parallel_loop3A_817, %parallel_loop3A_818, %parallel_loop3A_819] {strides = array<i32>} : memref<3x3x2048xf32, #tpu.memory_space<vmem>>, vector<1x1x16xf32>,
      %parallel_loop3A_821 = vector.shape_cast %parallel_loop3A_820 : vector<1x1x16xf32> to vector<16xf32>
      %parallel_loop3A_822 = arith.constant 0.000000e+00 : f32
      %parallel_loop3A_823 = vector.broadcast %parallel_loop3A_822 : f32 to vector<16xf32>
      %parallel_loop3A_824 = arith.cmpf oeq, %parallel_loop3A_821, %parallel_loop3A_823 : vector<16xf32>
      %parallel_loop3A_825 = arith.constant 2.000000e+00 : f32
      %parallel_loop3A_826 = vector.broadcast %parallel_loop3A_825 : f32 to vector<16xf32>
      %parallel_loop3A_827 = arith.select %parallel_loop3A_824, %parallel_loop3A_821, %parallel_loop3A_826 : vector<16xi1>, vector<16xf32>
      %parallel_loop3A_828 = arith.constant 2 : i32
      %parallel_loop3A_829 = arith.constant 0 : i32
      %parallel_loop3A_830 = arith.index_cast %parallel_loop3A_828 : i32 to index
      %parallel_loop3A_831 = arith.index_cast %parallel_loop3A_829 : i32 to index
      %parallel_loop3A_832 = arith.index_cast %parallel_loop3A_688 : i32 to index
      %parallel_loop3A_833 = tpu.vector_load %arg7[%parallel_loop3A_830, %parallel_loop3A_831, %parallel_loop3A_832] {strides = array<i32>} : memref<3x3x2048xf32, #tpu.memory_space<vmem>>, vector<1x1x16xf32>,
      %parallel_loop3A_834 = vector.shape_cast %parallel_loop3A_833 : vector<1x1x16xf32> to vector<16xf32>
      %parallel_loop3A_835 = vector.shape_cast %parallel_loop3A_827 : vector<16xf32> to vector<1x1x16xf32>
      tpu.vector_store %arg7[%parallel_loop3A_830, %parallel_loop3A_831, %parallel_loop3A_832], %parallel_loop3A_835 {strides = array<i32>} : memref<3x3x2048xf32, #tpu.memory_space<vmem>>, vector<1x1x16xf32>,
      %parallel_loop3A_836 = arith.constant 2 : i32
      %parallel_loop3A_837 = arith.constant 1 : i32
      %parallel_loop3A_838 = arith.index_cast %parallel_loop3A_836 : i32 to index
      %parallel_loop3A_839 = arith.index_cast %parallel_loop3A_837 : i32 to index
      %parallel_loop3A_840 = arith.index_cast %parallel_loop3A_688 : i32 to index
      %parallel_loop3A_841 = tpu.vector_load %arg4[%parallel_loop3A_838, %parallel_loop3A_839, %parallel_loop3A_840] {strides = array<i32>} : memref<3x3x2048xf32, #tpu.memory_space<vmem>>, vector<1x1x16xf32>,
      %parallel_loop3A_842 = vector.shape_cast %parallel_loop3A_841 : vector<1x1x16xf32> to vector<16xf32>
      %parallel_loop3A_843 = arith.constant 0.000000e+00 : f32
      %parallel_loop3A_844 = vector.broadcast %parallel_loop3A_843 : f32 to vector<16xf32>
      %parallel_loop3A_845 = arith.cmpf oeq, %parallel_loop3A_842, %parallel_loop3A_844 : vector<16xf32>
      %parallel_loop3A_846 = arith.constant 2.000000e+00 : f32
      %parallel_loop3A_847 = vector.broadcast %parallel_loop3A_846 : f32 to vector<16xf32>
      %parallel_loop3A_848 = arith.select %parallel_loop3A_845, %parallel_loop3A_842, %parallel_loop3A_847 : vector<16xi1>, vector<16xf32>
      %parallel_loop3A_849 = arith.constant 2 : i32
      %parallel_loop3A_850 = arith.constant 1 : i32
      %parallel_loop3A_851 = arith.index_cast %parallel_loop3A_849 : i32 to index
      %parallel_loop3A_852 = arith.index_cast %parallel_loop3A_850 : i32 to index
      %parallel_loop3A_853 = arith.index_cast %parallel_loop3A_688 : i32 to index
      %parallel_loop3A_854 = tpu.vector_load %arg7[%parallel_loop3A_851, %parallel_loop3A_852, %parallel_loop3A_853] {strides = array<i32>} : memref<3x3x2048xf32, #tpu.memory_space<vmem>>, vector<1x1x16xf32>,
      %parallel_loop3A_855 = vector.shape_cast %parallel_loop3A_854 : vector<1x1x16xf32> to vector<16xf32>
      %parallel_loop3A_856 = vector.shape_cast %parallel_loop3A_848 : vector<16xf32> to vector<1x1x16xf32>
      tpu.vector_store %arg7[%parallel_loop3A_851, %parallel_loop3A_852, %parallel_loop3A_853], %parallel_loop3A_856 {strides = array<i32>} : memref<3x3x2048xf32, #tpu.memory_space<vmem>>, vector<1x1x16xf32>,
      %parallel_loop3A_857 = arith.constant 2 : i32
      %parallel_loop3A_858 = arith.constant 2 : i32
      %parallel_loop3A_859 = arith.index_cast %parallel_loop3A_857 : i32 to index
      %parallel_loop3A_860 = arith.index_cast %parallel_loop3A_858 : i32 to index
      %parallel_loop3A_861 = arith.index_cast %parallel_loop3A_688 : i32 to index
      %parallel_loop3A_862 = tpu.vector_load %arg4[%parallel_loop3A_859, %parallel_loop3A_860, %parallel_loop3A_861] {strides = array<i32>} : memref<3x3x2048xf32, #tpu.memory_space<vmem>>, vector<1x1x16xf32>,
      %parallel_loop3A_863 = vector.shape_cast %parallel_loop3A_862 : vector<1x1x16xf32> to vector<16xf32>
      %parallel_loop3A_864 = arith.constant 0.000000e+00 : f32
      %parallel_loop3A_865 = vector.broadcast %parallel_loop3A_864 : f32 to vector<16xf32>
      %parallel_loop3A_866 = arith.cmpf oeq, %parallel_loop3A_863, %parallel_loop3A_865 : vector<16xf32>
      %parallel_loop3A_867 = arith.constant 2.000000e+00 : f32
      %parallel_loop3A_868 = vector.broadcast %parallel_loop3A_867 : f32 to vector<16xf32>
      %parallel_loop3A_869 = arith.select %parallel_loop3A_866, %parallel_loop3A_863, %parallel_loop3A_868 : vector<16xi1>, vector<16xf32>
      %parallel_loop3A_870 = arith.constant 2 : i32
      %parallel_loop3A_871 = arith.constant 2 : i32
      %parallel_loop3A_872 = arith.index_cast %parallel_loop3A_870 : i32 to index
      %parallel_loop3A_873 = arith.index_cast %parallel_loop3A_871 : i32 to index
      %parallel_loop3A_874 = arith.index_cast %parallel_loop3A_688 : i32 to index
      %parallel_loop3A_875 = tpu.vector_load %arg7[%parallel_loop3A_872, %parallel_loop3A_873, %parallel_loop3A_874] {strides = array<i32>} : memref<3x3x2048xf32, #tpu.memory_space<vmem>>, vector<1x1x16xf32>,
      %parallel_loop3A_876 = vector.shape_cast %parallel_loop3A_875 : vector<1x1x16xf32> to vector<16xf32>
      %parallel_loop3A_877 = vector.shape_cast %parallel_loop3A_869 : vector<16xf32> to vector<1x1x16xf32>
      tpu.vector_store %arg7[%parallel_loop3A_872, %parallel_loop3A_873, %parallel_loop3A_874], %parallel_loop3A_877 {strides = array<i32>} : memref<3x3x2048xf32, #tpu.memory_space<vmem>>, vector<1x1x16xf32>,
    } {sc.loop_unroll_factor = 1 : i64, sc.parallel_access}
    %add3A_277 = arith.constant 10240 : i32
    %add3A_278 = arith.addi %mul3A_2, %add3A_277 : i32
    %dma_start3A_279 = arith.constant 0 : i32
    %dma_start3A_280 = arith.constant 0 : i32
    %dma_start3A_281 = tpu.memref_slice %arg3[%dma_start3A_279, %dma_start3A_280, %add3A_278] : memref<3x3x1048576xf32, #tpu.memory_space<hbm>> -> memref<3x3x2048xf32, #tpu.memory_space<hbm>>
    %dma_start3A_282 = arith.constant 0 : i32
    %dma_start3A_283 = arith.constant 0 : i32
    %dma_start3A_284 = tpu.memref_slice %arg3[%dma_start3A_282, %dma_start3A_283, %add3A_278] : memref<3x3x1048576xf32, #tpu.memory_space<hbm>> -> memref<3x3x2048xf32, #tpu.memory_space<hbm>>
    tpu.enqueue_dma source(%arg7 : memref<3x3x2048xf32, #tpu.memory_space<vmem>>) target(%dma_start3A_284 : memref<3x3x2048xf32, #tpu.memory_space<hbm>>) target_semaphore(%arg12 : memref<!tpu.dma_semaphore, #tpu.memory_space<semaphore_mem>>)
    %add3A_285 = arith.constant 16384 : i32
    %add3A_286 = arith.addi %mul3A_2, %add3A_285 : i32
    %dma_start3A_287 = arith.constant 0 : i32
    %dma_start3A_288 = arith.constant 0 : i32
    %dma_start3A_289 = tpu.memref_slice %arg2[%dma_start3A_287, %dma_start3A_288, %add3A_286] : memref<3x3x1048576xf32, #tpu.memory_space<hbm>> -> memref<3x3x2048xf32, #tpu.memory_space<hbm>>
    %dma_start3A_290 = arith.constant 0 : i32
    %dma_start3A_291 = arith.constant 0 : i32
    %dma_start3A_292 = tpu.memref_slice %arg2[%dma_start3A_290, %dma_start3A_291, %add3A_286] : memref<3x3x1048576xf32, #tpu.memory_space<hbm>> -> memref<3x3x2048xf32, #tpu.memory_space<hbm>>
    tpu.enqueue_dma source(%dma_start3A_292 : memref<3x3x2048xf32, #tpu.memory_space<hbm>>) target(%arg4 : memref<3x3x2048xf32, #tpu.memory_space<vmem>>) target_semaphore(%arg9 : memref<!tpu.dma_semaphore, #tpu.memory_space<semaphore_mem>>)
    %dma_wait3A_293 = arith.constant 0 : i32
    %dma_wait3A_294 = arith.constant 0 : i32
    %dma_wait3A_295 = tpu.memref_slice %arg2[%dma_wait3A_293, %dma_wait3A_294, %add3A_224] : memref<3x3x1048576xf32, #tpu.memory_space<hbm>> -> memref<3x3x2048xf32, #tpu.memory_space<hbm>>
    %dma_wait3A_296 = arith.constant 0 : i32
    %dma_wait3A_297 = arith.constant 0 : i32
    %dma_wait3A_298 = tpu.memref_slice %arg2[%dma_wait3A_296, %dma_wait3A_297, %add3A_224] : memref<3x3x1048576xf32, #tpu.memory_space<hbm>> -> memref<3x3x2048xf32, #tpu.memory_space<hbm>>
    tpu.wait_dma2 semaphore(%arg10 : memref<!tpu.dma_semaphore, #tpu.memory_space<semaphore_mem>>) src(%dma_wait3A_298 : memref<3x3x2048xf32, #tpu.memory_space<hbm>>) dst(%arg5 : memref<3x3x2048xf32, #tpu.memory_space<vmem>>)
    %dma_wait3A_299 = arith.constant 0 : i32
    %dma_wait3A_300 = arith.constant 0 : i32
    %dma_wait3A_301 = tpu.memref_slice %arg3[%dma_wait3A_299, %dma_wait3A_300, %add3A_247] : memref<3x3x1048576xf32, #tpu.memory_space<hbm>> -> memref<3x3x2048xf32, #tpu.memory_space<hbm>>
    %dma_wait3A_302 = arith.constant 0 : i32
    %dma_wait3A_303 = arith.constant 0 : i32
    %dma_wait3A_304 = tpu.memref_slice %arg3[%dma_wait3A_302, %dma_wait3A_303, %add3A_247] : memref<3x3x1048576xf32, #tpu.memory_space<hbm>> -> memref<3x3x2048xf32, #tpu.memory_space<hbm>>
    tpu.wait_dma2 semaphore(%arg13 : memref<!tpu.dma_semaphore, #tpu.memory_space<semaphore_mem>>) src(%arg8 : memref<3x3x2048xf32, #tpu.memory_space<vmem>>) dst(%dma_wait3A_304 : memref<3x3x2048xf32, #tpu.memory_space<hbm>>)
    %parallel_loop3A_305 = arith.constant 0 : i32
    %parallel_loop3A_306 = arith.constant 128 : i32
    %parallel_loop3A_307 = arith.constant 1 : i32
    scf.for %parallel_loop3A_686 = %parallel_loop3A_305 to %parallel_loop3A_306 step %parallel_loop3A_307  : i32 {
      %parallel_loop3A_687 = arith.constant 16 : i32
      %parallel_loop3A_688 = arith.muli %parallel_loop3A_686, %parallel_loop3A_687 : i32
      %parallel_loop3A_689 = arith.constant 0 : i32
      %parallel_loop3A_690 = arith.constant 0 : i32
      %parallel_loop3A_691 = arith.index_cast %parallel_loop3A_689 : i32 to index
      %parallel_loop3A_692 = arith.index_cast %parallel_loop3A_690 : i32 to index
      %parallel_loop3A_693 = arith.index_cast %parallel_loop3A_688 : i32 to index
      %parallel_loop3A_694 = tpu.vector_load %arg5[%parallel_loop3A_691, %parallel_loop3A_692, %parallel_loop3A_693] {strides = array<i32>} : memref<3x3x2048xf32, #tpu.memory_space<vmem>>, vector<1x1x16xf32>,
      %parallel_loop3A_695 = vector.shape_cast %parallel_loop3A_694 : vector<1x1x16xf32> to vector<16xf32>
      %parallel_loop3A_696 = arith.constant 0.000000e+00 : f32
      %parallel_loop3A_697 = vector.broadcast %parallel_loop3A_696 : f32 to vector<16xf32>
      %parallel_loop3A_698 = arith.cmpf oeq, %parallel_loop3A_695, %parallel_loop3A_697 : vector<16xf32>
      %parallel_loop3A_699 = arith.constant 2.000000e+00 : f32
      %parallel_loop3A_700 = vector.broadcast %parallel_loop3A_699 : f32 to vector<16xf32>
      %parallel_loop3A_701 = arith.select %parallel_loop3A_698, %parallel_loop3A_695, %parallel_loop3A_700 : vector<16xi1>, vector<16xf32>
      %parallel_loop3A_702 = arith.constant 0 : i32
      %parallel_loop3A_703 = arith.constant 0 : i32
      %parallel_loop3A_704 = arith.index_cast %parallel_loop3A_702 : i32 to index
      %parallel_loop3A_705 = arith.index_cast %parallel_loop3A_703 : i32 to index
      %parallel_loop3A_706 = arith.index_cast %parallel_loop3A_688 : i32 to index
      %parallel_loop3A_707 = tpu.vector_load %arg8[%parallel_loop3A_704, %parallel_loop3A_705, %parallel_loop3A_706] {strides = array<i32>} : memref<3x3x2048xf32, #tpu.memory_space<vmem>>, vector<1x1x16xf32>,
      %parallel_loop3A_708 = vector.shape_cast %parallel_loop3A_707 : vector<1x1x16xf32> to vector<16xf32>
      %parallel_loop3A_709 = vector.shape_cast %parallel_loop3A_701 : vector<16xf32> to vector<1x1x16xf32>
      tpu.vector_store %arg8[%parallel_loop3A_704, %parallel_loop3A_705, %parallel_loop3A_706], %parallel_loop3A_709 {strides = array<i32>} : memref<3x3x2048xf32, #tpu.memory_space<vmem>>, vector<1x1x16xf32>,
      %parallel_loop3A_710 = arith.constant 0 : i32
      %parallel_loop3A_711 = arith.constant 1 : i32
      %parallel_loop3A_712 = arith.index_cast %parallel_loop3A_710 : i32 to index
      %parallel_loop3A_713 = arith.index_cast %parallel_loop3A_711 : i32 to index
      %parallel_loop3A_714 = arith.index_cast %parallel_loop3A_688 : i32 to index
      %parallel_loop3A_715 = tpu.vector_load %arg5[%parallel_loop3A_712, %parallel_loop3A_713, %parallel_loop3A_714] {strides = array<i32>} : memref<3x3x2048xf32, #tpu.memory_space<vmem>>, vector<1x1x16xf32>,
      %parallel_loop3A_716 = vector.shape_cast %parallel_loop3A_715 : vector<1x1x16xf32> to vector<16xf32>
      %parallel_loop3A_717 = arith.constant 0.000000e+00 : f32
      %parallel_loop3A_718 = vector.broadcast %parallel_loop3A_717 : f32 to vector<16xf32>
      %parallel_loop3A_719 = arith.cmpf oeq, %parallel_loop3A_716, %parallel_loop3A_718 : vector<16xf32>
      %parallel_loop3A_720 = arith.constant 2.000000e+00 : f32
      %parallel_loop3A_721 = vector.broadcast %parallel_loop3A_720 : f32 to vector<16xf32>
      %parallel_loop3A_722 = arith.select %parallel_loop3A_719, %parallel_loop3A_716, %parallel_loop3A_721 : vector<16xi1>, vector<16xf32>
      %parallel_loop3A_723 = arith.constant 0 : i32
      %parallel_loop3A_724 = arith.constant 1 : i32
      %parallel_loop3A_725 = arith.index_cast %parallel_loop3A_723 : i32 to index
      %parallel_loop3A_726 = arith.index_cast %parallel_loop3A_724 : i32 to index
      %parallel_loop3A_727 = arith.index_cast %parallel_loop3A_688 : i32 to index
      %parallel_loop3A_728 = tpu.vector_load %arg8[%parallel_loop3A_725, %parallel_loop3A_726, %parallel_loop3A_727] {strides = array<i32>} : memref<3x3x2048xf32, #tpu.memory_space<vmem>>, vector<1x1x16xf32>,
      %parallel_loop3A_729 = vector.shape_cast %parallel_loop3A_728 : vector<1x1x16xf32> to vector<16xf32>
      %parallel_loop3A_730 = vector.shape_cast %parallel_loop3A_722 : vector<16xf32> to vector<1x1x16xf32>
      tpu.vector_store %arg8[%parallel_loop3A_725, %parallel_loop3A_726, %parallel_loop3A_727], %parallel_loop3A_730 {strides = array<i32>} : memref<3x3x2048xf32, #tpu.memory_space<vmem>>, vector<1x1x16xf32>,
      %parallel_loop3A_731 = arith.constant 0 : i32
      %parallel_loop3A_732 = arith.constant 2 : i32
      %parallel_loop3A_733 = arith.index_cast %parallel_loop3A_731 : i32 to index
      %parallel_loop3A_734 = arith.index_cast %parallel_loop3A_732 : i32 to index
      %parallel_loop3A_735 = arith.index_cast %parallel_loop3A_688 : i32 to index
      %parallel_loop3A_736 = tpu.vector_load %arg5[%parallel_loop3A_733, %parallel_loop3A_734, %parallel_loop3A_735] {strides = array<i32>} : memref<3x3x2048xf32, #tpu.memory_space<vmem>>, vector<1x1x16xf32>,
      %parallel_loop3A_737 = vector.shape_cast %parallel_loop3A_736 : vector<1x1x16xf32> to vector<16xf32>
      %parallel_loop3A_738 = arith.constant 0.000000e+00 : f32
      %parallel_loop3A_739 = vector.broadcast %parallel_loop3A_738 : f32 to vector<16xf32>
      %parallel_loop3A_740 = arith.cmpf oeq, %parallel_loop3A_737, %parallel_loop3A_739 : vector<16xf32>
      %parallel_loop3A_741 = arith.constant 2.000000e+00 : f32
      %parallel_loop3A_742 = vector.broadcast %parallel_loop3A_741 : f32 to vector<16xf32>
      %parallel_loop3A_743 = arith.select %parallel_loop3A_740, %parallel_loop3A_737, %parallel_loop3A_742 : vector<16xi1>, vector<16xf32>
      %parallel_loop3A_744 = arith.constant 0 : i32
      %parallel_loop3A_745 = arith.constant 2 : i32
      %parallel_loop3A_746 = arith.index_cast %parallel_loop3A_744 : i32 to index
      %parallel_loop3A_747 = arith.index_cast %parallel_loop3A_745 : i32 to index
      %parallel_loop3A_748 = arith.index_cast %parallel_loop3A_688 : i32 to index
      %parallel_loop3A_749 = tpu.vector_load %arg8[%parallel_loop3A_746, %parallel_loop3A_747, %parallel_loop3A_748] {strides = array<i32>} : memref<3x3x2048xf32, #tpu.memory_space<vmem>>, vector<1x1x16xf32>,
      %parallel_loop3A_750 = vector.shape_cast %parallel_loop3A_749 : vector<1x1x16xf32> to vector<16xf32>
      %parallel_loop3A_751 = vector.shape_cast %parallel_loop3A_743 : vector<16xf32> to vector<1x1x16xf32>
      tpu.vector_store %arg8[%parallel_loop3A_746, %parallel_loop3A_747, %parallel_loop3A_748], %parallel_loop3A_751 {strides = array<i32>} : memref<3x3x2048xf32, #tpu.memory_space<vmem>>, vector<1x1x16xf32>,
      %parallel_loop3A_752 = arith.constant 1 : i32
      %parallel_loop3A_753 = arith.constant 0 : i32
      %parallel_loop3A_754 = arith.index_cast %parallel_loop3A_752 : i32 to index
      %parallel_loop3A_755 = arith.index_cast %parallel_loop3A_753 : i32 to index
      %parallel_loop3A_756 = arith.index_cast %parallel_loop3A_688 : i32 to index
      %parallel_loop3A_757 = tpu.vector_load %arg5[%parallel_loop3A_754, %parallel_loop3A_755, %parallel_loop3A_756] {strides = array<i32>} : memref<3x3x2048xf32, #tpu.memory_space<vmem>>, vector<1x1x16xf32>,
      %parallel_loop3A_758 = vector.shape_cast %parallel_loop3A_757 : vector<1x1x16xf32> to vector<16xf32>
      %parallel_loop3A_759 = arith.constant 0.000000e+00 : f32
      %parallel_loop3A_760 = vector.broadcast %parallel_loop3A_759 : f32 to vector<16xf32>
      %parallel_loop3A_761 = arith.cmpf oeq, %parallel_loop3A_758, %parallel_loop3A_760 : vector<16xf32>
      %parallel_loop3A_762 = arith.constant 2.000000e+00 : f32
      %parallel_loop3A_763 = vector.broadcast %parallel_loop3A_762 : f32 to vector<16xf32>
      %parallel_loop3A_764 = arith.select %parallel_loop3A_761, %parallel_loop3A_758, %parallel_loop3A_763 : vector<16xi1>, vector<16xf32>
      %parallel_loop3A_765 = arith.constant 1 : i32
      %parallel_loop3A_766 = arith.constant 0 : i32
      %parallel_loop3A_767 = arith.index_cast %parallel_loop3A_765 : i32 to index
      %parallel_loop3A_768 = arith.index_cast %parallel_loop3A_766 : i32 to index
      %parallel_loop3A_769 = arith.index_cast %parallel_loop3A_688 : i32 to index
      %parallel_loop3A_770 = tpu.vector_load %arg8[%parallel_loop3A_767, %parallel_loop3A_768, %parallel_loop3A_769] {strides = array<i32>} : memref<3x3x2048xf32, #tpu.memory_space<vmem>>, vector<1x1x16xf32>,
      %parallel_loop3A_771 = vector.shape_cast %parallel_loop3A_770 : vector<1x1x16xf32> to vector<16xf32>
      %parallel_loop3A_772 = vector.shape_cast %parallel_loop3A_764 : vector<16xf32> to vector<1x1x16xf32>
      tpu.vector_store %arg8[%parallel_loop3A_767, %parallel_loop3A_768, %parallel_loop3A_769], %parallel_loop3A_772 {strides = array<i32>} : memref<3x3x2048xf32, #tpu.memory_space<vmem>>, vector<1x1x16xf32>,
      %parallel_loop3A_773 = arith.constant 1 : i32
      %parallel_loop3A_774 = arith.constant 1 : i32
      %parallel_loop3A_775 = arith.index_cast %parallel_loop3A_773 : i32 to index
      %parallel_loop3A_776 = arith.index_cast %parallel_loop3A_774 : i32 to index
      %parallel_loop3A_777 = arith.index_cast %parallel_loop3A_688 : i32 to index
      %parallel_loop3A_778 = tpu.vector_load %arg5[%parallel_loop3A_775, %parallel_loop3A_776, %parallel_loop3A_777] {strides = array<i32>} : memref<3x3x2048xf32, #tpu.memory_space<vmem>>, vector<1x1x16xf32>,
      %parallel_loop3A_779 = vector.shape_cast %parallel_loop3A_778 : vector<1x1x16xf32> to vector<16xf32>
      %parallel_loop3A_780 = arith.constant 0.000000e+00 : f32
      %parallel_loop3A_781 = vector.broadcast %parallel_loop3A_780 : f32 to vector<16xf32>
      %parallel_loop3A_782 = arith.cmpf oeq, %parallel_loop3A_779, %parallel_loop3A_781 : vector<16xf32>
      %parallel_loop3A_783 = arith.constant 2.000000e+00 : f32
      %parallel_loop3A_784 = vector.broadcast %parallel_loop3A_783 : f32 to vector<16xf32>
      %parallel_loop3A_785 = arith.select %parallel_loop3A_782, %parallel_loop3A_779, %parallel_loop3A_784 : vector<16xi1>, vector<16xf32>
      %parallel_loop3A_786 = arith.constant 1 : i32
      %parallel_loop3A_787 = arith.constant 1 : i32
      %parallel_loop3A_788 = arith.index_cast %parallel_loop3A_786 : i32 to index
      %parallel_loop3A_789 = arith.index_cast %parallel_loop3A_787 : i32 to index
      %parallel_loop3A_790 = arith.index_cast %parallel_loop3A_688 : i32 to index
      %parallel_loop3A_791 = tpu.vector_load %arg8[%parallel_loop3A_788, %parallel_loop3A_789, %parallel_loop3A_790] {strides = array<i32>} : memref<3x3x2048xf32, #tpu.memory_space<vmem>>, vector<1x1x16xf32>,
      %parallel_loop3A_792 = vector.shape_cast %parallel_loop3A_791 : vector<1x1x16xf32> to vector<16xf32>
      %parallel_loop3A_793 = vector.shape_cast %parallel_loop3A_785 : vector<16xf32> to vector<1x1x16xf32>
      tpu.vector_store %arg8[%parallel_loop3A_788, %parallel_loop3A_789, %parallel_loop3A_790], %parallel_loop3A_793 {strides = array<i32>} : memref<3x3x2048xf32, #tpu.memory_space<vmem>>, vector<1x1x16xf32>,
      %parallel_loop3A_794 = arith.constant 1 : i32
      %parallel_loop3A_795 = arith.constant 2 : i32
      %parallel_loop3A_796 = arith.index_cast %parallel_loop3A_794 : i32 to index
      %parallel_loop3A_797 = arith.index_cast %parallel_loop3A_795 : i32 to index
      %parallel_loop3A_798 = arith.index_cast %parallel_loop3A_688 : i32 to index
      %parallel_loop3A_799 = tpu.vector_load %arg5[%parallel_loop3A_796, %parallel_loop3A_797, %parallel_loop3A_798] {strides = array<i32>} : memref<3x3x2048xf32, #tpu.memory_space<vmem>>, vector<1x1x16xf32>,
      %parallel_loop3A_800 = vector.shape_cast %parallel_loop3A_799 : vector<1x1x16xf32> to vector<16xf32>
      %parallel_loop3A_801 = arith.constant 0.000000e+00 : f32
      %parallel_loop3A_802 = vector.broadcast %parallel_loop3A_801 : f32 to vector<16xf32>
      %parallel_loop3A_803 = arith.cmpf oeq, %parallel_loop3A_800, %parallel_loop3A_802 : vector<16xf32>
      %parallel_loop3A_804 = arith.constant 2.000000e+00 : f32
      %parallel_loop3A_805 = vector.broadcast %parallel_loop3A_804 : f32 to vector<16xf32>
      %parallel_loop3A_806 = arith.select %parallel_loop3A_803, %parallel_loop3A_800, %parallel_loop3A_805 : vector<16xi1>, vector<16xf32>
      %parallel_loop3A_807 = arith.constant 1 : i32
      %parallel_loop3A_808 = arith.constant 2 : i32
      %parallel_loop3A_809 = arith.index_cast %parallel_loop3A_807 : i32 to index
      %parallel_loop3A_810 = arith.index_cast %parallel_loop3A_808 : i32 to index
      %parallel_loop3A_811 = arith.index_cast %parallel_loop3A_688 : i32 to index
      %parallel_loop3A_812 = tpu.vector_load %arg8[%parallel_loop3A_809, %parallel_loop3A_810, %parallel_loop3A_811] {strides = array<i32>} : memref<3x3x2048xf32, #tpu.memory_space<vmem>>, vector<1x1x16xf32>,
      %parallel_loop3A_813 = vector.shape_cast %parallel_loop3A_812 : vector<1x1x16xf32> to vector<16xf32>
      %parallel_loop3A_814 = vector.shape_cast %parallel_loop3A_806 : vector<16xf32> to vector<1x1x16xf32>
      tpu.vector_store %arg8[%parallel_loop3A_809, %parallel_loop3A_810, %parallel_loop3A_811], %parallel_loop3A_814 {strides = array<i32>} : memref<3x3x2048xf32, #tpu.memory_space<vmem>>, vector<1x1x16xf32>,
      %parallel_loop3A_815 = arith.constant 2 : i32
      %parallel_loop3A_816 = arith.constant 0 : i32
      %parallel_loop3A_817 = arith.index_cast %parallel_loop3A_815 : i32 to index
      %parallel_loop3A_818 = arith.index_cast %parallel_loop3A_816 : i32 to index
      %parallel_loop3A_819 = arith.index_cast %parallel_loop3A_688 : i32 to index
      %parallel_loop3A_820 = tpu.vector_load %arg5[%parallel_loop3A_817, %parallel_loop3A_818, %parallel_loop3A_819] {strides = array<i32>} : memref<3x3x2048xf32, #tpu.memory_space<vmem>>, vector<1x1x16xf32>,
      %parallel_loop3A_821 = vector.shape_cast %parallel_loop3A_820 : vector<1x1x16xf32> to vector<16xf32>
      %parallel_loop3A_822 = arith.constant 0.000000e+00 : f32
      %parallel_loop3A_823 = vector.broadcast %parallel_loop3A_822 : f32 to vector<16xf32>
      %parallel_loop3A_824 = arith.cmpf oeq, %parallel_loop3A_821, %parallel_loop3A_823 : vector<16xf32>
      %parallel_loop3A_825 = arith.constant 2.000000e+00 : f32
      %parallel_loop3A_826 = vector.broadcast %parallel_loop3A_825 : f32 to vector<16xf32>
      %parallel_loop3A_827 = arith.select %parallel_loop3A_824, %parallel_loop3A_821, %parallel_loop3A_826 : vector<16xi1>, vector<16xf32>
      %parallel_loop3A_828 = arith.constant 2 : i32
      %parallel_loop3A_829 = arith.constant 0 : i32
      %parallel_loop3A_830 = arith.index_cast %parallel_loop3A_828 : i32 to index
      %parallel_loop3A_831 = arith.index_cast %parallel_loop3A_829 : i32 to index
      %parallel_loop3A_832 = arith.index_cast %parallel_loop3A_688 : i32 to index
      %parallel_loop3A_833 = tpu.vector_load %arg8[%parallel_loop3A_830, %parallel_loop3A_831, %parallel_loop3A_832] {strides = array<i32>} : memref<3x3x2048xf32, #tpu.memory_space<vmem>>, vector<1x1x16xf32>,
      %parallel_loop3A_834 = vector.shape_cast %parallel_loop3A_833 : vector<1x1x16xf32> to vector<16xf32>
      %parallel_loop3A_835 = vector.shape_cast %parallel_loop3A_827 : vector<16xf32> to vector<1x1x16xf32>
      tpu.vector_store %arg8[%parallel_loop3A_830, %parallel_loop3A_831, %parallel_loop3A_832], %parallel_loop3A_835 {strides = array<i32>} : memref<3x3x2048xf32, #tpu.memory_space<vmem>>, vector<1x1x16xf32>,
      %parallel_loop3A_836 = arith.constant 2 : i32
      %parallel_loop3A_837 = arith.constant 1 : i32
      %parallel_loop3A_838 = arith.index_cast %parallel_loop3A_836 : i32 to index
      %parallel_loop3A_839 = arith.index_cast %parallel_loop3A_837 : i32 to index
      %parallel_loop3A_840 = arith.index_cast %parallel_loop3A_688 : i32 to index
      %parallel_loop3A_841 = tpu.vector_load %arg5[%parallel_loop3A_838, %parallel_loop3A_839, %parallel_loop3A_840] {strides = array<i32>} : memref<3x3x2048xf32, #tpu.memory_space<vmem>>, vector<1x1x16xf32>,
      %parallel_loop3A_842 = vector.shape_cast %parallel_loop3A_841 : vector<1x1x16xf32> to vector<16xf32>
      %parallel_loop3A_843 = arith.constant 0.000000e+00 : f32
      %parallel_loop3A_844 = vector.broadcast %parallel_loop3A_843 : f32 to vector<16xf32>
      %parallel_loop3A_845 = arith.cmpf oeq, %parallel_loop3A_842, %parallel_loop3A_844 : vector<16xf32>
      %parallel_loop3A_846 = arith.constant 2.000000e+00 : f32
      %parallel_loop3A_847 = vector.broadcast %parallel_loop3A_846 : f32 to vector<16xf32>
      %parallel_loop3A_848 = arith.select %parallel_loop3A_845, %parallel_loop3A_842, %parallel_loop3A_847 : vector<16xi1>, vector<16xf32>
      %parallel_loop3A_849 = arith.constant 2 : i32
      %parallel_loop3A_850 = arith.constant 1 : i32
      %parallel_loop3A_851 = arith.index_cast %parallel_loop3A_849 : i32 to index
      %parallel_loop3A_852 = arith.index_cast %parallel_loop3A_850 : i32 to index
      %parallel_loop3A_853 = arith.index_cast %parallel_loop3A_688 : i32 to index
      %parallel_loop3A_854 = tpu.vector_load %arg8[%parallel_loop3A_851, %parallel_loop3A_852, %parallel_loop3A_853] {strides = array<i32>} : memref<3x3x2048xf32, #tpu.memory_space<vmem>>, vector<1x1x16xf32>,
      %parallel_loop3A_855 = vector.shape_cast %parallel_loop3A_854 : vector<1x1x16xf32> to vector<16xf32>
      %parallel_loop3A_856 = vector.shape_cast %parallel_loop3A_848 : vector<16xf32> to vector<1x1x16xf32>
      tpu.vector_store %arg8[%parallel_loop3A_851, %parallel_loop3A_852, %parallel_loop3A_853], %parallel_loop3A_856 {strides = array<i32>} : memref<3x3x2048xf32, #tpu.memory_space<vmem>>, vector<1x1x16xf32>,
      %parallel_loop3A_857 = arith.constant 2 : i32
      %parallel_loop3A_858 = arith.constant 2 : i32
      %parallel_loop3A_859 = arith.index_cast %parallel_loop3A_857 : i32 to index
      %parallel_loop3A_860 = arith.index_cast %parallel_loop3A_858 : i32 to index
      %parallel_loop3A_861 = arith.index_cast %parallel_loop3A_688 : i32 to index
      %parallel_loop3A_862 = tpu.vector_load %arg5[%parallel_loop3A_859, %parallel_loop3A_860, %parallel_loop3A_861] {strides = array<i32>} : memref<3x3x2048xf32, #tpu.memory_space<vmem>>, vector<1x1x16xf32>,
      %parallel_loop3A_863 = vector.shape_cast %parallel_loop3A_862 : vector<1x1x16xf32> to vector<16xf32>
      %parallel_loop3A_864 = arith.constant 0.000000e+00 : f32
      %parallel_loop3A_865 = vector.broadcast %parallel_loop3A_864 : f32 to vector<16xf32>
      %parallel_loop3A_866 = arith.cmpf oeq, %parallel_loop3A_863, %parallel_loop3A_865 : vector<16xf32>
      %parallel_loop3A_867 = arith.constant 2.000000e+00 : f32
      %parallel_loop3A_868 = vector.broadcast %parallel_loop3A_867 : f32 to vector<16xf32>
      %parallel_loop3A_869 = arith.select %parallel_loop3A_866, %parallel_loop3A_863, %parallel_loop3A_868 : vector<16xi1>, vector<16xf32>
      %parallel_loop3A_870 = arith.constant 2 : i32
      %parallel_loop3A_871 = arith.constant 2 : i32
      %parallel_loop3A_872 = arith.index_cast %parallel_loop3A_870 : i32 to index
      %parallel_loop3A_873 = arith.index_cast %parallel_loop3A_871 : i32 to index
      %parallel_loop3A_874 = arith.index_cast %parallel_loop3A_688 : i32 to index
      %parallel_loop3A_875 = tpu.vector_load %arg8[%parallel_loop3A_872, %parallel_loop3A_873, %parallel_loop3A_874] {strides = array<i32>} : memref<3x3x2048xf32, #tpu.memory_space<vmem>>, vector<1x1x16xf32>,
      %parallel_loop3A_876 = vector.shape_cast %parallel_loop3A_875 : vector<1x1x16xf32> to vector<16xf32>
      %parallel_loop3A_877 = vector.shape_cast %parallel_loop3A_869 : vector<16xf32> to vector<1x1x16xf32>
      tpu.vector_store %arg8[%parallel_loop3A_872, %parallel_loop3A_873, %parallel_loop3A_874], %parallel_loop3A_877 {strides = array<i32>} : memref<3x3x2048xf32, #tpu.memory_space<vmem>>, vector<1x1x16xf32>,
    } {sc.loop_unroll_factor = 1 : i64, sc.parallel_access}
    %add3A_308 = arith.constant 12288 : i32
    %add3A_309 = arith.addi %mul3A_2, %add3A_308 : i32
    %dma_start3A_310 = arith.constant 0 : i32
    %dma_start3A_311 = arith.constant 0 : i32
    %dma_start3A_312 = tpu.memref_slice %arg3[%dma_start3A_310, %dma_start3A_311, %add3A_309] : memref<3x3x1048576xf32, #tpu.memory_space<hbm>> -> memref<3x3x2048xf32, #tpu.memory_space<hbm>>
    %dma_start3A_313 = arith.constant 0 : i32
    %dma_start3A_314 = arith.constant 0 : i32
    %dma_start3A_315 = tpu.memref_slice %arg3[%dma_start3A_313, %dma_start3A_314, %add3A_309] : memref<3x3x1048576xf32, #tpu.memory_space<hbm>> -> memref<3x3x2048xf32, #tpu.memory_space<hbm>>
    tpu.enqueue_dma source(%arg8 : memref<3x3x2048xf32, #tpu.memory_space<vmem>>) target(%dma_start3A_315 : memref<3x3x2048xf32, #tpu.memory_space<hbm>>) target_semaphore(%arg13 : memref<!tpu.dma_semaphore, #tpu.memory_space<semaphore_mem>>)
    %add3A_316 = arith.constant 18432 : i32
    %add3A_317 = arith.addi %mul3A_2, %add3A_316 : i32
    %dma_start3A_318 = arith.constant 0 : i32
    %dma_start3A_319 = arith.constant 0 : i32
    %dma_start3A_320 = tpu.memref_slice %arg2[%dma_start3A_318, %dma_start3A_319, %add3A_317] : memref<3x3x1048576xf32, #tpu.memory_space<hbm>> -> memref<3x3x2048xf32, #tpu.memory_space<hbm>>
    %dma_start3A_321 = arith.constant 0 : i32
    %dma_start3A_322 = arith.constant 0 : i32
    %dma_start3A_323 = tpu.memref_slice %arg2[%dma_start3A_321, %dma_start3A_322, %add3A_317] : memref<3x3x1048576xf32, #tpu.memory_space<hbm>> -> memref<3x3x2048xf32, #tpu.memory_space<hbm>>
    tpu.enqueue_dma source(%dma_start3A_323 : memref<3x3x2048xf32, #tpu.memory_space<hbm>>) target(%arg5 : memref<3x3x2048xf32, #tpu.memory_space<vmem>>) target_semaphore(%arg10 : memref<!tpu.dma_semaphore, #tpu.memory_space<semaphore_mem>>)
    %dma_wait3A_324 = arith.constant 0 : i32
    %dma_wait3A_325 = arith.constant 0 : i32
    %dma_wait3A_326 = tpu.memref_slice %arg2[%dma_wait3A_324, %dma_wait3A_325, %add3A_255] : memref<3x3x1048576xf32, #tpu.memory_space<hbm>> -> memref<3x3x2048xf32, #tpu.memory_space<hbm>>
    %dma_wait3A_327 = arith.constant 0 : i32
    %dma_wait3A_328 = arith.constant 0 : i32
    %dma_wait3A_329 = tpu.memref_slice %arg2[%dma_wait3A_327, %dma_wait3A_328, %add3A_255] : memref<3x3x1048576xf32, #tpu.memory_space<hbm>> -> memref<3x3x2048xf32, #tpu.memory_space<hbm>>
    tpu.wait_dma2 semaphore(%arg11 : memref<!tpu.dma_semaphore, #tpu.memory_space<semaphore_mem>>) src(%dma_wait3A_329 : memref<3x3x2048xf32, #tpu.memory_space<hbm>>) dst(%arg6 : memref<3x3x2048xf32, #tpu.memory_space<vmem>>)
    %dma_wait3A_330 = arith.constant 0 : i32
    %dma_wait3A_331 = arith.constant 0 : i32
    %dma_wait3A_332 = tpu.memref_slice %arg3[%dma_wait3A_330, %dma_wait3A_331, %add3A_278] : memref<3x3x1048576xf32, #tpu.memory_space<hbm>> -> memref<3x3x2048xf32, #tpu.memory_space<hbm>>
    %dma_wait3A_333 = arith.constant 0 : i32
    %dma_wait3A_334 = arith.constant 0 : i32
    %dma_wait3A_335 = tpu.memref_slice %arg3[%dma_wait3A_333, %dma_wait3A_334, %add3A_278] : memref<3x3x1048576xf32, #tpu.memory_space<hbm>> -> memref<3x3x2048xf32, #tpu.memory_space<hbm>>
    tpu.wait_dma2 semaphore(%arg12 : memref<!tpu.dma_semaphore, #tpu.memory_space<semaphore_mem>>) src(%arg7 : memref<3x3x2048xf32, #tpu.memory_space<vmem>>) dst(%dma_wait3A_335 : memref<3x3x2048xf32, #tpu.memory_space<hbm>>)
    %parallel_loop3A_336 = arith.constant 0 : i32
    %parallel_loop3A_337 = arith.constant 128 : i32
    %parallel_loop3A_338 = arith.constant 1 : i32
    scf.for %parallel_loop3A_686 = %parallel_loop3A_336 to %parallel_loop3A_337 step %parallel_loop3A_338  : i32 {
      %parallel_loop3A_687 = arith.constant 16 : i32
      %parallel_loop3A_688 = arith.muli %parallel_loop3A_686, %parallel_loop3A_687 : i32
      %parallel_loop3A_689 = arith.constant 0 : i32
      %parallel_loop3A_690 = arith.constant 0 : i32
      %parallel_loop3A_691 = arith.index_cast %parallel_loop3A_689 : i32 to index
      %parallel_loop3A_692 = arith.index_cast %parallel_loop3A_690 : i32 to index
      %parallel_loop3A_693 = arith.index_cast %parallel_loop3A_688 : i32 to index
      %parallel_loop3A_694 = tpu.vector_load %arg6[%parallel_loop3A_691, %parallel_loop3A_692, %parallel_loop3A_693] {strides = array<i32>} : memref<3x3x2048xf32, #tpu.memory_space<vmem>>, vector<1x1x16xf32>,
      %parallel_loop3A_695 = vector.shape_cast %parallel_loop3A_694 : vector<1x1x16xf32> to vector<16xf32>
      %parallel_loop3A_696 = arith.constant 0.000000e+00 : f32
      %parallel_loop3A_697 = vector.broadcast %parallel_loop3A_696 : f32 to vector<16xf32>
      %parallel_loop3A_698 = arith.cmpf oeq, %parallel_loop3A_695, %parallel_loop3A_697 : vector<16xf32>
      %parallel_loop3A_699 = arith.constant 2.000000e+00 : f32
      %parallel_loop3A_700 = vector.broadcast %parallel_loop3A_699 : f32 to vector<16xf32>
      %parallel_loop3A_701 = arith.select %parallel_loop3A_698, %parallel_loop3A_695, %parallel_loop3A_700 : vector<16xi1>, vector<16xf32>
      %parallel_loop3A_702 = arith.constant 0 : i32
      %parallel_loop3A_703 = arith.constant 0 : i32
      %parallel_loop3A_704 = arith.index_cast %parallel_loop3A_702 : i32 to index
      %parallel_loop3A_705 = arith.index_cast %parallel_loop3A_703 : i32 to index
      %parallel_loop3A_706 = arith.index_cast %parallel_loop3A_688 : i32 to index
      %parallel_loop3A_707 = tpu.vector_load %arg7[%parallel_loop3A_704, %parallel_loop3A_705, %parallel_loop3A_706] {strides = array<i32>} : memref<3x3x2048xf32, #tpu.memory_space<vmem>>, vector<1x1x16xf32>,
      %parallel_loop3A_708 = vector.shape_cast %parallel_loop3A_707 : vector<1x1x16xf32> to vector<16xf32>
      %parallel_loop3A_709 = vector.shape_cast %parallel_loop3A_701 : vector<16xf32> to vector<1x1x16xf32>
      tpu.vector_store %arg7[%parallel_loop3A_704, %parallel_loop3A_705, %parallel_loop3A_706], %parallel_loop3A_709 {strides = array<i32>} : memref<3x3x2048xf32, #tpu.memory_space<vmem>>, vector<1x1x16xf32>,
      %parallel_loop3A_710 = arith.constant 0 : i32
      %parallel_loop3A_711 = arith.constant 1 : i32
      %parallel_loop3A_712 = arith.index_cast %parallel_loop3A_710 : i32 to index
      %parallel_loop3A_713 = arith.index_cast %parallel_loop3A_711 : i32 to index
      %parallel_loop3A_714 = arith.index_cast %parallel_loop3A_688 : i32 to index
      %parallel_loop3A_715 = tpu.vector_load %arg6[%parallel_loop3A_712, %parallel_loop3A_713, %parallel_loop3A_714] {strides = array<i32>} : memref<3x3x2048xf32, #tpu.memory_space<vmem>>, vector<1x1x16xf32>,
      %parallel_loop3A_716 = vector.shape_cast %parallel_loop3A_715 : vector<1x1x16xf32> to vector<16xf32>
      %parallel_loop3A_717 = arith.constant 0.000000e+00 : f32
      %parallel_loop3A_718 = vector.broadcast %parallel_loop3A_717 : f32 to vector<16xf32>
      %parallel_loop3A_719 = arith.cmpf oeq, %parallel_loop3A_716, %parallel_loop3A_718 : vector<16xf32>
      %parallel_loop3A_720 = arith.constant 2.000000e+00 : f32
      %parallel_loop3A_721 = vector.broadcast %parallel_loop3A_720 : f32 to vector<16xf32>
      %parallel_loop3A_722 = arith.select %parallel_loop3A_719, %parallel_loop3A_716, %parallel_loop3A_721 : vector<16xi1>, vector<16xf32>
      %parallel_loop3A_723 = arith.constant 0 : i32
      %parallel_loop3A_724 = arith.constant 1 : i32
      %parallel_loop3A_725 = arith.index_cast %parallel_loop3A_723 : i32 to index
      %parallel_loop3A_726 = arith.index_cast %parallel_loop3A_724 : i32 to index
      %parallel_loop3A_727 = arith.index_cast %parallel_loop3A_688 : i32 to index
      %parallel_loop3A_728 = tpu.vector_load %arg7[%parallel_loop3A_725, %parallel_loop3A_726, %parallel_loop3A_727] {strides = array<i32>} : memref<3x3x2048xf32, #tpu.memory_space<vmem>>, vector<1x1x16xf32>,
      %parallel_loop3A_729 = vector.shape_cast %parallel_loop3A_728 : vector<1x1x16xf32> to vector<16xf32>
      %parallel_loop3A_730 = vector.shape_cast %parallel_loop3A_722 : vector<16xf32> to vector<1x1x16xf32>
      tpu.vector_store %arg7[%parallel_loop3A_725, %parallel_loop3A_726, %parallel_loop3A_727], %parallel_loop3A_730 {strides = array<i32>} : memref<3x3x2048xf32, #tpu.memory_space<vmem>>, vector<1x1x16xf32>,
      %parallel_loop3A_731 = arith.constant 0 : i32
      %parallel_loop3A_732 = arith.constant 2 : i32
      %parallel_loop3A_733 = arith.index_cast %parallel_loop3A_731 : i32 to index
      %parallel_loop3A_734 = arith.index_cast %parallel_loop3A_732 : i32 to index
      %parallel_loop3A_735 = arith.index_cast %parallel_loop3A_688 : i32 to index
      %parallel_loop3A_736 = tpu.vector_load %arg6[%parallel_loop3A_733, %parallel_loop3A_734, %parallel_loop3A_735] {strides = array<i32>} : memref<3x3x2048xf32, #tpu.memory_space<vmem>>, vector<1x1x16xf32>,
      %parallel_loop3A_737 = vector.shape_cast %parallel_loop3A_736 : vector<1x1x16xf32> to vector<16xf32>
      %parallel_loop3A_738 = arith.constant 0.000000e+00 : f32
      %parallel_loop3A_739 = vector.broadcast %parallel_loop3A_738 : f32 to vector<16xf32>
      %parallel_loop3A_740 = arith.cmpf oeq, %parallel_loop3A_737, %parallel_loop3A_739 : vector<16xf32>
      %parallel_loop3A_741 = arith.constant 2.000000e+00 : f32
      %parallel_loop3A_742 = vector.broadcast %parallel_loop3A_741 : f32 to vector<16xf32>
      %parallel_loop3A_743 = arith.select %parallel_loop3A_740, %parallel_loop3A_737, %parallel_loop3A_742 : vector<16xi1>, vector<16xf32>
      %parallel_loop3A_744 = arith.constant 0 : i32
      %parallel_loop3A_745 = arith.constant 2 : i32
      %parallel_loop3A_746 = arith.index_cast %parallel_loop3A_744 : i32 to index
      %parallel_loop3A_747 = arith.index_cast %parallel_loop3A_745 : i32 to index
      %parallel_loop3A_748 = arith.index_cast %parallel_loop3A_688 : i32 to index
      %parallel_loop3A_749 = tpu.vector_load %arg7[%parallel_loop3A_746, %parallel_loop3A_747, %parallel_loop3A_748] {strides = array<i32>} : memref<3x3x2048xf32, #tpu.memory_space<vmem>>, vector<1x1x16xf32>,
      %parallel_loop3A_750 = vector.shape_cast %parallel_loop3A_749 : vector<1x1x16xf32> to vector<16xf32>
      %parallel_loop3A_751 = vector.shape_cast %parallel_loop3A_743 : vector<16xf32> to vector<1x1x16xf32>
      tpu.vector_store %arg7[%parallel_loop3A_746, %parallel_loop3A_747, %parallel_loop3A_748], %parallel_loop3A_751 {strides = array<i32>} : memref<3x3x2048xf32, #tpu.memory_space<vmem>>, vector<1x1x16xf32>,
      %parallel_loop3A_752 = arith.constant 1 : i32
      %parallel_loop3A_753 = arith.constant 0 : i32
      %parallel_loop3A_754 = arith.index_cast %parallel_loop3A_752 : i32 to index
      %parallel_loop3A_755 = arith.index_cast %parallel_loop3A_753 : i32 to index
      %parallel_loop3A_756 = arith.index_cast %parallel_loop3A_688 : i32 to index
      %parallel_loop3A_757 = tpu.vector_load %arg6[%parallel_loop3A_754, %parallel_loop3A_755, %parallel_loop3A_756] {strides = array<i32>} : memref<3x3x2048xf32, #tpu.memory_space<vmem>>, vector<1x1x16xf32>,
      %parallel_loop3A_758 = vector.shape_cast %parallel_loop3A_757 : vector<1x1x16xf32> to vector<16xf32>
      %parallel_loop3A_759 = arith.constant 0.000000e+00 : f32
      %parallel_loop3A_760 = vector.broadcast %parallel_loop3A_759 : f32 to vector<16xf32>
      %parallel_loop3A_761 = arith.cmpf oeq, %parallel_loop3A_758, %parallel_loop3A_760 : vector<16xf32>
      %parallel_loop3A_762 = arith.constant 2.000000e+00 : f32
      %parallel_loop3A_763 = vector.broadcast %parallel_loop3A_762 : f32 to vector<16xf32>
      %parallel_loop3A_764 = arith.select %parallel_loop3A_761, %parallel_loop3A_758, %parallel_loop3A_763 : vector<16xi1>, vector<16xf32>
      %parallel_loop3A_765 = arith.constant 1 : i32
      %parallel_loop3A_766 = arith.constant 0 : i32
      %parallel_loop3A_767 = arith.index_cast %parallel_loop3A_765 : i32 to index
      %parallel_loop3A_768 = arith.index_cast %parallel_loop3A_766 : i32 to index
      %parallel_loop3A_769 = arith.index_cast %parallel_loop3A_688 : i32 to index
      %parallel_loop3A_770 = tpu.vector_load %arg7[%parallel_loop3A_767, %parallel_loop3A_768, %parallel_loop3A_769] {strides = array<i32>} : memref<3x3x2048xf32, #tpu.memory_space<vmem>>, vector<1x1x16xf32>,
      %parallel_loop3A_771 = vector.shape_cast %parallel_loop3A_770 : vector<1x1x16xf32> to vector<16xf32>
      %parallel_loop3A_772 = vector.shape_cast %parallel_loop3A_764 : vector<16xf32> to vector<1x1x16xf32>
      tpu.vector_store %arg7[%parallel_loop3A_767, %parallel_loop3A_768, %parallel_loop3A_769], %parallel_loop3A_772 {strides = array<i32>} : memref<3x3x2048xf32, #tpu.memory_space<vmem>>, vector<1x1x16xf32>,
      %parallel_loop3A_773 = arith.constant 1 : i32
      %parallel_loop3A_774 = arith.constant 1 : i32
      %parallel_loop3A_775 = arith.index_cast %parallel_loop3A_773 : i32 to index
      %parallel_loop3A_776 = arith.index_cast %parallel_loop3A_774 : i32 to index
      %parallel_loop3A_777 = arith.index_cast %parallel_loop3A_688 : i32 to index
      %parallel_loop3A_778 = tpu.vector_load %arg6[%parallel_loop3A_775, %parallel_loop3A_776, %parallel_loop3A_777] {strides = array<i32>} : memref<3x3x2048xf32, #tpu.memory_space<vmem>>, vector<1x1x16xf32>,
      %parallel_loop3A_779 = vector.shape_cast %parallel_loop3A_778 : vector<1x1x16xf32> to vector<16xf32>
      %parallel_loop3A_780 = arith.constant 0.000000e+00 : f32
      %parallel_loop3A_781 = vector.broadcast %parallel_loop3A_780 : f32 to vector<16xf32>
      %parallel_loop3A_782 = arith.cmpf oeq, %parallel_loop3A_779, %parallel_loop3A_781 : vector<16xf32>
      %parallel_loop3A_783 = arith.constant 2.000000e+00 : f32
      %parallel_loop3A_784 = vector.broadcast %parallel_loop3A_783 : f32 to vector<16xf32>
      %parallel_loop3A_785 = arith.select %parallel_loop3A_782, %parallel_loop3A_779, %parallel_loop3A_784 : vector<16xi1>, vector<16xf32>
      %parallel_loop3A_786 = arith.constant 1 : i32
      %parallel_loop3A_787 = arith.constant 1 : i32
      %parallel_loop3A_788 = arith.index_cast %parallel_loop3A_786 : i32 to index
      %parallel_loop3A_789 = arith.index_cast %parallel_loop3A_787 : i32 to index
      %parallel_loop3A_790 = arith.index_cast %parallel_loop3A_688 : i32 to index
      %parallel_loop3A_791 = tpu.vector_load %arg7[%parallel_loop3A_788, %parallel_loop3A_789, %parallel_loop3A_790] {strides = array<i32>} : memref<3x3x2048xf32, #tpu.memory_space<vmem>>, vector<1x1x16xf32>,
      %parallel_loop3A_792 = vector.shape_cast %parallel_loop3A_791 : vector<1x1x16xf32> to vector<16xf32>
      %parallel_loop3A_793 = vector.shape_cast %parallel_loop3A_785 : vector<16xf32> to vector<1x1x16xf32>
      tpu.vector_store %arg7[%parallel_loop3A_788, %parallel_loop3A_789, %parallel_loop3A_790], %parallel_loop3A_793 {strides = array<i32>} : memref<3x3x2048xf32, #tpu.memory_space<vmem>>, vector<1x1x16xf32>,
      %parallel_loop3A_794 = arith.constant 1 : i32
      %parallel_loop3A_795 = arith.constant 2 : i32
      %parallel_loop3A_796 = arith.index_cast %parallel_loop3A_794 : i32 to index
      %parallel_loop3A_797 = arith.index_cast %parallel_loop3A_795 : i32 to index
      %parallel_loop3A_798 = arith.index_cast %parallel_loop3A_688 : i32 to index
      %parallel_loop3A_799 = tpu.vector_load %arg6[%parallel_loop3A_796, %parallel_loop3A_797, %parallel_loop3A_798] {strides = array<i32>} : memref<3x3x2048xf32, #tpu.memory_space<vmem>>, vector<1x1x16xf32>,
      %parallel_loop3A_800 = vector.shape_cast %parallel_loop3A_799 : vector<1x1x16xf32> to vector<16xf32>
      %parallel_loop3A_801 = arith.constant 0.000000e+00 : f32
      %parallel_loop3A_802 = vector.broadcast %parallel_loop3A_801 : f32 to vector<16xf32>
      %parallel_loop3A_803 = arith.cmpf oeq, %parallel_loop3A_800, %parallel_loop3A_802 : vector<16xf32>
      %parallel_loop3A_804 = arith.constant 2.000000e+00 : f32
      %parallel_loop3A_805 = vector.broadcast %parallel_loop3A_804 : f32 to vector<16xf32>
      %parallel_loop3A_806 = arith.select %parallel_loop3A_803, %parallel_loop3A_800, %parallel_loop3A_805 : vector<16xi1>, vector<16xf32>
      %parallel_loop3A_807 = arith.constant 1 : i32
      %parallel_loop3A_808 = arith.constant 2 : i32
      %parallel_loop3A_809 = arith.index_cast %parallel_loop3A_807 : i32 to index
      %parallel_loop3A_810 = arith.index_cast %parallel_loop3A_808 : i32 to index
      %parallel_loop3A_811 = arith.index_cast %parallel_loop3A_688 : i32 to index
      %parallel_loop3A_812 = tpu.vector_load %arg7[%parallel_loop3A_809, %parallel_loop3A_810, %parallel_loop3A_811] {strides = array<i32>} : memref<3x3x2048xf32, #tpu.memory_space<vmem>>, vector<1x1x16xf32>,
      %parallel_loop3A_813 = vector.shape_cast %parallel_loop3A_812 : vector<1x1x16xf32> to vector<16xf32>
      %parallel_loop3A_814 = vector.shape_cast %parallel_loop3A_806 : vector<16xf32> to vector<1x1x16xf32>
      tpu.vector_store %arg7[%parallel_loop3A_809, %parallel_loop3A_810, %parallel_loop3A_811], %parallel_loop3A_814 {strides = array<i32>} : memref<3x3x2048xf32, #tpu.memory_space<vmem>>, vector<1x1x16xf32>,
      %parallel_loop3A_815 = arith.constant 2 : i32
      %parallel_loop3A_816 = arith.constant 0 : i32
      %parallel_loop3A_817 = arith.index_cast %parallel_loop3A_815 : i32 to index
      %parallel_loop3A_818 = arith.index_cast %parallel_loop3A_816 : i32 to index
      %parallel_loop3A_819 = arith.index_cast %parallel_loop3A_688 : i32 to index
      %parallel_loop3A_820 = tpu.vector_load %arg6[%parallel_loop3A_817, %parallel_loop3A_818, %parallel_loop3A_819] {strides = array<i32>} : memref<3x3x2048xf32, #tpu.memory_space<vmem>>, vector<1x1x16xf32>,
      %parallel_loop3A_821 = vector.shape_cast %parallel_loop3A_820 : vector<1x1x16xf32> to vector<16xf32>
      %parallel_loop3A_822 = arith.constant 0.000000e+00 : f32
      %parallel_loop3A_823 = vector.broadcast %parallel_loop3A_822 : f32 to vector<16xf32>
      %parallel_loop3A_824 = arith.cmpf oeq, %parallel_loop3A_821, %parallel_loop3A_823 : vector<16xf32>
      %parallel_loop3A_825 = arith.constant 2.000000e+00 : f32
      %parallel_loop3A_826 = vector.broadcast %parallel_loop3A_825 : f32 to vector<16xf32>
      %parallel_loop3A_827 = arith.select %parallel_loop3A_824, %parallel_loop3A_821, %parallel_loop3A_826 : vector<16xi1>, vector<16xf32>
      %parallel_loop3A_828 = arith.constant 2 : i32
      %parallel_loop3A_829 = arith.constant 0 : i32
      %parallel_loop3A_830 = arith.index_cast %parallel_loop3A_828 : i32 to index
      %parallel_loop3A_831 = arith.index_cast %parallel_loop3A_829 : i32 to index
      %parallel_loop3A_832 = arith.index_cast %parallel_loop3A_688 : i32 to index
      %parallel_loop3A_833 = tpu.vector_load %arg7[%parallel_loop3A_830, %parallel_loop3A_831, %parallel_loop3A_832] {strides = array<i32>} : memref<3x3x2048xf32, #tpu.memory_space<vmem>>, vector<1x1x16xf32>,
      %parallel_loop3A_834 = vector.shape_cast %parallel_loop3A_833 : vector<1x1x16xf32> to vector<16xf32>
      %parallel_loop3A_835 = vector.shape_cast %parallel_loop3A_827 : vector<16xf32> to vector<1x1x16xf32>
      tpu.vector_store %arg7[%parallel_loop3A_830, %parallel_loop3A_831, %parallel_loop3A_832], %parallel_loop3A_835 {strides = array<i32>} : memref<3x3x2048xf32, #tpu.memory_space<vmem>>, vector<1x1x16xf32>,
      %parallel_loop3A_836 = arith.constant 2 : i32
      %parallel_loop3A_837 = arith.constant 1 : i32
      %parallel_loop3A_838 = arith.index_cast %parallel_loop3A_836 : i32 to index
      %parallel_loop3A_839 = arith.index_cast %parallel_loop3A_837 : i32 to index
      %parallel_loop3A_840 = arith.index_cast %parallel_loop3A_688 : i32 to index
      %parallel_loop3A_841 = tpu.vector_load %arg6[%parallel_loop3A_838, %parallel_loop3A_839, %parallel_loop3A_840] {strides = array<i32>} : memref<3x3x2048xf32, #tpu.memory_space<vmem>>, vector<1x1x16xf32>,
      %parallel_loop3A_842 = vector.shape_cast %parallel_loop3A_841 : vector<1x1x16xf32> to vector<16xf32>
      %parallel_loop3A_843 = arith.constant 0.000000e+00 : f32
      %parallel_loop3A_844 = vector.broadcast %parallel_loop3A_843 : f32 to vector<16xf32>
      %parallel_loop3A_845 = arith.cmpf oeq, %parallel_loop3A_842, %parallel_loop3A_844 : vector<16xf32>
      %parallel_loop3A_846 = arith.constant 2.000000e+00 : f32
      %parallel_loop3A_847 = vector.broadcast %parallel_loop3A_846 : f32 to vector<16xf32>
      %parallel_loop3A_848 = arith.select %parallel_loop3A_845, %parallel_loop3A_842, %parallel_loop3A_847 : vector<16xi1>, vector<16xf32>
      %parallel_loop3A_849 = arith.constant 2 : i32
      %parallel_loop3A_850 = arith.constant 1 : i32
      %parallel_loop3A_851 = arith.index_cast %parallel_loop3A_849 : i32 to index
      %parallel_loop3A_852 = arith.index_cast %parallel_loop3A_850 : i32 to index
      %parallel_loop3A_853 = arith.index_cast %parallel_loop3A_688 : i32 to index
      %parallel_loop3A_854 = tpu.vector_load %arg7[%parallel_loop3A_851, %parallel_loop3A_852, %parallel_loop3A_853] {strides = array<i32>} : memref<3x3x2048xf32, #tpu.memory_space<vmem>>, vector<1x1x16xf32>,
      %parallel_loop3A_855 = vector.shape_cast %parallel_loop3A_854 : vector<1x1x16xf32> to vector<16xf32>
      %parallel_loop3A_856 = vector.shape_cast %parallel_loop3A_848 : vector<16xf32> to vector<1x1x16xf32>
      tpu.vector_store %arg7[%parallel_loop3A_851, %parallel_loop3A_852, %parallel_loop3A_853], %parallel_loop3A_856 {strides = array<i32>} : memref<3x3x2048xf32, #tpu.memory_space<vmem>>, vector<1x1x16xf32>,
      %parallel_loop3A_857 = arith.constant 2 : i32
      %parallel_loop3A_858 = arith.constant 2 : i32
      %parallel_loop3A_859 = arith.index_cast %parallel_loop3A_857 : i32 to index
      %parallel_loop3A_860 = arith.index_cast %parallel_loop3A_858 : i32 to index
      %parallel_loop3A_861 = arith.index_cast %parallel_loop3A_688 : i32 to index
      %parallel_loop3A_862 = tpu.vector_load %arg6[%parallel_loop3A_859, %parallel_loop3A_860, %parallel_loop3A_861] {strides = array<i32>} : memref<3x3x2048xf32, #tpu.memory_space<vmem>>, vector<1x1x16xf32>,
      %parallel_loop3A_863 = vector.shape_cast %parallel_loop3A_862 : vector<1x1x16xf32> to vector<16xf32>
      %parallel_loop3A_864 = arith.constant 0.000000e+00 : f32
      %parallel_loop3A_865 = vector.broadcast %parallel_loop3A_864 : f32 to vector<16xf32>
      %parallel_loop3A_866 = arith.cmpf oeq, %parallel_loop3A_863, %parallel_loop3A_865 : vector<16xf32>
      %parallel_loop3A_867 = arith.constant 2.000000e+00 : f32
      %parallel_loop3A_868 = vector.broadcast %parallel_loop3A_867 : f32 to vector<16xf32>
      %parallel_loop3A_869 = arith.select %parallel_loop3A_866, %parallel_loop3A_863, %parallel_loop3A_868 : vector<16xi1>, vector<16xf32>
      %parallel_loop3A_870 = arith.constant 2 : i32
      %parallel_loop3A_871 = arith.constant 2 : i32
      %parallel_loop3A_872 = arith.index_cast %parallel_loop3A_870 : i32 to index
      %parallel_loop3A_873 = arith.index_cast %parallel_loop3A_871 : i32 to index
      %parallel_loop3A_874 = arith.index_cast %parallel_loop3A_688 : i32 to index
      %parallel_loop3A_875 = tpu.vector_load %arg7[%parallel_loop3A_872, %parallel_loop3A_873, %parallel_loop3A_874] {strides = array<i32>} : memref<3x3x2048xf32, #tpu.memory_space<vmem>>, vector<1x1x16xf32>,
      %parallel_loop3A_876 = vector.shape_cast %parallel_loop3A_875 : vector<1x1x16xf32> to vector<16xf32>
      %parallel_loop3A_877 = vector.shape_cast %parallel_loop3A_869 : vector<16xf32> to vector<1x1x16xf32>
      tpu.vector_store %arg7[%parallel_loop3A_872, %parallel_loop3A_873, %parallel_loop3A_874], %parallel_loop3A_877 {strides = array<i32>} : memref<3x3x2048xf32, #tpu.memory_space<vmem>>, vector<1x1x16xf32>,
    } {sc.loop_unroll_factor = 1 : i64, sc.parallel_access}
    %add3A_339 = arith.constant 14336 : i32
    %add3A_340 = arith.addi %mul3A_2, %add3A_339 : i32
    %dma_start3A_341 = arith.constant 0 : i32
    %dma_start3A_342 = arith.constant 0 : i32
    %dma_start3A_343 = tpu.memref_slice %arg3[%dma_start3A_341, %dma_start3A_342, %add3A_340] : memref<3x3x1048576xf32, #tpu.memory_space<hbm>> -> memref<3x3x2048xf32, #tpu.memory_space<hbm>>
    %dma_start3A_344 = arith.constant 0 : i32
    %dma_start3A_345 = arith.constant 0 : i32
    %dma_start3A_346 = tpu.memref_slice %arg3[%dma_start3A_344, %dma_start3A_345, %add3A_340] : memref<3x3x1048576xf32, #tpu.memory_space<hbm>> -> memref<3x3x2048xf32, #tpu.memory_space<hbm>>
    tpu.enqueue_dma source(%arg7 : memref<3x3x2048xf32, #tpu.memory_space<vmem>>) target(%dma_start3A_346 : memref<3x3x2048xf32, #tpu.memory_space<hbm>>) target_semaphore(%arg12 : memref<!tpu.dma_semaphore, #tpu.memory_space<semaphore_mem>>)
    %add3A_347 = arith.constant 20480 : i32
    %add3A_348 = arith.addi %mul3A_2, %add3A_347 : i32
    %dma_start3A_349 = arith.constant 0 : i32
    %dma_start3A_350 = arith.constant 0 : i32
    %dma_start3A_351 = tpu.memref_slice %arg2[%dma_start3A_349, %dma_start3A_350, %add3A_348] : memref<3x3x1048576xf32, #tpu.memory_space<hbm>> -> memref<3x3x2048xf32, #tpu.memory_space<hbm>>
    %dma_start3A_352 = arith.constant 0 : i32
    %dma_start3A_353 = arith.constant 0 : i32
    %dma_start3A_354 = tpu.memref_slice %arg2[%dma_start3A_352, %dma_start3A_353, %add3A_348] : memref<3x3x1048576xf32, #tpu.memory_space<hbm>> -> memref<3x3x2048xf32, #tpu.memory_space<hbm>>
    tpu.enqueue_dma source(%dma_start3A_354 : memref<3x3x2048xf32, #tpu.memory_space<hbm>>) target(%arg6 : memref<3x3x2048xf32, #tpu.memory_space<vmem>>) target_semaphore(%arg11 : memref<!tpu.dma_semaphore, #tpu.memory_space<semaphore_mem>>)
    %dma_wait3A_355 = arith.constant 0 : i32
    %dma_wait3A_356 = arith.constant 0 : i32
    %dma_wait3A_357 = tpu.memref_slice %arg2[%dma_wait3A_355, %dma_wait3A_356, %add3A_286] : memref<3x3x1048576xf32, #tpu.memory_space<hbm>> -> memref<3x3x2048xf32, #tpu.memory_space<hbm>>
    %dma_wait3A_358 = arith.constant 0 : i32
    %dma_wait3A_359 = arith.constant 0 : i32
    %dma_wait3A_360 = tpu.memref_slice %arg2[%dma_wait3A_358, %dma_wait3A_359, %add3A_286] : memref<3x3x1048576xf32, #tpu.memory_space<hbm>> -> memref<3x3x2048xf32, #tpu.memory_space<hbm>>
    tpu.wait_dma2 semaphore(%arg9 : memref<!tpu.dma_semaphore, #tpu.memory_space<semaphore_mem>>) src(%dma_wait3A_360 : memref<3x3x2048xf32, #tpu.memory_space<hbm>>) dst(%arg4 : memref<3x3x2048xf32, #tpu.memory_space<vmem>>)
    %dma_wait3A_361 = arith.constant 0 : i32
    %dma_wait3A_362 = arith.constant 0 : i32
    %dma_wait3A_363 = tpu.memref_slice %arg3[%dma_wait3A_361, %dma_wait3A_362, %add3A_309] : memref<3x3x1048576xf32, #tpu.memory_space<hbm>> -> memref<3x3x2048xf32, #tpu.memory_space<hbm>>
    %dma_wait3A_364 = arith.constant 0 : i32
    %dma_wait3A_365 = arith.constant 0 : i32
    %dma_wait3A_366 = tpu.memref_slice %arg3[%dma_wait3A_364, %dma_wait3A_365, %add3A_309] : memref<3x3x1048576xf32, #tpu.memory_space<hbm>> -> memref<3x3x2048xf32, #tpu.memory_space<hbm>>
    tpu.wait_dma2 semaphore(%arg13 : memref<!tpu.dma_semaphore, #tpu.memory_space<semaphore_mem>>) src(%arg8 : memref<3x3x2048xf32, #tpu.memory_space<vmem>>) dst(%dma_wait3A_366 : memref<3x3x2048xf32, #tpu.memory_space<hbm>>)
    %parallel_loop3A_367 = arith.constant 0 : i32
    %parallel_loop3A_368 = arith.constant 128 : i32
    %parallel_loop3A_369 = arith.constant 1 : i32
    scf.for %parallel_loop3A_686 = %parallel_loop3A_367 to %parallel_loop3A_368 step %parallel_loop3A_369  : i32 {
      %parallel_loop3A_687 = arith.constant 16 : i32
      %parallel_loop3A_688 = arith.muli %parallel_loop3A_686, %parallel_loop3A_687 : i32
      %parallel_loop3A_689 = arith.constant 0 : i32
      %parallel_loop3A_690 = arith.constant 0 : i32
      %parallel_loop3A_691 = arith.index_cast %parallel_loop3A_689 : i32 to index
      %parallel_loop3A_692 = arith.index_cast %parallel_loop3A_690 : i32 to index
      %parallel_loop3A_693 = arith.index_cast %parallel_loop3A_688 : i32 to index
      %parallel_loop3A_694 = tpu.vector_load %arg4[%parallel_loop3A_691, %parallel_loop3A_692, %parallel_loop3A_693] {strides = array<i32>} : memref<3x3x2048xf32, #tpu.memory_space<vmem>>, vector<1x1x16xf32>,
      %parallel_loop3A_695 = vector.shape_cast %parallel_loop3A_694 : vector<1x1x16xf32> to vector<16xf32>
      %parallel_loop3A_696 = arith.constant 0.000000e+00 : f32
      %parallel_loop3A_697 = vector.broadcast %parallel_loop3A_696 : f32 to vector<16xf32>
      %parallel_loop3A_698 = arith.cmpf oeq, %parallel_loop3A_695, %parallel_loop3A_697 : vector<16xf32>
      %parallel_loop3A_699 = arith.constant 2.000000e+00 : f32
      %parallel_loop3A_700 = vector.broadcast %parallel_loop3A_699 : f32 to vector<16xf32>
      %parallel_loop3A_701 = arith.select %parallel_loop3A_698, %parallel_loop3A_695, %parallel_loop3A_700 : vector<16xi1>, vector<16xf32>
      %parallel_loop3A_702 = arith.constant 0 : i32
      %parallel_loop3A_703 = arith.constant 0 : i32
      %parallel_loop3A_704 = arith.index_cast %parallel_loop3A_702 : i32 to index
      %parallel_loop3A_705 = arith.index_cast %parallel_loop3A_703 : i32 to index
      %parallel_loop3A_706 = arith.index_cast %parallel_loop3A_688 : i32 to index
      %parallel_loop3A_707 = tpu.vector_load %arg8[%parallel_loop3A_704, %parallel_loop3A_705, %parallel_loop3A_706] {strides = array<i32>} : memref<3x3x2048xf32, #tpu.memory_space<vmem>>, vector<1x1x16xf32>,
      %parallel_loop3A_708 = vector.shape_cast %parallel_loop3A_707 : vector<1x1x16xf32> to vector<16xf32>
      %parallel_loop3A_709 = vector.shape_cast %parallel_loop3A_701 : vector<16xf32> to vector<1x1x16xf32>
      tpu.vector_store %arg8[%parallel_loop3A_704, %parallel_loop3A_705, %parallel_loop3A_706], %parallel_loop3A_709 {strides = array<i32>} : memref<3x3x2048xf32, #tpu.memory_space<vmem>>, vector<1x1x16xf32>,
      %parallel_loop3A_710 = arith.constant 0 : i32
      %parallel_loop3A_711 = arith.constant 1 : i32
      %parallel_loop3A_712 = arith.index_cast %parallel_loop3A_710 : i32 to index
      %parallel_loop3A_713 = arith.index_cast %parallel_loop3A_711 : i32 to index
      %parallel_loop3A_714 = arith.index_cast %parallel_loop3A_688 : i32 to index
      %parallel_loop3A_715 = tpu.vector_load %arg4[%parallel_loop3A_712, %parallel_loop3A_713, %parallel_loop3A_714] {strides = array<i32>} : memref<3x3x2048xf32, #tpu.memory_space<vmem>>, vector<1x1x16xf32>,
      %parallel_loop3A_716 = vector.shape_cast %parallel_loop3A_715 : vector<1x1x16xf32> to vector<16xf32>
      %parallel_loop3A_717 = arith.constant 0.000000e+00 : f32
      %parallel_loop3A_718 = vector.broadcast %parallel_loop3A_717 : f32 to vector<16xf32>
      %parallel_loop3A_719 = arith.cmpf oeq, %parallel_loop3A_716, %parallel_loop3A_718 : vector<16xf32>
      %parallel_loop3A_720 = arith.constant 2.000000e+00 : f32
      %parallel_loop3A_721 = vector.broadcast %parallel_loop3A_720 : f32 to vector<16xf32>
      %parallel_loop3A_722 = arith.select %parallel_loop3A_719, %parallel_loop3A_716, %parallel_loop3A_721 : vector<16xi1>, vector<16xf32>
      %parallel_loop3A_723 = arith.constant 0 : i32
      %parallel_loop3A_724 = arith.constant 1 : i32
      %parallel_loop3A_725 = arith.index_cast %parallel_loop3A_723 : i32 to index
      %parallel_loop3A_726 = arith.index_cast %parallel_loop3A_724 : i32 to index
      %parallel_loop3A_727 = arith.index_cast %parallel_loop3A_688 : i32 to index
      %parallel_loop3A_728 = tpu.vector_load %arg8[%parallel_loop3A_725, %parallel_loop3A_726, %parallel_loop3A_727] {strides = array<i32>} : memref<3x3x2048xf32, #tpu.memory_space<vmem>>, vector<1x1x16xf32>,
      %parallel_loop3A_729 = vector.shape_cast %parallel_loop3A_728 : vector<1x1x16xf32> to vector<16xf32>
      %parallel_loop3A_730 = vector.shape_cast %parallel_loop3A_722 : vector<16xf32> to vector<1x1x16xf32>
      tpu.vector_store %arg8[%parallel_loop3A_725, %parallel_loop3A_726, %parallel_loop3A_727], %parallel_loop3A_730 {strides = array<i32>} : memref<3x3x2048xf32, #tpu.memory_space<vmem>>, vector<1x1x16xf32>,
      %parallel_loop3A_731 = arith.constant 0 : i32
      %parallel_loop3A_732 = arith.constant 2 : i32
      %parallel_loop3A_733 = arith.index_cast %parallel_loop3A_731 : i32 to index
      %parallel_loop3A_734 = arith.index_cast %parallel_loop3A_732 : i32 to index
      %parallel_loop3A_735 = arith.index_cast %parallel_loop3A_688 : i32 to index
      %parallel_loop3A_736 = tpu.vector_load %arg4[%parallel_loop3A_733, %parallel_loop3A_734, %parallel_loop3A_735] {strides = array<i32>} : memref<3x3x2048xf32, #tpu.memory_space<vmem>>, vector<1x1x16xf32>,
      %parallel_loop3A_737 = vector.shape_cast %parallel_loop3A_736 : vector<1x1x16xf32> to vector<16xf32>
      %parallel_loop3A_738 = arith.constant 0.000000e+00 : f32
      %parallel_loop3A_739 = vector.broadcast %parallel_loop3A_738 : f32 to vector<16xf32>
      %parallel_loop3A_740 = arith.cmpf oeq, %parallel_loop3A_737, %parallel_loop3A_739 : vector<16xf32>
      %parallel_loop3A_741 = arith.constant 2.000000e+00 : f32
      %parallel_loop3A_742 = vector.broadcast %parallel_loop3A_741 : f32 to vector<16xf32>
      %parallel_loop3A_743 = arith.select %parallel_loop3A_740, %parallel_loop3A_737, %parallel_loop3A_742 : vector<16xi1>, vector<16xf32>
      %parallel_loop3A_744 = arith.constant 0 : i32
      %parallel_loop3A_745 = arith.constant 2 : i32
      %parallel_loop3A_746 = arith.index_cast %parallel_loop3A_744 : i32 to index
      %parallel_loop3A_747 = arith.index_cast %parallel_loop3A_745 : i32 to index
      %parallel_loop3A_748 = arith.index_cast %parallel_loop3A_688 : i32 to index
      %parallel_loop3A_749 = tpu.vector_load %arg8[%parallel_loop3A_746, %parallel_loop3A_747, %parallel_loop3A_748] {strides = array<i32>} : memref<3x3x2048xf32, #tpu.memory_space<vmem>>, vector<1x1x16xf32>,
      %parallel_loop3A_750 = vector.shape_cast %parallel_loop3A_749 : vector<1x1x16xf32> to vector<16xf32>
      %parallel_loop3A_751 = vector.shape_cast %parallel_loop3A_743 : vector<16xf32> to vector<1x1x16xf32>
      tpu.vector_store %arg8[%parallel_loop3A_746, %parallel_loop3A_747, %parallel_loop3A_748], %parallel_loop3A_751 {strides = array<i32>} : memref<3x3x2048xf32, #tpu.memory_space<vmem>>, vector<1x1x16xf32>,
      %parallel_loop3A_752 = arith.constant 1 : i32
      %parallel_loop3A_753 = arith.constant 0 : i32
      %parallel_loop3A_754 = arith.index_cast %parallel_loop3A_752 : i32 to index
      %parallel_loop3A_755 = arith.index_cast %parallel_loop3A_753 : i32 to index
      %parallel_loop3A_756 = arith.index_cast %parallel_loop3A_688 : i32 to index
      %parallel_loop3A_757 = tpu.vector_load %arg4[%parallel_loop3A_754, %parallel_loop3A_755, %parallel_loop3A_756] {strides = array<i32>} : memref<3x3x2048xf32, #tpu.memory_space<vmem>>, vector<1x1x16xf32>,
      %parallel_loop3A_758 = vector.shape_cast %parallel_loop3A_757 : vector<1x1x16xf32> to vector<16xf32>
      %parallel_loop3A_759 = arith.constant 0.000000e+00 : f32
      %parallel_loop3A_760 = vector.broadcast %parallel_loop3A_759 : f32 to vector<16xf32>
      %parallel_loop3A_761 = arith.cmpf oeq, %parallel_loop3A_758, %parallel_loop3A_760 : vector<16xf32>
      %parallel_loop3A_762 = arith.constant 2.000000e+00 : f32
      %parallel_loop3A_763 = vector.broadcast %parallel_loop3A_762 : f32 to vector<16xf32>
      %parallel_loop3A_764 = arith.select %parallel_loop3A_761, %parallel_loop3A_758, %parallel_loop3A_763 : vector<16xi1>, vector<16xf32>
      %parallel_loop3A_765 = arith.constant 1 : i32
      %parallel_loop3A_766 = arith.constant 0 : i32
      %parallel_loop3A_767 = arith.index_cast %parallel_loop3A_765 : i32 to index
      %parallel_loop3A_768 = arith.index_cast %parallel_loop3A_766 : i32 to index
      %parallel_loop3A_769 = arith.index_cast %parallel_loop3A_688 : i32 to index
      %parallel_loop3A_770 = tpu.vector_load %arg8[%parallel_loop3A_767, %parallel_loop3A_768, %parallel_loop3A_769] {strides = array<i32>} : memref<3x3x2048xf32, #tpu.memory_space<vmem>>, vector<1x1x16xf32>,
      %parallel_loop3A_771 = vector.shape_cast %parallel_loop3A_770 : vector<1x1x16xf32> to vector<16xf32>
      %parallel_loop3A_772 = vector.shape_cast %parallel_loop3A_764 : vector<16xf32> to vector<1x1x16xf32>
      tpu.vector_store %arg8[%parallel_loop3A_767, %parallel_loop3A_768, %parallel_loop3A_769], %parallel_loop3A_772 {strides = array<i32>} : memref<3x3x2048xf32, #tpu.memory_space<vmem>>, vector<1x1x16xf32>,
      %parallel_loop3A_773 = arith.constant 1 : i32
      %parallel_loop3A_774 = arith.constant 1 : i32
      %parallel_loop3A_775 = arith.index_cast %parallel_loop3A_773 : i32 to index
      %parallel_loop3A_776 = arith.index_cast %parallel_loop3A_774 : i32 to index
      %parallel_loop3A_777 = arith.index_cast %parallel_loop3A_688 : i32 to index
      %parallel_loop3A_778 = tpu.vector_load %arg4[%parallel_loop3A_775, %parallel_loop3A_776, %parallel_loop3A_777] {strides = array<i32>} : memref<3x3x2048xf32, #tpu.memory_space<vmem>>, vector<1x1x16xf32>,
      %parallel_loop3A_779 = vector.shape_cast %parallel_loop3A_778 : vector<1x1x16xf32> to vector<16xf32>
      %parallel_loop3A_780 = arith.constant 0.000000e+00 : f32
      %parallel_loop3A_781 = vector.broadcast %parallel_loop3A_780 : f32 to vector<16xf32>
      %parallel_loop3A_782 = arith.cmpf oeq, %parallel_loop3A_779, %parallel_loop3A_781 : vector<16xf32>
      %parallel_loop3A_783 = arith.constant 2.000000e+00 : f32
      %parallel_loop3A_784 = vector.broadcast %parallel_loop3A_783 : f32 to vector<16xf32>
      %parallel_loop3A_785 = arith.select %parallel_loop3A_782, %parallel_loop3A_779, %parallel_loop3A_784 : vector<16xi1>, vector<16xf32>
      %parallel_loop3A_786 = arith.constant 1 : i32
      %parallel_loop3A_787 = arith.constant 1 : i32
      %parallel_loop3A_788 = arith.index_cast %parallel_loop3A_786 : i32 to index
      %parallel_loop3A_789 = arith.index_cast %parallel_loop3A_787 : i32 to index
      %parallel_loop3A_790 = arith.index_cast %parallel_loop3A_688 : i32 to index
      %parallel_loop3A_791 = tpu.vector_load %arg8[%parallel_loop3A_788, %parallel_loop3A_789, %parallel_loop3A_790] {strides = array<i32>} : memref<3x3x2048xf32, #tpu.memory_space<vmem>>, vector<1x1x16xf32>,
      %parallel_loop3A_792 = vector.shape_cast %parallel_loop3A_791 : vector<1x1x16xf32> to vector<16xf32>
      %parallel_loop3A_793 = vector.shape_cast %parallel_loop3A_785 : vector<16xf32> to vector<1x1x16xf32>
      tpu.vector_store %arg8[%parallel_loop3A_788, %parallel_loop3A_789, %parallel_loop3A_790], %parallel_loop3A_793 {strides = array<i32>} : memref<3x3x2048xf32, #tpu.memory_space<vmem>>, vector<1x1x16xf32>,
      %parallel_loop3A_794 = arith.constant 1 : i32
      %parallel_loop3A_795 = arith.constant 2 : i32
      %parallel_loop3A_796 = arith.index_cast %parallel_loop3A_794 : i32 to index
      %parallel_loop3A_797 = arith.index_cast %parallel_loop3A_795 : i32 to index
      %parallel_loop3A_798 = arith.index_cast %parallel_loop3A_688 : i32 to index
      %parallel_loop3A_799 = tpu.vector_load %arg4[%parallel_loop3A_796, %parallel_loop3A_797, %parallel_loop3A_798] {strides = array<i32>} : memref<3x3x2048xf32, #tpu.memory_space<vmem>>, vector<1x1x16xf32>,
      %parallel_loop3A_800 = vector.shape_cast %parallel_loop3A_799 : vector<1x1x16xf32> to vector<16xf32>
      %parallel_loop3A_801 = arith.constant 0.000000e+00 : f32
      %parallel_loop3A_802 = vector.broadcast %parallel_loop3A_801 : f32 to vector<16xf32>
      %parallel_loop3A_803 = arith.cmpf oeq, %parallel_loop3A_800, %parallel_loop3A_802 : vector<16xf32>
      %parallel_loop3A_804 = arith.constant 2.000000e+00 : f32
      %parallel_loop3A_805 = vector.broadcast %parallel_loop3A_804 : f32 to vector<16xf32>
      %parallel_loop3A_806 = arith.select %parallel_loop3A_803, %parallel_loop3A_800, %parallel_loop3A_805 : vector<16xi1>, vector<16xf32>
      %parallel_loop3A_807 = arith.constant 1 : i32
      %parallel_loop3A_808 = arith.constant 2 : i32
      %parallel_loop3A_809 = arith.index_cast %parallel_loop3A_807 : i32 to index
      %parallel_loop3A_810 = arith.index_cast %parallel_loop3A_808 : i32 to index
      %parallel_loop3A_811 = arith.index_cast %parallel_loop3A_688 : i32 to index
      %parallel_loop3A_812 = tpu.vector_load %arg8[%parallel_loop3A_809, %parallel_loop3A_810, %parallel_loop3A_811] {strides = array<i32>} : memref<3x3x2048xf32, #tpu.memory_space<vmem>>, vector<1x1x16xf32>,
      %parallel_loop3A_813 = vector.shape_cast %parallel_loop3A_812 : vector<1x1x16xf32> to vector<16xf32>
      %parallel_loop3A_814 = vector.shape_cast %parallel_loop3A_806 : vector<16xf32> to vector<1x1x16xf32>
      tpu.vector_store %arg8[%parallel_loop3A_809, %parallel_loop3A_810, %parallel_loop3A_811], %parallel_loop3A_814 {strides = array<i32>} : memref<3x3x2048xf32, #tpu.memory_space<vmem>>, vector<1x1x16xf32>,
      %parallel_loop3A_815 = arith.constant 2 : i32
      %parallel_loop3A_816 = arith.constant 0 : i32
      %parallel_loop3A_817 = arith.index_cast %parallel_loop3A_815 : i32 to index
      %parallel_loop3A_818 = arith.index_cast %parallel_loop3A_816 : i32 to index
      %parallel_loop3A_819 = arith.index_cast %parallel_loop3A_688 : i32 to index
      %parallel_loop3A_820 = tpu.vector_load %arg4[%parallel_loop3A_817, %parallel_loop3A_818, %parallel_loop3A_819] {strides = array<i32>} : memref<3x3x2048xf32, #tpu.memory_space<vmem>>, vector<1x1x16xf32>,
      %parallel_loop3A_821 = vector.shape_cast %parallel_loop3A_820 : vector<1x1x16xf32> to vector<16xf32>
      %parallel_loop3A_822 = arith.constant 0.000000e+00 : f32
      %parallel_loop3A_823 = vector.broadcast %parallel_loop3A_822 : f32 to vector<16xf32>
      %parallel_loop3A_824 = arith.cmpf oeq, %parallel_loop3A_821, %parallel_loop3A_823 : vector<16xf32>
      %parallel_loop3A_825 = arith.constant 2.000000e+00 : f32
      %parallel_loop3A_826 = vector.broadcast %parallel_loop3A_825 : f32 to vector<16xf32>
      %parallel_loop3A_827 = arith.select %parallel_loop3A_824, %parallel_loop3A_821, %parallel_loop3A_826 : vector<16xi1>, vector<16xf32>
      %parallel_loop3A_828 = arith.constant 2 : i32
      %parallel_loop3A_829 = arith.constant 0 : i32
      %parallel_loop3A_830 = arith.index_cast %parallel_loop3A_828 : i32 to index
      %parallel_loop3A_831 = arith.index_cast %parallel_loop3A_829 : i32 to index
      %parallel_loop3A_832 = arith.index_cast %parallel_loop3A_688 : i32 to index
      %parallel_loop3A_833 = tpu.vector_load %arg8[%parallel_loop3A_830, %parallel_loop3A_831, %parallel_loop3A_832] {strides = array<i32>} : memref<3x3x2048xf32, #tpu.memory_space<vmem>>, vector<1x1x16xf32>,
      %parallel_loop3A_834 = vector.shape_cast %parallel_loop3A_833 : vector<1x1x16xf32> to vector<16xf32>
      %parallel_loop3A_835 = vector.shape_cast %parallel_loop3A_827 : vector<16xf32> to vector<1x1x16xf32>
      tpu.vector_store %arg8[%parallel_loop3A_830, %parallel_loop3A_831, %parallel_loop3A_832], %parallel_loop3A_835 {strides = array<i32>} : memref<3x3x2048xf32, #tpu.memory_space<vmem>>, vector<1x1x16xf32>,
      %parallel_loop3A_836 = arith.constant 2 : i32
      %parallel_loop3A_837 = arith.constant 1 : i32
      %parallel_loop3A_838 = arith.index_cast %parallel_loop3A_836 : i32 to index
      %parallel_loop3A_839 = arith.index_cast %parallel_loop3A_837 : i32 to index
      %parallel_loop3A_840 = arith.index_cast %parallel_loop3A_688 : i32 to index
      %parallel_loop3A_841 = tpu.vector_load %arg4[%parallel_loop3A_838, %parallel_loop3A_839, %parallel_loop3A_840] {strides = array<i32>} : memref<3x3x2048xf32, #tpu.memory_space<vmem>>, vector<1x1x16xf32>,
      %parallel_loop3A_842 = vector.shape_cast %parallel_loop3A_841 : vector<1x1x16xf32> to vector<16xf32>
      %parallel_loop3A_843 = arith.constant 0.000000e+00 : f32
      %parallel_loop3A_844 = vector.broadcast %parallel_loop3A_843 : f32 to vector<16xf32>
      %parallel_loop3A_845 = arith.cmpf oeq, %parallel_loop3A_842, %parallel_loop3A_844 : vector<16xf32>
      %parallel_loop3A_846 = arith.constant 2.000000e+00 : f32
      %parallel_loop3A_847 = vector.broadcast %parallel_loop3A_846 : f32 to vector<16xf32>
      %parallel_loop3A_848 = arith.select %parallel_loop3A_845, %parallel_loop3A_842, %parallel_loop3A_847 : vector<16xi1>, vector<16xf32>
      %parallel_loop3A_849 = arith.constant 2 : i32
      %parallel_loop3A_850 = arith.constant 1 : i32
      %parallel_loop3A_851 = arith.index_cast %parallel_loop3A_849 : i32 to index
      %parallel_loop3A_852 = arith.index_cast %parallel_loop3A_850 : i32 to index
      %parallel_loop3A_853 = arith.index_cast %parallel_loop3A_688 : i32 to index
      %parallel_loop3A_854 = tpu.vector_load %arg8[%parallel_loop3A_851, %parallel_loop3A_852, %parallel_loop3A_853] {strides = array<i32>} : memref<3x3x2048xf32, #tpu.memory_space<vmem>>, vector<1x1x16xf32>,
      %parallel_loop3A_855 = vector.shape_cast %parallel_loop3A_854 : vector<1x1x16xf32> to vector<16xf32>
      %parallel_loop3A_856 = vector.shape_cast %parallel_loop3A_848 : vector<16xf32> to vector<1x1x16xf32>
      tpu.vector_store %arg8[%parallel_loop3A_851, %parallel_loop3A_852, %parallel_loop3A_853], %parallel_loop3A_856 {strides = array<i32>} : memref<3x3x2048xf32, #tpu.memory_space<vmem>>, vector<1x1x16xf32>,
      %parallel_loop3A_857 = arith.constant 2 : i32
      %parallel_loop3A_858 = arith.constant 2 : i32
      %parallel_loop3A_859 = arith.index_cast %parallel_loop3A_857 : i32 to index
      %parallel_loop3A_860 = arith.index_cast %parallel_loop3A_858 : i32 to index
      %parallel_loop3A_861 = arith.index_cast %parallel_loop3A_688 : i32 to index
      %parallel_loop3A_862 = tpu.vector_load %arg4[%parallel_loop3A_859, %parallel_loop3A_860, %parallel_loop3A_861] {strides = array<i32>} : memref<3x3x2048xf32, #tpu.memory_space<vmem>>, vector<1x1x16xf32>,
      %parallel_loop3A_863 = vector.shape_cast %parallel_loop3A_862 : vector<1x1x16xf32> to vector<16xf32>
      %parallel_loop3A_864 = arith.constant 0.000000e+00 : f32
      %parallel_loop3A_865 = vector.broadcast %parallel_loop3A_864 : f32 to vector<16xf32>
      %parallel_loop3A_866 = arith.cmpf oeq, %parallel_loop3A_863, %parallel_loop3A_865 : vector<16xf32>
      %parallel_loop3A_867 = arith.constant 2.000000e+00 : f32
      %parallel_loop3A_868 = vector.broadcast %parallel_loop3A_867 : f32 to vector<16xf32>
      %parallel_loop3A_869 = arith.select %parallel_loop3A_866, %parallel_loop3A_863, %parallel_loop3A_868 : vector<16xi1>, vector<16xf32>
      %parallel_loop3A_870 = arith.constant 2 : i32
      %parallel_loop3A_871 = arith.constant 2 : i32
      %parallel_loop3A_872 = arith.index_cast %parallel_loop3A_870 : i32 to index
      %parallel_loop3A_873 = arith.index_cast %parallel_loop3A_871 : i32 to index
      %parallel_loop3A_874 = arith.index_cast %parallel_loop3A_688 : i32 to index
      %parallel_loop3A_875 = tpu.vector_load %arg8[%parallel_loop3A_872, %parallel_loop3A_873, %parallel_loop3A_874] {strides = array<i32>} : memref<3x3x2048xf32, #tpu.memory_space<vmem>>, vector<1x1x16xf32>,
      %parallel_loop3A_876 = vector.shape_cast %parallel_loop3A_875 : vector<1x1x16xf32> to vector<16xf32>
      %parallel_loop3A_877 = vector.shape_cast %parallel_loop3A_869 : vector<16xf32> to vector<1x1x16xf32>
      tpu.vector_store %arg8[%parallel_loop3A_872, %parallel_loop3A_873, %parallel_loop3A_874], %parallel_loop3A_877 {strides = array<i32>} : memref<3x3x2048xf32, #tpu.memory_space<vmem>>, vector<1x1x16xf32>,
    } {sc.loop_unroll_factor = 1 : i64, sc.parallel_access}
    %add3A_370 = arith.constant 16384 : i32
    %add3A_371 = arith.addi %mul3A_2, %add3A_370 : i32
    %dma_start3A_372 = arith.constant 0 : i32
    %dma_start3A_373 = arith.constant 0 : i32
    %dma_start3A_374 = tpu.memref_slice %arg3[%dma_start3A_372, %dma_start3A_373, %add3A_371] : memref<3x3x1048576xf32, #tpu.memory_space<hbm>> -> memref<3x3x2048xf32, #tpu.memory_space<hbm>>
    %dma_start3A_375 = arith.constant 0 : i32
    %dma_start3A_376 = arith.constant 0 : i32
    %dma_start3A_377 = tpu.memref_slice %arg3[%dma_start3A_375, %dma_start3A_376, %add3A_371] : memref<3x3x1048576xf32, #tpu.memory_space<hbm>> -> memref<3x3x2048xf32, #tpu.memory_space<hbm>>
    tpu.enqueue_dma source(%arg8 : memref<3x3x2048xf32, #tpu.memory_space<vmem>>) target(%dma_start3A_377 : memref<3x3x2048xf32, #tpu.memory_space<hbm>>) target_semaphore(%arg13 : memref<!tpu.dma_semaphore, #tpu.memory_space<semaphore_mem>>)
    %add3A_378 = arith.constant 22528 : i32
    %add3A_379 = arith.addi %mul3A_2, %add3A_378 : i32
    %dma_start3A_380 = arith.constant 0 : i32
    %dma_start3A_381 = arith.constant 0 : i32
    %dma_start3A_382 = tpu.memref_slice %arg2[%dma_start3A_380, %dma_start3A_381, %add3A_379] : memref<3x3x1048576xf32, #tpu.memory_space<hbm>> -> memref<3x3x2048xf32, #tpu.memory_space<hbm>>
    %dma_start3A_383 = arith.constant 0 : i32
    %dma_start3A_384 = arith.constant 0 : i32
    %dma_start3A_385 = tpu.memref_slice %arg2[%dma_start3A_383, %dma_start3A_384, %add3A_379] : memref<3x3x1048576xf32, #tpu.memory_space<hbm>> -> memref<3x3x2048xf32, #tpu.memory_space<hbm>>
    tpu.enqueue_dma source(%dma_start3A_385 : memref<3x3x2048xf32, #tpu.memory_space<hbm>>) target(%arg4 : memref<3x3x2048xf32, #tpu.memory_space<vmem>>) target_semaphore(%arg9 : memref<!tpu.dma_semaphore, #tpu.memory_space<semaphore_mem>>)
    %dma_wait3A_386 = arith.constant 0 : i32
    %dma_wait3A_387 = arith.constant 0 : i32
    %dma_wait3A_388 = tpu.memref_slice %arg2[%dma_wait3A_386, %dma_wait3A_387, %add3A_317] : memref<3x3x1048576xf32, #tpu.memory_space<hbm>> -> memref<3x3x2048xf32, #tpu.memory_space<hbm>>
    %dma_wait3A_389 = arith.constant 0 : i32
    %dma_wait3A_390 = arith.constant 0 : i32
    %dma_wait3A_391 = tpu.memref_slice %arg2[%dma_wait3A_389, %dma_wait3A_390, %add3A_317] : memref<3x3x1048576xf32, #tpu.memory_space<hbm>> -> memref<3x3x2048xf32, #tpu.memory_space<hbm>>
    tpu.wait_dma2 semaphore(%arg10 : memref<!tpu.dma_semaphore, #tpu.memory_space<semaphore_mem>>) src(%dma_wait3A_391 : memref<3x3x2048xf32, #tpu.memory_space<hbm>>) dst(%arg5 : memref<3x3x2048xf32, #tpu.memory_space<vmem>>)
    %dma_wait3A_392 = arith.constant 0 : i32
    %dma_wait3A_393 = arith.constant 0 : i32
    %dma_wait3A_394 = tpu.memref_slice %arg3[%dma_wait3A_392, %dma_wait3A_393, %add3A_340] : memref<3x3x1048576xf32, #tpu.memory_space<hbm>> -> memref<3x3x2048xf32, #tpu.memory_space<hbm>>
    %dma_wait3A_395 = arith.constant 0 : i32
    %dma_wait3A_396 = arith.constant 0 : i32
    %dma_wait3A_397 = tpu.memref_slice %arg3[%dma_wait3A_395, %dma_wait3A_396, %add3A_340] : memref<3x3x1048576xf32, #tpu.memory_space<hbm>> -> memref<3x3x2048xf32, #tpu.memory_space<hbm>>
    tpu.wait_dma2 semaphore(%arg12 : memref<!tpu.dma_semaphore, #tpu.memory_space<semaphore_mem>>) src(%arg7 : memref<3x3x2048xf32, #tpu.memory_space<vmem>>) dst(%dma_wait3A_397 : memref<3x3x2048xf32, #tpu.memory_space<hbm>>)
    %parallel_loop3A_398 = arith.constant 0 : i32
    %parallel_loop3A_399 = arith.constant 128 : i32
    %parallel_loop3A_400 = arith.constant 1 : i32
    scf.for %parallel_loop3A_686 = %parallel_loop3A_398 to %parallel_loop3A_399 step %parallel_loop3A_400  : i32 {
      %parallel_loop3A_687 = arith.constant 16 : i32
      %parallel_loop3A_688 = arith.muli %parallel_loop3A_686, %parallel_loop3A_687 : i32
      %parallel_loop3A_689 = arith.constant 0 : i32
      %parallel_loop3A_690 = arith.constant 0 : i32
      %parallel_loop3A_691 = arith.index_cast %parallel_loop3A_689 : i32 to index
      %parallel_loop3A_692 = arith.index_cast %parallel_loop3A_690 : i32 to index
      %parallel_loop3A_693 = arith.index_cast %parallel_loop3A_688 : i32 to index
      %parallel_loop3A_694 = tpu.vector_load %arg5[%parallel_loop3A_691, %parallel_loop3A_692, %parallel_loop3A_693] {strides = array<i32>} : memref<3x3x2048xf32, #tpu.memory_space<vmem>>, vector<1x1x16xf32>,
      %parallel_loop3A_695 = vector.shape_cast %parallel_loop3A_694 : vector<1x1x16xf32> to vector<16xf32>
      %parallel_loop3A_696 = arith.constant 0.000000e+00 : f32
      %parallel_loop3A_697 = vector.broadcast %parallel_loop3A_696 : f32 to vector<16xf32>
      %parallel_loop3A_698 = arith.cmpf oeq, %parallel_loop3A_695, %parallel_loop3A_697 : vector<16xf32>
      %parallel_loop3A_699 = arith.constant 2.000000e+00 : f32
      %parallel_loop3A_700 = vector.broadcast %parallel_loop3A_699 : f32 to vector<16xf32>
      %parallel_loop3A_701 = arith.select %parallel_loop3A_698, %parallel_loop3A_695, %parallel_loop3A_700 : vector<16xi1>, vector<16xf32>
      %parallel_loop3A_702 = arith.constant 0 : i32
      %parallel_loop3A_703 = arith.constant 0 : i32
      %parallel_loop3A_704 = arith.index_cast %parallel_loop3A_702 : i32 to index
      %parallel_loop3A_705 = arith.index_cast %parallel_loop3A_703 : i32 to index
      %parallel_loop3A_706 = arith.index_cast %parallel_loop3A_688 : i32 to index
      %parallel_loop3A_707 = tpu.vector_load %arg7[%parallel_loop3A_704, %parallel_loop3A_705, %parallel_loop3A_706] {strides = array<i32>} : memref<3x3x2048xf32, #tpu.memory_space<vmem>>, vector<1x1x16xf32>,
      %parallel_loop3A_708 = vector.shape_cast %parallel_loop3A_707 : vector<1x1x16xf32> to vector<16xf32>
      %parallel_loop3A_709 = vector.shape_cast %parallel_loop3A_701 : vector<16xf32> to vector<1x1x16xf32>
      tpu.vector_store %arg7[%parallel_loop3A_704, %parallel_loop3A_705, %parallel_loop3A_706], %parallel_loop3A_709 {strides = array<i32>} : memref<3x3x2048xf32, #tpu.memory_space<vmem>>, vector<1x1x16xf32>,
      %parallel_loop3A_710 = arith.constant 0 : i32
      %parallel_loop3A_711 = arith.constant 1 : i32
      %parallel_loop3A_712 = arith.index_cast %parallel_loop3A_710 : i32 to index
      %parallel_loop3A_713 = arith.index_cast %parallel_loop3A_711 : i32 to index
      %parallel_loop3A_714 = arith.index_cast %parallel_loop3A_688 : i32 to index
      %parallel_loop3A_715 = tpu.vector_load %arg5[%parallel_loop3A_712, %parallel_loop3A_713, %parallel_loop3A_714] {strides = array<i32>} : memref<3x3x2048xf32, #tpu.memory_space<vmem>>, vector<1x1x16xf32>,
      %parallel_loop3A_716 = vector.shape_cast %parallel_loop3A_715 : vector<1x1x16xf32> to vector<16xf32>
      %parallel_loop3A_717 = arith.constant 0.000000e+00 : f32
      %parallel_loop3A_718 = vector.broadcast %parallel_loop3A_717 : f32 to vector<16xf32>
      %parallel_loop3A_719 = arith.cmpf oeq, %parallel_loop3A_716, %parallel_loop3A_718 : vector<16xf32>
      %parallel_loop3A_720 = arith.constant 2.000000e+00 : f32
      %parallel_loop3A_721 = vector.broadcast %parallel_loop3A_720 : f32 to vector<16xf32>
      %parallel_loop3A_722 = arith.select %parallel_loop3A_719, %parallel_loop3A_716, %parallel_loop3A_721 : vector<16xi1>, vector<16xf32>
      %parallel_loop3A_723 = arith.constant 0 : i32
      %parallel_loop3A_724 = arith.constant 1 : i32
      %parallel_loop3A_725 = arith.index_cast %parallel_loop3A_723 : i32 to index
      %parallel_loop3A_726 = arith.index_cast %parallel_loop3A_724 : i32 to index
      %parallel_loop3A_727 = arith.index_cast %parallel_loop3A_688 : i32 to index
      %parallel_loop3A_728 = tpu.vector_load %arg7[%parallel_loop3A_725, %parallel_loop3A_726, %parallel_loop3A_727] {strides = array<i32>} : memref<3x3x2048xf32, #tpu.memory_space<vmem>>, vector<1x1x16xf32>,
      %parallel_loop3A_729 = vector.shape_cast %parallel_loop3A_728 : vector<1x1x16xf32> to vector<16xf32>
      %parallel_loop3A_730 = vector.shape_cast %parallel_loop3A_722 : vector<16xf32> to vector<1x1x16xf32>
      tpu.vector_store %arg7[%parallel_loop3A_725, %parallel_loop3A_726, %parallel_loop3A_727], %parallel_loop3A_730 {strides = array<i32>} : memref<3x3x2048xf32, #tpu.memory_space<vmem>>, vector<1x1x16xf32>,
      %parallel_loop3A_731 = arith.constant 0 : i32
      %parallel_loop3A_732 = arith.constant 2 : i32
      %parallel_loop3A_733 = arith.index_cast %parallel_loop3A_731 : i32 to index
      %parallel_loop3A_734 = arith.index_cast %parallel_loop3A_732 : i32 to index
      %parallel_loop3A_735 = arith.index_cast %parallel_loop3A_688 : i32 to index
      %parallel_loop3A_736 = tpu.vector_load %arg5[%parallel_loop3A_733, %parallel_loop3A_734, %parallel_loop3A_735] {strides = array<i32>} : memref<3x3x2048xf32, #tpu.memory_space<vmem>>, vector<1x1x16xf32>,
      %parallel_loop3A_737 = vector.shape_cast %parallel_loop3A_736 : vector<1x1x16xf32> to vector<16xf32>
      %parallel_loop3A_738 = arith.constant 0.000000e+00 : f32
      %parallel_loop3A_739 = vector.broadcast %parallel_loop3A_738 : f32 to vector<16xf32>
      %parallel_loop3A_740 = arith.cmpf oeq, %parallel_loop3A_737, %parallel_loop3A_739 : vector<16xf32>
      %parallel_loop3A_741 = arith.constant 2.000000e+00 : f32
      %parallel_loop3A_742 = vector.broadcast %parallel_loop3A_741 : f32 to vector<16xf32>
      %parallel_loop3A_743 = arith.select %parallel_loop3A_740, %parallel_loop3A_737, %parallel_loop3A_742 : vector<16xi1>, vector<16xf32>
      %parallel_loop3A_744 = arith.constant 0 : i32
      %parallel_loop3A_745 = arith.constant 2 : i32
      %parallel_loop3A_746 = arith.index_cast %parallel_loop3A_744 : i32 to index
      %parallel_loop3A_747 = arith.index_cast %parallel_loop3A_745 : i32 to index
      %parallel_loop3A_748 = arith.index_cast %parallel_loop3A_688 : i32 to index
      %parallel_loop3A_749 = tpu.vector_load %arg7[%parallel_loop3A_746, %parallel_loop3A_747, %parallel_loop3A_748] {strides = array<i32>} : memref<3x3x2048xf32, #tpu.memory_space<vmem>>, vector<1x1x16xf32>,
      %parallel_loop3A_750 = vector.shape_cast %parallel_loop3A_749 : vector<1x1x16xf32> to vector<16xf32>
      %parallel_loop3A_751 = vector.shape_cast %parallel_loop3A_743 : vector<16xf32> to vector<1x1x16xf32>
      tpu.vector_store %arg7[%parallel_loop3A_746, %parallel_loop3A_747, %parallel_loop3A_748], %parallel_loop3A_751 {strides = array<i32>} : memref<3x3x2048xf32, #tpu.memory_space<vmem>>, vector<1x1x16xf32>,
      %parallel_loop3A_752 = arith.constant 1 : i32
      %parallel_loop3A_753 = arith.constant 0 : i32
      %parallel_loop3A_754 = arith.index_cast %parallel_loop3A_752 : i32 to index
      %parallel_loop3A_755 = arith.index_cast %parallel_loop3A_753 : i32 to index
      %parallel_loop3A_756 = arith.index_cast %parallel_loop3A_688 : i32 to index
      %parallel_loop3A_757 = tpu.vector_load %arg5[%parallel_loop3A_754, %parallel_loop3A_755, %parallel_loop3A_756] {strides = array<i32>} : memref<3x3x2048xf32, #tpu.memory_space<vmem>>, vector<1x1x16xf32>,
      %parallel_loop3A_758 = vector.shape_cast %parallel_loop3A_757 : vector<1x1x16xf32> to vector<16xf32>
      %parallel_loop3A_759 = arith.constant 0.000000e+00 : f32
      %parallel_loop3A_760 = vector.broadcast %parallel_loop3A_759 : f32 to vector<16xf32>
      %parallel_loop3A_761 = arith.cmpf oeq, %parallel_loop3A_758, %parallel_loop3A_760 : vector<16xf32>
      %parallel_loop3A_762 = arith.constant 2.000000e+00 : f32
      %parallel_loop3A_763 = vector.broadcast %parallel_loop3A_762 : f32 to vector<16xf32>
      %parallel_loop3A_764 = arith.select %parallel_loop3A_761, %parallel_loop3A_758, %parallel_loop3A_763 : vector<16xi1>, vector<16xf32>
      %parallel_loop3A_765 = arith.constant 1 : i32
      %parallel_loop3A_766 = arith.constant 0 : i32
      %parallel_loop3A_767 = arith.index_cast %parallel_loop3A_765 : i32 to index
      %parallel_loop3A_768 = arith.index_cast %parallel_loop3A_766 : i32 to index
      %parallel_loop3A_769 = arith.index_cast %parallel_loop3A_688 : i32 to index
      %parallel_loop3A_770 = tpu.vector_load %arg7[%parallel_loop3A_767, %parallel_loop3A_768, %parallel_loop3A_769] {strides = array<i32>} : memref<3x3x2048xf32, #tpu.memory_space<vmem>>, vector<1x1x16xf32>,
      %parallel_loop3A_771 = vector.shape_cast %parallel_loop3A_770 : vector<1x1x16xf32> to vector<16xf32>
      %parallel_loop3A_772 = vector.shape_cast %parallel_loop3A_764 : vector<16xf32> to vector<1x1x16xf32>
      tpu.vector_store %arg7[%parallel_loop3A_767, %parallel_loop3A_768, %parallel_loop3A_769], %parallel_loop3A_772 {strides = array<i32>} : memref<3x3x2048xf32, #tpu.memory_space<vmem>>, vector<1x1x16xf32>,
      %parallel_loop3A_773 = arith.constant 1 : i32
      %parallel_loop3A_774 = arith.constant 1 : i32
      %parallel_loop3A_775 = arith.index_cast %parallel_loop3A_773 : i32 to index
      %parallel_loop3A_776 = arith.index_cast %parallel_loop3A_774 : i32 to index
      %parallel_loop3A_777 = arith.index_cast %parallel_loop3A_688 : i32 to index
      %parallel_loop3A_778 = tpu.vector_load %arg5[%parallel_loop3A_775, %parallel_loop3A_776, %parallel_loop3A_777] {strides = array<i32>} : memref<3x3x2048xf32, #tpu.memory_space<vmem>>, vector<1x1x16xf32>,
      %parallel_loop3A_779 = vector.shape_cast %parallel_loop3A_778 : vector<1x1x16xf32> to vector<16xf32>
      %parallel_loop3A_780 = arith.constant 0.000000e+00 : f32
      %parallel_loop3A_781 = vector.broadcast %parallel_loop3A_780 : f32 to vector<16xf32>
      %parallel_loop3A_782 = arith.cmpf oeq, %parallel_loop3A_779, %parallel_loop3A_781 : vector<16xf32>
      %parallel_loop3A_783 = arith.constant 2.000000e+00 : f32
      %parallel_loop3A_784 = vector.broadcast %parallel_loop3A_783 : f32 to vector<16xf32>
      %parallel_loop3A_785 = arith.select %parallel_loop3A_782, %parallel_loop3A_779, %parallel_loop3A_784 : vector<16xi1>, vector<16xf32>
      %parallel_loop3A_786 = arith.constant 1 : i32
      %parallel_loop3A_787 = arith.constant 1 : i32
      %parallel_loop3A_788 = arith.index_cast %parallel_loop3A_786 : i32 to index
      %parallel_loop3A_789 = arith.index_cast %parallel_loop3A_787 : i32 to index
      %parallel_loop3A_790 = arith.index_cast %parallel_loop3A_688 : i32 to index
      %parallel_loop3A_791 = tpu.vector_load %arg7[%parallel_loop3A_788, %parallel_loop3A_789, %parallel_loop3A_790] {strides = array<i32>} : memref<3x3x2048xf32, #tpu.memory_space<vmem>>, vector<1x1x16xf32>,
      %parallel_loop3A_792 = vector.shape_cast %parallel_loop3A_791 : vector<1x1x16xf32> to vector<16xf32>
      %parallel_loop3A_793 = vector.shape_cast %parallel_loop3A_785 : vector<16xf32> to vector<1x1x16xf32>
      tpu.vector_store %arg7[%parallel_loop3A_788, %parallel_loop3A_789, %parallel_loop3A_790], %parallel_loop3A_793 {strides = array<i32>} : memref<3x3x2048xf32, #tpu.memory_space<vmem>>, vector<1x1x16xf32>,
      %parallel_loop3A_794 = arith.constant 1 : i32
      %parallel_loop3A_795 = arith.constant 2 : i32
      %parallel_loop3A_796 = arith.index_cast %parallel_loop3A_794 : i32 to index
      %parallel_loop3A_797 = arith.index_cast %parallel_loop3A_795 : i32 to index
      %parallel_loop3A_798 = arith.index_cast %parallel_loop3A_688 : i32 to index
      %parallel_loop3A_799 = tpu.vector_load %arg5[%parallel_loop3A_796, %parallel_loop3A_797, %parallel_loop3A_798] {strides = array<i32>} : memref<3x3x2048xf32, #tpu.memory_space<vmem>>, vector<1x1x16xf32>,
      %parallel_loop3A_800 = vector.shape_cast %parallel_loop3A_799 : vector<1x1x16xf32> to vector<16xf32>
      %parallel_loop3A_801 = arith.constant 0.000000e+00 : f32
      %parallel_loop3A_802 = vector.broadcast %parallel_loop3A_801 : f32 to vector<16xf32>
      %parallel_loop3A_803 = arith.cmpf oeq, %parallel_loop3A_800, %parallel_loop3A_802 : vector<16xf32>
      %parallel_loop3A_804 = arith.constant 2.000000e+00 : f32
      %parallel_loop3A_805 = vector.broadcast %parallel_loop3A_804 : f32 to vector<16xf32>
      %parallel_loop3A_806 = arith.select %parallel_loop3A_803, %parallel_loop3A_800, %parallel_loop3A_805 : vector<16xi1>, vector<16xf32>
      %parallel_loop3A_807 = arith.constant 1 : i32
      %parallel_loop3A_808 = arith.constant 2 : i32
      %parallel_loop3A_809 = arith.index_cast %parallel_loop3A_807 : i32 to index
      %parallel_loop3A_810 = arith.index_cast %parallel_loop3A_808 : i32 to index
      %parallel_loop3A_811 = arith.index_cast %parallel_loop3A_688 : i32 to index
      %parallel_loop3A_812 = tpu.vector_load %arg7[%parallel_loop3A_809, %parallel_loop3A_810, %parallel_loop3A_811] {strides = array<i32>} : memref<3x3x2048xf32, #tpu.memory_space<vmem>>, vector<1x1x16xf32>,
      %parallel_loop3A_813 = vector.shape_cast %parallel_loop3A_812 : vector<1x1x16xf32> to vector<16xf32>
      %parallel_loop3A_814 = vector.shape_cast %parallel_loop3A_806 : vector<16xf32> to vector<1x1x16xf32>
      tpu.vector_store %arg7[%parallel_loop3A_809, %parallel_loop3A_810, %parallel_loop3A_811], %parallel_loop3A_814 {strides = array<i32>} : memref<3x3x2048xf32, #tpu.memory_space<vmem>>, vector<1x1x16xf32>,
      %parallel_loop3A_815 = arith.constant 2 : i32
      %parallel_loop3A_816 = arith.constant 0 : i32
      %parallel_loop3A_817 = arith.index_cast %parallel_loop3A_815 : i32 to index
      %parallel_loop3A_818 = arith.index_cast %parallel_loop3A_816 : i32 to index
      %parallel_loop3A_819 = arith.index_cast %parallel_loop3A_688 : i32 to index
      %parallel_loop3A_820 = tpu.vector_load %arg5[%parallel_loop3A_817, %parallel_loop3A_818, %parallel_loop3A_819] {strides = array<i32>} : memref<3x3x2048xf32, #tpu.memory_space<vmem>>, vector<1x1x16xf32>,
      %parallel_loop3A_821 = vector.shape_cast %parallel_loop3A_820 : vector<1x1x16xf32> to vector<16xf32>
      %parallel_loop3A_822 = arith.constant 0.000000e+00 : f32
      %parallel_loop3A_823 = vector.broadcast %parallel_loop3A_822 : f32 to vector<16xf32>
      %parallel_loop3A_824 = arith.cmpf oeq, %parallel_loop3A_821, %parallel_loop3A_823 : vector<16xf32>
      %parallel_loop3A_825 = arith.constant 2.000000e+00 : f32
      %parallel_loop3A_826 = vector.broadcast %parallel_loop3A_825 : f32 to vector<16xf32>
      %parallel_loop3A_827 = arith.select %parallel_loop3A_824, %parallel_loop3A_821, %parallel_loop3A_826 : vector<16xi1>, vector<16xf32>
      %parallel_loop3A_828 = arith.constant 2 : i32
      %parallel_loop3A_829 = arith.constant 0 : i32
      %parallel_loop3A_830 = arith.index_cast %parallel_loop3A_828 : i32 to index
      %parallel_loop3A_831 = arith.index_cast %parallel_loop3A_829 : i32 to index
      %parallel_loop3A_832 = arith.index_cast %parallel_loop3A_688 : i32 to index
      %parallel_loop3A_833 = tpu.vector_load %arg7[%parallel_loop3A_830, %parallel_loop3A_831, %parallel_loop3A_832] {strides = array<i32>} : memref<3x3x2048xf32, #tpu.memory_space<vmem>>, vector<1x1x16xf32>,
      %parallel_loop3A_834 = vector.shape_cast %parallel_loop3A_833 : vector<1x1x16xf32> to vector<16xf32>
      %parallel_loop3A_835 = vector.shape_cast %parallel_loop3A_827 : vector<16xf32> to vector<1x1x16xf32>
      tpu.vector_store %arg7[%parallel_loop3A_830, %parallel_loop3A_831, %parallel_loop3A_832], %parallel_loop3A_835 {strides = array<i32>} : memref<3x3x2048xf32, #tpu.memory_space<vmem>>, vector<1x1x16xf32>,
      %parallel_loop3A_836 = arith.constant 2 : i32
      %parallel_loop3A_837 = arith.constant 1 : i32
      %parallel_loop3A_838 = arith.index_cast %parallel_loop3A_836 : i32 to index
      %parallel_loop3A_839 = arith.index_cast %parallel_loop3A_837 : i32 to index
      %parallel_loop3A_840 = arith.index_cast %parallel_loop3A_688 : i32 to index
      %parallel_loop3A_841 = tpu.vector_load %arg5[%parallel_loop3A_838, %parallel_loop3A_839, %parallel_loop3A_840] {strides = array<i32>} : memref<3x3x2048xf32, #tpu.memory_space<vmem>>, vector<1x1x16xf32>,
      %parallel_loop3A_842 = vector.shape_cast %parallel_loop3A_841 : vector<1x1x16xf32> to vector<16xf32>
      %parallel_loop3A_843 = arith.constant 0.000000e+00 : f32
      %parallel_loop3A_844 = vector.broadcast %parallel_loop3A_843 : f32 to vector<16xf32>
      %parallel_loop3A_845 = arith.cmpf oeq, %parallel_loop3A_842, %parallel_loop3A_844 : vector<16xf32>
      %parallel_loop3A_846 = arith.constant 2.000000e+00 : f32
      %parallel_loop3A_847 = vector.broadcast %parallel_loop3A_846 : f32 to vector<16xf32>
      %parallel_loop3A_848 = arith.select %parallel_loop3A_845, %parallel_loop3A_842, %parallel_loop3A_847 : vector<16xi1>, vector<16xf32>
      %parallel_loop3A_849 = arith.constant 2 : i32
      %parallel_loop3A_850 = arith.constant 1 : i32
      %parallel_loop3A_851 = arith.index_cast %parallel_loop3A_849 : i32 to index
      %parallel_loop3A_852 = arith.index_cast %parallel_loop3A_850 : i32 to index
      %parallel_loop3A_853 = arith.index_cast %parallel_loop3A_688 : i32 to index
      %parallel_loop3A_854 = tpu.vector_load %arg7[%parallel_loop3A_851, %parallel_loop3A_852, %parallel_loop3A_853] {strides = array<i32>} : memref<3x3x2048xf32, #tpu.memory_space<vmem>>, vector<1x1x16xf32>,
      %parallel_loop3A_855 = vector.shape_cast %parallel_loop3A_854 : vector<1x1x16xf32> to vector<16xf32>
      %parallel_loop3A_856 = vector.shape_cast %parallel_loop3A_848 : vector<16xf32> to vector<1x1x16xf32>
      tpu.vector_store %arg7[%parallel_loop3A_851, %parallel_loop3A_852, %parallel_loop3A_853], %parallel_loop3A_856 {strides = array<i32>} : memref<3x3x2048xf32, #tpu.memory_space<vmem>>, vector<1x1x16xf32>,
      %parallel_loop3A_857 = arith.constant 2 : i32
      %parallel_loop3A_858 = arith.constant 2 : i32
      %parallel_loop3A_859 = arith.index_cast %parallel_loop3A_857 : i32 to index
      %parallel_loop3A_860 = arith.index_cast %parallel_loop3A_858 : i32 to index
      %parallel_loop3A_861 = arith.index_cast %parallel_loop3A_688 : i32 to index
      %parallel_loop3A_862 = tpu.vector_load %arg5[%parallel_loop3A_859, %parallel_loop3A_860, %parallel_loop3A_861] {strides = array<i32>} : memref<3x3x2048xf32, #tpu.memory_space<vmem>>, vector<1x1x16xf32>,
      %parallel_loop3A_863 = vector.shape_cast %parallel_loop3A_862 : vector<1x1x16xf32> to vector<16xf32>
      %parallel_loop3A_864 = arith.constant 0.000000e+00 : f32
      %parallel_loop3A_865 = vector.broadcast %parallel_loop3A_864 : f32 to vector<16xf32>
      %parallel_loop3A_866 = arith.cmpf oeq, %parallel_loop3A_863, %parallel_loop3A_865 : vector<16xf32>
      %parallel_loop3A_867 = arith.constant 2.000000e+00 : f32
      %parallel_loop3A_868 = vector.broadcast %parallel_loop3A_867 : f32 to vector<16xf32>
      %parallel_loop3A_869 = arith.select %parallel_loop3A_866, %parallel_loop3A_863, %parallel_loop3A_868 : vector<16xi1>, vector<16xf32>
      %parallel_loop3A_870 = arith.constant 2 : i32
      %parallel_loop3A_871 = arith.constant 2 : i32
      %parallel_loop3A_872 = arith.index_cast %parallel_loop3A_870 : i32 to index
      %parallel_loop3A_873 = arith.index_cast %parallel_loop3A_871 : i32 to index
      %parallel_loop3A_874 = arith.index_cast %parallel_loop3A_688 : i32 to index
      %parallel_loop3A_875 = tpu.vector_load %arg7[%parallel_loop3A_872, %parallel_loop3A_873, %parallel_loop3A_874] {strides = array<i32>} : memref<3x3x2048xf32, #tpu.memory_space<vmem>>, vector<1x1x16xf32>,
      %parallel_loop3A_876 = vector.shape_cast %parallel_loop3A_875 : vector<1x1x16xf32> to vector<16xf32>
      %parallel_loop3A_877 = vector.shape_cast %parallel_loop3A_869 : vector<16xf32> to vector<1x1x16xf32>
      tpu.vector_store %arg7[%parallel_loop3A_872, %parallel_loop3A_873, %parallel_loop3A_874], %parallel_loop3A_877 {strides = array<i32>} : memref<3x3x2048xf32, #tpu.memory_space<vmem>>, vector<1x1x16xf32>,
    } {sc.loop_unroll_factor = 1 : i64, sc.parallel_access}
    %add3A_401 = arith.constant 18432 : i32
    %add3A_402 = arith.addi %mul3A_2, %add3A_401 : i32
    %dma_start3A_403 = arith.constant 0 : i32
    %dma_start3A_404 = arith.constant 0 : i32
    %dma_start3A_405 = tpu.memref_slice %arg3[%dma_start3A_403, %dma_start3A_404, %add3A_402] : memref<3x3x1048576xf32, #tpu.memory_space<hbm>> -> memref<3x3x2048xf32, #tpu.memory_space<hbm>>
    %dma_start3A_406 = arith.constant 0 : i32
    %dma_start3A_407 = arith.constant 0 : i32
    %dma_start3A_408 = tpu.memref_slice %arg3[%dma_start3A_406, %dma_start3A_407, %add3A_402] : memref<3x3x1048576xf32, #tpu.memory_space<hbm>> -> memref<3x3x2048xf32, #tpu.memory_space<hbm>>
    tpu.enqueue_dma source(%arg7 : memref<3x3x2048xf32, #tpu.memory_space<vmem>>) target(%dma_start3A_408 : memref<3x3x2048xf32, #tpu.memory_space<hbm>>) target_semaphore(%arg12 : memref<!tpu.dma_semaphore, #tpu.memory_space<semaphore_mem>>)
    %add3A_409 = arith.constant 24576 : i32
    %add3A_410 = arith.addi %mul3A_2, %add3A_409 : i32
    %dma_start3A_411 = arith.constant 0 : i32
    %dma_start3A_412 = arith.constant 0 : i32
    %dma_start3A_413 = tpu.memref_slice %arg2[%dma_start3A_411, %dma_start3A_412, %add3A_410] : memref<3x3x1048576xf32, #tpu.memory_space<hbm>> -> memref<3x3x2048xf32, #tpu.memory_space<hbm>>
    %dma_start3A_414 = arith.constant 0 : i32
    %dma_start3A_415 = arith.constant 0 : i32
    %dma_start3A_416 = tpu.memref_slice %arg2[%dma_start3A_414, %dma_start3A_415, %add3A_410] : memref<3x3x1048576xf32, #tpu.memory_space<hbm>> -> memref<3x3x2048xf32, #tpu.memory_space<hbm>>
    tpu.enqueue_dma source(%dma_start3A_416 : memref<3x3x2048xf32, #tpu.memory_space<hbm>>) target(%arg5 : memref<3x3x2048xf32, #tpu.memory_space<vmem>>) target_semaphore(%arg10 : memref<!tpu.dma_semaphore, #tpu.memory_space<semaphore_mem>>)
    %dma_wait3A_417 = arith.constant 0 : i32
    %dma_wait3A_418 = arith.constant 0 : i32
    %dma_wait3A_419 = tpu.memref_slice %arg2[%dma_wait3A_417, %dma_wait3A_418, %add3A_348] : memref<3x3x1048576xf32, #tpu.memory_space<hbm>> -> memref<3x3x2048xf32, #tpu.memory_space<hbm>>
    %dma_wait3A_420 = arith.constant 0 : i32
    %dma_wait3A_421 = arith.constant 0 : i32
    %dma_wait3A_422 = tpu.memref_slice %arg2[%dma_wait3A_420, %dma_wait3A_421, %add3A_348] : memref<3x3x1048576xf32, #tpu.memory_space<hbm>> -> memref<3x3x2048xf32, #tpu.memory_space<hbm>>
    tpu.wait_dma2 semaphore(%arg11 : memref<!tpu.dma_semaphore, #tpu.memory_space<semaphore_mem>>) src(%dma_wait3A_422 : memref<3x3x2048xf32, #tpu.memory_space<hbm>>) dst(%arg6 : memref<3x3x2048xf32, #tpu.memory_space<vmem>>)
    %dma_wait3A_423 = arith.constant 0 : i32
    %dma_wait3A_424 = arith.constant 0 : i32
    %dma_wait3A_425 = tpu.memref_slice %arg3[%dma_wait3A_423, %dma_wait3A_424, %add3A_371] : memref<3x3x1048576xf32, #tpu.memory_space<hbm>> -> memref<3x3x2048xf32, #tpu.memory_space<hbm>>
    %dma_wait3A_426 = arith.constant 0 : i32
    %dma_wait3A_427 = arith.constant 0 : i32
    %dma_wait3A_428 = tpu.memref_slice %arg3[%dma_wait3A_426, %dma_wait3A_427, %add3A_371] : memref<3x3x1048576xf32, #tpu.memory_space<hbm>> -> memref<3x3x2048xf32, #tpu.memory_space<hbm>>
    tpu.wait_dma2 semaphore(%arg13 : memref<!tpu.dma_semaphore, #tpu.memory_space<semaphore_mem>>) src(%arg8 : memref<3x3x2048xf32, #tpu.memory_space<vmem>>) dst(%dma_wait3A_428 : memref<3x3x2048xf32, #tpu.memory_space<hbm>>)
    %parallel_loop3A_429 = arith.constant 0 : i32
    %parallel_loop3A_430 = arith.constant 128 : i32
    %parallel_loop3A_431 = arith.constant 1 : i32
    scf.for %parallel_loop3A_686 = %parallel_loop3A_429 to %parallel_loop3A_430 step %parallel_loop3A_431  : i32 {
      %parallel_loop3A_687 = arith.constant 16 : i32
      %parallel_loop3A_688 = arith.muli %parallel_loop3A_686, %parallel_loop3A_687 : i32
      %parallel_loop3A_689 = arith.constant 0 : i32
      %parallel_loop3A_690 = arith.constant 0 : i32
      %parallel_loop3A_691 = arith.index_cast %parallel_loop3A_689 : i32 to index
      %parallel_loop3A_692 = arith.index_cast %parallel_loop3A_690 : i32 to index
      %parallel_loop3A_693 = arith.index_cast %parallel_loop3A_688 : i32 to index
      %parallel_loop3A_694 = tpu.vector_load %arg6[%parallel_loop3A_691, %parallel_loop3A_692, %parallel_loop3A_693] {strides = array<i32>} : memref<3x3x2048xf32, #tpu.memory_space<vmem>>, vector<1x1x16xf32>,
      %parallel_loop3A_695 = vector.shape_cast %parallel_loop3A_694 : vector<1x1x16xf32> to vector<16xf32>
      %parallel_loop3A_696 = arith.constant 0.000000e+00 : f32
      %parallel_loop3A_697 = vector.broadcast %parallel_loop3A_696 : f32 to vector<16xf32>
      %parallel_loop3A_698 = arith.cmpf oeq, %parallel_loop3A_695, %parallel_loop3A_697 : vector<16xf32>
      %parallel_loop3A_699 = arith.constant 2.000000e+00 : f32
      %parallel_loop3A_700 = vector.broadcast %parallel_loop3A_699 : f32 to vector<16xf32>
      %parallel_loop3A_701 = arith.select %parallel_loop3A_698, %parallel_loop3A_695, %parallel_loop3A_700 : vector<16xi1>, vector<16xf32>
      %parallel_loop3A_702 = arith.constant 0 : i32
      %parallel_loop3A_703 = arith.constant 0 : i32
      %parallel_loop3A_704 = arith.index_cast %parallel_loop3A_702 : i32 to index
      %parallel_loop3A_705 = arith.index_cast %parallel_loop3A_703 : i32 to index
      %parallel_loop3A_706 = arith.index_cast %parallel_loop3A_688 : i32 to index
      %parallel_loop3A_707 = tpu.vector_load %arg8[%parallel_loop3A_704, %parallel_loop3A_705, %parallel_loop3A_706] {strides = array<i32>} : memref<3x3x2048xf32, #tpu.memory_space<vmem>>, vector<1x1x16xf32>,
      %parallel_loop3A_708 = vector.shape_cast %parallel_loop3A_707 : vector<1x1x16xf32> to vector<16xf32>
      %parallel_loop3A_709 = vector.shape_cast %parallel_loop3A_701 : vector<16xf32> to vector<1x1x16xf32>
      tpu.vector_store %arg8[%parallel_loop3A_704, %parallel_loop3A_705, %parallel_loop3A_706], %parallel_loop3A_709 {strides = array<i32>} : memref<3x3x2048xf32, #tpu.memory_space<vmem>>, vector<1x1x16xf32>,
      %parallel_loop3A_710 = arith.constant 0 : i32
      %parallel_loop3A_711 = arith.constant 1 : i32
      %parallel_loop3A_712 = arith.index_cast %parallel_loop3A_710 : i32 to index
      %parallel_loop3A_713 = arith.index_cast %parallel_loop3A_711 : i32 to index
      %parallel_loop3A_714 = arith.index_cast %parallel_loop3A_688 : i32 to index
      %parallel_loop3A_715 = tpu.vector_load %arg6[%parallel_loop3A_712, %parallel_loop3A_713, %parallel_loop3A_714] {strides = array<i32>} : memref<3x3x2048xf32, #tpu.memory_space<vmem>>, vector<1x1x16xf32>,
      %parallel_loop3A_716 = vector.shape_cast %parallel_loop3A_715 : vector<1x1x16xf32> to vector<16xf32>
      %parallel_loop3A_717 = arith.constant 0.000000e+00 : f32
      %parallel_loop3A_718 = vector.broadcast %parallel_loop3A_717 : f32 to vector<16xf32>
      %parallel_loop3A_719 = arith.cmpf oeq, %parallel_loop3A_716, %parallel_loop3A_718 : vector<16xf32>
      %parallel_loop3A_720 = arith.constant 2.000000e+00 : f32
      %parallel_loop3A_721 = vector.broadcast %parallel_loop3A_720 : f32 to vector<16xf32>
      %parallel_loop3A_722 = arith.select %parallel_loop3A_719, %parallel_loop3A_716, %parallel_loop3A_721 : vector<16xi1>, vector<16xf32>
      %parallel_loop3A_723 = arith.constant 0 : i32
      %parallel_loop3A_724 = arith.constant 1 : i32
      %parallel_loop3A_725 = arith.index_cast %parallel_loop3A_723 : i32 to index
      %parallel_loop3A_726 = arith.index_cast %parallel_loop3A_724 : i32 to index
      %parallel_loop3A_727 = arith.index_cast %parallel_loop3A_688 : i32 to index
      %parallel_loop3A_728 = tpu.vector_load %arg8[%parallel_loop3A_725, %parallel_loop3A_726, %parallel_loop3A_727] {strides = array<i32>} : memref<3x3x2048xf32, #tpu.memory_space<vmem>>, vector<1x1x16xf32>,
      %parallel_loop3A_729 = vector.shape_cast %parallel_loop3A_728 : vector<1x1x16xf32> to vector<16xf32>
      %parallel_loop3A_730 = vector.shape_cast %parallel_loop3A_722 : vector<16xf32> to vector<1x1x16xf32>
      tpu.vector_store %arg8[%parallel_loop3A_725, %parallel_loop3A_726, %parallel_loop3A_727], %parallel_loop3A_730 {strides = array<i32>} : memref<3x3x2048xf32, #tpu.memory_space<vmem>>, vector<1x1x16xf32>,
      %parallel_loop3A_731 = arith.constant 0 : i32
      %parallel_loop3A_732 = arith.constant 2 : i32
      %parallel_loop3A_733 = arith.index_cast %parallel_loop3A_731 : i32 to index
      %parallel_loop3A_734 = arith.index_cast %parallel_loop3A_732 : i32 to index
      %parallel_loop3A_735 = arith.index_cast %parallel_loop3A_688 : i32 to index
      %parallel_loop3A_736 = tpu.vector_load %arg6[%parallel_loop3A_733, %parallel_loop3A_734, %parallel_loop3A_735] {strides = array<i32>} : memref<3x3x2048xf32, #tpu.memory_space<vmem>>, vector<1x1x16xf32>,
      %parallel_loop3A_737 = vector.shape_cast %parallel_loop3A_736 : vector<1x1x16xf32> to vector<16xf32>
      %parallel_loop3A_738 = arith.constant 0.000000e+00 : f32
      %parallel_loop3A_739 = vector.broadcast %parallel_loop3A_738 : f32 to vector<16xf32>
      %parallel_loop3A_740 = arith.cmpf oeq, %parallel_loop3A_737, %parallel_loop3A_739 : vector<16xf32>
      %parallel_loop3A_741 = arith.constant 2.000000e+00 : f32
      %parallel_loop3A_742 = vector.broadcast %parallel_loop3A_741 : f32 to vector<16xf32>
      %parallel_loop3A_743 = arith.select %parallel_loop3A_740, %parallel_loop3A_737, %parallel_loop3A_742 : vector<16xi1>, vector<16xf32>
      %parallel_loop3A_744 = arith.constant 0 : i32
      %parallel_loop3A_745 = arith.constant 2 : i32
      %parallel_loop3A_746 = arith.index_cast %parallel_loop3A_744 : i32 to index
      %parallel_loop3A_747 = arith.index_cast %parallel_loop3A_745 : i32 to index
      %parallel_loop3A_748 = arith.index_cast %parallel_loop3A_688 : i32 to index
      %parallel_loop3A_749 = tpu.vector_load %arg8[%parallel_loop3A_746, %parallel_loop3A_747, %parallel_loop3A_748] {strides = array<i32>} : memref<3x3x2048xf32, #tpu.memory_space<vmem>>, vector<1x1x16xf32>,
      %parallel_loop3A_750 = vector.shape_cast %parallel_loop3A_749 : vector<1x1x16xf32> to vector<16xf32>
      %parallel_loop3A_751 = vector.shape_cast %parallel_loop3A_743 : vector<16xf32> to vector<1x1x16xf32>
      tpu.vector_store %arg8[%parallel_loop3A_746, %parallel_loop3A_747, %parallel_loop3A_748], %parallel_loop3A_751 {strides = array<i32>} : memref<3x3x2048xf32, #tpu.memory_space<vmem>>, vector<1x1x16xf32>,
      %parallel_loop3A_752 = arith.constant 1 : i32
      %parallel_loop3A_753 = arith.constant 0 : i32
      %parallel_loop3A_754 = arith.index_cast %parallel_loop3A_752 : i32 to index
      %parallel_loop3A_755 = arith.index_cast %parallel_loop3A_753 : i32 to index
      %parallel_loop3A_756 = arith.index_cast %parallel_loop3A_688 : i32 to index
      %parallel_loop3A_757 = tpu.vector_load %arg6[%parallel_loop3A_754, %parallel_loop3A_755, %parallel_loop3A_756] {strides = array<i32>} : memref<3x3x2048xf32, #tpu.memory_space<vmem>>, vector<1x1x16xf32>,
      %parallel_loop3A_758 = vector.shape_cast %parallel_loop3A_757 : vector<1x1x16xf32> to vector<16xf32>
      %parallel_loop3A_759 = arith.constant 0.000000e+00 : f32
      %parallel_loop3A_760 = vector.broadcast %parallel_loop3A_759 : f32 to vector<16xf32>
      %parallel_loop3A_761 = arith.cmpf oeq, %parallel_loop3A_758, %parallel_loop3A_760 : vector<16xf32>
      %parallel_loop3A_762 = arith.constant 2.000000e+00 : f32
      %parallel_loop3A_763 = vector.broadcast %parallel_loop3A_762 : f32 to vector<16xf32>
      %parallel_loop3A_764 = arith.select %parallel_loop3A_761, %parallel_loop3A_758, %parallel_loop3A_763 : vector<16xi1>, vector<16xf32>
      %parallel_loop3A_765 = arith.constant 1 : i32
      %parallel_loop3A_766 = arith.constant 0 : i32
      %parallel_loop3A_767 = arith.index_cast %parallel_loop3A_765 : i32 to index
      %parallel_loop3A_768 = arith.index_cast %parallel_loop3A_766 : i32 to index
      %parallel_loop3A_769 = arith.index_cast %parallel_loop3A_688 : i32 to index
      %parallel_loop3A_770 = tpu.vector_load %arg8[%parallel_loop3A_767, %parallel_loop3A_768, %parallel_loop3A_769] {strides = array<i32>} : memref<3x3x2048xf32, #tpu.memory_space<vmem>>, vector<1x1x16xf32>,
      %parallel_loop3A_771 = vector.shape_cast %parallel_loop3A_770 : vector<1x1x16xf32> to vector<16xf32>
      %parallel_loop3A_772 = vector.shape_cast %parallel_loop3A_764 : vector<16xf32> to vector<1x1x16xf32>
      tpu.vector_store %arg8[%parallel_loop3A_767, %parallel_loop3A_768, %parallel_loop3A_769], %parallel_loop3A_772 {strides = array<i32>} : memref<3x3x2048xf32, #tpu.memory_space<vmem>>, vector<1x1x16xf32>,
      %parallel_loop3A_773 = arith.constant 1 : i32
      %parallel_loop3A_774 = arith.constant 1 : i32
      %parallel_loop3A_775 = arith.index_cast %parallel_loop3A_773 : i32 to index
      %parallel_loop3A_776 = arith.index_cast %parallel_loop3A_774 : i32 to index
      %parallel_loop3A_777 = arith.index_cast %parallel_loop3A_688 : i32 to index
      %parallel_loop3A_778 = tpu.vector_load %arg6[%parallel_loop3A_775, %parallel_loop3A_776, %parallel_loop3A_777] {strides = array<i32>} : memref<3x3x2048xf32, #tpu.memory_space<vmem>>, vector<1x1x16xf32>,
      %parallel_loop3A_779 = vector.shape_cast %parallel_loop3A_778 : vector<1x1x16xf32> to vector<16xf32>
      %parallel_loop3A_780 = arith.constant 0.000000e+00 : f32
      %parallel_loop3A_781 = vector.broadcast %parallel_loop3A_780 : f32 to vector<16xf32>
      %parallel_loop3A_782 = arith.cmpf oeq, %parallel_loop3A_779, %parallel_loop3A_781 : vector<16xf32>
      %parallel_loop3A_783 = arith.constant 2.000000e+00 : f32
      %parallel_loop3A_784 = vector.broadcast %parallel_loop3A_783 : f32 to vector<16xf32>
      %parallel_loop3A_785 = arith.select %parallel_loop3A_782, %parallel_loop3A_779, %parallel_loop3A_784 : vector<16xi1>, vector<16xf32>
      %parallel_loop3A_786 = arith.constant 1 : i32
      %parallel_loop3A_787 = arith.constant 1 : i32
      %parallel_loop3A_788 = arith.index_cast %parallel_loop3A_786 : i32 to index
      %parallel_loop3A_789 = arith.index_cast %parallel_loop3A_787 : i32 to index
      %parallel_loop3A_790 = arith.index_cast %parallel_loop3A_688 : i32 to index
      %parallel_loop3A_791 = tpu.vector_load %arg8[%parallel_loop3A_788, %parallel_loop3A_789, %parallel_loop3A_790] {strides = array<i32>} : memref<3x3x2048xf32, #tpu.memory_space<vmem>>, vector<1x1x16xf32>,
      %parallel_loop3A_792 = vector.shape_cast %parallel_loop3A_791 : vector<1x1x16xf32> to vector<16xf32>
      %parallel_loop3A_793 = vector.shape_cast %parallel_loop3A_785 : vector<16xf32> to vector<1x1x16xf32>
      tpu.vector_store %arg8[%parallel_loop3A_788, %parallel_loop3A_789, %parallel_loop3A_790], %parallel_loop3A_793 {strides = array<i32>} : memref<3x3x2048xf32, #tpu.memory_space<vmem>>, vector<1x1x16xf32>,
      %parallel_loop3A_794 = arith.constant 1 : i32
      %parallel_loop3A_795 = arith.constant 2 : i32
      %parallel_loop3A_796 = arith.index_cast %parallel_loop3A_794 : i32 to index
      %parallel_loop3A_797 = arith.index_cast %parallel_loop3A_795 : i32 to index
      %parallel_loop3A_798 = arith.index_cast %parallel_loop3A_688 : i32 to index
      %parallel_loop3A_799 = tpu.vector_load %arg6[%parallel_loop3A_796, %parallel_loop3A_797, %parallel_loop3A_798] {strides = array<i32>} : memref<3x3x2048xf32, #tpu.memory_space<vmem>>, vector<1x1x16xf32>,
      %parallel_loop3A_800 = vector.shape_cast %parallel_loop3A_799 : vector<1x1x16xf32> to vector<16xf32>
      %parallel_loop3A_801 = arith.constant 0.000000e+00 : f32
      %parallel_loop3A_802 = vector.broadcast %parallel_loop3A_801 : f32 to vector<16xf32>
      %parallel_loop3A_803 = arith.cmpf oeq, %parallel_loop3A_800, %parallel_loop3A_802 : vector<16xf32>
      %parallel_loop3A_804 = arith.constant 2.000000e+00 : f32
      %parallel_loop3A_805 = vector.broadcast %parallel_loop3A_804 : f32 to vector<16xf32>
      %parallel_loop3A_806 = arith.select %parallel_loop3A_803, %parallel_loop3A_800, %parallel_loop3A_805 : vector<16xi1>, vector<16xf32>
      %parallel_loop3A_807 = arith.constant 1 : i32
      %parallel_loop3A_808 = arith.constant 2 : i32
      %parallel_loop3A_809 = arith.index_cast %parallel_loop3A_807 : i32 to index
      %parallel_loop3A_810 = arith.index_cast %parallel_loop3A_808 : i32 to index
      %parallel_loop3A_811 = arith.index_cast %parallel_loop3A_688 : i32 to index
      %parallel_loop3A_812 = tpu.vector_load %arg8[%parallel_loop3A_809, %parallel_loop3A_810, %parallel_loop3A_811] {strides = array<i32>} : memref<3x3x2048xf32, #tpu.memory_space<vmem>>, vector<1x1x16xf32>,
      %parallel_loop3A_813 = vector.shape_cast %parallel_loop3A_812 : vector<1x1x16xf32> to vector<16xf32>
      %parallel_loop3A_814 = vector.shape_cast %parallel_loop3A_806 : vector<16xf32> to vector<1x1x16xf32>
      tpu.vector_store %arg8[%parallel_loop3A_809, %parallel_loop3A_810, %parallel_loop3A_811], %parallel_loop3A_814 {strides = array<i32>} : memref<3x3x2048xf32, #tpu.memory_space<vmem>>, vector<1x1x16xf32>,
      %parallel_loop3A_815 = arith.constant 2 : i32
      %parallel_loop3A_816 = arith.constant 0 : i32
      %parallel_loop3A_817 = arith.index_cast %parallel_loop3A_815 : i32 to index
      %parallel_loop3A_818 = arith.index_cast %parallel_loop3A_816 : i32 to index
      %parallel_loop3A_819 = arith.index_cast %parallel_loop3A_688 : i32 to index
      %parallel_loop3A_820 = tpu.vector_load %arg6[%parallel_loop3A_817, %parallel_loop3A_818, %parallel_loop3A_819] {strides = array<i32>} : memref<3x3x2048xf32, #tpu.memory_space<vmem>>, vector<1x1x16xf32>,
      %parallel_loop3A_821 = vector.shape_cast %parallel_loop3A_820 : vector<1x1x16xf32> to vector<16xf32>
      %parallel_loop3A_822 = arith.constant 0.000000e+00 : f32
      %parallel_loop3A_823 = vector.broadcast %parallel_loop3A_822 : f32 to vector<16xf32>
      %parallel_loop3A_824 = arith.cmpf oeq, %parallel_loop3A_821, %parallel_loop3A_823 : vector<16xf32>
      %parallel_loop3A_825 = arith.constant 2.000000e+00 : f32
      %parallel_loop3A_826 = vector.broadcast %parallel_loop3A_825 : f32 to vector<16xf32>
      %parallel_loop3A_827 = arith.select %parallel_loop3A_824, %parallel_loop3A_821, %parallel_loop3A_826 : vector<16xi1>, vector<16xf32>
      %parallel_loop3A_828 = arith.constant 2 : i32
      %parallel_loop3A_829 = arith.constant 0 : i32
      %parallel_loop3A_830 = arith.index_cast %parallel_loop3A_828 : i32 to index
      %parallel_loop3A_831 = arith.index_cast %parallel_loop3A_829 : i32 to index
      %parallel_loop3A_832 = arith.index_cast %parallel_loop3A_688 : i32 to index
      %parallel_loop3A_833 = tpu.vector_load %arg8[%parallel_loop3A_830, %parallel_loop3A_831, %parallel_loop3A_832] {strides = array<i32>} : memref<3x3x2048xf32, #tpu.memory_space<vmem>>, vector<1x1x16xf32>,
      %parallel_loop3A_834 = vector.shape_cast %parallel_loop3A_833 : vector<1x1x16xf32> to vector<16xf32>
      %parallel_loop3A_835 = vector.shape_cast %parallel_loop3A_827 : vector<16xf32> to vector<1x1x16xf32>
      tpu.vector_store %arg8[%parallel_loop3A_830, %parallel_loop3A_831, %parallel_loop3A_832], %parallel_loop3A_835 {strides = array<i32>} : memref<3x3x2048xf32, #tpu.memory_space<vmem>>, vector<1x1x16xf32>,
      %parallel_loop3A_836 = arith.constant 2 : i32
      %parallel_loop3A_837 = arith.constant 1 : i32
      %parallel_loop3A_838 = arith.index_cast %parallel_loop3A_836 : i32 to index
      %parallel_loop3A_839 = arith.index_cast %parallel_loop3A_837 : i32 to index
      %parallel_loop3A_840 = arith.index_cast %parallel_loop3A_688 : i32 to index
      %parallel_loop3A_841 = tpu.vector_load %arg6[%parallel_loop3A_838, %parallel_loop3A_839, %parallel_loop3A_840] {strides = array<i32>} : memref<3x3x2048xf32, #tpu.memory_space<vmem>>, vector<1x1x16xf32>,
      %parallel_loop3A_842 = vector.shape_cast %parallel_loop3A_841 : vector<1x1x16xf32> to vector<16xf32>
      %parallel_loop3A_843 = arith.constant 0.000000e+00 : f32
      %parallel_loop3A_844 = vector.broadcast %parallel_loop3A_843 : f32 to vector<16xf32>
      %parallel_loop3A_845 = arith.cmpf oeq, %parallel_loop3A_842, %parallel_loop3A_844 : vector<16xf32>
      %parallel_loop3A_846 = arith.constant 2.000000e+00 : f32
      %parallel_loop3A_847 = vector.broadcast %parallel_loop3A_846 : f32 to vector<16xf32>
      %parallel_loop3A_848 = arith.select %parallel_loop3A_845, %parallel_loop3A_842, %parallel_loop3A_847 : vector<16xi1>, vector<16xf32>
      %parallel_loop3A_849 = arith.constant 2 : i32
      %parallel_loop3A_850 = arith.constant 1 : i32
      %parallel_loop3A_851 = arith.index_cast %parallel_loop3A_849 : i32 to index
      %parallel_loop3A_852 = arith.index_cast %parallel_loop3A_850 : i32 to index
      %parallel_loop3A_853 = arith.index_cast %parallel_loop3A_688 : i32 to index
      %parallel_loop3A_854 = tpu.vector_load %arg8[%parallel_loop3A_851, %parallel_loop3A_852, %parallel_loop3A_853] {strides = array<i32>} : memref<3x3x2048xf32, #tpu.memory_space<vmem>>, vector<1x1x16xf32>,
      %parallel_loop3A_855 = vector.shape_cast %parallel_loop3A_854 : vector<1x1x16xf32> to vector<16xf32>
      %parallel_loop3A_856 = vector.shape_cast %parallel_loop3A_848 : vector<16xf32> to vector<1x1x16xf32>
      tpu.vector_store %arg8[%parallel_loop3A_851, %parallel_loop3A_852, %parallel_loop3A_853], %parallel_loop3A_856 {strides = array<i32>} : memref<3x3x2048xf32, #tpu.memory_space<vmem>>, vector<1x1x16xf32>,
      %parallel_loop3A_857 = arith.constant 2 : i32
      %parallel_loop3A_858 = arith.constant 2 : i32
      %parallel_loop3A_859 = arith.index_cast %parallel_loop3A_857 : i32 to index
      %parallel_loop3A_860 = arith.index_cast %parallel_loop3A_858 : i32 to index
      %parallel_loop3A_861 = arith.index_cast %parallel_loop3A_688 : i32 to index
      %parallel_loop3A_862 = tpu.vector_load %arg6[%parallel_loop3A_859, %parallel_loop3A_860, %parallel_loop3A_861] {strides = array<i32>} : memref<3x3x2048xf32, #tpu.memory_space<vmem>>, vector<1x1x16xf32>,
      %parallel_loop3A_863 = vector.shape_cast %parallel_loop3A_862 : vector<1x1x16xf32> to vector<16xf32>
      %parallel_loop3A_864 = arith.constant 0.000000e+00 : f32
      %parallel_loop3A_865 = vector.broadcast %parallel_loop3A_864 : f32 to vector<16xf32>
      %parallel_loop3A_866 = arith.cmpf oeq, %parallel_loop3A_863, %parallel_loop3A_865 : vector<16xf32>
      %parallel_loop3A_867 = arith.constant 2.000000e+00 : f32
      %parallel_loop3A_868 = vector.broadcast %parallel_loop3A_867 : f32 to vector<16xf32>
      %parallel_loop3A_869 = arith.select %parallel_loop3A_866, %parallel_loop3A_863, %parallel_loop3A_868 : vector<16xi1>, vector<16xf32>
      %parallel_loop3A_870 = arith.constant 2 : i32
      %parallel_loop3A_871 = arith.constant 2 : i32
      %parallel_loop3A_872 = arith.index_cast %parallel_loop3A_870 : i32 to index
      %parallel_loop3A_873 = arith.index_cast %parallel_loop3A_871 : i32 to index
      %parallel_loop3A_874 = arith.index_cast %parallel_loop3A_688 : i32 to index
      %parallel_loop3A_875 = tpu.vector_load %arg8[%parallel_loop3A_872, %parallel_loop3A_873, %parallel_loop3A_874] {strides = array<i32>} : memref<3x3x2048xf32, #tpu.memory_space<vmem>>, vector<1x1x16xf32>,
      %parallel_loop3A_876 = vector.shape_cast %parallel_loop3A_875 : vector<1x1x16xf32> to vector<16xf32>
      %parallel_loop3A_877 = vector.shape_cast %parallel_loop3A_869 : vector<16xf32> to vector<1x1x16xf32>
      tpu.vector_store %arg8[%parallel_loop3A_872, %parallel_loop3A_873, %parallel_loop3A_874], %parallel_loop3A_877 {strides = array<i32>} : memref<3x3x2048xf32, #tpu.memory_space<vmem>>, vector<1x1x16xf32>,
    } {sc.loop_unroll_factor = 1 : i64, sc.parallel_access}
    %add3A_432 = arith.constant 20480 : i32
    %add3A_433 = arith.addi %mul3A_2, %add3A_432 : i32
    %dma_start3A_434 = arith.constant 0 : i32
    %dma_start3A_435 = arith.constant 0 : i32
    %dma_start3A_436 = tpu.memref_slice %arg3[%dma_start3A_434, %dma_start3A_435, %add3A_433] : memref<3x3x1048576xf32, #tpu.memory_space<hbm>> -> memref<3x3x2048xf32, #tpu.memory_space<hbm>>
    %dma_start3A_437 = arith.constant 0 : i32
    %dma_start3A_438 = arith.constant 0 : i32
    %dma_start3A_439 = tpu.memref_slice %arg3[%dma_start3A_437, %dma_start3A_438, %add3A_433] : memref<3x3x1048576xf32, #tpu.memory_space<hbm>> -> memref<3x3x2048xf32, #tpu.memory_space<hbm>>
    tpu.enqueue_dma source(%arg8 : memref<3x3x2048xf32, #tpu.memory_space<vmem>>) target(%dma_start3A_439 : memref<3x3x2048xf32, #tpu.memory_space<hbm>>) target_semaphore(%arg13 : memref<!tpu.dma_semaphore, #tpu.memory_space<semaphore_mem>>)
    %add3A_440 = arith.constant 26624 : i32
    %add3A_441 = arith.addi %mul3A_2, %add3A_440 : i32
    %dma_start3A_442 = arith.constant 0 : i32
    %dma_start3A_443 = arith.constant 0 : i32
    %dma_start3A_444 = tpu.memref_slice %arg2[%dma_start3A_442, %dma_start3A_443, %add3A_441] : memref<3x3x1048576xf32, #tpu.memory_space<hbm>> -> memref<3x3x2048xf32, #tpu.memory_space<hbm>>
    %dma_start3A_445 = arith.constant 0 : i32
    %dma_start3A_446 = arith.constant 0 : i32
    %dma_start3A_447 = tpu.memref_slice %arg2[%dma_start3A_445, %dma_start3A_446, %add3A_441] : memref<3x3x1048576xf32, #tpu.memory_space<hbm>> -> memref<3x3x2048xf32, #tpu.memory_space<hbm>>
    tpu.enqueue_dma source(%dma_start3A_447 : memref<3x3x2048xf32, #tpu.memory_space<hbm>>) target(%arg6 : memref<3x3x2048xf32, #tpu.memory_space<vmem>>) target_semaphore(%arg11 : memref<!tpu.dma_semaphore, #tpu.memory_space<semaphore_mem>>)
    %dma_wait3A_448 = arith.constant 0 : i32
    %dma_wait3A_449 = arith.constant 0 : i32
    %dma_wait3A_450 = tpu.memref_slice %arg2[%dma_wait3A_448, %dma_wait3A_449, %add3A_379] : memref<3x3x1048576xf32, #tpu.memory_space<hbm>> -> memref<3x3x2048xf32, #tpu.memory_space<hbm>>
    %dma_wait3A_451 = arith.constant 0 : i32
    %dma_wait3A_452 = arith.constant 0 : i32
    %dma_wait3A_453 = tpu.memref_slice %arg2[%dma_wait3A_451, %dma_wait3A_452, %add3A_379] : memref<3x3x1048576xf32, #tpu.memory_space<hbm>> -> memref<3x3x2048xf32, #tpu.memory_space<hbm>>
    tpu.wait_dma2 semaphore(%arg9 : memref<!tpu.dma_semaphore, #tpu.memory_space<semaphore_mem>>) src(%dma_wait3A_453 : memref<3x3x2048xf32, #tpu.memory_space<hbm>>) dst(%arg4 : memref<3x3x2048xf32, #tpu.memory_space<vmem>>)
    %dma_wait3A_454 = arith.constant 0 : i32
    %dma_wait3A_455 = arith.constant 0 : i32
    %dma_wait3A_456 = tpu.memref_slice %arg3[%dma_wait3A_454, %dma_wait3A_455, %add3A_402] : memref<3x3x1048576xf32, #tpu.memory_space<hbm>> -> memref<3x3x2048xf32, #tpu.memory_space<hbm>>
    %dma_wait3A_457 = arith.constant 0 : i32
    %dma_wait3A_458 = arith.constant 0 : i32
    %dma_wait3A_459 = tpu.memref_slice %arg3[%dma_wait3A_457, %dma_wait3A_458, %add3A_402] : memref<3x3x1048576xf32, #tpu.memory_space<hbm>> -> memref<3x3x2048xf32, #tpu.memory_space<hbm>>
    tpu.wait_dma2 semaphore(%arg12 : memref<!tpu.dma_semaphore, #tpu.memory_space<semaphore_mem>>) src(%arg7 : memref<3x3x2048xf32, #tpu.memory_space<vmem>>) dst(%dma_wait3A_459 : memref<3x3x2048xf32, #tpu.memory_space<hbm>>)
    %parallel_loop3A_460 = arith.constant 0 : i32
    %parallel_loop3A_461 = arith.constant 128 : i32
    %parallel_loop3A_462 = arith.constant 1 : i32
    scf.for %parallel_loop3A_686 = %parallel_loop3A_460 to %parallel_loop3A_461 step %parallel_loop3A_462  : i32 {
      %parallel_loop3A_687 = arith.constant 16 : i32
      %parallel_loop3A_688 = arith.muli %parallel_loop3A_686, %parallel_loop3A_687 : i32
      %parallel_loop3A_689 = arith.constant 0 : i32
      %parallel_loop3A_690 = arith.constant 0 : i32
      %parallel_loop3A_691 = arith.index_cast %parallel_loop3A_689 : i32 to index
      %parallel_loop3A_692 = arith.index_cast %parallel_loop3A_690 : i32 to index
      %parallel_loop3A_693 = arith.index_cast %parallel_loop3A_688 : i32 to index
      %parallel_loop3A_694 = tpu.vector_load %arg4[%parallel_loop3A_691, %parallel_loop3A_692, %parallel_loop3A_693] {strides = array<i32>} : memref<3x3x2048xf32, #tpu.memory_space<vmem>>, vector<1x1x16xf32>,
      %parallel_loop3A_695 = vector.shape_cast %parallel_loop3A_694 : vector<1x1x16xf32> to vector<16xf32>
      %parallel_loop3A_696 = arith.constant 0.000000e+00 : f32
      %parallel_loop3A_697 = vector.broadcast %parallel_loop3A_696 : f32 to vector<16xf32>
      %parallel_loop3A_698 = arith.cmpf oeq, %parallel_loop3A_695, %parallel_loop3A_697 : vector<16xf32>
      %parallel_loop3A_699 = arith.constant 2.000000e+00 : f32
      %parallel_loop3A_700 = vector.broadcast %parallel_loop3A_699 : f32 to vector<16xf32>
      %parallel_loop3A_701 = arith.select %parallel_loop3A_698, %parallel_loop3A_695, %parallel_loop3A_700 : vector<16xi1>, vector<16xf32>
      %parallel_loop3A_702 = arith.constant 0 : i32
      %parallel_loop3A_703 = arith.constant 0 : i32
      %parallel_loop3A_704 = arith.index_cast %parallel_loop3A_702 : i32 to index
      %parallel_loop3A_705 = arith.index_cast %parallel_loop3A_703 : i32 to index
      %parallel_loop3A_706 = arith.index_cast %parallel_loop3A_688 : i32 to index
      %parallel_loop3A_707 = tpu.vector_load %arg7[%parallel_loop3A_704, %parallel_loop3A_705, %parallel_loop3A_706] {strides = array<i32>} : memref<3x3x2048xf32, #tpu.memory_space<vmem>>, vector<1x1x16xf32>,
      %parallel_loop3A_708 = vector.shape_cast %parallel_loop3A_707 : vector<1x1x16xf32> to vector<16xf32>
      %parallel_loop3A_709 = vector.shape_cast %parallel_loop3A_701 : vector<16xf32> to vector<1x1x16xf32>
      tpu.vector_store %arg7[%parallel_loop3A_704, %parallel_loop3A_705, %parallel_loop3A_706], %parallel_loop3A_709 {strides = array<i32>} : memref<3x3x2048xf32, #tpu.memory_space<vmem>>, vector<1x1x16xf32>,
      %parallel_loop3A_710 = arith.constant 0 : i32
      %parallel_loop3A_711 = arith.constant 1 : i32
      %parallel_loop3A_712 = arith.index_cast %parallel_loop3A_710 : i32 to index
      %parallel_loop3A_713 = arith.index_cast %parallel_loop3A_711 : i32 to index
      %parallel_loop3A_714 = arith.index_cast %parallel_loop3A_688 : i32 to index
      %parallel_loop3A_715 = tpu.vector_load %arg4[%parallel_loop3A_712, %parallel_loop3A_713, %parallel_loop3A_714] {strides = array<i32>} : memref<3x3x2048xf32, #tpu.memory_space<vmem>>, vector<1x1x16xf32>,
      %parallel_loop3A_716 = vector.shape_cast %parallel_loop3A_715 : vector<1x1x16xf32> to vector<16xf32>
      %parallel_loop3A_717 = arith.constant 0.000000e+00 : f32
      %parallel_loop3A_718 = vector.broadcast %parallel_loop3A_717 : f32 to vector<16xf32>
      %parallel_loop3A_719 = arith.cmpf oeq, %parallel_loop3A_716, %parallel_loop3A_718 : vector<16xf32>
      %parallel_loop3A_720 = arith.constant 2.000000e+00 : f32
      %parallel_loop3A_721 = vector.broadcast %parallel_loop3A_720 : f32 to vector<16xf32>
      %parallel_loop3A_722 = arith.select %parallel_loop3A_719, %parallel_loop3A_716, %parallel_loop3A_721 : vector<16xi1>, vector<16xf32>
      %parallel_loop3A_723 = arith.constant 0 : i32
      %parallel_loop3A_724 = arith.constant 1 : i32
      %parallel_loop3A_725 = arith.index_cast %parallel_loop3A_723 : i32 to index
      %parallel_loop3A_726 = arith.index_cast %parallel_loop3A_724 : i32 to index
      %parallel_loop3A_727 = arith.index_cast %parallel_loop3A_688 : i32 to index
      %parallel_loop3A_728 = tpu.vector_load %arg7[%parallel_loop3A_725, %parallel_loop3A_726, %parallel_loop3A_727] {strides = array<i32>} : memref<3x3x2048xf32, #tpu.memory_space<vmem>>, vector<1x1x16xf32>,
      %parallel_loop3A_729 = vector.shape_cast %parallel_loop3A_728 : vector<1x1x16xf32> to vector<16xf32>
      %parallel_loop3A_730 = vector.shape_cast %parallel_loop3A_722 : vector<16xf32> to vector<1x1x16xf32>
      tpu.vector_store %arg7[%parallel_loop3A_725, %parallel_loop3A_726, %parallel_loop3A_727], %parallel_loop3A_730 {strides = array<i32>} : memref<3x3x2048xf32, #tpu.memory_space<vmem>>, vector<1x1x16xf32>,
      %parallel_loop3A_731 = arith.constant 0 : i32
      %parallel_loop3A_732 = arith.constant 2 : i32
      %parallel_loop3A_733 = arith.index_cast %parallel_loop3A_731 : i32 to index
      %parallel_loop3A_734 = arith.index_cast %parallel_loop3A_732 : i32 to index
      %parallel_loop3A_735 = arith.index_cast %parallel_loop3A_688 : i32 to index
      %parallel_loop3A_736 = tpu.vector_load %arg4[%parallel_loop3A_733, %parallel_loop3A_734, %parallel_loop3A_735] {strides = array<i32>} : memref<3x3x2048xf32, #tpu.memory_space<vmem>>, vector<1x1x16xf32>,
      %parallel_loop3A_737 = vector.shape_cast %parallel_loop3A_736 : vector<1x1x16xf32> to vector<16xf32>
      %parallel_loop3A_738 = arith.constant 0.000000e+00 : f32
      %parallel_loop3A_739 = vector.broadcast %parallel_loop3A_738 : f32 to vector<16xf32>
      %parallel_loop3A_740 = arith.cmpf oeq, %parallel_loop3A_737, %parallel_loop3A_739 : vector<16xf32>
      %parallel_loop3A_741 = arith.constant 2.000000e+00 : f32
      %parallel_loop3A_742 = vector.broadcast %parallel_loop3A_741 : f32 to vector<16xf32>
      %parallel_loop3A_743 = arith.select %parallel_loop3A_740, %parallel_loop3A_737, %parallel_loop3A_742 : vector<16xi1>, vector<16xf32>
      %parallel_loop3A_744 = arith.constant 0 : i32
      %parallel_loop3A_745 = arith.constant 2 : i32
      %parallel_loop3A_746 = arith.index_cast %parallel_loop3A_744 : i32 to index
      %parallel_loop3A_747 = arith.index_cast %parallel_loop3A_745 : i32 to index
      %parallel_loop3A_748 = arith.index_cast %parallel_loop3A_688 : i32 to index
      %parallel_loop3A_749 = tpu.vector_load %arg7[%parallel_loop3A_746, %parallel_loop3A_747, %parallel_loop3A_748] {strides = array<i32>} : memref<3x3x2048xf32, #tpu.memory_space<vmem>>, vector<1x1x16xf32>,
      %parallel_loop3A_750 = vector.shape_cast %parallel_loop3A_749 : vector<1x1x16xf32> to vector<16xf32>
      %parallel_loop3A_751 = vector.shape_cast %parallel_loop3A_743 : vector<16xf32> to vector<1x1x16xf32>
      tpu.vector_store %arg7[%parallel_loop3A_746, %parallel_loop3A_747, %parallel_loop3A_748], %parallel_loop3A_751 {strides = array<i32>} : memref<3x3x2048xf32, #tpu.memory_space<vmem>>, vector<1x1x16xf32>,
      %parallel_loop3A_752 = arith.constant 1 : i32
      %parallel_loop3A_753 = arith.constant 0 : i32
      %parallel_loop3A_754 = arith.index_cast %parallel_loop3A_752 : i32 to index
      %parallel_loop3A_755 = arith.index_cast %parallel_loop3A_753 : i32 to index
      %parallel_loop3A_756 = arith.index_cast %parallel_loop3A_688 : i32 to index
      %parallel_loop3A_757 = tpu.vector_load %arg4[%parallel_loop3A_754, %parallel_loop3A_755, %parallel_loop3A_756] {strides = array<i32>} : memref<3x3x2048xf32, #tpu.memory_space<vmem>>, vector<1x1x16xf32>,
      %parallel_loop3A_758 = vector.shape_cast %parallel_loop3A_757 : vector<1x1x16xf32> to vector<16xf32>
      %parallel_loop3A_759 = arith.constant 0.000000e+00 : f32
      %parallel_loop3A_760 = vector.broadcast %parallel_loop3A_759 : f32 to vector<16xf32>
      %parallel_loop3A_761 = arith.cmpf oeq, %parallel_loop3A_758, %parallel_loop3A_760 : vector<16xf32>
      %parallel_loop3A_762 = arith.constant 2.000000e+00 : f32
      %parallel_loop3A_763 = vector.broadcast %parallel_loop3A_762 : f32 to vector<16xf32>
      %parallel_loop3A_764 = arith.select %parallel_loop3A_761, %parallel_loop3A_758, %parallel_loop3A_763 : vector<16xi1>, vector<16xf32>
      %parallel_loop3A_765 = arith.constant 1 : i32
      %parallel_loop3A_766 = arith.constant 0 : i32
      %parallel_loop3A_767 = arith.index_cast %parallel_loop3A_765 : i32 to index
      %parallel_loop3A_768 = arith.index_cast %parallel_loop3A_766 : i32 to index
      %parallel_loop3A_769 = arith.index_cast %parallel_loop3A_688 : i32 to index
      %parallel_loop3A_770 = tpu.vector_load %arg7[%parallel_loop3A_767, %parallel_loop3A_768, %parallel_loop3A_769] {strides = array<i32>} : memref<3x3x2048xf32, #tpu.memory_space<vmem>>, vector<1x1x16xf32>,
      %parallel_loop3A_771 = vector.shape_cast %parallel_loop3A_770 : vector<1x1x16xf32> to vector<16xf32>
      %parallel_loop3A_772 = vector.shape_cast %parallel_loop3A_764 : vector<16xf32> to vector<1x1x16xf32>
      tpu.vector_store %arg7[%parallel_loop3A_767, %parallel_loop3A_768, %parallel_loop3A_769], %parallel_loop3A_772 {strides = array<i32>} : memref<3x3x2048xf32, #tpu.memory_space<vmem>>, vector<1x1x16xf32>,
      %parallel_loop3A_773 = arith.constant 1 : i32
      %parallel_loop3A_774 = arith.constant 1 : i32
      %parallel_loop3A_775 = arith.index_cast %parallel_loop3A_773 : i32 to index
      %parallel_loop3A_776 = arith.index_cast %parallel_loop3A_774 : i32 to index
      %parallel_loop3A_777 = arith.index_cast %parallel_loop3A_688 : i32 to index
      %parallel_loop3A_778 = tpu.vector_load %arg4[%parallel_loop3A_775, %parallel_loop3A_776, %parallel_loop3A_777] {strides = array<i32>} : memref<3x3x2048xf32, #tpu.memory_space<vmem>>, vector<1x1x16xf32>,
      %parallel_loop3A_779 = vector.shape_cast %parallel_loop3A_778 : vector<1x1x16xf32> to vector<16xf32>
      %parallel_loop3A_780 = arith.constant 0.000000e+00 : f32
      %parallel_loop3A_781 = vector.broadcast %parallel_loop3A_780 : f32 to vector<16xf32>
      %parallel_loop3A_782 = arith.cmpf oeq, %parallel_loop3A_779, %parallel_loop3A_781 : vector<16xf32>
      %parallel_loop3A_783 = arith.constant 2.000000e+00 : f32
      %parallel_loop3A_784 = vector.broadcast %parallel_loop3A_783 : f32 to vector<16xf32>
      %parallel_loop3A_785 = arith.select %parallel_loop3A_782, %parallel_loop3A_779, %parallel_loop3A_784 : vector<16xi1>, vector<16xf32>
      %parallel_loop3A_786 = arith.constant 1 : i32
      %parallel_loop3A_787 = arith.constant 1 : i32
      %parallel_loop3A_788 = arith.index_cast %parallel_loop3A_786 : i32 to index
      %parallel_loop3A_789 = arith.index_cast %parallel_loop3A_787 : i32 to index
      %parallel_loop3A_790 = arith.index_cast %parallel_loop3A_688 : i32 to index
      %parallel_loop3A_791 = tpu.vector_load %arg7[%parallel_loop3A_788, %parallel_loop3A_789, %parallel_loop3A_790] {strides = array<i32>} : memref<3x3x2048xf32, #tpu.memory_space<vmem>>, vector<1x1x16xf32>,
      %parallel_loop3A_792 = vector.shape_cast %parallel_loop3A_791 : vector<1x1x16xf32> to vector<16xf32>
      %parallel_loop3A_793 = vector.shape_cast %parallel_loop3A_785 : vector<16xf32> to vector<1x1x16xf32>
      tpu.vector_store %arg7[%parallel_loop3A_788, %parallel_loop3A_789, %parallel_loop3A_790], %parallel_loop3A_793 {strides = array<i32>} : memref<3x3x2048xf32, #tpu.memory_space<vmem>>, vector<1x1x16xf32>,
      %parallel_loop3A_794 = arith.constant 1 : i32
      %parallel_loop3A_795 = arith.constant 2 : i32
      %parallel_loop3A_796 = arith.index_cast %parallel_loop3A_794 : i32 to index
      %parallel_loop3A_797 = arith.index_cast %parallel_loop3A_795 : i32 to index
      %parallel_loop3A_798 = arith.index_cast %parallel_loop3A_688 : i32 to index
      %parallel_loop3A_799 = tpu.vector_load %arg4[%parallel_loop3A_796, %parallel_loop3A_797, %parallel_loop3A_798] {strides = array<i32>} : memref<3x3x2048xf32, #tpu.memory_space<vmem>>, vector<1x1x16xf32>,
      %parallel_loop3A_800 = vector.shape_cast %parallel_loop3A_799 : vector<1x1x16xf32> to vector<16xf32>
      %parallel_loop3A_801 = arith.constant 0.000000e+00 : f32
      %parallel_loop3A_802 = vector.broadcast %parallel_loop3A_801 : f32 to vector<16xf32>
      %parallel_loop3A_803 = arith.cmpf oeq, %parallel_loop3A_800, %parallel_loop3A_802 : vector<16xf32>
      %parallel_loop3A_804 = arith.constant 2.000000e+00 : f32
      %parallel_loop3A_805 = vector.broadcast %parallel_loop3A_804 : f32 to vector<16xf32>
      %parallel_loop3A_806 = arith.select %parallel_loop3A_803, %parallel_loop3A_800, %parallel_loop3A_805 : vector<16xi1>, vector<16xf32>
      %parallel_loop3A_807 = arith.constant 1 : i32
      %parallel_loop3A_808 = arith.constant 2 : i32
      %parallel_loop3A_809 = arith.index_cast %parallel_loop3A_807 : i32 to index
      %parallel_loop3A_810 = arith.index_cast %parallel_loop3A_808 : i32 to index
      %parallel_loop3A_811 = arith.index_cast %parallel_loop3A_688 : i32 to index
      %parallel_loop3A_812 = tpu.vector_load %arg7[%parallel_loop3A_809, %parallel_loop3A_810, %parallel_loop3A_811] {strides = array<i32>} : memref<3x3x2048xf32, #tpu.memory_space<vmem>>, vector<1x1x16xf32>,
      %parallel_loop3A_813 = vector.shape_cast %parallel_loop3A_812 : vector<1x1x16xf32> to vector<16xf32>
      %parallel_loop3A_814 = vector.shape_cast %parallel_loop3A_806 : vector<16xf32> to vector<1x1x16xf32>
      tpu.vector_store %arg7[%parallel_loop3A_809, %parallel_loop3A_810, %parallel_loop3A_811], %parallel_loop3A_814 {strides = array<i32>} : memref<3x3x2048xf32, #tpu.memory_space<vmem>>, vector<1x1x16xf32>,
      %parallel_loop3A_815 = arith.constant 2 : i32
      %parallel_loop3A_816 = arith.constant 0 : i32
      %parallel_loop3A_817 = arith.index_cast %parallel_loop3A_815 : i32 to index
      %parallel_loop3A_818 = arith.index_cast %parallel_loop3A_816 : i32 to index
      %parallel_loop3A_819 = arith.index_cast %parallel_loop3A_688 : i32 to index
      %parallel_loop3A_820 = tpu.vector_load %arg4[%parallel_loop3A_817, %parallel_loop3A_818, %parallel_loop3A_819] {strides = array<i32>} : memref<3x3x2048xf32, #tpu.memory_space<vmem>>, vector<1x1x16xf32>,
      %parallel_loop3A_821 = vector.shape_cast %parallel_loop3A_820 : vector<1x1x16xf32> to vector<16xf32>
      %parallel_loop3A_822 = arith.constant 0.000000e+00 : f32
      %parallel_loop3A_823 = vector.broadcast %parallel_loop3A_822 : f32 to vector<16xf32>
      %parallel_loop3A_824 = arith.cmpf oeq, %parallel_loop3A_821, %parallel_loop3A_823 : vector<16xf32>
      %parallel_loop3A_825 = arith.constant 2.000000e+00 : f32
      %parallel_loop3A_826 = vector.broadcast %parallel_loop3A_825 : f32 to vector<16xf32>
      %parallel_loop3A_827 = arith.select %parallel_loop3A_824, %parallel_loop3A_821, %parallel_loop3A_826 : vector<16xi1>, vector<16xf32>
      %parallel_loop3A_828 = arith.constant 2 : i32
      %parallel_loop3A_829 = arith.constant 0 : i32
      %parallel_loop3A_830 = arith.index_cast %parallel_loop3A_828 : i32 to index
      %parallel_loop3A_831 = arith.index_cast %parallel_loop3A_829 : i32 to index
      %parallel_loop3A_832 = arith.index_cast %parallel_loop3A_688 : i32 to index
      %parallel_loop3A_833 = tpu.vector_load %arg7[%parallel_loop3A_830, %parallel_loop3A_831, %parallel_loop3A_832] {strides = array<i32>} : memref<3x3x2048xf32, #tpu.memory_space<vmem>>, vector<1x1x16xf32>,
      %parallel_loop3A_834 = vector.shape_cast %parallel_loop3A_833 : vector<1x1x16xf32> to vector<16xf32>
      %parallel_loop3A_835 = vector.shape_cast %parallel_loop3A_827 : vector<16xf32> to vector<1x1x16xf32>
      tpu.vector_store %arg7[%parallel_loop3A_830, %parallel_loop3A_831, %parallel_loop3A_832], %parallel_loop3A_835 {strides = array<i32>} : memref<3x3x2048xf32, #tpu.memory_space<vmem>>, vector<1x1x16xf32>,
      %parallel_loop3A_836 = arith.constant 2 : i32
      %parallel_loop3A_837 = arith.constant 1 : i32
      %parallel_loop3A_838 = arith.index_cast %parallel_loop3A_836 : i32 to index
      %parallel_loop3A_839 = arith.index_cast %parallel_loop3A_837 : i32 to index
      %parallel_loop3A_840 = arith.index_cast %parallel_loop3A_688 : i32 to index
      %parallel_loop3A_841 = tpu.vector_load %arg4[%parallel_loop3A_838, %parallel_loop3A_839, %parallel_loop3A_840] {strides = array<i32>} : memref<3x3x2048xf32, #tpu.memory_space<vmem>>, vector<1x1x16xf32>,
      %parallel_loop3A_842 = vector.shape_cast %parallel_loop3A_841 : vector<1x1x16xf32> to vector<16xf32>
      %parallel_loop3A_843 = arith.constant 0.000000e+00 : f32
      %parallel_loop3A_844 = vector.broadcast %parallel_loop3A_843 : f32 to vector<16xf32>
      %parallel_loop3A_845 = arith.cmpf oeq, %parallel_loop3A_842, %parallel_loop3A_844 : vector<16xf32>
      %parallel_loop3A_846 = arith.constant 2.000000e+00 : f32
      %parallel_loop3A_847 = vector.broadcast %parallel_loop3A_846 : f32 to vector<16xf32>
      %parallel_loop3A_848 = arith.select %parallel_loop3A_845, %parallel_loop3A_842, %parallel_loop3A_847 : vector<16xi1>, vector<16xf32>
      %parallel_loop3A_849 = arith.constant 2 : i32
      %parallel_loop3A_850 = arith.constant 1 : i32
      %parallel_loop3A_851 = arith.index_cast %parallel_loop3A_849 : i32 to index
      %parallel_loop3A_852 = arith.index_cast %parallel_loop3A_850 : i32 to index
      %parallel_loop3A_853 = arith.index_cast %parallel_loop3A_688 : i32 to index
      %parallel_loop3A_854 = tpu.vector_load %arg7[%parallel_loop3A_851, %parallel_loop3A_852, %parallel_loop3A_853] {strides = array<i32>} : memref<3x3x2048xf32, #tpu.memory_space<vmem>>, vector<1x1x16xf32>,
      %parallel_loop3A_855 = vector.shape_cast %parallel_loop3A_854 : vector<1x1x16xf32> to vector<16xf32>
      %parallel_loop3A_856 = vector.shape_cast %parallel_loop3A_848 : vector<16xf32> to vector<1x1x16xf32>
      tpu.vector_store %arg7[%parallel_loop3A_851, %parallel_loop3A_852, %parallel_loop3A_853], %parallel_loop3A_856 {strides = array<i32>} : memref<3x3x2048xf32, #tpu.memory_space<vmem>>, vector<1x1x16xf32>,
      %parallel_loop3A_857 = arith.constant 2 : i32
      %parallel_loop3A_858 = arith.constant 2 : i32
      %parallel_loop3A_859 = arith.index_cast %parallel_loop3A_857 : i32 to index
      %parallel_loop3A_860 = arith.index_cast %parallel_loop3A_858 : i32 to index
      %parallel_loop3A_861 = arith.index_cast %parallel_loop3A_688 : i32 to index
      %parallel_loop3A_862 = tpu.vector_load %arg4[%parallel_loop3A_859, %parallel_loop3A_860, %parallel_loop3A_861] {strides = array<i32>} : memref<3x3x2048xf32, #tpu.memory_space<vmem>>, vector<1x1x16xf32>,
      %parallel_loop3A_863 = vector.shape_cast %parallel_loop3A_862 : vector<1x1x16xf32> to vector<16xf32>
      %parallel_loop3A_864 = arith.constant 0.000000e+00 : f32
      %parallel_loop3A_865 = vector.broadcast %parallel_loop3A_864 : f32 to vector<16xf32>
      %parallel_loop3A_866 = arith.cmpf oeq, %parallel_loop3A_863, %parallel_loop3A_865 : vector<16xf32>
      %parallel_loop3A_867 = arith.constant 2.000000e+00 : f32
      %parallel_loop3A_868 = vector.broadcast %parallel_loop3A_867 : f32 to vector<16xf32>
      %parallel_loop3A_869 = arith.select %parallel_loop3A_866, %parallel_loop3A_863, %parallel_loop3A_868 : vector<16xi1>, vector<16xf32>
      %parallel_loop3A_870 = arith.constant 2 : i32
      %parallel_loop3A_871 = arith.constant 2 : i32
      %parallel_loop3A_872 = arith.index_cast %parallel_loop3A_870 : i32 to index
      %parallel_loop3A_873 = arith.index_cast %parallel_loop3A_871 : i32 to index
      %parallel_loop3A_874 = arith.index_cast %parallel_loop3A_688 : i32 to index
      %parallel_loop3A_875 = tpu.vector_load %arg7[%parallel_loop3A_872, %parallel_loop3A_873, %parallel_loop3A_874] {strides = array<i32>} : memref<3x3x2048xf32, #tpu.memory_space<vmem>>, vector<1x1x16xf32>,
      %parallel_loop3A_876 = vector.shape_cast %parallel_loop3A_875 : vector<1x1x16xf32> to vector<16xf32>
      %parallel_loop3A_877 = vector.shape_cast %parallel_loop3A_869 : vector<16xf32> to vector<1x1x16xf32>
      tpu.vector_store %arg7[%parallel_loop3A_872, %parallel_loop3A_873, %parallel_loop3A_874], %parallel_loop3A_877 {strides = array<i32>} : memref<3x3x2048xf32, #tpu.memory_space<vmem>>, vector<1x1x16xf32>,
    } {sc.loop_unroll_factor = 1 : i64, sc.parallel_access}
    %add3A_463 = arith.constant 22528 : i32
    %add3A_464 = arith.addi %mul3A_2, %add3A_463 : i32
    %dma_start3A_465 = arith.constant 0 : i32
    %dma_start3A_466 = arith.constant 0 : i32
    %dma_start3A_467 = tpu.memref_slice %arg3[%dma_start3A_465, %dma_start3A_466, %add3A_464] : memref<3x3x1048576xf32, #tpu.memory_space<hbm>> -> memref<3x3x2048xf32, #tpu.memory_space<hbm>>
    %dma_start3A_468 = arith.constant 0 : i32
    %dma_start3A_469 = arith.constant 0 : i32
    %dma_start3A_470 = tpu.memref_slice %arg3[%dma_start3A_468, %dma_start3A_469, %add3A_464] : memref<3x3x1048576xf32, #tpu.memory_space<hbm>> -> memref<3x3x2048xf32, #tpu.memory_space<hbm>>
    tpu.enqueue_dma source(%arg7 : memref<3x3x2048xf32, #tpu.memory_space<vmem>>) target(%dma_start3A_470 : memref<3x3x2048xf32, #tpu.memory_space<hbm>>) target_semaphore(%arg12 : memref<!tpu.dma_semaphore, #tpu.memory_space<semaphore_mem>>)
    %add3A_471 = arith.constant 28672 : i32
    %add3A_472 = arith.addi %mul3A_2, %add3A_471 : i32
    %dma_start3A_473 = arith.constant 0 : i32
    %dma_start3A_474 = arith.constant 0 : i32
    %dma_start3A_475 = tpu.memref_slice %arg2[%dma_start3A_473, %dma_start3A_474, %add3A_472] : memref<3x3x1048576xf32, #tpu.memory_space<hbm>> -> memref<3x3x2048xf32, #tpu.memory_space<hbm>>
    %dma_start3A_476 = arith.constant 0 : i32
    %dma_start3A_477 = arith.constant 0 : i32
    %dma_start3A_478 = tpu.memref_slice %arg2[%dma_start3A_476, %dma_start3A_477, %add3A_472] : memref<3x3x1048576xf32, #tpu.memory_space<hbm>> -> memref<3x3x2048xf32, #tpu.memory_space<hbm>>
    tpu.enqueue_dma source(%dma_start3A_478 : memref<3x3x2048xf32, #tpu.memory_space<hbm>>) target(%arg4 : memref<3x3x2048xf32, #tpu.memory_space<vmem>>) target_semaphore(%arg9 : memref<!tpu.dma_semaphore, #tpu.memory_space<semaphore_mem>>)
    %dma_wait3A_479 = arith.constant 0 : i32
    %dma_wait3A_480 = arith.constant 0 : i32
    %dma_wait3A_481 = tpu.memref_slice %arg2[%dma_wait3A_479, %dma_wait3A_480, %add3A_410] : memref<3x3x1048576xf32, #tpu.memory_space<hbm>> -> memref<3x3x2048xf32, #tpu.memory_space<hbm>>
    %dma_wait3A_482 = arith.constant 0 : i32
    %dma_wait3A_483 = arith.constant 0 : i32
    %dma_wait3A_484 = tpu.memref_slice %arg2[%dma_wait3A_482, %dma_wait3A_483, %add3A_410] : memref<3x3x1048576xf32, #tpu.memory_space<hbm>> -> memref<3x3x2048xf32, #tpu.memory_space<hbm>>
    tpu.wait_dma2 semaphore(%arg10 : memref<!tpu.dma_semaphore, #tpu.memory_space<semaphore_mem>>) src(%dma_wait3A_484 : memref<3x3x2048xf32, #tpu.memory_space<hbm>>) dst(%arg5 : memref<3x3x2048xf32, #tpu.memory_space<vmem>>)
    %dma_wait3A_485 = arith.constant 0 : i32
    %dma_wait3A_486 = arith.constant 0 : i32
    %dma_wait3A_487 = tpu.memref_slice %arg3[%dma_wait3A_485, %dma_wait3A_486, %add3A_433] : memref<3x3x1048576xf32, #tpu.memory_space<hbm>> -> memref<3x3x2048xf32, #tpu.memory_space<hbm>>
    %dma_wait3A_488 = arith.constant 0 : i32
    %dma_wait3A_489 = arith.constant 0 : i32
    %dma_wait3A_490 = tpu.memref_slice %arg3[%dma_wait3A_488, %dma_wait3A_489, %add3A_433] : memref<3x3x1048576xf32, #tpu.memory_space<hbm>> -> memref<3x3x2048xf32, #tpu.memory_space<hbm>>
    tpu.wait_dma2 semaphore(%arg13 : memref<!tpu.dma_semaphore, #tpu.memory_space<semaphore_mem>>) src(%arg8 : memref<3x3x2048xf32, #tpu.memory_space<vmem>>) dst(%dma_wait3A_490 : memref<3x3x2048xf32, #tpu.memory_space<hbm>>)
    %parallel_loop3A_491 = arith.constant 0 : i32
    %parallel_loop3A_492 = arith.constant 128 : i32
    %parallel_loop3A_493 = arith.constant 1 : i32
    scf.for %parallel_loop3A_686 = %parallel_loop3A_491 to %parallel_loop3A_492 step %parallel_loop3A_493  : i32 {
      %parallel_loop3A_687 = arith.constant 16 : i32
      %parallel_loop3A_688 = arith.muli %parallel_loop3A_686, %parallel_loop3A_687 : i32
      %parallel_loop3A_689 = arith.constant 0 : i32
      %parallel_loop3A_690 = arith.constant 0 : i32
      %parallel_loop3A_691 = arith.index_cast %parallel_loop3A_689 : i32 to index
      %parallel_loop3A_692 = arith.index_cast %parallel_loop3A_690 : i32 to index
      %parallel_loop3A_693 = arith.index_cast %parallel_loop3A_688 : i32 to index
      %parallel_loop3A_694 = tpu.vector_load %arg5[%parallel_loop3A_691, %parallel_loop3A_692, %parallel_loop3A_693] {strides = array<i32>} : memref<3x3x2048xf32, #tpu.memory_space<vmem>>, vector<1x1x16xf32>,
      %parallel_loop3A_695 = vector.shape_cast %parallel_loop3A_694 : vector<1x1x16xf32> to vector<16xf32>
      %parallel_loop3A_696 = arith.constant 0.000000e+00 : f32
      %parallel_loop3A_697 = vector.broadcast %parallel_loop3A_696 : f32 to vector<16xf32>
      %parallel_loop3A_698 = arith.cmpf oeq, %parallel_loop3A_695, %parallel_loop3A_697 : vector<16xf32>
      %parallel_loop3A_699 = arith.constant 2.000000e+00 : f32
      %parallel_loop3A_700 = vector.broadcast %parallel_loop3A_699 : f32 to vector<16xf32>
      %parallel_loop3A_701 = arith.select %parallel_loop3A_698, %parallel_loop3A_695, %parallel_loop3A_700 : vector<16xi1>, vector<16xf32>
      %parallel_loop3A_702 = arith.constant 0 : i32
      %parallel_loop3A_703 = arith.constant 0 : i32
      %parallel_loop3A_704 = arith.index_cast %parallel_loop3A_702 : i32 to index
      %parallel_loop3A_705 = arith.index_cast %parallel_loop3A_703 : i32 to index
      %parallel_loop3A_706 = arith.index_cast %parallel_loop3A_688 : i32 to index
      %parallel_loop3A_707 = tpu.vector_load %arg8[%parallel_loop3A_704, %parallel_loop3A_705, %parallel_loop3A_706] {strides = array<i32>} : memref<3x3x2048xf32, #tpu.memory_space<vmem>>, vector<1x1x16xf32>,
      %parallel_loop3A_708 = vector.shape_cast %parallel_loop3A_707 : vector<1x1x16xf32> to vector<16xf32>
      %parallel_loop3A_709 = vector.shape_cast %parallel_loop3A_701 : vector<16xf32> to vector<1x1x16xf32>
      tpu.vector_store %arg8[%parallel_loop3A_704, %parallel_loop3A_705, %parallel_loop3A_706], %parallel_loop3A_709 {strides = array<i32>} : memref<3x3x2048xf32, #tpu.memory_space<vmem>>, vector<1x1x16xf32>,
      %parallel_loop3A_710 = arith.constant 0 : i32
      %parallel_loop3A_711 = arith.constant 1 : i32
      %parallel_loop3A_712 = arith.index_cast %parallel_loop3A_710 : i32 to index
      %parallel_loop3A_713 = arith.index_cast %parallel_loop3A_711 : i32 to index
      %parallel_loop3A_714 = arith.index_cast %parallel_loop3A_688 : i32 to index
      %parallel_loop3A_715 = tpu.vector_load %arg5[%parallel_loop3A_712, %parallel_loop3A_713, %parallel_loop3A_714] {strides = array<i32>} : memref<3x3x2048xf32, #tpu.memory_space<vmem>>, vector<1x1x16xf32>,
      %parallel_loop3A_716 = vector.shape_cast %parallel_loop3A_715 : vector<1x1x16xf32> to vector<16xf32>
      %parallel_loop3A_717 = arith.constant 0.000000e+00 : f32
      %parallel_loop3A_718 = vector.broadcast %parallel_loop3A_717 : f32 to vector<16xf32>
      %parallel_loop3A_719 = arith.cmpf oeq, %parallel_loop3A_716, %parallel_loop3A_718 : vector<16xf32>
      %parallel_loop3A_720 = arith.constant 2.000000e+00 : f32
      %parallel_loop3A_721 = vector.broadcast %parallel_loop3A_720 : f32 to vector<16xf32>
      %parallel_loop3A_722 = arith.select %parallel_loop3A_719, %parallel_loop3A_716, %parallel_loop3A_721 : vector<16xi1>, vector<16xf32>
      %parallel_loop3A_723 = arith.constant 0 : i32
      %parallel_loop3A_724 = arith.constant 1 : i32
      %parallel_loop3A_725 = arith.index_cast %parallel_loop3A_723 : i32 to index
      %parallel_loop3A_726 = arith.index_cast %parallel_loop3A_724 : i32 to index
      %parallel_loop3A_727 = arith.index_cast %parallel_loop3A_688 : i32 to index
      %parallel_loop3A_728 = tpu.vector_load %arg8[%parallel_loop3A_725, %parallel_loop3A_726, %parallel_loop3A_727] {strides = array<i32>} : memref<3x3x2048xf32, #tpu.memory_space<vmem>>, vector<1x1x16xf32>,
      %parallel_loop3A_729 = vector.shape_cast %parallel_loop3A_728 : vector<1x1x16xf32> to vector<16xf32>
      %parallel_loop3A_730 = vector.shape_cast %parallel_loop3A_722 : vector<16xf32> to vector<1x1x16xf32>
      tpu.vector_store %arg8[%parallel_loop3A_725, %parallel_loop3A_726, %parallel_loop3A_727], %parallel_loop3A_730 {strides = array<i32>} : memref<3x3x2048xf32, #tpu.memory_space<vmem>>, vector<1x1x16xf32>,
      %parallel_loop3A_731 = arith.constant 0 : i32
      %parallel_loop3A_732 = arith.constant 2 : i32
      %parallel_loop3A_733 = arith.index_cast %parallel_loop3A_731 : i32 to index
      %parallel_loop3A_734 = arith.index_cast %parallel_loop3A_732 : i32 to index
      %parallel_loop3A_735 = arith.index_cast %parallel_loop3A_688 : i32 to index
      %parallel_loop3A_736 = tpu.vector_load %arg5[%parallel_loop3A_733, %parallel_loop3A_734, %parallel_loop3A_735] {strides = array<i32>} : memref<3x3x2048xf32, #tpu.memory_space<vmem>>, vector<1x1x16xf32>,
      %parallel_loop3A_737 = vector.shape_cast %parallel_loop3A_736 : vector<1x1x16xf32> to vector<16xf32>
      %parallel_loop3A_738 = arith.constant 0.000000e+00 : f32
      %parallel_loop3A_739 = vector.broadcast %parallel_loop3A_738 : f32 to vector<16xf32>
      %parallel_loop3A_740 = arith.cmpf oeq, %parallel_loop3A_737, %parallel_loop3A_739 : vector<16xf32>
      %parallel_loop3A_741 = arith.constant 2.000000e+00 : f32
      %parallel_loop3A_742 = vector.broadcast %parallel_loop3A_741 : f32 to vector<16xf32>
      %parallel_loop3A_743 = arith.select %parallel_loop3A_740, %parallel_loop3A_737, %parallel_loop3A_742 : vector<16xi1>, vector<16xf32>
      %parallel_loop3A_744 = arith.constant 0 : i32
      %parallel_loop3A_745 = arith.constant 2 : i32
      %parallel_loop3A_746 = arith.index_cast %parallel_loop3A_744 : i32 to index
      %parallel_loop3A_747 = arith.index_cast %parallel_loop3A_745 : i32 to index
      %parallel_loop3A_748 = arith.index_cast %parallel_loop3A_688 : i32 to index
      %parallel_loop3A_749 = tpu.vector_load %arg8[%parallel_loop3A_746, %parallel_loop3A_747, %parallel_loop3A_748] {strides = array<i32>} : memref<3x3x2048xf32, #tpu.memory_space<vmem>>, vector<1x1x16xf32>,
      %parallel_loop3A_750 = vector.shape_cast %parallel_loop3A_749 : vector<1x1x16xf32> to vector<16xf32>
      %parallel_loop3A_751 = vector.shape_cast %parallel_loop3A_743 : vector<16xf32> to vector<1x1x16xf32>
      tpu.vector_store %arg8[%parallel_loop3A_746, %parallel_loop3A_747, %parallel_loop3A_748], %parallel_loop3A_751 {strides = array<i32>} : memref<3x3x2048xf32, #tpu.memory_space<vmem>>, vector<1x1x16xf32>,
      %parallel_loop3A_752 = arith.constant 1 : i32
      %parallel_loop3A_753 = arith.constant 0 : i32
      %parallel_loop3A_754 = arith.index_cast %parallel_loop3A_752 : i32 to index
      %parallel_loop3A_755 = arith.index_cast %parallel_loop3A_753 : i32 to index
      %parallel_loop3A_756 = arith.index_cast %parallel_loop3A_688 : i32 to index
      %parallel_loop3A_757 = tpu.vector_load %arg5[%parallel_loop3A_754, %parallel_loop3A_755, %parallel_loop3A_756] {strides = array<i32>} : memref<3x3x2048xf32, #tpu.memory_space<vmem>>, vector<1x1x16xf32>,
      %parallel_loop3A_758 = vector.shape_cast %parallel_loop3A_757 : vector<1x1x16xf32> to vector<16xf32>
      %parallel_loop3A_759 = arith.constant 0.000000e+00 : f32
      %parallel_loop3A_760 = vector.broadcast %parallel_loop3A_759 : f32 to vector<16xf32>
      %parallel_loop3A_761 = arith.cmpf oeq, %parallel_loop3A_758, %parallel_loop3A_760 : vector<16xf32>
      %parallel_loop3A_762 = arith.constant 2.000000e+00 : f32
      %parallel_loop3A_763 = vector.broadcast %parallel_loop3A_762 : f32 to vector<16xf32>
      %parallel_loop3A_764 = arith.select %parallel_loop3A_761, %parallel_loop3A_758, %parallel_loop3A_763 : vector<16xi1>, vector<16xf32>
      %parallel_loop3A_765 = arith.constant 1 : i32
      %parallel_loop3A_766 = arith.constant 0 : i32
      %parallel_loop3A_767 = arith.index_cast %parallel_loop3A_765 : i32 to index
      %parallel_loop3A_768 = arith.index_cast %parallel_loop3A_766 : i32 to index
      %parallel_loop3A_769 = arith.index_cast %parallel_loop3A_688 : i32 to index
      %parallel_loop3A_770 = tpu.vector_load %arg8[%parallel_loop3A_767, %parallel_loop3A_768, %parallel_loop3A_769] {strides = array<i32>} : memref<3x3x2048xf32, #tpu.memory_space<vmem>>, vector<1x1x16xf32>,
      %parallel_loop3A_771 = vector.shape_cast %parallel_loop3A_770 : vector<1x1x16xf32> to vector<16xf32>
      %parallel_loop3A_772 = vector.shape_cast %parallel_loop3A_764 : vector<16xf32> to vector<1x1x16xf32>
      tpu.vector_store %arg8[%parallel_loop3A_767, %parallel_loop3A_768, %parallel_loop3A_769], %parallel_loop3A_772 {strides = array<i32>} : memref<3x3x2048xf32, #tpu.memory_space<vmem>>, vector<1x1x16xf32>,
      %parallel_loop3A_773 = arith.constant 1 : i32
      %parallel_loop3A_774 = arith.constant 1 : i32
      %parallel_loop3A_775 = arith.index_cast %parallel_loop3A_773 : i32 to index
      %parallel_loop3A_776 = arith.index_cast %parallel_loop3A_774 : i32 to index
      %parallel_loop3A_777 = arith.index_cast %parallel_loop3A_688 : i32 to index
      %parallel_loop3A_778 = tpu.vector_load %arg5[%parallel_loop3A_775, %parallel_loop3A_776, %parallel_loop3A_777] {strides = array<i32>} : memref<3x3x2048xf32, #tpu.memory_space<vmem>>, vector<1x1x16xf32>,
      %parallel_loop3A_779 = vector.shape_cast %parallel_loop3A_778 : vector<1x1x16xf32> to vector<16xf32>
      %parallel_loop3A_780 = arith.constant 0.000000e+00 : f32
      %parallel_loop3A_781 = vector.broadcast %parallel_loop3A_780 : f32 to vector<16xf32>
      %parallel_loop3A_782 = arith.cmpf oeq, %parallel_loop3A_779, %parallel_loop3A_781 : vector<16xf32>
      %parallel_loop3A_783 = arith.constant 2.000000e+00 : f32
      %parallel_loop3A_784 = vector.broadcast %parallel_loop3A_783 : f32 to vector<16xf32>
      %parallel_loop3A_785 = arith.select %parallel_loop3A_782, %parallel_loop3A_779, %parallel_loop3A_784 : vector<16xi1>, vector<16xf32>
      %parallel_loop3A_786 = arith.constant 1 : i32
      %parallel_loop3A_787 = arith.constant 1 : i32
      %parallel_loop3A_788 = arith.index_cast %parallel_loop3A_786 : i32 to index
      %parallel_loop3A_789 = arith.index_cast %parallel_loop3A_787 : i32 to index
      %parallel_loop3A_790 = arith.index_cast %parallel_loop3A_688 : i32 to index
      %parallel_loop3A_791 = tpu.vector_load %arg8[%parallel_loop3A_788, %parallel_loop3A_789, %parallel_loop3A_790] {strides = array<i32>} : memref<3x3x2048xf32, #tpu.memory_space<vmem>>, vector<1x1x16xf32>,
      %parallel_loop3A_792 = vector.shape_cast %parallel_loop3A_791 : vector<1x1x16xf32> to vector<16xf32>
      %parallel_loop3A_793 = vector.shape_cast %parallel_loop3A_785 : vector<16xf32> to vector<1x1x16xf32>
      tpu.vector_store %arg8[%parallel_loop3A_788, %parallel_loop3A_789, %parallel_loop3A_790], %parallel_loop3A_793 {strides = array<i32>} : memref<3x3x2048xf32, #tpu.memory_space<vmem>>, vector<1x1x16xf32>,
      %parallel_loop3A_794 = arith.constant 1 : i32
      %parallel_loop3A_795 = arith.constant 2 : i32
      %parallel_loop3A_796 = arith.index_cast %parallel_loop3A_794 : i32 to index
      %parallel_loop3A_797 = arith.index_cast %parallel_loop3A_795 : i32 to index
      %parallel_loop3A_798 = arith.index_cast %parallel_loop3A_688 : i32 to index
      %parallel_loop3A_799 = tpu.vector_load %arg5[%parallel_loop3A_796, %parallel_loop3A_797, %parallel_loop3A_798] {strides = array<i32>} : memref<3x3x2048xf32, #tpu.memory_space<vmem>>, vector<1x1x16xf32>,
      %parallel_loop3A_800 = vector.shape_cast %parallel_loop3A_799 : vector<1x1x16xf32> to vector<16xf32>
      %parallel_loop3A_801 = arith.constant 0.000000e+00 : f32
      %parallel_loop3A_802 = vector.broadcast %parallel_loop3A_801 : f32 to vector<16xf32>
      %parallel_loop3A_803 = arith.cmpf oeq, %parallel_loop3A_800, %parallel_loop3A_802 : vector<16xf32>
      %parallel_loop3A_804 = arith.constant 2.000000e+00 : f32
      %parallel_loop3A_805 = vector.broadcast %parallel_loop3A_804 : f32 to vector<16xf32>
      %parallel_loop3A_806 = arith.select %parallel_loop3A_803, %parallel_loop3A_800, %parallel_loop3A_805 : vector<16xi1>, vector<16xf32>
      %parallel_loop3A_807 = arith.constant 1 : i32
      %parallel_loop3A_808 = arith.constant 2 : i32
      %parallel_loop3A_809 = arith.index_cast %parallel_loop3A_807 : i32 to index
      %parallel_loop3A_810 = arith.index_cast %parallel_loop3A_808 : i32 to index
      %parallel_loop3A_811 = arith.index_cast %parallel_loop3A_688 : i32 to index
      %parallel_loop3A_812 = tpu.vector_load %arg8[%parallel_loop3A_809, %parallel_loop3A_810, %parallel_loop3A_811] {strides = array<i32>} : memref<3x3x2048xf32, #tpu.memory_space<vmem>>, vector<1x1x16xf32>,
      %parallel_loop3A_813 = vector.shape_cast %parallel_loop3A_812 : vector<1x1x16xf32> to vector<16xf32>
      %parallel_loop3A_814 = vector.shape_cast %parallel_loop3A_806 : vector<16xf32> to vector<1x1x16xf32>
      tpu.vector_store %arg8[%parallel_loop3A_809, %parallel_loop3A_810, %parallel_loop3A_811], %parallel_loop3A_814 {strides = array<i32>} : memref<3x3x2048xf32, #tpu.memory_space<vmem>>, vector<1x1x16xf32>,
      %parallel_loop3A_815 = arith.constant 2 : i32
      %parallel_loop3A_816 = arith.constant 0 : i32
      %parallel_loop3A_817 = arith.index_cast %parallel_loop3A_815 : i32 to index
      %parallel_loop3A_818 = arith.index_cast %parallel_loop3A_816 : i32 to index
      %parallel_loop3A_819 = arith.index_cast %parallel_loop3A_688 : i32 to index
      %parallel_loop3A_820 = tpu.vector_load %arg5[%parallel_loop3A_817, %parallel_loop3A_818, %parallel_loop3A_819] {strides = array<i32>} : memref<3x3x2048xf32, #tpu.memory_space<vmem>>, vector<1x1x16xf32>,
      %parallel_loop3A_821 = vector.shape_cast %parallel_loop3A_820 : vector<1x1x16xf32> to vector<16xf32>
      %parallel_loop3A_822 = arith.constant 0.000000e+00 : f32
      %parallel_loop3A_823 = vector.broadcast %parallel_loop3A_822 : f32 to vector<16xf32>
      %parallel_loop3A_824 = arith.cmpf oeq, %parallel_loop3A_821, %parallel_loop3A_823 : vector<16xf32>
      %parallel_loop3A_825 = arith.constant 2.000000e+00 : f32
      %parallel_loop3A_826 = vector.broadcast %parallel_loop3A_825 : f32 to vector<16xf32>
      %parallel_loop3A_827 = arith.select %parallel_loop3A_824, %parallel_loop3A_821, %parallel_loop3A_826 : vector<16xi1>, vector<16xf32>
      %parallel_loop3A_828 = arith.constant 2 : i32
      %parallel_loop3A_829 = arith.constant 0 : i32
      %parallel_loop3A_830 = arith.index_cast %parallel_loop3A_828 : i32 to index
      %parallel_loop3A_831 = arith.index_cast %parallel_loop3A_829 : i32 to index
      %parallel_loop3A_832 = arith.index_cast %parallel_loop3A_688 : i32 to index
      %parallel_loop3A_833 = tpu.vector_load %arg8[%parallel_loop3A_830, %parallel_loop3A_831, %parallel_loop3A_832] {strides = array<i32>} : memref<3x3x2048xf32, #tpu.memory_space<vmem>>, vector<1x1x16xf32>,
      %parallel_loop3A_834 = vector.shape_cast %parallel_loop3A_833 : vector<1x1x16xf32> to vector<16xf32>
      %parallel_loop3A_835 = vector.shape_cast %parallel_loop3A_827 : vector<16xf32> to vector<1x1x16xf32>
      tpu.vector_store %arg8[%parallel_loop3A_830, %parallel_loop3A_831, %parallel_loop3A_832], %parallel_loop3A_835 {strides = array<i32>} : memref<3x3x2048xf32, #tpu.memory_space<vmem>>, vector<1x1x16xf32>,
      %parallel_loop3A_836 = arith.constant 2 : i32
      %parallel_loop3A_837 = arith.constant 1 : i32
      %parallel_loop3A_838 = arith.index_cast %parallel_loop3A_836 : i32 to index
      %parallel_loop3A_839 = arith.index_cast %parallel_loop3A_837 : i32 to index
      %parallel_loop3A_840 = arith.index_cast %parallel_loop3A_688 : i32 to index
      %parallel_loop3A_841 = tpu.vector_load %arg5[%parallel_loop3A_838, %parallel_loop3A_839, %parallel_loop3A_840] {strides = array<i32>} : memref<3x3x2048xf32, #tpu.memory_space<vmem>>, vector<1x1x16xf32>,
      %parallel_loop3A_842 = vector.shape_cast %parallel_loop3A_841 : vector<1x1x16xf32> to vector<16xf32>
      %parallel_loop3A_843 = arith.constant 0.000000e+00 : f32
      %parallel_loop3A_844 = vector.broadcast %parallel_loop3A_843 : f32 to vector<16xf32>
      %parallel_loop3A_845 = arith.cmpf oeq, %parallel_loop3A_842, %parallel_loop3A_844 : vector<16xf32>
      %parallel_loop3A_846 = arith.constant 2.000000e+00 : f32
      %parallel_loop3A_847 = vector.broadcast %parallel_loop3A_846 : f32 to vector<16xf32>
      %parallel_loop3A_848 = arith.select %parallel_loop3A_845, %parallel_loop3A_842, %parallel_loop3A_847 : vector<16xi1>, vector<16xf32>
      %parallel_loop3A_849 = arith.constant 2 : i32
      %parallel_loop3A_850 = arith.constant 1 : i32
      %parallel_loop3A_851 = arith.index_cast %parallel_loop3A_849 : i32 to index
      %parallel_loop3A_852 = arith.index_cast %parallel_loop3A_850 : i32 to index
      %parallel_loop3A_853 = arith.index_cast %parallel_loop3A_688 : i32 to index
      %parallel_loop3A_854 = tpu.vector_load %arg8[%parallel_loop3A_851, %parallel_loop3A_852, %parallel_loop3A_853] {strides = array<i32>} : memref<3x3x2048xf32, #tpu.memory_space<vmem>>, vector<1x1x16xf32>,
      %parallel_loop3A_855 = vector.shape_cast %parallel_loop3A_854 : vector<1x1x16xf32> to vector<16xf32>
      %parallel_loop3A_856 = vector.shape_cast %parallel_loop3A_848 : vector<16xf32> to vector<1x1x16xf32>
      tpu.vector_store %arg8[%parallel_loop3A_851, %parallel_loop3A_852, %parallel_loop3A_853], %parallel_loop3A_856 {strides = array<i32>} : memref<3x3x2048xf32, #tpu.memory_space<vmem>>, vector<1x1x16xf32>,
      %parallel_loop3A_857 = arith.constant 2 : i32
      %parallel_loop3A_858 = arith.constant 2 : i32
      %parallel_loop3A_859 = arith.index_cast %parallel_loop3A_857 : i32 to index
      %parallel_loop3A_860 = arith.index_cast %parallel_loop3A_858 : i32 to index
      %parallel_loop3A_861 = arith.index_cast %parallel_loop3A_688 : i32 to index
      %parallel_loop3A_862 = tpu.vector_load %arg5[%parallel_loop3A_859, %parallel_loop3A_860, %parallel_loop3A_861] {strides = array<i32>} : memref<3x3x2048xf32, #tpu.memory_space<vmem>>, vector<1x1x16xf32>,
      %parallel_loop3A_863 = vector.shape_cast %parallel_loop3A_862 : vector<1x1x16xf32> to vector<16xf32>
      %parallel_loop3A_864 = arith.constant 0.000000e+00 : f32
      %parallel_loop3A_865 = vector.broadcast %parallel_loop3A_864 : f32 to vector<16xf32>
      %parallel_loop3A_866 = arith.cmpf oeq, %parallel_loop3A_863, %parallel_loop3A_865 : vector<16xf32>
      %parallel_loop3A_867 = arith.constant 2.000000e+00 : f32
      %parallel_loop3A_868 = vector.broadcast %parallel_loop3A_867 : f32 to vector<16xf32>
      %parallel_loop3A_869 = arith.select %parallel_loop3A_866, %parallel_loop3A_863, %parallel_loop3A_868 : vector<16xi1>, vector<16xf32>
      %parallel_loop3A_870 = arith.constant 2 : i32
      %parallel_loop3A_871 = arith.constant 2 : i32
      %parallel_loop3A_872 = arith.index_cast %parallel_loop3A_870 : i32 to index
      %parallel_loop3A_873 = arith.index_cast %parallel_loop3A_871 : i32 to index
      %parallel_loop3A_874 = arith.index_cast %parallel_loop3A_688 : i32 to index
      %parallel_loop3A_875 = tpu.vector_load %arg8[%parallel_loop3A_872, %parallel_loop3A_873, %parallel_loop3A_874] {strides = array<i32>} : memref<3x3x2048xf32, #tpu.memory_space<vmem>>, vector<1x1x16xf32>,
      %parallel_loop3A_876 = vector.shape_cast %parallel_loop3A_875 : vector<1x1x16xf32> to vector<16xf32>
      %parallel_loop3A_877 = vector.shape_cast %parallel_loop3A_869 : vector<16xf32> to vector<1x1x16xf32>
      tpu.vector_store %arg8[%parallel_loop3A_872, %parallel_loop3A_873, %parallel_loop3A_874], %parallel_loop3A_877 {strides = array<i32>} : memref<3x3x2048xf32, #tpu.memory_space<vmem>>, vector<1x1x16xf32>,
    } {sc.loop_unroll_factor = 1 : i64, sc.parallel_access}
    %add3A_494 = arith.constant 24576 : i32
    %add3A_495 = arith.addi %mul3A_2, %add3A_494 : i32
    %dma_start3A_496 = arith.constant 0 : i32
    %dma_start3A_497 = arith.constant 0 : i32
    %dma_start3A_498 = tpu.memref_slice %arg3[%dma_start3A_496, %dma_start3A_497, %add3A_495] : memref<3x3x1048576xf32, #tpu.memory_space<hbm>> -> memref<3x3x2048xf32, #tpu.memory_space<hbm>>
    %dma_start3A_499 = arith.constant 0 : i32
    %dma_start3A_500 = arith.constant 0 : i32
    %dma_start3A_501 = tpu.memref_slice %arg3[%dma_start3A_499, %dma_start3A_500, %add3A_495] : memref<3x3x1048576xf32, #tpu.memory_space<hbm>> -> memref<3x3x2048xf32, #tpu.memory_space<hbm>>
    tpu.enqueue_dma source(%arg8 : memref<3x3x2048xf32, #tpu.memory_space<vmem>>) target(%dma_start3A_501 : memref<3x3x2048xf32, #tpu.memory_space<hbm>>) target_semaphore(%arg13 : memref<!tpu.dma_semaphore, #tpu.memory_space<semaphore_mem>>)
    %add3A_502 = arith.constant 30720 : i32
    %add3A_503 = arith.addi %mul3A_2, %add3A_502 : i32
    %dma_start3A_504 = arith.constant 0 : i32
    %dma_start3A_505 = arith.constant 0 : i32
    %dma_start3A_506 = arith.constant 0 : i32
    %dma_start3A_507 = tpu.memref_slice %arg5[%dma_start3A_504, %dma_start3A_505, %dma_start3A_506] : memref<3x3x2048xf32, #tpu.memory_space<vmem>> -> memref<3x3x1024xf32, #tpu.memory_space<vmem>>
    %dma_start3A_508 = arith.constant 0 : i32
    %dma_start3A_509 = arith.constant 0 : i32
    %dma_start3A_510 = tpu.memref_slice %arg2[%dma_start3A_508, %dma_start3A_509, %add3A_503] : memref<3x3x1048576xf32, #tpu.memory_space<hbm>> -> memref<3x3x1024xf32, #tpu.memory_space<hbm>>
    %dma_start3A_511 = arith.constant 0 : i32
    %dma_start3A_512 = arith.constant 0 : i32
    %dma_start3A_513 = arith.constant 0 : i32
    %dma_start3A_514 = tpu.memref_slice %arg5[%dma_start3A_511, %dma_start3A_512, %dma_start3A_513] : memref<3x3x2048xf32, #tpu.memory_space<vmem>> -> memref<3x3x1024xf32, #tpu.memory_space<vmem>>
    %dma_start3A_515 = arith.constant 0 : i32
    %dma_start3A_516 = arith.constant 0 : i32
    %dma_start3A_517 = tpu.memref_slice %arg2[%dma_start3A_515, %dma_start3A_516, %add3A_503] : memref<3x3x1048576xf32, #tpu.memory_space<hbm>> -> memref<3x3x1024xf32, #tpu.memory_space<hbm>>
    tpu.enqueue_dma source(%dma_start3A_517 : memref<3x3x1024xf32, #tpu.memory_space<hbm>>) target(%dma_start3A_514 : memref<3x3x1024xf32, #tpu.memory_space<vmem>>) target_semaphore(%arg10 : memref<!tpu.dma_semaphore, #tpu.memory_space<semaphore_mem>>)
    %dma_wait3A_518 = arith.constant 0 : i32
    %dma_wait3A_519 = arith.constant 0 : i32
    %dma_wait3A_520 = tpu.memref_slice %arg2[%dma_wait3A_518, %dma_wait3A_519, %add3A_441] : memref<3x3x1048576xf32, #tpu.memory_space<hbm>> -> memref<3x3x2048xf32, #tpu.memory_space<hbm>>
    %dma_wait3A_521 = arith.constant 0 : i32
    %dma_wait3A_522 = arith.constant 0 : i32
    %dma_wait3A_523 = tpu.memref_slice %arg2[%dma_wait3A_521, %dma_wait3A_522, %add3A_441] : memref<3x3x1048576xf32, #tpu.memory_space<hbm>> -> memref<3x3x2048xf32, #tpu.memory_space<hbm>>
    tpu.wait_dma2 semaphore(%arg11 : memref<!tpu.dma_semaphore, #tpu.memory_space<semaphore_mem>>) src(%dma_wait3A_523 : memref<3x3x2048xf32, #tpu.memory_space<hbm>>) dst(%arg6 : memref<3x3x2048xf32, #tpu.memory_space<vmem>>)
    %dma_wait3A_524 = arith.constant 0 : i32
    %dma_wait3A_525 = arith.constant 0 : i32
    %dma_wait3A_526 = tpu.memref_slice %arg3[%dma_wait3A_524, %dma_wait3A_525, %add3A_464] : memref<3x3x1048576xf32, #tpu.memory_space<hbm>> -> memref<3x3x2048xf32, #tpu.memory_space<hbm>>
    %dma_wait3A_527 = arith.constant 0 : i32
    %dma_wait3A_528 = arith.constant 0 : i32
    %dma_wait3A_529 = tpu.memref_slice %arg3[%dma_wait3A_527, %dma_wait3A_528, %add3A_464] : memref<3x3x1048576xf32, #tpu.memory_space<hbm>> -> memref<3x3x2048xf32, #tpu.memory_space<hbm>>
    tpu.wait_dma2 semaphore(%arg12 : memref<!tpu.dma_semaphore, #tpu.memory_space<semaphore_mem>>) src(%arg7 : memref<3x3x2048xf32, #tpu.memory_space<vmem>>) dst(%dma_wait3A_529 : memref<3x3x2048xf32, #tpu.memory_space<hbm>>)
    %parallel_loop3A_530 = arith.constant 0 : i32
    %parallel_loop3A_531 = arith.constant 128 : i32
    %parallel_loop3A_532 = arith.constant 1 : i32
    scf.for %parallel_loop3A_686 = %parallel_loop3A_530 to %parallel_loop3A_531 step %parallel_loop3A_532  : i32 {
      %parallel_loop3A_687 = arith.constant 16 : i32
      %parallel_loop3A_688 = arith.muli %parallel_loop3A_686, %parallel_loop3A_687 : i32
      %parallel_loop3A_689 = arith.constant 0 : i32
      %parallel_loop3A_690 = arith.constant 0 : i32
      %parallel_loop3A_691 = arith.index_cast %parallel_loop3A_689 : i32 to index
      %parallel_loop3A_692 = arith.index_cast %parallel_loop3A_690 : i32 to index
      %parallel_loop3A_693 = arith.index_cast %parallel_loop3A_688 : i32 to index
      %parallel_loop3A_694 = tpu.vector_load %arg6[%parallel_loop3A_691, %parallel_loop3A_692, %parallel_loop3A_693] {strides = array<i32>} : memref<3x3x2048xf32, #tpu.memory_space<vmem>>, vector<1x1x16xf32>,
      %parallel_loop3A_695 = vector.shape_cast %parallel_loop3A_694 : vector<1x1x16xf32> to vector<16xf32>
      %parallel_loop3A_696 = arith.constant 0.000000e+00 : f32
      %parallel_loop3A_697 = vector.broadcast %parallel_loop3A_696 : f32 to vector<16xf32>
      %parallel_loop3A_698 = arith.cmpf oeq, %parallel_loop3A_695, %parallel_loop3A_697 : vector<16xf32>
      %parallel_loop3A_699 = arith.constant 2.000000e+00 : f32
      %parallel_loop3A_700 = vector.broadcast %parallel_loop3A_699 : f32 to vector<16xf32>
      %parallel_loop3A_701 = arith.select %parallel_loop3A_698, %parallel_loop3A_695, %parallel_loop3A_700 : vector<16xi1>, vector<16xf32>
      %parallel_loop3A_702 = arith.constant 0 : i32
      %parallel_loop3A_703 = arith.constant 0 : i32
      %parallel_loop3A_704 = arith.index_cast %parallel_loop3A_702 : i32 to index
      %parallel_loop3A_705 = arith.index_cast %parallel_loop3A_703 : i32 to index
      %parallel_loop3A_706 = arith.index_cast %parallel_loop3A_688 : i32 to index
      %parallel_loop3A_707 = tpu.vector_load %arg7[%parallel_loop3A_704, %parallel_loop3A_705, %parallel_loop3A_706] {strides = array<i32>} : memref<3x3x2048xf32, #tpu.memory_space<vmem>>, vector<1x1x16xf32>,
      %parallel_loop3A_708 = vector.shape_cast %parallel_loop3A_707 : vector<1x1x16xf32> to vector<16xf32>
      %parallel_loop3A_709 = vector.shape_cast %parallel_loop3A_701 : vector<16xf32> to vector<1x1x16xf32>
      tpu.vector_store %arg7[%parallel_loop3A_704, %parallel_loop3A_705, %parallel_loop3A_706], %parallel_loop3A_709 {strides = array<i32>} : memref<3x3x2048xf32, #tpu.memory_space<vmem>>, vector<1x1x16xf32>,
      %parallel_loop3A_710 = arith.constant 0 : i32
      %parallel_loop3A_711 = arith.constant 1 : i32
      %parallel_loop3A_712 = arith.index_cast %parallel_loop3A_710 : i32 to index
      %parallel_loop3A_713 = arith.index_cast %parallel_loop3A_711 : i32 to index
      %parallel_loop3A_714 = arith.index_cast %parallel_loop3A_688 : i32 to index
      %parallel_loop3A_715 = tpu.vector_load %arg6[%parallel_loop3A_712, %parallel_loop3A_713, %parallel_loop3A_714] {strides = array<i32>} : memref<3x3x2048xf32, #tpu.memory_space<vmem>>, vector<1x1x16xf32>,
      %parallel_loop3A_716 = vector.shape_cast %parallel_loop3A_715 : vector<1x1x16xf32> to vector<16xf32>
      %parallel_loop3A_717 = arith.constant 0.000000e+00 : f32
      %parallel_loop3A_718 = vector.broadcast %parallel_loop3A_717 : f32 to vector<16xf32>
      %parallel_loop3A_719 = arith.cmpf oeq, %parallel_loop3A_716, %parallel_loop3A_718 : vector<16xf32>
      %parallel_loop3A_720 = arith.constant 2.000000e+00 : f32
      %parallel_loop3A_721 = vector.broadcast %parallel_loop3A_720 : f32 to vector<16xf32>
      %parallel_loop3A_722 = arith.select %parallel_loop3A_719, %parallel_loop3A_716, %parallel_loop3A_721 : vector<16xi1>, vector<16xf32>
      %parallel_loop3A_723 = arith.constant 0 : i32
      %parallel_loop3A_724 = arith.constant 1 : i32
      %parallel_loop3A_725 = arith.index_cast %parallel_loop3A_723 : i32 to index
      %parallel_loop3A_726 = arith.index_cast %parallel_loop3A_724 : i32 to index
      %parallel_loop3A_727 = arith.index_cast %parallel_loop3A_688 : i32 to index
      %parallel_loop3A_728 = tpu.vector_load %arg7[%parallel_loop3A_725, %parallel_loop3A_726, %parallel_loop3A_727] {strides = array<i32>} : memref<3x3x2048xf32, #tpu.memory_space<vmem>>, vector<1x1x16xf32>,
      %parallel_loop3A_729 = vector.shape_cast %parallel_loop3A_728 : vector<1x1x16xf32> to vector<16xf32>
      %parallel_loop3A_730 = vector.shape_cast %parallel_loop3A_722 : vector<16xf32> to vector<1x1x16xf32>
      tpu.vector_store %arg7[%parallel_loop3A_725, %parallel_loop3A_726, %parallel_loop3A_727], %parallel_loop3A_730 {strides = array<i32>} : memref<3x3x2048xf32, #tpu.memory_space<vmem>>, vector<1x1x16xf32>,
      %parallel_loop3A_731 = arith.constant 0 : i32
      %parallel_loop3A_732 = arith.constant 2 : i32
      %parallel_loop3A_733 = arith.index_cast %parallel_loop3A_731 : i32 to index
      %parallel_loop3A_734 = arith.index_cast %parallel_loop3A_732 : i32 to index
      %parallel_loop3A_735 = arith.index_cast %parallel_loop3A_688 : i32 to index
      %parallel_loop3A_736 = tpu.vector_load %arg6[%parallel_loop3A_733, %parallel_loop3A_734, %parallel_loop3A_735] {strides = array<i32>} : memref<3x3x2048xf32, #tpu.memory_space<vmem>>, vector<1x1x16xf32>,
      %parallel_loop3A_737 = vector.shape_cast %parallel_loop3A_736 : vector<1x1x16xf32> to vector<16xf32>
      %parallel_loop3A_738 = arith.constant 0.000000e+00 : f32
      %parallel_loop3A_739 = vector.broadcast %parallel_loop3A_738 : f32 to vector<16xf32>
      %parallel_loop3A_740 = arith.cmpf oeq, %parallel_loop3A_737, %parallel_loop3A_739 : vector<16xf32>
      %parallel_loop3A_741 = arith.constant 2.000000e+00 : f32
      %parallel_loop3A_742 = vector.broadcast %parallel_loop3A_741 : f32 to vector<16xf32>
      %parallel_loop3A_743 = arith.select %parallel_loop3A_740, %parallel_loop3A_737, %parallel_loop3A_742 : vector<16xi1>, vector<16xf32>
      %parallel_loop3A_744 = arith.constant 0 : i32
      %parallel_loop3A_745 = arith.constant 2 : i32
      %parallel_loop3A_746 = arith.index_cast %parallel_loop3A_744 : i32 to index
      %parallel_loop3A_747 = arith.index_cast %parallel_loop3A_745 : i32 to index
      %parallel_loop3A_748 = arith.index_cast %parallel_loop3A_688 : i32 to index
      %parallel_loop3A_749 = tpu.vector_load %arg7[%parallel_loop3A_746, %parallel_loop3A_747, %parallel_loop3A_748] {strides = array<i32>} : memref<3x3x2048xf32, #tpu.memory_space<vmem>>, vector<1x1x16xf32>,
      %parallel_loop3A_750 = vector.shape_cast %parallel_loop3A_749 : vector<1x1x16xf32> to vector<16xf32>
      %parallel_loop3A_751 = vector.shape_cast %parallel_loop3A_743 : vector<16xf32> to vector<1x1x16xf32>
      tpu.vector_store %arg7[%parallel_loop3A_746, %parallel_loop3A_747, %parallel_loop3A_748], %parallel_loop3A_751 {strides = array<i32>} : memref<3x3x2048xf32, #tpu.memory_space<vmem>>, vector<1x1x16xf32>,
      %parallel_loop3A_752 = arith.constant 1 : i32
      %parallel_loop3A_753 = arith.constant 0 : i32
      %parallel_loop3A_754 = arith.index_cast %parallel_loop3A_752 : i32 to index
      %parallel_loop3A_755 = arith.index_cast %parallel_loop3A_753 : i32 to index
      %parallel_loop3A_756 = arith.index_cast %parallel_loop3A_688 : i32 to index
      %parallel_loop3A_757 = tpu.vector_load %arg6[%parallel_loop3A_754, %parallel_loop3A_755, %parallel_loop3A_756] {strides = array<i32>} : memref<3x3x2048xf32, #tpu.memory_space<vmem>>, vector<1x1x16xf32>,
      %parallel_loop3A_758 = vector.shape_cast %parallel_loop3A_757 : vector<1x1x16xf32> to vector<16xf32>
      %parallel_loop3A_759 = arith.constant 0.000000e+00 : f32
      %parallel_loop3A_760 = vector.broadcast %parallel_loop3A_759 : f32 to vector<16xf32>
      %parallel_loop3A_761 = arith.cmpf oeq, %parallel_loop3A_758, %parallel_loop3A_760 : vector<16xf32>
      %parallel_loop3A_762 = arith.constant 2.000000e+00 : f32
      %parallel_loop3A_763 = vector.broadcast %parallel_loop3A_762 : f32 to vector<16xf32>
      %parallel_loop3A_764 = arith.select %parallel_loop3A_761, %parallel_loop3A_758, %parallel_loop3A_763 : vector<16xi1>, vector<16xf32>
      %parallel_loop3A_765 = arith.constant 1 : i32
      %parallel_loop3A_766 = arith.constant 0 : i32
      %parallel_loop3A_767 = arith.index_cast %parallel_loop3A_765 : i32 to index
      %parallel_loop3A_768 = arith.index_cast %parallel_loop3A_766 : i32 to index
      %parallel_loop3A_769 = arith.index_cast %parallel_loop3A_688 : i32 to index
      %parallel_loop3A_770 = tpu.vector_load %arg7[%parallel_loop3A_767, %parallel_loop3A_768, %parallel_loop3A_769] {strides = array<i32>} : memref<3x3x2048xf32, #tpu.memory_space<vmem>>, vector<1x1x16xf32>,
      %parallel_loop3A_771 = vector.shape_cast %parallel_loop3A_770 : vector<1x1x16xf32> to vector<16xf32>
      %parallel_loop3A_772 = vector.shape_cast %parallel_loop3A_764 : vector<16xf32> to vector<1x1x16xf32>
      tpu.vector_store %arg7[%parallel_loop3A_767, %parallel_loop3A_768, %parallel_loop3A_769], %parallel_loop3A_772 {strides = array<i32>} : memref<3x3x2048xf32, #tpu.memory_space<vmem>>, vector<1x1x16xf32>,
      %parallel_loop3A_773 = arith.constant 1 : i32
      %parallel_loop3A_774 = arith.constant 1 : i32
      %parallel_loop3A_775 = arith.index_cast %parallel_loop3A_773 : i32 to index
      %parallel_loop3A_776 = arith.index_cast %parallel_loop3A_774 : i32 to index
      %parallel_loop3A_777 = arith.index_cast %parallel_loop3A_688 : i32 to index
      %parallel_loop3A_778 = tpu.vector_load %arg6[%parallel_loop3A_775, %parallel_loop3A_776, %parallel_loop3A_777] {strides = array<i32>} : memref<3x3x2048xf32, #tpu.memory_space<vmem>>, vector<1x1x16xf32>,
      %parallel_loop3A_779 = vector.shape_cast %parallel_loop3A_778 : vector<1x1x16xf32> to vector<16xf32>
      %parallel_loop3A_780 = arith.constant 0.000000e+00 : f32
      %parallel_loop3A_781 = vector.broadcast %parallel_loop3A_780 : f32 to vector<16xf32>
      %parallel_loop3A_782 = arith.cmpf oeq, %parallel_loop3A_779, %parallel_loop3A_781 : vector<16xf32>
      %parallel_loop3A_783 = arith.constant 2.000000e+00 : f32
      %parallel_loop3A_784 = vector.broadcast %parallel_loop3A_783 : f32 to vector<16xf32>
      %parallel_loop3A_785 = arith.select %parallel_loop3A_782, %parallel_loop3A_779, %parallel_loop3A_784 : vector<16xi1>, vector<16xf32>
      %parallel_loop3A_786 = arith.constant 1 : i32
      %parallel_loop3A_787 = arith.constant 1 : i32
      %parallel_loop3A_788 = arith.index_cast %parallel_loop3A_786 : i32 to index
      %parallel_loop3A_789 = arith.index_cast %parallel_loop3A_787 : i32 to index
      %parallel_loop3A_790 = arith.index_cast %parallel_loop3A_688 : i32 to index
      %parallel_loop3A_791 = tpu.vector_load %arg7[%parallel_loop3A_788, %parallel_loop3A_789, %parallel_loop3A_790] {strides = array<i32>} : memref<3x3x2048xf32, #tpu.memory_space<vmem>>, vector<1x1x16xf32>,
      %parallel_loop3A_792 = vector.shape_cast %parallel_loop3A_791 : vector<1x1x16xf32> to vector<16xf32>
      %parallel_loop3A_793 = vector.shape_cast %parallel_loop3A_785 : vector<16xf32> to vector<1x1x16xf32>
      tpu.vector_store %arg7[%parallel_loop3A_788, %parallel_loop3A_789, %parallel_loop3A_790], %parallel_loop3A_793 {strides = array<i32>} : memref<3x3x2048xf32, #tpu.memory_space<vmem>>, vector<1x1x16xf32>,
      %parallel_loop3A_794 = arith.constant 1 : i32
      %parallel_loop3A_795 = arith.constant 2 : i32
      %parallel_loop3A_796 = arith.index_cast %parallel_loop3A_794 : i32 to index
      %parallel_loop3A_797 = arith.index_cast %parallel_loop3A_795 : i32 to index
      %parallel_loop3A_798 = arith.index_cast %parallel_loop3A_688 : i32 to index
      %parallel_loop3A_799 = tpu.vector_load %arg6[%parallel_loop3A_796, %parallel_loop3A_797, %parallel_loop3A_798] {strides = array<i32>} : memref<3x3x2048xf32, #tpu.memory_space<vmem>>, vector<1x1x16xf32>,
      %parallel_loop3A_800 = vector.shape_cast %parallel_loop3A_799 : vector<1x1x16xf32> to vector<16xf32>
      %parallel_loop3A_801 = arith.constant 0.000000e+00 : f32
      %parallel_loop3A_802 = vector.broadcast %parallel_loop3A_801 : f32 to vector<16xf32>
      %parallel_loop3A_803 = arith.cmpf oeq, %parallel_loop3A_800, %parallel_loop3A_802 : vector<16xf32>
      %parallel_loop3A_804 = arith.constant 2.000000e+00 : f32
      %parallel_loop3A_805 = vector.broadcast %parallel_loop3A_804 : f32 to vector<16xf32>
      %parallel_loop3A_806 = arith.select %parallel_loop3A_803, %parallel_loop3A_800, %parallel_loop3A_805 : vector<16xi1>, vector<16xf32>
      %parallel_loop3A_807 = arith.constant 1 : i32
      %parallel_loop3A_808 = arith.constant 2 : i32
      %parallel_loop3A_809 = arith.index_cast %parallel_loop3A_807 : i32 to index
      %parallel_loop3A_810 = arith.index_cast %parallel_loop3A_808 : i32 to index
      %parallel_loop3A_811 = arith.index_cast %parallel_loop3A_688 : i32 to index
      %parallel_loop3A_812 = tpu.vector_load %arg7[%parallel_loop3A_809, %parallel_loop3A_810, %parallel_loop3A_811] {strides = array<i32>} : memref<3x3x2048xf32, #tpu.memory_space<vmem>>, vector<1x1x16xf32>,
      %parallel_loop3A_813 = vector.shape_cast %parallel_loop3A_812 : vector<1x1x16xf32> to vector<16xf32>
      %parallel_loop3A_814 = vector.shape_cast %parallel_loop3A_806 : vector<16xf32> to vector<1x1x16xf32>
      tpu.vector_store %arg7[%parallel_loop3A_809, %parallel_loop3A_810, %parallel_loop3A_811], %parallel_loop3A_814 {strides = array<i32>} : memref<3x3x2048xf32, #tpu.memory_space<vmem>>, vector<1x1x16xf32>,
      %parallel_loop3A_815 = arith.constant 2 : i32
      %parallel_loop3A_816 = arith.constant 0 : i32
      %parallel_loop3A_817 = arith.index_cast %parallel_loop3A_815 : i32 to index
      %parallel_loop3A_818 = arith.index_cast %parallel_loop3A_816 : i32 to index
      %parallel_loop3A_819 = arith.index_cast %parallel_loop3A_688 : i32 to index
      %parallel_loop3A_820 = tpu.vector_load %arg6[%parallel_loop3A_817, %parallel_loop3A_818, %parallel_loop3A_819] {strides = array<i32>} : memref<3x3x2048xf32, #tpu.memory_space<vmem>>, vector<1x1x16xf32>,
      %parallel_loop3A_821 = vector.shape_cast %parallel_loop3A_820 : vector<1x1x16xf32> to vector<16xf32>
      %parallel_loop3A_822 = arith.constant 0.000000e+00 : f32
      %parallel_loop3A_823 = vector.broadcast %parallel_loop3A_822 : f32 to vector<16xf32>
      %parallel_loop3A_824 = arith.cmpf oeq, %parallel_loop3A_821, %parallel_loop3A_823 : vector<16xf32>
      %parallel_loop3A_825 = arith.constant 2.000000e+00 : f32
      %parallel_loop3A_826 = vector.broadcast %parallel_loop3A_825 : f32 to vector<16xf32>
      %parallel_loop3A_827 = arith.select %parallel_loop3A_824, %parallel_loop3A_821, %parallel_loop3A_826 : vector<16xi1>, vector<16xf32>
      %parallel_loop3A_828 = arith.constant 2 : i32
      %parallel_loop3A_829 = arith.constant 0 : i32
      %parallel_loop3A_830 = arith.index_cast %parallel_loop3A_828 : i32 to index
      %parallel_loop3A_831 = arith.index_cast %parallel_loop3A_829 : i32 to index
      %parallel_loop3A_832 = arith.index_cast %parallel_loop3A_688 : i32 to index
      %parallel_loop3A_833 = tpu.vector_load %arg7[%parallel_loop3A_830, %parallel_loop3A_831, %parallel_loop3A_832] {strides = array<i32>} : memref<3x3x2048xf32, #tpu.memory_space<vmem>>, vector<1x1x16xf32>,
      %parallel_loop3A_834 = vector.shape_cast %parallel_loop3A_833 : vector<1x1x16xf32> to vector<16xf32>
      %parallel_loop3A_835 = vector.shape_cast %parallel_loop3A_827 : vector<16xf32> to vector<1x1x16xf32>
      tpu.vector_store %arg7[%parallel_loop3A_830, %parallel_loop3A_831, %parallel_loop3A_832], %parallel_loop3A_835 {strides = array<i32>} : memref<3x3x2048xf32, #tpu.memory_space<vmem>>, vector<1x1x16xf32>,
      %parallel_loop3A_836 = arith.constant 2 : i32
      %parallel_loop3A_837 = arith.constant 1 : i32
      %parallel_loop3A_838 = arith.index_cast %parallel_loop3A_836 : i32 to index
      %parallel_loop3A_839 = arith.index_cast %parallel_loop3A_837 : i32 to index
      %parallel_loop3A_840 = arith.index_cast %parallel_loop3A_688 : i32 to index
      %parallel_loop3A_841 = tpu.vector_load %arg6[%parallel_loop3A_838, %parallel_loop3A_839, %parallel_loop3A_840] {strides = array<i32>} : memref<3x3x2048xf32, #tpu.memory_space<vmem>>, vector<1x1x16xf32>,
      %parallel_loop3A_842 = vector.shape_cast %parallel_loop3A_841 : vector<1x1x16xf32> to vector<16xf32>
      %parallel_loop3A_843 = arith.constant 0.000000e+00 : f32
      %parallel_loop3A_844 = vector.broadcast %parallel_loop3A_843 : f32 to vector<16xf32>
      %parallel_loop3A_845 = arith.cmpf oeq, %parallel_loop3A_842, %parallel_loop3A_844 : vector<16xf32>
      %parallel_loop3A_846 = arith.constant 2.000000e+00 : f32
      %parallel_loop3A_847 = vector.broadcast %parallel_loop3A_846 : f32 to vector<16xf32>
      %parallel_loop3A_848 = arith.select %parallel_loop3A_845, %parallel_loop3A_842, %parallel_loop3A_847 : vector<16xi1>, vector<16xf32>
      %parallel_loop3A_849 = arith.constant 2 : i32
      %parallel_loop3A_850 = arith.constant 1 : i32
      %parallel_loop3A_851 = arith.index_cast %parallel_loop3A_849 : i32 to index
      %parallel_loop3A_852 = arith.index_cast %parallel_loop3A_850 : i32 to index
      %parallel_loop3A_853 = arith.index_cast %parallel_loop3A_688 : i32 to index
      %parallel_loop3A_854 = tpu.vector_load %arg7[%parallel_loop3A_851, %parallel_loop3A_852, %parallel_loop3A_853] {strides = array<i32>} : memref<3x3x2048xf32, #tpu.memory_space<vmem>>, vector<1x1x16xf32>,
      %parallel_loop3A_855 = vector.shape_cast %parallel_loop3A_854 : vector<1x1x16xf32> to vector<16xf32>
      %parallel_loop3A_856 = vector.shape_cast %parallel_loop3A_848 : vector<16xf32> to vector<1x1x16xf32>
      tpu.vector_store %arg7[%parallel_loop3A_851, %parallel_loop3A_852, %parallel_loop3A_853], %parallel_loop3A_856 {strides = array<i32>} : memref<3x3x2048xf32, #tpu.memory_space<vmem>>, vector<1x1x16xf32>,
      %parallel_loop3A_857 = arith.constant 2 : i32
      %parallel_loop3A_858 = arith.constant 2 : i32
      %parallel_loop3A_859 = arith.index_cast %parallel_loop3A_857 : i32 to index
      %parallel_loop3A_860 = arith.index_cast %parallel_loop3A_858 : i32 to index
      %parallel_loop3A_861 = arith.index_cast %parallel_loop3A_688 : i32 to index
      %parallel_loop3A_862 = tpu.vector_load %arg6[%parallel_loop3A_859, %parallel_loop3A_860, %parallel_loop3A_861] {strides = array<i32>} : memref<3x3x2048xf32, #tpu.memory_space<vmem>>, vector<1x1x16xf32>,
      %parallel_loop3A_863 = vector.shape_cast %parallel_loop3A_862 : vector<1x1x16xf32> to vector<16xf32>
      %parallel_loop3A_864 = arith.constant 0.000000e+00 : f32
      %parallel_loop3A_865 = vector.broadcast %parallel_loop3A_864 : f32 to vector<16xf32>
      %parallel_loop3A_866 = arith.cmpf oeq, %parallel_loop3A_863, %parallel_loop3A_865 : vector<16xf32>
      %parallel_loop3A_867 = arith.constant 2.000000e+00 : f32
      %parallel_loop3A_868 = vector.broadcast %parallel_loop3A_867 : f32 to vector<16xf32>
      %parallel_loop3A_869 = arith.select %parallel_loop3A_866, %parallel_loop3A_863, %parallel_loop3A_868 : vector<16xi1>, vector<16xf32>
      %parallel_loop3A_870 = arith.constant 2 : i32
      %parallel_loop3A_871 = arith.constant 2 : i32
      %parallel_loop3A_872 = arith.index_cast %parallel_loop3A_870 : i32 to index
      %parallel_loop3A_873 = arith.index_cast %parallel_loop3A_871 : i32 to index
      %parallel_loop3A_874 = arith.index_cast %parallel_loop3A_688 : i32 to index
      %parallel_loop3A_875 = tpu.vector_load %arg7[%parallel_loop3A_872, %parallel_loop3A_873, %parallel_loop3A_874] {strides = array<i32>} : memref<3x3x2048xf32, #tpu.memory_space<vmem>>, vector<1x1x16xf32>,
      %parallel_loop3A_876 = vector.shape_cast %parallel_loop3A_875 : vector<1x1x16xf32> to vector<16xf32>
      %parallel_loop3A_877 = vector.shape_cast %parallel_loop3A_869 : vector<16xf32> to vector<1x1x16xf32>
      tpu.vector_store %arg7[%parallel_loop3A_872, %parallel_loop3A_873, %parallel_loop3A_874], %parallel_loop3A_877 {strides = array<i32>} : memref<3x3x2048xf32, #tpu.memory_space<vmem>>, vector<1x1x16xf32>,
    } {sc.loop_unroll_factor = 1 : i64, sc.parallel_access}
    %add3A_533 = arith.constant 26624 : i32
    %add3A_534 = arith.addi %mul3A_2, %add3A_533 : i32
    %dma_start3A_535 = arith.constant 0 : i32
    %dma_start3A_536 = arith.constant 0 : i32
    %dma_start3A_537 = tpu.memref_slice %arg3[%dma_start3A_535, %dma_start3A_536, %add3A_534] : memref<3x3x1048576xf32, #tpu.memory_space<hbm>> -> memref<3x3x2048xf32, #tpu.memory_space<hbm>>
    %dma_start3A_538 = arith.constant 0 : i32
    %dma_start3A_539 = arith.constant 0 : i32
    %dma_start3A_540 = tpu.memref_slice %arg3[%dma_start3A_538, %dma_start3A_539, %add3A_534] : memref<3x3x1048576xf32, #tpu.memory_space<hbm>> -> memref<3x3x2048xf32, #tpu.memory_space<hbm>>
    tpu.enqueue_dma source(%arg7 : memref<3x3x2048xf32, #tpu.memory_space<vmem>>) target(%dma_start3A_540 : memref<3x3x2048xf32, #tpu.memory_space<hbm>>) target_semaphore(%arg12 : memref<!tpu.dma_semaphore, #tpu.memory_space<semaphore_mem>>)
    %add3A_541 = arith.constant 31744 : i32
    %add3A_542 = arith.addi %mul3A_2, %add3A_541 : i32
    %dma_start3A_543 = arith.constant 0 : i32
    %dma_start3A_544 = arith.constant 0 : i32
    %dma_start3A_545 = arith.constant 0 : i32
    %dma_start3A_546 = tpu.memref_slice %arg6[%dma_start3A_543, %dma_start3A_544, %dma_start3A_545] : memref<3x3x2048xf32, #tpu.memory_space<vmem>> -> memref<3x3x1024xf32, #tpu.memory_space<vmem>>
    %dma_start3A_547 = arith.constant 0 : i32
    %dma_start3A_548 = arith.constant 0 : i32
    %dma_start3A_549 = tpu.memref_slice %arg2[%dma_start3A_547, %dma_start3A_548, %add3A_542] : memref<3x3x1048576xf32, #tpu.memory_space<hbm>> -> memref<3x3x1024xf32, #tpu.memory_space<hbm>>
    %dma_start3A_550 = arith.constant 0 : i32
    %dma_start3A_551 = arith.constant 0 : i32
    %dma_start3A_552 = arith.constant 0 : i32
    %dma_start3A_553 = tpu.memref_slice %arg6[%dma_start3A_550, %dma_start3A_551, %dma_start3A_552] : memref<3x3x2048xf32, #tpu.memory_space<vmem>> -> memref<3x3x1024xf32, #tpu.memory_space<vmem>>
    %dma_start3A_554 = arith.constant 0 : i32
    %dma_start3A_555 = arith.constant 0 : i32
    %dma_start3A_556 = tpu.memref_slice %arg2[%dma_start3A_554, %dma_start3A_555, %add3A_542] : memref<3x3x1048576xf32, #tpu.memory_space<hbm>> -> memref<3x3x1024xf32, #tpu.memory_space<hbm>>
    tpu.enqueue_dma source(%dma_start3A_556 : memref<3x3x1024xf32, #tpu.memory_space<hbm>>) target(%dma_start3A_553 : memref<3x3x1024xf32, #tpu.memory_space<vmem>>) target_semaphore(%arg11 : memref<!tpu.dma_semaphore, #tpu.memory_space<semaphore_mem>>)
    %dma_wait3A_557 = arith.constant 0 : i32
    %dma_wait3A_558 = arith.constant 0 : i32
    %dma_wait3A_559 = tpu.memref_slice %arg2[%dma_wait3A_557, %dma_wait3A_558, %add3A_472] : memref<3x3x1048576xf32, #tpu.memory_space<hbm>> -> memref<3x3x2048xf32, #tpu.memory_space<hbm>>
    %dma_wait3A_560 = arith.constant 0 : i32
    %dma_wait3A_561 = arith.constant 0 : i32
    %dma_wait3A_562 = tpu.memref_slice %arg2[%dma_wait3A_560, %dma_wait3A_561, %add3A_472] : memref<3x3x1048576xf32, #tpu.memory_space<hbm>> -> memref<3x3x2048xf32, #tpu.memory_space<hbm>>
    tpu.wait_dma2 semaphore(%arg9 : memref<!tpu.dma_semaphore, #tpu.memory_space<semaphore_mem>>) src(%dma_wait3A_562 : memref<3x3x2048xf32, #tpu.memory_space<hbm>>) dst(%arg4 : memref<3x3x2048xf32, #tpu.memory_space<vmem>>)
    %dma_wait3A_563 = arith.constant 0 : i32
    %dma_wait3A_564 = arith.constant 0 : i32
    %dma_wait3A_565 = tpu.memref_slice %arg3[%dma_wait3A_563, %dma_wait3A_564, %add3A_495] : memref<3x3x1048576xf32, #tpu.memory_space<hbm>> -> memref<3x3x2048xf32, #tpu.memory_space<hbm>>
    %dma_wait3A_566 = arith.constant 0 : i32
    %dma_wait3A_567 = arith.constant 0 : i32
    %dma_wait3A_568 = tpu.memref_slice %arg3[%dma_wait3A_566, %dma_wait3A_567, %add3A_495] : memref<3x3x1048576xf32, #tpu.memory_space<hbm>> -> memref<3x3x2048xf32, #tpu.memory_space<hbm>>
    tpu.wait_dma2 semaphore(%arg13 : memref<!tpu.dma_semaphore, #tpu.memory_space<semaphore_mem>>) src(%arg8 : memref<3x3x2048xf32, #tpu.memory_space<vmem>>) dst(%dma_wait3A_568 : memref<3x3x2048xf32, #tpu.memory_space<hbm>>)
    %parallel_loop3A_569 = arith.constant 0 : i32
    %parallel_loop3A_570 = arith.constant 128 : i32
    %parallel_loop3A_571 = arith.constant 1 : i32
    scf.for %parallel_loop3A_686 = %parallel_loop3A_569 to %parallel_loop3A_570 step %parallel_loop3A_571  : i32 {
      %parallel_loop3A_687 = arith.constant 16 : i32
      %parallel_loop3A_688 = arith.muli %parallel_loop3A_686, %parallel_loop3A_687 : i32
      %parallel_loop3A_689 = arith.constant 0 : i32
      %parallel_loop3A_690 = arith.constant 0 : i32
      %parallel_loop3A_691 = arith.index_cast %parallel_loop3A_689 : i32 to index
      %parallel_loop3A_692 = arith.index_cast %parallel_loop3A_690 : i32 to index
      %parallel_loop3A_693 = arith.index_cast %parallel_loop3A_688 : i32 to index
      %parallel_loop3A_694 = tpu.vector_load %arg4[%parallel_loop3A_691, %parallel_loop3A_692, %parallel_loop3A_693] {strides = array<i32>} : memref<3x3x2048xf32, #tpu.memory_space<vmem>>, vector<1x1x16xf32>,
      %parallel_loop3A_695 = vector.shape_cast %parallel_loop3A_694 : vector<1x1x16xf32> to vector<16xf32>
      %parallel_loop3A_696 = arith.constant 0.000000e+00 : f32
      %parallel_loop3A_697 = vector.broadcast %parallel_loop3A_696 : f32 to vector<16xf32>
      %parallel_loop3A_698 = arith.cmpf oeq, %parallel_loop3A_695, %parallel_loop3A_697 : vector<16xf32>
      %parallel_loop3A_699 = arith.constant 2.000000e+00 : f32
      %parallel_loop3A_700 = vector.broadcast %parallel_loop3A_699 : f32 to vector<16xf32>
      %parallel_loop3A_701 = arith.select %parallel_loop3A_698, %parallel_loop3A_695, %parallel_loop3A_700 : vector<16xi1>, vector<16xf32>
      %parallel_loop3A_702 = arith.constant 0 : i32
      %parallel_loop3A_703 = arith.constant 0 : i32
      %parallel_loop3A_704 = arith.index_cast %parallel_loop3A_702 : i32 to index
      %parallel_loop3A_705 = arith.index_cast %parallel_loop3A_703 : i32 to index
      %parallel_loop3A_706 = arith.index_cast %parallel_loop3A_688 : i32 to index
      %parallel_loop3A_707 = tpu.vector_load %arg8[%parallel_loop3A_704, %parallel_loop3A_705, %parallel_loop3A_706] {strides = array<i32>} : memref<3x3x2048xf32, #tpu.memory_space<vmem>>, vector<1x1x16xf32>,
      %parallel_loop3A_708 = vector.shape_cast %parallel_loop3A_707 : vector<1x1x16xf32> to vector<16xf32>
      %parallel_loop3A_709 = vector.shape_cast %parallel_loop3A_701 : vector<16xf32> to vector<1x1x16xf32>
      tpu.vector_store %arg8[%parallel_loop3A_704, %parallel_loop3A_705, %parallel_loop3A_706], %parallel_loop3A_709 {strides = array<i32>} : memref<3x3x2048xf32, #tpu.memory_space<vmem>>, vector<1x1x16xf32>,
      %parallel_loop3A_710 = arith.constant 0 : i32
      %parallel_loop3A_711 = arith.constant 1 : i32
      %parallel_loop3A_712 = arith.index_cast %parallel_loop3A_710 : i32 to index
      %parallel_loop3A_713 = arith.index_cast %parallel_loop3A_711 : i32 to index
      %parallel_loop3A_714 = arith.index_cast %parallel_loop3A_688 : i32 to index
      %parallel_loop3A_715 = tpu.vector_load %arg4[%parallel_loop3A_712, %parallel_loop3A_713, %parallel_loop3A_714] {strides = array<i32>} : memref<3x3x2048xf32, #tpu.memory_space<vmem>>, vector<1x1x16xf32>,
      %parallel_loop3A_716 = vector.shape_cast %parallel_loop3A_715 : vector<1x1x16xf32> to vector<16xf32>
      %parallel_loop3A_717 = arith.constant 0.000000e+00 : f32
      %parallel_loop3A_718 = vector.broadcast %parallel_loop3A_717 : f32 to vector<16xf32>
      %parallel_loop3A_719 = arith.cmpf oeq, %parallel_loop3A_716, %parallel_loop3A_718 : vector<16xf32>
      %parallel_loop3A_720 = arith.constant 2.000000e+00 : f32
      %parallel_loop3A_721 = vector.broadcast %parallel_loop3A_720 : f32 to vector<16xf32>
      %parallel_loop3A_722 = arith.select %parallel_loop3A_719, %parallel_loop3A_716, %parallel_loop3A_721 : vector<16xi1>, vector<16xf32>
      %parallel_loop3A_723 = arith.constant 0 : i32
      %parallel_loop3A_724 = arith.constant 1 : i32
      %parallel_loop3A_725 = arith.index_cast %parallel_loop3A_723 : i32 to index
      %parallel_loop3A_726 = arith.index_cast %parallel_loop3A_724 : i32 to index
      %parallel_loop3A_727 = arith.index_cast %parallel_loop3A_688 : i32 to index
      %parallel_loop3A_728 = tpu.vector_load %arg8[%parallel_loop3A_725, %parallel_loop3A_726, %parallel_loop3A_727] {strides = array<i32>} : memref<3x3x2048xf32, #tpu.memory_space<vmem>>, vector<1x1x16xf32>,
      %parallel_loop3A_729 = vector.shape_cast %parallel_loop3A_728 : vector<1x1x16xf32> to vector<16xf32>
      %parallel_loop3A_730 = vector.shape_cast %parallel_loop3A_722 : vector<16xf32> to vector<1x1x16xf32>
      tpu.vector_store %arg8[%parallel_loop3A_725, %parallel_loop3A_726, %parallel_loop3A_727], %parallel_loop3A_730 {strides = array<i32>} : memref<3x3x2048xf32, #tpu.memory_space<vmem>>, vector<1x1x16xf32>,
      %parallel_loop3A_731 = arith.constant 0 : i32
      %parallel_loop3A_732 = arith.constant 2 : i32
      %parallel_loop3A_733 = arith.index_cast %parallel_loop3A_731 : i32 to index
      %parallel_loop3A_734 = arith.index_cast %parallel_loop3A_732 : i32 to index
      %parallel_loop3A_735 = arith.index_cast %parallel_loop3A_688 : i32 to index
      %parallel_loop3A_736 = tpu.vector_load %arg4[%parallel_loop3A_733, %parallel_loop3A_734, %parallel_loop3A_735] {strides = array<i32>} : memref<3x3x2048xf32, #tpu.memory_space<vmem>>, vector<1x1x16xf32>,
      %parallel_loop3A_737 = vector.shape_cast %parallel_loop3A_736 : vector<1x1x16xf32> to vector<16xf32>
      %parallel_loop3A_738 = arith.constant 0.000000e+00 : f32
      %parallel_loop3A_739 = vector.broadcast %parallel_loop3A_738 : f32 to vector<16xf32>
      %parallel_loop3A_740 = arith.cmpf oeq, %parallel_loop3A_737, %parallel_loop3A_739 : vector<16xf32>
      %parallel_loop3A_741 = arith.constant 2.000000e+00 : f32
      %parallel_loop3A_742 = vector.broadcast %parallel_loop3A_741 : f32 to vector<16xf32>
      %parallel_loop3A_743 = arith.select %parallel_loop3A_740, %parallel_loop3A_737, %parallel_loop3A_742 : vector<16xi1>, vector<16xf32>
      %parallel_loop3A_744 = arith.constant 0 : i32
      %parallel_loop3A_745 = arith.constant 2 : i32
      %parallel_loop3A_746 = arith.index_cast %parallel_loop3A_744 : i32 to index
      %parallel_loop3A_747 = arith.index_cast %parallel_loop3A_745 : i32 to index
      %parallel_loop3A_748 = arith.index_cast %parallel_loop3A_688 : i32 to index
      %parallel_loop3A_749 = tpu.vector_load %arg8[%parallel_loop3A_746, %parallel_loop3A_747, %parallel_loop3A_748] {strides = array<i32>} : memref<3x3x2048xf32, #tpu.memory_space<vmem>>, vector<1x1x16xf32>,
      %parallel_loop3A_750 = vector.shape_cast %parallel_loop3A_749 : vector<1x1x16xf32> to vector<16xf32>
      %parallel_loop3A_751 = vector.shape_cast %parallel_loop3A_743 : vector<16xf32> to vector<1x1x16xf32>
      tpu.vector_store %arg8[%parallel_loop3A_746, %parallel_loop3A_747, %parallel_loop3A_748], %parallel_loop3A_751 {strides = array<i32>} : memref<3x3x2048xf32, #tpu.memory_space<vmem>>, vector<1x1x16xf32>,
      %parallel_loop3A_752 = arith.constant 1 : i32
      %parallel_loop3A_753 = arith.constant 0 : i32
      %parallel_loop3A_754 = arith.index_cast %parallel_loop3A_752 : i32 to index
      %parallel_loop3A_755 = arith.index_cast %parallel_loop3A_753 : i32 to index
      %parallel_loop3A_756 = arith.index_cast %parallel_loop3A_688 : i32 to index
      %parallel_loop3A_757 = tpu.vector_load %arg4[%parallel_loop3A_754, %parallel_loop3A_755, %parallel_loop3A_756] {strides = array<i32>} : memref<3x3x2048xf32, #tpu.memory_space<vmem>>, vector<1x1x16xf32>,
      %parallel_loop3A_758 = vector.shape_cast %parallel_loop3A_757 : vector<1x1x16xf32> to vector<16xf32>
      %parallel_loop3A_759 = arith.constant 0.000000e+00 : f32
      %parallel_loop3A_760 = vector.broadcast %parallel_loop3A_759 : f32 to vector<16xf32>
      %parallel_loop3A_761 = arith.cmpf oeq, %parallel_loop3A_758, %parallel_loop3A_760 : vector<16xf32>
      %parallel_loop3A_762 = arith.constant 2.000000e+00 : f32
      %parallel_loop3A_763 = vector.broadcast %parallel_loop3A_762 : f32 to vector<16xf32>
      %parallel_loop3A_764 = arith.select %parallel_loop3A_761, %parallel_loop3A_758, %parallel_loop3A_763 : vector<16xi1>, vector<16xf32>
      %parallel_loop3A_765 = arith.constant 1 : i32
      %parallel_loop3A_766 = arith.constant 0 : i32
      %parallel_loop3A_767 = arith.index_cast %parallel_loop3A_765 : i32 to index
      %parallel_loop3A_768 = arith.index_cast %parallel_loop3A_766 : i32 to index
      %parallel_loop3A_769 = arith.index_cast %parallel_loop3A_688 : i32 to index
      %parallel_loop3A_770 = tpu.vector_load %arg8[%parallel_loop3A_767, %parallel_loop3A_768, %parallel_loop3A_769] {strides = array<i32>} : memref<3x3x2048xf32, #tpu.memory_space<vmem>>, vector<1x1x16xf32>,
      %parallel_loop3A_771 = vector.shape_cast %parallel_loop3A_770 : vector<1x1x16xf32> to vector<16xf32>
      %parallel_loop3A_772 = vector.shape_cast %parallel_loop3A_764 : vector<16xf32> to vector<1x1x16xf32>
      tpu.vector_store %arg8[%parallel_loop3A_767, %parallel_loop3A_768, %parallel_loop3A_769], %parallel_loop3A_772 {strides = array<i32>} : memref<3x3x2048xf32, #tpu.memory_space<vmem>>, vector<1x1x16xf32>,
      %parallel_loop3A_773 = arith.constant 1 : i32
      %parallel_loop3A_774 = arith.constant 1 : i32
      %parallel_loop3A_775 = arith.index_cast %parallel_loop3A_773 : i32 to index
      %parallel_loop3A_776 = arith.index_cast %parallel_loop3A_774 : i32 to index
      %parallel_loop3A_777 = arith.index_cast %parallel_loop3A_688 : i32 to index
      %parallel_loop3A_778 = tpu.vector_load %arg4[%parallel_loop3A_775, %parallel_loop3A_776, %parallel_loop3A_777] {strides = array<i32>} : memref<3x3x2048xf32, #tpu.memory_space<vmem>>, vector<1x1x16xf32>,
      %parallel_loop3A_779 = vector.shape_cast %parallel_loop3A_778 : vector<1x1x16xf32> to vector<16xf32>
      %parallel_loop3A_780 = arith.constant 0.000000e+00 : f32
      %parallel_loop3A_781 = vector.broadcast %parallel_loop3A_780 : f32 to vector<16xf32>
      %parallel_loop3A_782 = arith.cmpf oeq, %parallel_loop3A_779, %parallel_loop3A_781 : vector<16xf32>
      %parallel_loop3A_783 = arith.constant 2.000000e+00 : f32
      %parallel_loop3A_784 = vector.broadcast %parallel_loop3A_783 : f32 to vector<16xf32>
      %parallel_loop3A_785 = arith.select %parallel_loop3A_782, %parallel_loop3A_779, %parallel_loop3A_784 : vector<16xi1>, vector<16xf32>
      %parallel_loop3A_786 = arith.constant 1 : i32
      %parallel_loop3A_787 = arith.constant 1 : i32
      %parallel_loop3A_788 = arith.index_cast %parallel_loop3A_786 : i32 to index
      %parallel_loop3A_789 = arith.index_cast %parallel_loop3A_787 : i32 to index
      %parallel_loop3A_790 = arith.index_cast %parallel_loop3A_688 : i32 to index
      %parallel_loop3A_791 = tpu.vector_load %arg8[%parallel_loop3A_788, %parallel_loop3A_789, %parallel_loop3A_790] {strides = array<i32>} : memref<3x3x2048xf32, #tpu.memory_space<vmem>>, vector<1x1x16xf32>,
      %parallel_loop3A_792 = vector.shape_cast %parallel_loop3A_791 : vector<1x1x16xf32> to vector<16xf32>
      %parallel_loop3A_793 = vector.shape_cast %parallel_loop3A_785 : vector<16xf32> to vector<1x1x16xf32>
      tpu.vector_store %arg8[%parallel_loop3A_788, %parallel_loop3A_789, %parallel_loop3A_790], %parallel_loop3A_793 {strides = array<i32>} : memref<3x3x2048xf32, #tpu.memory_space<vmem>>, vector<1x1x16xf32>,
      %parallel_loop3A_794 = arith.constant 1 : i32
      %parallel_loop3A_795 = arith.constant 2 : i32
      %parallel_loop3A_796 = arith.index_cast %parallel_loop3A_794 : i32 to index
      %parallel_loop3A_797 = arith.index_cast %parallel_loop3A_795 : i32 to index
      %parallel_loop3A_798 = arith.index_cast %parallel_loop3A_688 : i32 to index
      %parallel_loop3A_799 = tpu.vector_load %arg4[%parallel_loop3A_796, %parallel_loop3A_797, %parallel_loop3A_798] {strides = array<i32>} : memref<3x3x2048xf32, #tpu.memory_space<vmem>>, vector<1x1x16xf32>,
      %parallel_loop3A_800 = vector.shape_cast %parallel_loop3A_799 : vector<1x1x16xf32> to vector<16xf32>
      %parallel_loop3A_801 = arith.constant 0.000000e+00 : f32
      %parallel_loop3A_802 = vector.broadcast %parallel_loop3A_801 : f32 to vector<16xf32>
      %parallel_loop3A_803 = arith.cmpf oeq, %parallel_loop3A_800, %parallel_loop3A_802 : vector<16xf32>
      %parallel_loop3A_804 = arith.constant 2.000000e+00 : f32
      %parallel_loop3A_805 = vector.broadcast %parallel_loop3A_804 : f32 to vector<16xf32>
      %parallel_loop3A_806 = arith.select %parallel_loop3A_803, %parallel_loop3A_800, %parallel_loop3A_805 : vector<16xi1>, vector<16xf32>
      %parallel_loop3A_807 = arith.constant 1 : i32
      %parallel_loop3A_808 = arith.constant 2 : i32
      %parallel_loop3A_809 = arith.index_cast %parallel_loop3A_807 : i32 to index
      %parallel_loop3A_810 = arith.index_cast %parallel_loop3A_808 : i32 to index
      %parallel_loop3A_811 = arith.index_cast %parallel_loop3A_688 : i32 to index
      %parallel_loop3A_812 = tpu.vector_load %arg8[%parallel_loop3A_809, %parallel_loop3A_810, %parallel_loop3A_811] {strides = array<i32>} : memref<3x3x2048xf32, #tpu.memory_space<vmem>>, vector<1x1x16xf32>,
      %parallel_loop3A_813 = vector.shape_cast %parallel_loop3A_812 : vector<1x1x16xf32> to vector<16xf32>
      %parallel_loop3A_814 = vector.shape_cast %parallel_loop3A_806 : vector<16xf32> to vector<1x1x16xf32>
      tpu.vector_store %arg8[%parallel_loop3A_809, %parallel_loop3A_810, %parallel_loop3A_811], %parallel_loop3A_814 {strides = array<i32>} : memref<3x3x2048xf32, #tpu.memory_space<vmem>>, vector<1x1x16xf32>,
      %parallel_loop3A_815 = arith.constant 2 : i32
      %parallel_loop3A_816 = arith.constant 0 : i32
      %parallel_loop3A_817 = arith.index_cast %parallel_loop3A_815 : i32 to index
      %parallel_loop3A_818 = arith.index_cast %parallel_loop3A_816 : i32 to index
      %parallel_loop3A_819 = arith.index_cast %parallel_loop3A_688 : i32 to index
      %parallel_loop3A_820 = tpu.vector_load %arg4[%parallel_loop3A_817, %parallel_loop3A_818, %parallel_loop3A_819] {strides = array<i32>} : memref<3x3x2048xf32, #tpu.memory_space<vmem>>, vector<1x1x16xf32>,
      %parallel_loop3A_821 = vector.shape_cast %parallel_loop3A_820 : vector<1x1x16xf32> to vector<16xf32>
      %parallel_loop3A_822 = arith.constant 0.000000e+00 : f32
      %parallel_loop3A_823 = vector.broadcast %parallel_loop3A_822 : f32 to vector<16xf32>
      %parallel_loop3A_824 = arith.cmpf oeq, %parallel_loop3A_821, %parallel_loop3A_823 : vector<16xf32>
      %parallel_loop3A_825 = arith.constant 2.000000e+00 : f32
      %parallel_loop3A_826 = vector.broadcast %parallel_loop3A_825 : f32 to vector<16xf32>
      %parallel_loop3A_827 = arith.select %parallel_loop3A_824, %parallel_loop3A_821, %parallel_loop3A_826 : vector<16xi1>, vector<16xf32>
      %parallel_loop3A_828 = arith.constant 2 : i32
      %parallel_loop3A_829 = arith.constant 0 : i32
      %parallel_loop3A_830 = arith.index_cast %parallel_loop3A_828 : i32 to index
      %parallel_loop3A_831 = arith.index_cast %parallel_loop3A_829 : i32 to index
      %parallel_loop3A_832 = arith.index_cast %parallel_loop3A_688 : i32 to index
      %parallel_loop3A_833 = tpu.vector_load %arg8[%parallel_loop3A_830, %parallel_loop3A_831, %parallel_loop3A_832] {strides = array<i32>} : memref<3x3x2048xf32, #tpu.memory_space<vmem>>, vector<1x1x16xf32>,
      %parallel_loop3A_834 = vector.shape_cast %parallel_loop3A_833 : vector<1x1x16xf32> to vector<16xf32>
      %parallel_loop3A_835 = vector.shape_cast %parallel_loop3A_827 : vector<16xf32> to vector<1x1x16xf32>
      tpu.vector_store %arg8[%parallel_loop3A_830, %parallel_loop3A_831, %parallel_loop3A_832], %parallel_loop3A_835 {strides = array<i32>} : memref<3x3x2048xf32, #tpu.memory_space<vmem>>, vector<1x1x16xf32>,
      %parallel_loop3A_836 = arith.constant 2 : i32
      %parallel_loop3A_837 = arith.constant 1 : i32
      %parallel_loop3A_838 = arith.index_cast %parallel_loop3A_836 : i32 to index
      %parallel_loop3A_839 = arith.index_cast %parallel_loop3A_837 : i32 to index
      %parallel_loop3A_840 = arith.index_cast %parallel_loop3A_688 : i32 to index
      %parallel_loop3A_841 = tpu.vector_load %arg4[%parallel_loop3A_838, %parallel_loop3A_839, %parallel_loop3A_840] {strides = array<i32>} : memref<3x3x2048xf32, #tpu.memory_space<vmem>>, vector<1x1x16xf32>,
      %parallel_loop3A_842 = vector.shape_cast %parallel_loop3A_841 : vector<1x1x16xf32> to vector<16xf32>
      %parallel_loop3A_843 = arith.constant 0.000000e+00 : f32
      %parallel_loop3A_844 = vector.broadcast %parallel_loop3A_843 : f32 to vector<16xf32>
      %parallel_loop3A_845 = arith.cmpf oeq, %parallel_loop3A_842, %parallel_loop3A_844 : vector<16xf32>
      %parallel_loop3A_846 = arith.constant 2.000000e+00 : f32
      %parallel_loop3A_847 = vector.broadcast %parallel_loop3A_846 : f32 to vector<16xf32>
      %parallel_loop3A_848 = arith.select %parallel_loop3A_845, %parallel_loop3A_842, %parallel_loop3A_847 : vector<16xi1>, vector<16xf32>
      %parallel_loop3A_849 = arith.constant 2 : i32
      %parallel_loop3A_850 = arith.constant 1 : i32
      %parallel_loop3A_851 = arith.index_cast %parallel_loop3A_849 : i32 to index
      %parallel_loop3A_852 = arith.index_cast %parallel_loop3A_850 : i32 to index
      %parallel_loop3A_853 = arith.index_cast %parallel_loop3A_688 : i32 to index
      %parallel_loop3A_854 = tpu.vector_load %arg8[%parallel_loop3A_851, %parallel_loop3A_852, %parallel_loop3A_853] {strides = array<i32>} : memref<3x3x2048xf32, #tpu.memory_space<vmem>>, vector<1x1x16xf32>,
      %parallel_loop3A_855 = vector.shape_cast %parallel_loop3A_854 : vector<1x1x16xf32> to vector<16xf32>
      %parallel_loop3A_856 = vector.shape_cast %parallel_loop3A_848 : vector<16xf32> to vector<1x1x16xf32>
      tpu.vector_store %arg8[%parallel_loop3A_851, %parallel_loop3A_852, %parallel_loop3A_853], %parallel_loop3A_856 {strides = array<i32>} : memref<3x3x2048xf32, #tpu.memory_space<vmem>>, vector<1x1x16xf32>,
      %parallel_loop3A_857 = arith.constant 2 : i32
      %parallel_loop3A_858 = arith.constant 2 : i32
      %parallel_loop3A_859 = arith.index_cast %parallel_loop3A_857 : i32 to index
      %parallel_loop3A_860 = arith.index_cast %parallel_loop3A_858 : i32 to index
      %parallel_loop3A_861 = arith.index_cast %parallel_loop3A_688 : i32 to index
      %parallel_loop3A_862 = tpu.vector_load %arg4[%parallel_loop3A_859, %parallel_loop3A_860, %parallel_loop3A_861] {strides = array<i32>} : memref<3x3x2048xf32, #tpu.memory_space<vmem>>, vector<1x1x16xf32>,
      %parallel_loop3A_863 = vector.shape_cast %parallel_loop3A_862 : vector<1x1x16xf32> to vector<16xf32>
      %parallel_loop3A_864 = arith.constant 0.000000e+00 : f32
      %parallel_loop3A_865 = vector.broadcast %parallel_loop3A_864 : f32 to vector<16xf32>
      %parallel_loop3A_866 = arith.cmpf oeq, %parallel_loop3A_863, %parallel_loop3A_865 : vector<16xf32>
      %parallel_loop3A_867 = arith.constant 2.000000e+00 : f32
      %parallel_loop3A_868 = vector.broadcast %parallel_loop3A_867 : f32 to vector<16xf32>
      %parallel_loop3A_869 = arith.select %parallel_loop3A_866, %parallel_loop3A_863, %parallel_loop3A_868 : vector<16xi1>, vector<16xf32>
      %parallel_loop3A_870 = arith.constant 2 : i32
      %parallel_loop3A_871 = arith.constant 2 : i32
      %parallel_loop3A_872 = arith.index_cast %parallel_loop3A_870 : i32 to index
      %parallel_loop3A_873 = arith.index_cast %parallel_loop3A_871 : i32 to index
      %parallel_loop3A_874 = arith.index_cast %parallel_loop3A_688 : i32 to index
      %parallel_loop3A_875 = tpu.vector_load %arg8[%parallel_loop3A_872, %parallel_loop3A_873, %parallel_loop3A_874] {strides = array<i32>} : memref<3x3x2048xf32, #tpu.memory_space<vmem>>, vector<1x1x16xf32>,
      %parallel_loop3A_876 = vector.shape_cast %parallel_loop3A_875 : vector<1x1x16xf32> to vector<16xf32>
      %parallel_loop3A_877 = vector.shape_cast %parallel_loop3A_869 : vector<16xf32> to vector<1x1x16xf32>
      tpu.vector_store %arg8[%parallel_loop3A_872, %parallel_loop3A_873, %parallel_loop3A_874], %parallel_loop3A_877 {strides = array<i32>} : memref<3x3x2048xf32, #tpu.memory_space<vmem>>, vector<1x1x16xf32>,
    } {sc.loop_unroll_factor = 1 : i64, sc.parallel_access}
    %add3A_572 = arith.constant 28672 : i32
    %add3A_573 = arith.addi %mul3A_2, %add3A_572 : i32
    %dma_start3A_574 = arith.constant 0 : i32
    %dma_start3A_575 = arith.constant 0 : i32
    %dma_start3A_576 = tpu.memref_slice %arg3[%dma_start3A_574, %dma_start3A_575, %add3A_573] : memref<3x3x1048576xf32, #tpu.memory_space<hbm>> -> memref<3x3x2048xf32, #tpu.memory_space<hbm>>
    %dma_start3A_577 = arith.constant 0 : i32
    %dma_start3A_578 = arith.constant 0 : i32
    %dma_start3A_579 = tpu.memref_slice %arg3[%dma_start3A_577, %dma_start3A_578, %add3A_573] : memref<3x3x1048576xf32, #tpu.memory_space<hbm>> -> memref<3x3x2048xf32, #tpu.memory_space<hbm>>
    tpu.enqueue_dma source(%arg8 : memref<3x3x2048xf32, #tpu.memory_space<vmem>>) target(%dma_start3A_579 : memref<3x3x2048xf32, #tpu.memory_space<hbm>>) target_semaphore(%arg13 : memref<!tpu.dma_semaphore, #tpu.memory_space<semaphore_mem>>)
    %dma_wait3A_580 = arith.constant 0 : i32
    %dma_wait3A_581 = arith.constant 0 : i32
    %dma_wait3A_582 = arith.constant 0 : i32
    %dma_wait3A_583 = tpu.memref_slice %arg5[%dma_wait3A_580, %dma_wait3A_581, %dma_wait3A_582] : memref<3x3x2048xf32, #tpu.memory_space<vmem>> -> memref<3x3x1024xf32, #tpu.memory_space<vmem>>
    %dma_wait3A_584 = arith.constant 0 : i32
    %dma_wait3A_585 = arith.constant 0 : i32
    %dma_wait3A_586 = tpu.memref_slice %arg2[%dma_wait3A_584, %dma_wait3A_585, %add3A_503] : memref<3x3x1048576xf32, #tpu.memory_space<hbm>> -> memref<3x3x1024xf32, #tpu.memory_space<hbm>>
    %dma_wait3A_587 = arith.constant 0 : i32
    %dma_wait3A_588 = arith.constant 0 : i32
    %dma_wait3A_589 = arith.constant 0 : i32
    %dma_wait3A_590 = tpu.memref_slice %arg5[%dma_wait3A_587, %dma_wait3A_588, %dma_wait3A_589] : memref<3x3x2048xf32, #tpu.memory_space<vmem>> -> memref<3x3x1024xf32, #tpu.memory_space<vmem>>
    %dma_wait3A_591 = arith.constant 0 : i32
    %dma_wait3A_592 = arith.constant 0 : i32
    %dma_wait3A_593 = tpu.memref_slice %arg2[%dma_wait3A_591, %dma_wait3A_592, %add3A_503] : memref<3x3x1048576xf32, #tpu.memory_space<hbm>> -> memref<3x3x1024xf32, #tpu.memory_space<hbm>>
    tpu.wait_dma2 semaphore(%arg10 : memref<!tpu.dma_semaphore, #tpu.memory_space<semaphore_mem>>) src(%dma_wait3A_593 : memref<3x3x1024xf32, #tpu.memory_space<hbm>>) dst(%dma_wait3A_590 : memref<3x3x1024xf32, #tpu.memory_space<vmem>>)
    %dma_wait3A_594 = arith.constant 0 : i32
    %dma_wait3A_595 = arith.constant 0 : i32
    %dma_wait3A_596 = tpu.memref_slice %arg3[%dma_wait3A_594, %dma_wait3A_595, %add3A_534] : memref<3x3x1048576xf32, #tpu.memory_space<hbm>> -> memref<3x3x2048xf32, #tpu.memory_space<hbm>>
    %dma_wait3A_597 = arith.constant 0 : i32
    %dma_wait3A_598 = arith.constant 0 : i32
    %dma_wait3A_599 = tpu.memref_slice %arg3[%dma_wait3A_597, %dma_wait3A_598, %add3A_534] : memref<3x3x1048576xf32, #tpu.memory_space<hbm>> -> memref<3x3x2048xf32, #tpu.memory_space<hbm>>
    tpu.wait_dma2 semaphore(%arg12 : memref<!tpu.dma_semaphore, #tpu.memory_space<semaphore_mem>>) src(%arg7 : memref<3x3x2048xf32, #tpu.memory_space<vmem>>) dst(%dma_wait3A_599 : memref<3x3x2048xf32, #tpu.memory_space<hbm>>)
    %parallel_loop3A_600 = arith.constant 0 : i32
    %parallel_loop3A_601 = arith.constant 64 : i32
    %parallel_loop3A_602 = arith.constant 1 : i32
    scf.for %parallel_loop3A_686 = %parallel_loop3A_600 to %parallel_loop3A_601 step %parallel_loop3A_602  : i32 {
      %parallel_loop3A_687 = arith.constant 16 : i32
      %parallel_loop3A_688 = arith.muli %parallel_loop3A_686, %parallel_loop3A_687 : i32
      %parallel_loop3A_689 = arith.constant 0 : i32
      %parallel_loop3A_690 = arith.constant 0 : i32
      %parallel_loop3A_691 = arith.index_cast %parallel_loop3A_689 : i32 to index
      %parallel_loop3A_692 = arith.index_cast %parallel_loop3A_690 : i32 to index
      %parallel_loop3A_693 = arith.index_cast %parallel_loop3A_688 : i32 to index
      %parallel_loop3A_694 = tpu.vector_load %arg5[%parallel_loop3A_691, %parallel_loop3A_692, %parallel_loop3A_693] {strides = array<i32>} : memref<3x3x2048xf32, #tpu.memory_space<vmem>>, vector<1x1x16xf32>,
      %parallel_loop3A_695 = vector.shape_cast %parallel_loop3A_694 : vector<1x1x16xf32> to vector<16xf32>
      %parallel_loop3A_696 = arith.constant 0.000000e+00 : f32
      %parallel_loop3A_697 = vector.broadcast %parallel_loop3A_696 : f32 to vector<16xf32>
      %parallel_loop3A_698 = arith.cmpf oeq, %parallel_loop3A_695, %parallel_loop3A_697 : vector<16xf32>
      %parallel_loop3A_699 = arith.constant 2.000000e+00 : f32
      %parallel_loop3A_700 = vector.broadcast %parallel_loop3A_699 : f32 to vector<16xf32>
      %parallel_loop3A_701 = arith.select %parallel_loop3A_698, %parallel_loop3A_695, %parallel_loop3A_700 : vector<16xi1>, vector<16xf32>
      %parallel_loop3A_702 = arith.constant 0 : i32
      %parallel_loop3A_703 = arith.constant 0 : i32
      %parallel_loop3A_704 = arith.index_cast %parallel_loop3A_702 : i32 to index
      %parallel_loop3A_705 = arith.index_cast %parallel_loop3A_703 : i32 to index
      %parallel_loop3A_706 = arith.index_cast %parallel_loop3A_688 : i32 to index
      %parallel_loop3A_707 = tpu.vector_load %arg7[%parallel_loop3A_704, %parallel_loop3A_705, %parallel_loop3A_706] {strides = array<i32>} : memref<3x3x2048xf32, #tpu.memory_space<vmem>>, vector<1x1x16xf32>,
      %parallel_loop3A_708 = vector.shape_cast %parallel_loop3A_707 : vector<1x1x16xf32> to vector<16xf32>
      %parallel_loop3A_709 = vector.shape_cast %parallel_loop3A_701 : vector<16xf32> to vector<1x1x16xf32>
      tpu.vector_store %arg7[%parallel_loop3A_704, %parallel_loop3A_705, %parallel_loop3A_706], %parallel_loop3A_709 {strides = array<i32>} : memref<3x3x2048xf32, #tpu.memory_space<vmem>>, vector<1x1x16xf32>,
      %parallel_loop3A_710 = arith.constant 0 : i32
      %parallel_loop3A_711 = arith.constant 1 : i32
      %parallel_loop3A_712 = arith.index_cast %parallel_loop3A_710 : i32 to index
      %parallel_loop3A_713 = arith.index_cast %parallel_loop3A_711 : i32 to index
      %parallel_loop3A_714 = arith.index_cast %parallel_loop3A_688 : i32 to index
      %parallel_loop3A_715 = tpu.vector_load %arg5[%parallel_loop3A_712, %parallel_loop3A_713, %parallel_loop3A_714] {strides = array<i32>} : memref<3x3x2048xf32, #tpu.memory_space<vmem>>, vector<1x1x16xf32>,
      %parallel_loop3A_716 = vector.shape_cast %parallel_loop3A_715 : vector<1x1x16xf32> to vector<16xf32>
      %parallel_loop3A_717 = arith.constant 0.000000e+00 : f32
      %parallel_loop3A_718 = vector.broadcast %parallel_loop3A_717 : f32 to vector<16xf32>
      %parallel_loop3A_719 = arith.cmpf oeq, %parallel_loop3A_716, %parallel_loop3A_718 : vector<16xf32>
      %parallel_loop3A_720 = arith.constant 2.000000e+00 : f32
      %parallel_loop3A_721 = vector.broadcast %parallel_loop3A_720 : f32 to vector<16xf32>
      %parallel_loop3A_722 = arith.select %parallel_loop3A_719, %parallel_loop3A_716, %parallel_loop3A_721 : vector<16xi1>, vector<16xf32>
      %parallel_loop3A_723 = arith.constant 0 : i32
      %parallel_loop3A_724 = arith.constant 1 : i32
      %parallel_loop3A_725 = arith.index_cast %parallel_loop3A_723 : i32 to index
      %parallel_loop3A_726 = arith.index_cast %parallel_loop3A_724 : i32 to index
      %parallel_loop3A_727 = arith.index_cast %parallel_loop3A_688 : i32 to index
      %parallel_loop3A_728 = tpu.vector_load %arg7[%parallel_loop3A_725, %parallel_loop3A_726, %parallel_loop3A_727] {strides = array<i32>} : memref<3x3x2048xf32, #tpu.memory_space<vmem>>, vector<1x1x16xf32>,
      %parallel_loop3A_729 = vector.shape_cast %parallel_loop3A_728 : vector<1x1x16xf32> to vector<16xf32>
      %parallel_loop3A_730 = vector.shape_cast %parallel_loop3A_722 : vector<16xf32> to vector<1x1x16xf32>
      tpu.vector_store %arg7[%parallel_loop3A_725, %parallel_loop3A_726, %parallel_loop3A_727], %parallel_loop3A_730 {strides = array<i32>} : memref<3x3x2048xf32, #tpu.memory_space<vmem>>, vector<1x1x16xf32>,
      %parallel_loop3A_731 = arith.constant 0 : i32
      %parallel_loop3A_732 = arith.constant 2 : i32
      %parallel_loop3A_733 = arith.index_cast %parallel_loop3A_731 : i32 to index
      %parallel_loop3A_734 = arith.index_cast %parallel_loop3A_732 : i32 to index
      %parallel_loop3A_735 = arith.index_cast %parallel_loop3A_688 : i32 to index
      %parallel_loop3A_736 = tpu.vector_load %arg5[%parallel_loop3A_733, %parallel_loop3A_734, %parallel_loop3A_735] {strides = array<i32>} : memref<3x3x2048xf32, #tpu.memory_space<vmem>>, vector<1x1x16xf32>,
      %parallel_loop3A_737 = vector.shape_cast %parallel_loop3A_736 : vector<1x1x16xf32> to vector<16xf32>
      %parallel_loop3A_738 = arith.constant 0.000000e+00 : f32
      %parallel_loop3A_739 = vector.broadcast %parallel_loop3A_738 : f32 to vector<16xf32>
      %parallel_loop3A_740 = arith.cmpf oeq, %parallel_loop3A_737, %parallel_loop3A_739 : vector<16xf32>
      %parallel_loop3A_741 = arith.constant 2.000000e+00 : f32
      %parallel_loop3A_742 = vector.broadcast %parallel_loop3A_741 : f32 to vector<16xf32>
      %parallel_loop3A_743 = arith.select %parallel_loop3A_740, %parallel_loop3A_737, %parallel_loop3A_742 : vector<16xi1>, vector<16xf32>
      %parallel_loop3A_744 = arith.constant 0 : i32
      %parallel_loop3A_745 = arith.constant 2 : i32
      %parallel_loop3A_746 = arith.index_cast %parallel_loop3A_744 : i32 to index
      %parallel_loop3A_747 = arith.index_cast %parallel_loop3A_745 : i32 to index
      %parallel_loop3A_748 = arith.index_cast %parallel_loop3A_688 : i32 to index
      %parallel_loop3A_749 = tpu.vector_load %arg7[%parallel_loop3A_746, %parallel_loop3A_747, %parallel_loop3A_748] {strides = array<i32>} : memref<3x3x2048xf32, #tpu.memory_space<vmem>>, vector<1x1x16xf32>,
      %parallel_loop3A_750 = vector.shape_cast %parallel_loop3A_749 : vector<1x1x16xf32> to vector<16xf32>
      %parallel_loop3A_751 = vector.shape_cast %parallel_loop3A_743 : vector<16xf32> to vector<1x1x16xf32>
      tpu.vector_store %arg7[%parallel_loop3A_746, %parallel_loop3A_747, %parallel_loop3A_748], %parallel_loop3A_751 {strides = array<i32>} : memref<3x3x2048xf32, #tpu.memory_space<vmem>>, vector<1x1x16xf32>,
      %parallel_loop3A_752 = arith.constant 1 : i32
      %parallel_loop3A_753 = arith.constant 0 : i32
      %parallel_loop3A_754 = arith.index_cast %parallel_loop3A_752 : i32 to index
      %parallel_loop3A_755 = arith.index_cast %parallel_loop3A_753 : i32 to index
      %parallel_loop3A_756 = arith.index_cast %parallel_loop3A_688 : i32 to index
      %parallel_loop3A_757 = tpu.vector_load %arg5[%parallel_loop3A_754, %parallel_loop3A_755, %parallel_loop3A_756] {strides = array<i32>} : memref<3x3x2048xf32, #tpu.memory_space<vmem>>, vector<1x1x16xf32>,
      %parallel_loop3A_758 = vector.shape_cast %parallel_loop3A_757 : vector<1x1x16xf32> to vector<16xf32>
      %parallel_loop3A_759 = arith.constant 0.000000e+00 : f32
      %parallel_loop3A_760 = vector.broadcast %parallel_loop3A_759 : f32 to vector<16xf32>
      %parallel_loop3A_761 = arith.cmpf oeq, %parallel_loop3A_758, %parallel_loop3A_760 : vector<16xf32>
      %parallel_loop3A_762 = arith.constant 2.000000e+00 : f32
      %parallel_loop3A_763 = vector.broadcast %parallel_loop3A_762 : f32 to vector<16xf32>
      %parallel_loop3A_764 = arith.select %parallel_loop3A_761, %parallel_loop3A_758, %parallel_loop3A_763 : vector<16xi1>, vector<16xf32>
      %parallel_loop3A_765 = arith.constant 1 : i32
      %parallel_loop3A_766 = arith.constant 0 : i32
      %parallel_loop3A_767 = arith.index_cast %parallel_loop3A_765 : i32 to index
      %parallel_loop3A_768 = arith.index_cast %parallel_loop3A_766 : i32 to index
      %parallel_loop3A_769 = arith.index_cast %parallel_loop3A_688 : i32 to index
      %parallel_loop3A_770 = tpu.vector_load %arg7[%parallel_loop3A_767, %parallel_loop3A_768, %parallel_loop3A_769] {strides = array<i32>} : memref<3x3x2048xf32, #tpu.memory_space<vmem>>, vector<1x1x16xf32>,
      %parallel_loop3A_771 = vector.shape_cast %parallel_loop3A_770 : vector<1x1x16xf32> to vector<16xf32>
      %parallel_loop3A_772 = vector.shape_cast %parallel_loop3A_764 : vector<16xf32> to vector<1x1x16xf32>
      tpu.vector_store %arg7[%parallel_loop3A_767, %parallel_loop3A_768, %parallel_loop3A_769], %parallel_loop3A_772 {strides = array<i32>} : memref<3x3x2048xf32, #tpu.memory_space<vmem>>, vector<1x1x16xf32>,
      %parallel_loop3A_773 = arith.constant 1 : i32
      %parallel_loop3A_774 = arith.constant 1 : i32
      %parallel_loop3A_775 = arith.index_cast %parallel_loop3A_773 : i32 to index
      %parallel_loop3A_776 = arith.index_cast %parallel_loop3A_774 : i32 to index
      %parallel_loop3A_777 = arith.index_cast %parallel_loop3A_688 : i32 to index
      %parallel_loop3A_778 = tpu.vector_load %arg5[%parallel_loop3A_775, %parallel_loop3A_776, %parallel_loop3A_777] {strides = array<i32>} : memref<3x3x2048xf32, #tpu.memory_space<vmem>>, vector<1x1x16xf32>,
      %parallel_loop3A_779 = vector.shape_cast %parallel_loop3A_778 : vector<1x1x16xf32> to vector<16xf32>
      %parallel_loop3A_780 = arith.constant 0.000000e+00 : f32
      %parallel_loop3A_781 = vector.broadcast %parallel_loop3A_780 : f32 to vector<16xf32>
      %parallel_loop3A_782 = arith.cmpf oeq, %parallel_loop3A_779, %parallel_loop3A_781 : vector<16xf32>
      %parallel_loop3A_783 = arith.constant 2.000000e+00 : f32
      %parallel_loop3A_784 = vector.broadcast %parallel_loop3A_783 : f32 to vector<16xf32>
      %parallel_loop3A_785 = arith.select %parallel_loop3A_782, %parallel_loop3A_779, %parallel_loop3A_784 : vector<16xi1>, vector<16xf32>
      %parallel_loop3A_786 = arith.constant 1 : i32
      %parallel_loop3A_787 = arith.constant 1 : i32
      %parallel_loop3A_788 = arith.index_cast %parallel_loop3A_786 : i32 to index
      %parallel_loop3A_789 = arith.index_cast %parallel_loop3A_787 : i32 to index
      %parallel_loop3A_790 = arith.index_cast %parallel_loop3A_688 : i32 to index
      %parallel_loop3A_791 = tpu.vector_load %arg7[%parallel_loop3A_788, %parallel_loop3A_789, %parallel_loop3A_790] {strides = array<i32>} : memref<3x3x2048xf32, #tpu.memory_space<vmem>>, vector<1x1x16xf32>,
      %parallel_loop3A_792 = vector.shape_cast %parallel_loop3A_791 : vector<1x1x16xf32> to vector<16xf32>
      %parallel_loop3A_793 = vector.shape_cast %parallel_loop3A_785 : vector<16xf32> to vector<1x1x16xf32>
      tpu.vector_store %arg7[%parallel_loop3A_788, %parallel_loop3A_789, %parallel_loop3A_790], %parallel_loop3A_793 {strides = array<i32>} : memref<3x3x2048xf32, #tpu.memory_space<vmem>>, vector<1x1x16xf32>,
      %parallel_loop3A_794 = arith.constant 1 : i32
      %parallel_loop3A_795 = arith.constant 2 : i32
      %parallel_loop3A_796 = arith.index_cast %parallel_loop3A_794 : i32 to index
      %parallel_loop3A_797 = arith.index_cast %parallel_loop3A_795 : i32 to index
      %parallel_loop3A_798 = arith.index_cast %parallel_loop3A_688 : i32 to index
      %parallel_loop3A_799 = tpu.vector_load %arg5[%parallel_loop3A_796, %parallel_loop3A_797, %parallel_loop3A_798] {strides = array<i32>} : memref<3x3x2048xf32, #tpu.memory_space<vmem>>, vector<1x1x16xf32>,
      %parallel_loop3A_800 = vector.shape_cast %parallel_loop3A_799 : vector<1x1x16xf32> to vector<16xf32>
      %parallel_loop3A_801 = arith.constant 0.000000e+00 : f32
      %parallel_loop3A_802 = vector.broadcast %parallel_loop3A_801 : f32 to vector<16xf32>
      %parallel_loop3A_803 = arith.cmpf oeq, %parallel_loop3A_800, %parallel_loop3A_802 : vector<16xf32>
      %parallel_loop3A_804 = arith.constant 2.000000e+00 : f32
      %parallel_loop3A_805 = vector.broadcast %parallel_loop3A_804 : f32 to vector<16xf32>
      %parallel_loop3A_806 = arith.select %parallel_loop3A_803, %parallel_loop3A_800, %parallel_loop3A_805 : vector<16xi1>, vector<16xf32>
      %parallel_loop3A_807 = arith.constant 1 : i32
      %parallel_loop3A_808 = arith.constant 2 : i32
      %parallel_loop3A_809 = arith.index_cast %parallel_loop3A_807 : i32 to index
      %parallel_loop3A_810 = arith.index_cast %parallel_loop3A_808 : i32 to index
      %parallel_loop3A_811 = arith.index_cast %parallel_loop3A_688 : i32 to index
      %parallel_loop3A_812 = tpu.vector_load %arg7[%parallel_loop3A_809, %parallel_loop3A_810, %parallel_loop3A_811] {strides = array<i32>} : memref<3x3x2048xf32, #tpu.memory_space<vmem>>, vector<1x1x16xf32>,
      %parallel_loop3A_813 = vector.shape_cast %parallel_loop3A_812 : vector<1x1x16xf32> to vector<16xf32>
      %parallel_loop3A_814 = vector.shape_cast %parallel_loop3A_806 : vector<16xf32> to vector<1x1x16xf32>
      tpu.vector_store %arg7[%parallel_loop3A_809, %parallel_loop3A_810, %parallel_loop3A_811], %parallel_loop3A_814 {strides = array<i32>} : memref<3x3x2048xf32, #tpu.memory_space<vmem>>, vector<1x1x16xf32>,
      %parallel_loop3A_815 = arith.constant 2 : i32
      %parallel_loop3A_816 = arith.constant 0 : i32
      %parallel_loop3A_817 = arith.index_cast %parallel_loop3A_815 : i32 to index
      %parallel_loop3A_818 = arith.index_cast %parallel_loop3A_816 : i32 to index
      %parallel_loop3A_819 = arith.index_cast %parallel_loop3A_688 : i32 to index
      %parallel_loop3A_820 = tpu.vector_load %arg5[%parallel_loop3A_817, %parallel_loop3A_818, %parallel_loop3A_819] {strides = array<i32>} : memref<3x3x2048xf32, #tpu.memory_space<vmem>>, vector<1x1x16xf32>,
      %parallel_loop3A_821 = vector.shape_cast %parallel_loop3A_820 : vector<1x1x16xf32> to vector<16xf32>
      %parallel_loop3A_822 = arith.constant 0.000000e+00 : f32
      %parallel_loop3A_823 = vector.broadcast %parallel_loop3A_822 : f32 to vector<16xf32>
      %parallel_loop3A_824 = arith.cmpf oeq, %parallel_loop3A_821, %parallel_loop3A_823 : vector<16xf32>
      %parallel_loop3A_825 = arith.constant 2.000000e+00 : f32
      %parallel_loop3A_826 = vector.broadcast %parallel_loop3A_825 : f32 to vector<16xf32>
      %parallel_loop3A_827 = arith.select %parallel_loop3A_824, %parallel_loop3A_821, %parallel_loop3A_826 : vector<16xi1>, vector<16xf32>
      %parallel_loop3A_828 = arith.constant 2 : i32
      %parallel_loop3A_829 = arith.constant 0 : i32
      %parallel_loop3A_830 = arith.index_cast %parallel_loop3A_828 : i32 to index
      %parallel_loop3A_831 = arith.index_cast %parallel_loop3A_829 : i32 to index
      %parallel_loop3A_832 = arith.index_cast %parallel_loop3A_688 : i32 to index
      %parallel_loop3A_833 = tpu.vector_load %arg7[%parallel_loop3A_830, %parallel_loop3A_831, %parallel_loop3A_832] {strides = array<i32>} : memref<3x3x2048xf32, #tpu.memory_space<vmem>>, vector<1x1x16xf32>,
      %parallel_loop3A_834 = vector.shape_cast %parallel_loop3A_833 : vector<1x1x16xf32> to vector<16xf32>
      %parallel_loop3A_835 = vector.shape_cast %parallel_loop3A_827 : vector<16xf32> to vector<1x1x16xf32>
      tpu.vector_store %arg7[%parallel_loop3A_830, %parallel_loop3A_831, %parallel_loop3A_832], %parallel_loop3A_835 {strides = array<i32>} : memref<3x3x2048xf32, #tpu.memory_space<vmem>>, vector<1x1x16xf32>,
      %parallel_loop3A_836 = arith.constant 2 : i32
      %parallel_loop3A_837 = arith.constant 1 : i32
      %parallel_loop3A_838 = arith.index_cast %parallel_loop3A_836 : i32 to index
      %parallel_loop3A_839 = arith.index_cast %parallel_loop3A_837 : i32 to index
      %parallel_loop3A_840 = arith.index_cast %parallel_loop3A_688 : i32 to index
      %parallel_loop3A_841 = tpu.vector_load %arg5[%parallel_loop3A_838, %parallel_loop3A_839, %parallel_loop3A_840] {strides = array<i32>} : memref<3x3x2048xf32, #tpu.memory_space<vmem>>, vector<1x1x16xf32>,
      %parallel_loop3A_842 = vector.shape_cast %parallel_loop3A_841 : vector<1x1x16xf32> to vector<16xf32>
      %parallel_loop3A_843 = arith.constant 0.000000e+00 : f32
      %parallel_loop3A_844 = vector.broadcast %parallel_loop3A_843 : f32 to vector<16xf32>
      %parallel_loop3A_845 = arith.cmpf oeq, %parallel_loop3A_842, %parallel_loop3A_844 : vector<16xf32>
      %parallel_loop3A_846 = arith.constant 2.000000e+00 : f32
      %parallel_loop3A_847 = vector.broadcast %parallel_loop3A_846 : f32 to vector<16xf32>
      %parallel_loop3A_848 = arith.select %parallel_loop3A_845, %parallel_loop3A_842, %parallel_loop3A_847 : vector<16xi1>, vector<16xf32>
      %parallel_loop3A_849 = arith.constant 2 : i32
      %parallel_loop3A_850 = arith.constant 1 : i32
      %parallel_loop3A_851 = arith.index_cast %parallel_loop3A_849 : i32 to index
      %parallel_loop3A_852 = arith.index_cast %parallel_loop3A_850 : i32 to index
      %parallel_loop3A_853 = arith.index_cast %parallel_loop3A_688 : i32 to index
      %parallel_loop3A_854 = tpu.vector_load %arg7[%parallel_loop3A_851, %parallel_loop3A_852, %parallel_loop3A_853] {strides = array<i32>} : memref<3x3x2048xf32, #tpu.memory_space<vmem>>, vector<1x1x16xf32>,
      %parallel_loop3A_855 = vector.shape_cast %parallel_loop3A_854 : vector<1x1x16xf32> to vector<16xf32>
      %parallel_loop3A_856 = vector.shape_cast %parallel_loop3A_848 : vector<16xf32> to vector<1x1x16xf32>
      tpu.vector_store %arg7[%parallel_loop3A_851, %parallel_loop3A_852, %parallel_loop3A_853], %parallel_loop3A_856 {strides = array<i32>} : memref<3x3x2048xf32, #tpu.memory_space<vmem>>, vector<1x1x16xf32>,
      %parallel_loop3A_857 = arith.constant 2 : i32
      %parallel_loop3A_858 = arith.constant 2 : i32
      %parallel_loop3A_859 = arith.index_cast %parallel_loop3A_857 : i32 to index
      %parallel_loop3A_860 = arith.index_cast %parallel_loop3A_858 : i32 to index
      %parallel_loop3A_861 = arith.index_cast %parallel_loop3A_688 : i32 to index
      %parallel_loop3A_862 = tpu.vector_load %arg5[%parallel_loop3A_859, %parallel_loop3A_860, %parallel_loop3A_861] {strides = array<i32>} : memref<3x3x2048xf32, #tpu.memory_space<vmem>>, vector<1x1x16xf32>,
      %parallel_loop3A_863 = vector.shape_cast %parallel_loop3A_862 : vector<1x1x16xf32> to vector<16xf32>
      %parallel_loop3A_864 = arith.constant 0.000000e+00 : f32
      %parallel_loop3A_865 = vector.broadcast %parallel_loop3A_864 : f32 to vector<16xf32>
      %parallel_loop3A_866 = arith.cmpf oeq, %parallel_loop3A_863, %parallel_loop3A_865 : vector<16xf32>
      %parallel_loop3A_867 = arith.constant 2.000000e+00 : f32
      %parallel_loop3A_868 = vector.broadcast %parallel_loop3A_867 : f32 to vector<16xf32>
      %parallel_loop3A_869 = arith.select %parallel_loop3A_866, %parallel_loop3A_863, %parallel_loop3A_868 : vector<16xi1>, vector<16xf32>
      %parallel_loop3A_870 = arith.constant 2 : i32
      %parallel_loop3A_871 = arith.constant 2 : i32
      %parallel_loop3A_872 = arith.index_cast %parallel_loop3A_870 : i32 to index
      %parallel_loop3A_873 = arith.index_cast %parallel_loop3A_871 : i32 to index
      %parallel_loop3A_874 = arith.index_cast %parallel_loop3A_688 : i32 to index
      %parallel_loop3A_875 = tpu.vector_load %arg7[%parallel_loop3A_872, %parallel_loop3A_873, %parallel_loop3A_874] {strides = array<i32>} : memref<3x3x2048xf32, #tpu.memory_space<vmem>>, vector<1x1x16xf32>,
      %parallel_loop3A_876 = vector.shape_cast %parallel_loop3A_875 : vector<1x1x16xf32> to vector<16xf32>
      %parallel_loop3A_877 = vector.shape_cast %parallel_loop3A_869 : vector<16xf32> to vector<1x1x16xf32>
      tpu.vector_store %arg7[%parallel_loop3A_872, %parallel_loop3A_873, %parallel_loop3A_874], %parallel_loop3A_877 {strides = array<i32>} : memref<3x3x2048xf32, #tpu.memory_space<vmem>>, vector<1x1x16xf32>,
    } {sc.loop_unroll_factor = 1 : i64, sc.parallel_access}
    %add3A_603 = arith.constant 30720 : i32
    %add3A_604 = arith.addi %mul3A_2, %add3A_603 : i32
    %dma_start3A_605 = arith.constant 0 : i32
    %dma_start3A_606 = arith.constant 0 : i32
    %dma_start3A_607 = arith.constant 0 : i32
    %dma_start3A_608 = tpu.memref_slice %arg7[%dma_start3A_605, %dma_start3A_606, %dma_start3A_607] : memref<3x3x2048xf32, #tpu.memory_space<vmem>> -> memref<3x3x1024xf32, #tpu.memory_space<vmem>>
    %dma_start3A_609 = arith.constant 0 : i32
    %dma_start3A_610 = arith.constant 0 : i32
    %dma_start3A_611 = tpu.memref_slice %arg3[%dma_start3A_609, %dma_start3A_610, %add3A_604] : memref<3x3x1048576xf32, #tpu.memory_space<hbm>> -> memref<3x3x1024xf32, #tpu.memory_space<hbm>>
    %dma_start3A_612 = arith.constant 0 : i32
    %dma_start3A_613 = arith.constant 0 : i32
    %dma_start3A_614 = tpu.memref_slice %arg3[%dma_start3A_612, %dma_start3A_613, %add3A_604] : memref<3x3x1048576xf32, #tpu.memory_space<hbm>> -> memref<3x3x1024xf32, #tpu.memory_space<hbm>>
    %dma_start3A_615 = arith.constant 0 : i32
    %dma_start3A_616 = arith.constant 0 : i32
    %dma_start3A_617 = arith.constant 0 : i32
    %dma_start3A_618 = tpu.memref_slice %arg7[%dma_start3A_615, %dma_start3A_616, %dma_start3A_617] : memref<3x3x2048xf32, #tpu.memory_space<vmem>> -> memref<3x3x1024xf32, #tpu.memory_space<vmem>>
    tpu.enqueue_dma source(%dma_start3A_618 : memref<3x3x1024xf32, #tpu.memory_space<vmem>>) target(%dma_start3A_614 : memref<3x3x1024xf32, #tpu.memory_space<hbm>>) target_semaphore(%arg12 : memref<!tpu.dma_semaphore, #tpu.memory_space<semaphore_mem>>)
    %dma_wait3A_619 = arith.constant 0 : i32
    %dma_wait3A_620 = arith.constant 0 : i32
    %dma_wait3A_621 = arith.constant 0 : i32
    %dma_wait3A_622 = tpu.memref_slice %arg6[%dma_wait3A_619, %dma_wait3A_620, %dma_wait3A_621] : memref<3x3x2048xf32, #tpu.memory_space<vmem>> -> memref<3x3x1024xf32, #tpu.memory_space<vmem>>
    %dma_wait3A_623 = arith.constant 0 : i32
    %dma_wait3A_624 = arith.constant 0 : i32
    %dma_wait3A_625 = tpu.memref_slice %arg2[%dma_wait3A_623, %dma_wait3A_624, %add3A_542] : memref<3x3x1048576xf32, #tpu.memory_space<hbm>> -> memref<3x3x1024xf32, #tpu.memory_space<hbm>>
    %dma_wait3A_626 = arith.constant 0 : i32
    %dma_wait3A_627 = arith.constant 0 : i32
    %dma_wait3A_628 = arith.constant 0 : i32
    %dma_wait3A_629 = tpu.memref_slice %arg6[%dma_wait3A_626, %dma_wait3A_627, %dma_wait3A_628] : memref<3x3x2048xf32, #tpu.memory_space<vmem>> -> memref<3x3x1024xf32, #tpu.memory_space<vmem>>
    %dma_wait3A_630 = arith.constant 0 : i32
    %dma_wait3A_631 = arith.constant 0 : i32
    %dma_wait3A_632 = tpu.memref_slice %arg2[%dma_wait3A_630, %dma_wait3A_631, %add3A_542] : memref<3x3x1048576xf32, #tpu.memory_space<hbm>> -> memref<3x3x1024xf32, #tpu.memory_space<hbm>>
    tpu.wait_dma2 semaphore(%arg11 : memref<!tpu.dma_semaphore, #tpu.memory_space<semaphore_mem>>) src(%dma_wait3A_632 : memref<3x3x1024xf32, #tpu.memory_space<hbm>>) dst(%dma_wait3A_629 : memref<3x3x1024xf32, #tpu.memory_space<vmem>>)
    %dma_wait3A_633 = arith.constant 0 : i32
    %dma_wait3A_634 = arith.constant 0 : i32
    %dma_wait3A_635 = tpu.memref_slice %arg3[%dma_wait3A_633, %dma_wait3A_634, %add3A_573] : memref<3x3x1048576xf32, #tpu.memory_space<hbm>> -> memref<3x3x2048xf32, #tpu.memory_space<hbm>>
    %dma_wait3A_636 = arith.constant 0 : i32
    %dma_wait3A_637 = arith.constant 0 : i32
    %dma_wait3A_638 = tpu.memref_slice %arg3[%dma_wait3A_636, %dma_wait3A_637, %add3A_573] : memref<3x3x1048576xf32, #tpu.memory_space<hbm>> -> memref<3x3x2048xf32, #tpu.memory_space<hbm>>
    tpu.wait_dma2 semaphore(%arg13 : memref<!tpu.dma_semaphore, #tpu.memory_space<semaphore_mem>>) src(%arg8 : memref<3x3x2048xf32, #tpu.memory_space<vmem>>) dst(%dma_wait3A_638 : memref<3x3x2048xf32, #tpu.memory_space<hbm>>)
    %parallel_loop3A_639 = arith.constant 0 : i32
    %parallel_loop3A_640 = arith.constant 64 : i32
    %parallel_loop3A_641 = arith.constant 1 : i32
    scf.for %parallel_loop3A_686 = %parallel_loop3A_639 to %parallel_loop3A_640 step %parallel_loop3A_641  : i32 {
      %parallel_loop3A_687 = arith.constant 16 : i32
      %parallel_loop3A_688 = arith.muli %parallel_loop3A_686, %parallel_loop3A_687 : i32
      %parallel_loop3A_689 = arith.constant 0 : i32
      %parallel_loop3A_690 = arith.constant 0 : i32
      %parallel_loop3A_691 = arith.index_cast %parallel_loop3A_689 : i32 to index
      %parallel_loop3A_692 = arith.index_cast %parallel_loop3A_690 : i32 to index
      %parallel_loop3A_693 = arith.index_cast %parallel_loop3A_688 : i32 to index
      %parallel_loop3A_694 = tpu.vector_load %arg6[%parallel_loop3A_691, %parallel_loop3A_692, %parallel_loop3A_693] {strides = array<i32>} : memref<3x3x2048xf32, #tpu.memory_space<vmem>>, vector<1x1x16xf32>,
      %parallel_loop3A_695 = vector.shape_cast %parallel_loop3A_694 : vector<1x1x16xf32> to vector<16xf32>
      %parallel_loop3A_696 = arith.constant 0.000000e+00 : f32
      %parallel_loop3A_697 = vector.broadcast %parallel_loop3A_696 : f32 to vector<16xf32>
      %parallel_loop3A_698 = arith.cmpf oeq, %parallel_loop3A_695, %parallel_loop3A_697 : vector<16xf32>
      %parallel_loop3A_699 = arith.constant 2.000000e+00 : f32
      %parallel_loop3A_700 = vector.broadcast %parallel_loop3A_699 : f32 to vector<16xf32>
      %parallel_loop3A_701 = arith.select %parallel_loop3A_698, %parallel_loop3A_695, %parallel_loop3A_700 : vector<16xi1>, vector<16xf32>
      %parallel_loop3A_702 = arith.constant 0 : i32
      %parallel_loop3A_703 = arith.constant 0 : i32
      %parallel_loop3A_704 = arith.index_cast %parallel_loop3A_702 : i32 to index
      %parallel_loop3A_705 = arith.index_cast %parallel_loop3A_703 : i32 to index
      %parallel_loop3A_706 = arith.index_cast %parallel_loop3A_688 : i32 to index
      %parallel_loop3A_707 = tpu.vector_load %arg8[%parallel_loop3A_704, %parallel_loop3A_705, %parallel_loop3A_706] {strides = array<i32>} : memref<3x3x2048xf32, #tpu.memory_space<vmem>>, vector<1x1x16xf32>,
      %parallel_loop3A_708 = vector.shape_cast %parallel_loop3A_707 : vector<1x1x16xf32> to vector<16xf32>
      %parallel_loop3A_709 = vector.shape_cast %parallel_loop3A_701 : vector<16xf32> to vector<1x1x16xf32>
      tpu.vector_store %arg8[%parallel_loop3A_704, %parallel_loop3A_705, %parallel_loop3A_706], %parallel_loop3A_709 {strides = array<i32>} : memref<3x3x2048xf32, #tpu.memory_space<vmem>>, vector<1x1x16xf32>,
      %parallel_loop3A_710 = arith.constant 0 : i32
      %parallel_loop3A_711 = arith.constant 1 : i32
      %parallel_loop3A_712 = arith.index_cast %parallel_loop3A_710 : i32 to index
      %parallel_loop3A_713 = arith.index_cast %parallel_loop3A_711 : i32 to index
      %parallel_loop3A_714 = arith.index_cast %parallel_loop3A_688 : i32 to index
      %parallel_loop3A_715 = tpu.vector_load %arg6[%parallel_loop3A_712, %parallel_loop3A_713, %parallel_loop3A_714] {strides = array<i32>} : memref<3x3x2048xf32, #tpu.memory_space<vmem>>, vector<1x1x16xf32>,
      %parallel_loop3A_716 = vector.shape_cast %parallel_loop3A_715 : vector<1x1x16xf32> to vector<16xf32>
      %parallel_loop3A_717 = arith.constant 0.000000e+00 : f32
      %parallel_loop3A_718 = vector.broadcast %parallel_loop3A_717 : f32 to vector<16xf32>
      %parallel_loop3A_719 = arith.cmpf oeq, %parallel_loop3A_716, %parallel_loop3A_718 : vector<16xf32>
      %parallel_loop3A_720 = arith.constant 2.000000e+00 : f32
      %parallel_loop3A_721 = vector.broadcast %parallel_loop3A_720 : f32 to vector<16xf32>
      %parallel_loop3A_722 = arith.select %parallel_loop3A_719, %parallel_loop3A_716, %parallel_loop3A_721 : vector<16xi1>, vector<16xf32>
      %parallel_loop3A_723 = arith.constant 0 : i32
      %parallel_loop3A_724 = arith.constant 1 : i32
      %parallel_loop3A_725 = arith.index_cast %parallel_loop3A_723 : i32 to index
      %parallel_loop3A_726 = arith.index_cast %parallel_loop3A_724 : i32 to index
      %parallel_loop3A_727 = arith.index_cast %parallel_loop3A_688 : i32 to index
      %parallel_loop3A_728 = tpu.vector_load %arg8[%parallel_loop3A_725, %parallel_loop3A_726, %parallel_loop3A_727] {strides = array<i32>} : memref<3x3x2048xf32, #tpu.memory_space<vmem>>, vector<1x1x16xf32>,
      %parallel_loop3A_729 = vector.shape_cast %parallel_loop3A_728 : vector<1x1x16xf32> to vector<16xf32>
      %parallel_loop3A_730 = vector.shape_cast %parallel_loop3A_722 : vector<16xf32> to vector<1x1x16xf32>
      tpu.vector_store %arg8[%parallel_loop3A_725, %parallel_loop3A_726, %parallel_loop3A_727], %parallel_loop3A_730 {strides = array<i32>} : memref<3x3x2048xf32, #tpu.memory_space<vmem>>, vector<1x1x16xf32>,
      %parallel_loop3A_731 = arith.constant 0 : i32
      %parallel_loop3A_732 = arith.constant 2 : i32
      %parallel_loop3A_733 = arith.index_cast %parallel_loop3A_731 : i32 to index
      %parallel_loop3A_734 = arith.index_cast %parallel_loop3A_732 : i32 to index
      %parallel_loop3A_735 = arith.index_cast %parallel_loop3A_688 : i32 to index
      %parallel_loop3A_736 = tpu.vector_load %arg6[%parallel_loop3A_733, %parallel_loop3A_734, %parallel_loop3A_735] {strides = array<i32>} : memref<3x3x2048xf32, #tpu.memory_space<vmem>>, vector<1x1x16xf32>,
      %parallel_loop3A_737 = vector.shape_cast %parallel_loop3A_736 : vector<1x1x16xf32> to vector<16xf32>
      %parallel_loop3A_738 = arith.constant 0.000000e+00 : f32
      %parallel_loop3A_739 = vector.broadcast %parallel_loop3A_738 : f32 to vector<16xf32>
      %parallel_loop3A_740 = arith.cmpf oeq, %parallel_loop3A_737, %parallel_loop3A_739 : vector<16xf32>
      %parallel_loop3A_741 = arith.constant 2.000000e+00 : f32
      %parallel_loop3A_742 = vector.broadcast %parallel_loop3A_741 : f32 to vector<16xf32>
      %parallel_loop3A_743 = arith.select %parallel_loop3A_740, %parallel_loop3A_737, %parallel_loop3A_742 : vector<16xi1>, vector<16xf32>
      %parallel_loop3A_744 = arith.constant 0 : i32
      %parallel_loop3A_745 = arith.constant 2 : i32
      %parallel_loop3A_746 = arith.index_cast %parallel_loop3A_744 : i32 to index
      %parallel_loop3A_747 = arith.index_cast %parallel_loop3A_745 : i32 to index
      %parallel_loop3A_748 = arith.index_cast %parallel_loop3A_688 : i32 to index
      %parallel_loop3A_749 = tpu.vector_load %arg8[%parallel_loop3A_746, %parallel_loop3A_747, %parallel_loop3A_748] {strides = array<i32>} : memref<3x3x2048xf32, #tpu.memory_space<vmem>>, vector<1x1x16xf32>,
      %parallel_loop3A_750 = vector.shape_cast %parallel_loop3A_749 : vector<1x1x16xf32> to vector<16xf32>
      %parallel_loop3A_751 = vector.shape_cast %parallel_loop3A_743 : vector<16xf32> to vector<1x1x16xf32>
      tpu.vector_store %arg8[%parallel_loop3A_746, %parallel_loop3A_747, %parallel_loop3A_748], %parallel_loop3A_751 {strides = array<i32>} : memref<3x3x2048xf32, #tpu.memory_space<vmem>>, vector<1x1x16xf32>,
      %parallel_loop3A_752 = arith.constant 1 : i32
      %parallel_loop3A_753 = arith.constant 0 : i32
      %parallel_loop3A_754 = arith.index_cast %parallel_loop3A_752 : i32 to index
      %parallel_loop3A_755 = arith.index_cast %parallel_loop3A_753 : i32 to index
      %parallel_loop3A_756 = arith.index_cast %parallel_loop3A_688 : i32 to index
      %parallel_loop3A_757 = tpu.vector_load %arg6[%parallel_loop3A_754, %parallel_loop3A_755, %parallel_loop3A_756] {strides = array<i32>} : memref<3x3x2048xf32, #tpu.memory_space<vmem>>, vector<1x1x16xf32>,
      %parallel_loop3A_758 = vector.shape_cast %parallel_loop3A_757 : vector<1x1x16xf32> to vector<16xf32>
      %parallel_loop3A_759 = arith.constant 0.000000e+00 : f32
      %parallel_loop3A_760 = vector.broadcast %parallel_loop3A_759 : f32 to vector<16xf32>
      %parallel_loop3A_761 = arith.cmpf oeq, %parallel_loop3A_758, %parallel_loop3A_760 : vector<16xf32>
      %parallel_loop3A_762 = arith.constant 2.000000e+00 : f32
      %parallel_loop3A_763 = vector.broadcast %parallel_loop3A_762 : f32 to vector<16xf32>
      %parallel_loop3A_764 = arith.select %parallel_loop3A_761, %parallel_loop3A_758, %parallel_loop3A_763 : vector<16xi1>, vector<16xf32>
      %parallel_loop3A_765 = arith.constant 1 : i32
      %parallel_loop3A_766 = arith.constant 0 : i32
      %parallel_loop3A_767 = arith.index_cast %parallel_loop3A_765 : i32 to index
      %parallel_loop3A_768 = arith.index_cast %parallel_loop3A_766 : i32 to index
      %parallel_loop3A_769 = arith.index_cast %parallel_loop3A_688 : i32 to index
      %parallel_loop3A_770 = tpu.vector_load %arg8[%parallel_loop3A_767, %parallel_loop3A_768, %parallel_loop3A_769] {strides = array<i32>} : memref<3x3x2048xf32, #tpu.memory_space<vmem>>, vector<1x1x16xf32>,
      %parallel_loop3A_771 = vector.shape_cast %parallel_loop3A_770 : vector<1x1x16xf32> to vector<16xf32>
      %parallel_loop3A_772 = vector.shape_cast %parallel_loop3A_764 : vector<16xf32> to vector<1x1x16xf32>
      tpu.vector_store %arg8[%parallel_loop3A_767, %parallel_loop3A_768, %parallel_loop3A_769], %parallel_loop3A_772 {strides = array<i32>} : memref<3x3x2048xf32, #tpu.memory_space<vmem>>, vector<1x1x16xf32>,
      %parallel_loop3A_773 = arith.constant 1 : i32
      %parallel_loop3A_774 = arith.constant 1 : i32
      %parallel_loop3A_775 = arith.index_cast %parallel_loop3A_773 : i32 to index
      %parallel_loop3A_776 = arith.index_cast %parallel_loop3A_774 : i32 to index
      %parallel_loop3A_777 = arith.index_cast %parallel_loop3A_688 : i32 to index
      %parallel_loop3A_778 = tpu.vector_load %arg6[%parallel_loop3A_775, %parallel_loop3A_776, %parallel_loop3A_777] {strides = array<i32>} : memref<3x3x2048xf32, #tpu.memory_space<vmem>>, vector<1x1x16xf32>,
      %parallel_loop3A_779 = vector.shape_cast %parallel_loop3A_778 : vector<1x1x16xf32> to vector<16xf32>
      %parallel_loop3A_780 = arith.constant 0.000000e+00 : f32
      %parallel_loop3A_781 = vector.broadcast %parallel_loop3A_780 : f32 to vector<16xf32>
      %parallel_loop3A_782 = arith.cmpf oeq, %parallel_loop3A_779, %parallel_loop3A_781 : vector<16xf32>
      %parallel_loop3A_783 = arith.constant 2.000000e+00 : f32
      %parallel_loop3A_784 = vector.broadcast %parallel_loop3A_783 : f32 to vector<16xf32>
      %parallel_loop3A_785 = arith.select %parallel_loop3A_782, %parallel_loop3A_779, %parallel_loop3A_784 : vector<16xi1>, vector<16xf32>
      %parallel_loop3A_786 = arith.constant 1 : i32
      %parallel_loop3A_787 = arith.constant 1 : i32
      %parallel_loop3A_788 = arith.index_cast %parallel_loop3A_786 : i32 to index
      %parallel_loop3A_789 = arith.index_cast %parallel_loop3A_787 : i32 to index
      %parallel_loop3A_790 = arith.index_cast %parallel_loop3A_688 : i32 to index
      %parallel_loop3A_791 = tpu.vector_load %arg8[%parallel_loop3A_788, %parallel_loop3A_789, %parallel_loop3A_790] {strides = array<i32>} : memref<3x3x2048xf32, #tpu.memory_space<vmem>>, vector<1x1x16xf32>,
      %parallel_loop3A_792 = vector.shape_cast %parallel_loop3A_791 : vector<1x1x16xf32> to vector<16xf32>
      %parallel_loop3A_793 = vector.shape_cast %parallel_loop3A_785 : vector<16xf32> to vector<1x1x16xf32>
      tpu.vector_store %arg8[%parallel_loop3A_788, %parallel_loop3A_789, %parallel_loop3A_790], %parallel_loop3A_793 {strides = array<i32>} : memref<3x3x2048xf32, #tpu.memory_space<vmem>>, vector<1x1x16xf32>,
      %parallel_loop3A_794 = arith.constant 1 : i32
      %parallel_loop3A_795 = arith.constant 2 : i32
      %parallel_loop3A_796 = arith.index_cast %parallel_loop3A_794 : i32 to index
      %parallel_loop3A_797 = arith.index_cast %parallel_loop3A_795 : i32 to index
      %parallel_loop3A_798 = arith.index_cast %parallel_loop3A_688 : i32 to index
      %parallel_loop3A_799 = tpu.vector_load %arg6[%parallel_loop3A_796, %parallel_loop3A_797, %parallel_loop3A_798] {strides = array<i32>} : memref<3x3x2048xf32, #tpu.memory_space<vmem>>, vector<1x1x16xf32>,
      %parallel_loop3A_800 = vector.shape_cast %parallel_loop3A_799 : vector<1x1x16xf32> to vector<16xf32>
      %parallel_loop3A_801 = arith.constant 0.000000e+00 : f32
      %parallel_loop3A_802 = vector.broadcast %parallel_loop3A_801 : f32 to vector<16xf32>
      %parallel_loop3A_803 = arith.cmpf oeq, %parallel_loop3A_800, %parallel_loop3A_802 : vector<16xf32>
      %parallel_loop3A_804 = arith.constant 2.000000e+00 : f32
      %parallel_loop3A_805 = vector.broadcast %parallel_loop3A_804 : f32 to vector<16xf32>
      %parallel_loop3A_806 = arith.select %parallel_loop3A_803, %parallel_loop3A_800, %parallel_loop3A_805 : vector<16xi1>, vector<16xf32>
      %parallel_loop3A_807 = arith.constant 1 : i32
      %parallel_loop3A_808 = arith.constant 2 : i32
      %parallel_loop3A_809 = arith.index_cast %parallel_loop3A_807 : i32 to index
      %parallel_loop3A_810 = arith.index_cast %parallel_loop3A_808 : i32 to index
      %parallel_loop3A_811 = arith.index_cast %parallel_loop3A_688 : i32 to index
      %parallel_loop3A_812 = tpu.vector_load %arg8[%parallel_loop3A_809, %parallel_loop3A_810, %parallel_loop3A_811] {strides = array<i32>} : memref<3x3x2048xf32, #tpu.memory_space<vmem>>, vector<1x1x16xf32>,
      %parallel_loop3A_813 = vector.shape_cast %parallel_loop3A_812 : vector<1x1x16xf32> to vector<16xf32>
      %parallel_loop3A_814 = vector.shape_cast %parallel_loop3A_806 : vector<16xf32> to vector<1x1x16xf32>
      tpu.vector_store %arg8[%parallel_loop3A_809, %parallel_loop3A_810, %parallel_loop3A_811], %parallel_loop3A_814 {strides = array<i32>} : memref<3x3x2048xf32, #tpu.memory_space<vmem>>, vector<1x1x16xf32>,
      %parallel_loop3A_815 = arith.constant 2 : i32
      %parallel_loop3A_816 = arith.constant 0 : i32
      %parallel_loop3A_817 = arith.index_cast %parallel_loop3A_815 : i32 to index
      %parallel_loop3A_818 = arith.index_cast %parallel_loop3A_816 : i32 to index
      %parallel_loop3A_819 = arith.index_cast %parallel_loop3A_688 : i32 to index
      %parallel_loop3A_820 = tpu.vector_load %arg6[%parallel_loop3A_817, %parallel_loop3A_818, %parallel_loop3A_819] {strides = array<i32>} : memref<3x3x2048xf32, #tpu.memory_space<vmem>>, vector<1x1x16xf32>,
      %parallel_loop3A_821 = vector.shape_cast %parallel_loop3A_820 : vector<1x1x16xf32> to vector<16xf32>
      %parallel_loop3A_822 = arith.constant 0.000000e+00 : f32
      %parallel_loop3A_823 = vector.broadcast %parallel_loop3A_822 : f32 to vector<16xf32>
      %parallel_loop3A_824 = arith.cmpf oeq, %parallel_loop3A_821, %parallel_loop3A_823 : vector<16xf32>
      %parallel_loop3A_825 = arith.constant 2.000000e+00 : f32
      %parallel_loop3A_826 = vector.broadcast %parallel_loop3A_825 : f32 to vector<16xf32>
      %parallel_loop3A_827 = arith.select %parallel_loop3A_824, %parallel_loop3A_821, %parallel_loop3A_826 : vector<16xi1>, vector<16xf32>
      %parallel_loop3A_828 = arith.constant 2 : i32
      %parallel_loop3A_829 = arith.constant 0 : i32
      %parallel_loop3A_830 = arith.index_cast %parallel_loop3A_828 : i32 to index
      %parallel_loop3A_831 = arith.index_cast %parallel_loop3A_829 : i32 to index
      %parallel_loop3A_832 = arith.index_cast %parallel_loop3A_688 : i32 to index
      %parallel_loop3A_833 = tpu.vector_load %arg8[%parallel_loop3A_830, %parallel_loop3A_831, %parallel_loop3A_832] {strides = array<i32>} : memref<3x3x2048xf32, #tpu.memory_space<vmem>>, vector<1x1x16xf32>,
      %parallel_loop3A_834 = vector.shape_cast %parallel_loop3A_833 : vector<1x1x16xf32> to vector<16xf32>
      %parallel_loop3A_835 = vector.shape_cast %parallel_loop3A_827 : vector<16xf32> to vector<1x1x16xf32>
      tpu.vector_store %arg8[%parallel_loop3A_830, %parallel_loop3A_831, %parallel_loop3A_832], %parallel_loop3A_835 {strides = array<i32>} : memref<3x3x2048xf32, #tpu.memory_space<vmem>>, vector<1x1x16xf32>,
      %parallel_loop3A_836 = arith.constant 2 : i32
      %parallel_loop3A_837 = arith.constant 1 : i32
      %parallel_loop3A_838 = arith.index_cast %parallel_loop3A_836 : i32 to index
      %parallel_loop3A_839 = arith.index_cast %parallel_loop3A_837 : i32 to index
      %parallel_loop3A_840 = arith.index_cast %parallel_loop3A_688 : i32 to index
      %parallel_loop3A_841 = tpu.vector_load %arg6[%parallel_loop3A_838, %parallel_loop3A_839, %parallel_loop3A_840] {strides = array<i32>} : memref<3x3x2048xf32, #tpu.memory_space<vmem>>, vector<1x1x16xf32>,
      %parallel_loop3A_842 = vector.shape_cast %parallel_loop3A_841 : vector<1x1x16xf32> to vector<16xf32>
      %parallel_loop3A_843 = arith.constant 0.000000e+00 : f32
      %parallel_loop3A_844 = vector.broadcast %parallel_loop3A_843 : f32 to vector<16xf32>
      %parallel_loop3A_845 = arith.cmpf oeq, %parallel_loop3A_842, %parallel_loop3A_844 : vector<16xf32>
      %parallel_loop3A_846 = arith.constant 2.000000e+00 : f32
      %parallel_loop3A_847 = vector.broadcast %parallel_loop3A_846 : f32 to vector<16xf32>
      %parallel_loop3A_848 = arith.select %parallel_loop3A_845, %parallel_loop3A_842, %parallel_loop3A_847 : vector<16xi1>, vector<16xf32>
      %parallel_loop3A_849 = arith.constant 2 : i32
      %parallel_loop3A_850 = arith.constant 1 : i32
      %parallel_loop3A_851 = arith.index_cast %parallel_loop3A_849 : i32 to index
      %parallel_loop3A_852 = arith.index_cast %parallel_loop3A_850 : i32 to index
      %parallel_loop3A_853 = arith.index_cast %parallel_loop3A_688 : i32 to index
      %parallel_loop3A_854 = tpu.vector_load %arg8[%parallel_loop3A_851, %parallel_loop3A_852, %parallel_loop3A_853] {strides = array<i32>} : memref<3x3x2048xf32, #tpu.memory_space<vmem>>, vector<1x1x16xf32>,
      %parallel_loop3A_855 = vector.shape_cast %parallel_loop3A_854 : vector<1x1x16xf32> to vector<16xf32>
      %parallel_loop3A_856 = vector.shape_cast %parallel_loop3A_848 : vector<16xf32> to vector<1x1x16xf32>
      tpu.vector_store %arg8[%parallel_loop3A_851, %parallel_loop3A_852, %parallel_loop3A_853], %parallel_loop3A_856 {strides = array<i32>} : memref<3x3x2048xf32, #tpu.memory_space<vmem>>, vector<1x1x16xf32>,
      %parallel_loop3A_857 = arith.constant 2 : i32
      %parallel_loop3A_858 = arith.constant 2 : i32
      %parallel_loop3A_859 = arith.index_cast %parallel_loop3A_857 : i32 to index
      %parallel_loop3A_860 = arith.index_cast %parallel_loop3A_858 : i32 to index
      %parallel_loop3A_861 = arith.index_cast %parallel_loop3A_688 : i32 to index
      %parallel_loop3A_862 = tpu.vector_load %arg6[%parallel_loop3A_859, %parallel_loop3A_860, %parallel_loop3A_861] {strides = array<i32>} : memref<3x3x2048xf32, #tpu.memory_space<vmem>>, vector<1x1x16xf32>,
      %parallel_loop3A_863 = vector.shape_cast %parallel_loop3A_862 : vector<1x1x16xf32> to vector<16xf32>
      %parallel_loop3A_864 = arith.constant 0.000000e+00 : f32
      %parallel_loop3A_865 = vector.broadcast %parallel_loop3A_864 : f32 to vector<16xf32>
      %parallel_loop3A_866 = arith.cmpf oeq, %parallel_loop3A_863, %parallel_loop3A_865 : vector<16xf32>
      %parallel_loop3A_867 = arith.constant 2.000000e+00 : f32
      %parallel_loop3A_868 = vector.broadcast %parallel_loop3A_867 : f32 to vector<16xf32>
      %parallel_loop3A_869 = arith.select %parallel_loop3A_866, %parallel_loop3A_863, %parallel_loop3A_868 : vector<16xi1>, vector<16xf32>
      %parallel_loop3A_870 = arith.constant 2 : i32
      %parallel_loop3A_871 = arith.constant 2 : i32
      %parallel_loop3A_872 = arith.index_cast %parallel_loop3A_870 : i32 to index
      %parallel_loop3A_873 = arith.index_cast %parallel_loop3A_871 : i32 to index
      %parallel_loop3A_874 = arith.index_cast %parallel_loop3A_688 : i32 to index
      %parallel_loop3A_875 = tpu.vector_load %arg8[%parallel_loop3A_872, %parallel_loop3A_873, %parallel_loop3A_874] {strides = array<i32>} : memref<3x3x2048xf32, #tpu.memory_space<vmem>>, vector<1x1x16xf32>,
      %parallel_loop3A_876 = vector.shape_cast %parallel_loop3A_875 : vector<1x1x16xf32> to vector<16xf32>
      %parallel_loop3A_877 = vector.shape_cast %parallel_loop3A_869 : vector<16xf32> to vector<1x1x16xf32>
      tpu.vector_store %arg8[%parallel_loop3A_872, %parallel_loop3A_873, %parallel_loop3A_874], %parallel_loop3A_877 {strides = array<i32>} : memref<3x3x2048xf32, #tpu.memory_space<vmem>>, vector<1x1x16xf32>,
    } {sc.loop_unroll_factor = 1 : i64, sc.parallel_access}
    %add3A_642 = arith.constant 31744 : i32
    %add3A_643 = arith.addi %mul3A_2, %add3A_642 : i32
    %dma_start3A_644 = arith.constant 0 : i32
    %dma_start3A_645 = arith.constant 0 : i32
    %dma_start3A_646 = arith.constant 0 : i32
    %dma_start3A_647 = tpu.memref_slice %arg8[%dma_start3A_644, %dma_start3A_645, %dma_start3A_646] : memref<3x3x2048xf32, #tpu.memory_space<vmem>> -> memref<3x3x1024xf32, #tpu.memory_space<vmem>>
    %dma_start3A_648 = arith.constant 0 : i32
    %dma_start3A_649 = arith.constant 0 : i32
    %dma_start3A_650 = tpu.memref_slice %arg3[%dma_start3A_648, %dma_start3A_649, %add3A_643] : memref<3x3x1048576xf32, #tpu.memory_space<hbm>> -> memref<3x3x1024xf32, #tpu.memory_space<hbm>>
    %dma_start3A_651 = arith.constant 0 : i32
    %dma_start3A_652 = arith.constant 0 : i32
    %dma_start3A_653 = tpu.memref_slice %arg3[%dma_start3A_651, %dma_start3A_652, %add3A_643] : memref<3x3x1048576xf32, #tpu.memory_space<hbm>> -> memref<3x3x1024xf32, #tpu.memory_space<hbm>>
    %dma_start3A_654 = arith.constant 0 : i32
    %dma_start3A_655 = arith.constant 0 : i32
    %dma_start3A_656 = arith.constant 0 : i32
    %dma_start3A_657 = tpu.memref_slice %arg8[%dma_start3A_654, %dma_start3A_655, %dma_start3A_656] : memref<3x3x2048xf32, #tpu.memory_space<vmem>> -> memref<3x3x1024xf32, #tpu.memory_space<vmem>>
    tpu.enqueue_dma source(%dma_start3A_657 : memref<3x3x1024xf32, #tpu.memory_space<vmem>>) target(%dma_start3A_653 : memref<3x3x1024xf32, #tpu.memory_space<hbm>>) target_semaphore(%arg13 : memref<!tpu.dma_semaphore, #tpu.memory_space<semaphore_mem>>)
    %dma_wait3A_658 = arith.constant 0 : i32
    %dma_wait3A_659 = arith.constant 0 : i32
    %dma_wait3A_660 = arith.constant 0 : i32
    %dma_wait3A_661 = tpu.memref_slice %arg7[%dma_wait3A_658, %dma_wait3A_659, %dma_wait3A_660] : memref<3x3x2048xf32, #tpu.memory_space<vmem>> -> memref<3x3x1024xf32, #tpu.memory_space<vmem>>
    %dma_wait3A_662 = arith.constant 0 : i32
    %dma_wait3A_663 = arith.constant 0 : i32
    %dma_wait3A_664 = tpu.memref_slice %arg3[%dma_wait3A_662, %dma_wait3A_663, %add3A_604] : memref<3x3x1048576xf32, #tpu.memory_space<hbm>> -> memref<3x3x1024xf32, #tpu.memory_space<hbm>>
    %dma_wait3A_665 = arith.constant 0 : i32
    %dma_wait3A_666 = arith.constant 0 : i32
    %dma_wait3A_667 = tpu.memref_slice %arg3[%dma_wait3A_665, %dma_wait3A_666, %add3A_604] : memref<3x3x1048576xf32, #tpu.memory_space<hbm>> -> memref<3x3x1024xf32, #tpu.memory_space<hbm>>
    %dma_wait3A_668 = arith.constant 0 : i32
    %dma_wait3A_669 = arith.constant 0 : i32
    %dma_wait3A_670 = arith.constant 0 : i32
    %dma_wait3A_671 = tpu.memref_slice %arg7[%dma_wait3A_668, %dma_wait3A_669, %dma_wait3A_670] : memref<3x3x2048xf32, #tpu.memory_space<vmem>> -> memref<3x3x1024xf32, #tpu.memory_space<vmem>>
    tpu.wait_dma2 semaphore(%arg12 : memref<!tpu.dma_semaphore, #tpu.memory_space<semaphore_mem>>) src(%dma_wait3A_671 : memref<3x3x1024xf32, #tpu.memory_space<vmem>>) dst(%dma_wait3A_667 : memref<3x3x1024xf32, #tpu.memory_space<hbm>>)
    %dma_wait3A_672 = arith.constant 0 : i32
    %dma_wait3A_673 = arith.constant 0 : i32
    %dma_wait3A_674 = arith.constant 0 : i32
    %dma_wait3A_675 = tpu.memref_slice %arg8[%dma_wait3A_672, %dma_wait3A_673, %dma_wait3A_674] : memref<3x3x2048xf32, #tpu.memory_space<vmem>> -> memref<3x3x1024xf32, #tpu.memory_space<vmem>>
    %dma_wait3A_676 = arith.constant 0 : i32
    %dma_wait3A_677 = arith.constant 0 : i32
    %dma_wait3A_678 = tpu.memref_slice %arg3[%dma_wait3A_676, %dma_wait3A_677, %add3A_643] : memref<3x3x1048576xf32, #tpu.memory_space<hbm>> -> memref<3x3x1024xf32, #tpu.memory_space<hbm>>
    %dma_wait3A_679 = arith.constant 0 : i32
    %dma_wait3A_680 = arith.constant 0 : i32
    %dma_wait3A_681 = tpu.memref_slice %arg3[%dma_wait3A_679, %dma_wait3A_680, %add3A_643] : memref<3x3x1048576xf32, #tpu.memory_space<hbm>> -> memref<3x3x1024xf32, #tpu.memory_space<hbm>>
    %dma_wait3A_682 = arith.constant 0 : i32
    %dma_wait3A_683 = arith.constant 0 : i32
    %dma_wait3A_684 = arith.constant 0 : i32
    %dma_wait3A_685 = tpu.memref_slice %arg8[%dma_wait3A_682, %dma_wait3A_683, %dma_wait3A_684] : memref<3x3x2048xf32, #tpu.memory_space<vmem>> -> memref<3x3x1024xf32, #tpu.memory_space<vmem>>
    tpu.wait_dma2 semaphore(%arg13 : memref<!tpu.dma_semaphore, #tpu.memory_space<semaphore_mem>>) src(%dma_wait3A_685 : memref<3x3x1024xf32, #tpu.memory_space<vmem>>) dst(%dma_wait3A_681 : memref<3x3x1024xf32, #tpu.memory_space<hbm>>)
    return
  }
}

</mosaic_0001>

<sc_bundles>
// kernel: kernel.3.cloned.1.call-start
scs
__scs_entry_jumppad:
0x0: {  	(pc) =	sbr.rel $0x88, $3  }
0x1: {  	(tag) =	ssettag $0x0;
	lr =	simm.s32 $0x1  }
0x2: {  	[smem:$0x3FA0] =	sst lr;
	_ =	strace $0xD0000000  }
0x3: {  	_ = 	snop  }
0x4: {  	_ = 	snop  }
0x5: {  	_ = 	snop  }
0x6: {  	_ = 	snop  }
0x7: {  	_ = 	snop  }
__scs_overlays_trampoline_lowered:
0x8: {  	[smem:$0x3FAF] =	sst s0  }
0x9: {  	[smem:$0x3FB0] =	sst s1  }
0xa: {  	[smem:$0x3FB1] =	sst s2  }
0xb: {  	[smem:$0x3FB2] =	sst s3  }
0xc: {  	[smem:$0x3FB3] =	sst s4  }
0xd: {  	[smem:$0x3FB4] =	sst s5  }
0xe: {  	[smem:$0x3FB5] =	sst s6  }
0xf: {  	[smem:$0x3FB6] =	sst s7  }
0x10: {  	[smem:$0x3FB7] =	sst s8  }
0x11: {  	[smem:$0x3FB8] =	sst s9;
	s0 =	simm.s32 @!p0 $0x0  }
0x12: {  	s1 =	sld [smem:$0x3F9E];
	s0 =	simm.s32 @p0 $0x1  }
0x13: {  	[smem:$0x3FB9] =	sst s0;
	s0 =	simm.s32 @!p1 $0x0  }
0x14: {  	s2 =	sld [smem:$0x3F9D];
	s0 =	simm.s32 @p1 $0x1  }
0x15: {  	[smem:$0x3FBA] =	sst s0;
	s0 =	simm.s32 @!p2 $0x0  }
0x16: {  	s3 =	sld [smem:$0x3FDB];
	s0 =	simm.s32 @p2 $0x1  }
0x17: {  	s4 =	simm.s32 $0x1BF5;
	[smem:$0x3FBC] =	sst s0  }
0x18: {  	s0 =	sld [smem:$0x3F9F];
	_ =	swait.ge [sflag:s4], $0x0  }
0x19: {  	s7 =	sld [smem:$0x3FA0]  }
0x1a: {  	s8 =	sadd.s32 $0xFFFFE003, lr  }
0x1b: {  	s9 =	sadd.s32 $0xFFFFFEF7, lr;
	s5 =	simm.s32 $0xFFFFFFFF;
	p2 =	slt.u32 s8, $0xFFFFF086  }
0x1c: {  	p1 =	slt.u32 s9, $0xF7A;
	s5 =	simm.s32 @!p2 $0x0  }
0x1d: {  	s5 =	simm.s32 @p1 $0x1;
	p0 =	seq.s32 s7, s2  }
0x1e: {  	s7 =	smul.u32 @!p0 $0xF7A, s2;
	p2 =	seq.s32 @!p0 s5, $0x0  }
0x1f: {  	s9 =	smul.u32 $0xF7A, s1;
	s8 =	simm.s32 @!p0 $0x1BF5;
	p2 =	por !p2, p0  }
0x20: {  	[sflag:s8] =	ssyncset.s32 @!p0 $0xFFFFF086;
	s6 =	sadd.s32 @!p0 s3, s7;
	s7 =	simm.s32 @!p0 $0x108  }
0x21: {  	s3 =	sadd.s32 s3, s9;
	s6 =	sadd.s32 @!p0 $0x88, s6;
	s7 =	simm.s32 @p2 $0x1082  }
0x22: {  	[simem:s7], [sflag:s8] =	dma.local @!p0 [hbm:s6], $0xF7A  }
0x23: {  	s9 =	sor.u32 $0xD0000000, s2;
	s6 =	simm.s32 $0x108;
	_ =	swait.ge @!p0 [sflag:s8], $0x0  }
0x24: {  	s3 =	sadd.s32 $0x88, s3;
	s6 =	simm.s32 @!p1 $0x1082;
	[sflag:s4] =	ssyncset.s32 $0xFFFFF086  }
0x25: {  	[simem:s6], [sflag:s4] =	dma.local [hbm:s3], $0xF7A  }
0x26: {  	[smem:$0x3FA0] =	sst s1;
	(tag) =	ssettag s2;
	_ =	strace s9  }
0x27: {  	s1 =	sld [smem:$0x3FB0]  }
0x28: {  	s2 =	sld [smem:$0x3FB1]  }
0x29: {  	s4 =	sld [smem:$0x3FB3]  }
0x2a: {  	p0 =	seq.s32 s5, $0x0;
	s5 =	sld [smem:$0x3FB4]  }
0x2b: {  	s6 =	sld [smem:$0x3FB5]  }
0x2c: {  	s7 =	sld [smem:$0x3FB6]  }
0x2d: {  	s3 =	simm.s32 $0x108;
	s8 =	sld [smem:$0x3FB7]  }
0x2e: {  	s3 =	simm.s32 @!p0 $0x1082;
	s9 =	sld [smem:$0x3FB8]  }
0x2f: {  	lr =	sadd.s32 s0, s3;
	s0 =	sld [smem:$0x3FAF]  }
0x30: {  	s3 =	sld [smem:$0x3FB2]  }
0x31: {  	[smem:$0x3FBB] =	sst s10  }
0x32: {  	s10 =	sld [smem:$0x3FB9];
	_ =	sdelay $0x3  }
0x33: {  	p0 =	seq.s32 s10, $0x1;
	s10 =	sld [smem:$0x3FBB];
	_ =	sdelay $0x3  }
0x34: {  	[smem:$0x3FBB] =	sst s10  }
0x35: {  	s10 =	sld [smem:$0x3FBA];
	_ =	sdelay $0x3  }
0x36: {  	p1 =	seq.s32 s10, $0x1;
	s10 =	sld [smem:$0x3FBB];
	_ =	sdelay $0x3  }
0x37: {  	[smem:$0x3FBB] =	sst s10  }
0x38: {  	s10 =	sld [smem:$0x3FBC]  }
0x39: {  	_ = 	snop;
	(pc) =	sbr.ind lr, $3  }
0x3a: {  	_ = 	snop  }
0x3b: {  	_ = 	snop  }
0x3c: {  	p2 =	seq.s32 s10, $0x1;
	s10 =	sld [smem:$0x3FBB]  }
0x3d: {  	_ =	shalt  }
0x3e: {  	_ =	shalt  }
0x3f: {  	_ =	shalt  }
0x40: {  	_ =	shalt  }
0x41: {  	_ =	shalt  }
0x42: {  	_ =	shalt  }
0x43: {  	_ =	shalt  }
0x44: {  	_ =	shalt  }
0x45: {  	_ =	shalt  }
0x46: {  	_ =	shalt  }
0x47: {  	_ =	shalt  }
0x48: {  	_ =	shalt  }
0x49: {  	_ =	shalt  }
0x4a: {  	_ =	shalt  }
0x4b: {  	_ =	shalt  }
0x4c: {  	_ =	shalt  }
0x4d: {  	_ =	shalt  }
0x4e: {  	_ =	shalt  }
0x4f: {  	_ =	shalt  }
0x50: {  	_ =	shalt  }
0x51: {  	_ =	shalt  }
0x52: {  	_ =	shalt  }
0x53: {  	_ =	shalt  }
0x54: {  	_ =	shalt  }
0x55: {  	_ =	shalt  }
0x56: {  	_ =	shalt  }
0x57: {  	_ =	shalt  }
0x58: {  	_ =	shalt  }
0x59: {  	_ =	shalt  }
0x5a: {  	_ =	shalt  }
0x5b: {  	_ =	shalt  }
0x5c: {  	_ =	shalt  }
0x5d: {  	_ =	shalt  }
0x5e: {  	_ =	shalt  }
0x5f: {  	_ =	shalt  }
0x60: {  	_ =	shalt  }
0x61: {  	_ =	shalt  }
0x62: {  	_ =	shalt  }
0x63: {  	_ =	shalt  }
0x64: {  	_ =	shalt  }
0x65: {  	_ =	shalt  }
0x66: {  	_ =	shalt  }
0x67: {  	_ =	shalt  }
0x68: {  	_ =	shalt  }
0x69: {  	_ =	shalt  }
0x6a: {  	_ =	shalt  }
0x6b: {  	_ =	shalt  }
0x6c: {  	_ =	shalt  }
0x6d: {  	_ =	shalt  }
0x6e: {  	_ =	shalt  }
0x6f: {  	_ =	shalt  }
0x70: {  	_ =	shalt  }
0x71: {  	_ =	shalt  }
0x72: {  	_ =	shalt  }
0x73: {  	_ =	shalt  }
0x74: {  	_ =	shalt  }
0x75: {  	_ =	shalt  }
0x76: {  	_ =	shalt  }
0x77: {  	_ =	shalt  }
0x78: {  	_ =	shalt  }
0x79: {  	_ =	shalt  }
0x7a: {  	_ =	shalt  }
0x7b: {  	_ =	shalt  }
0x7c: {  	_ =	shalt  }
0x7d: {  	_ =	shalt  }
0x7e: {  	_ =	shalt  }
0x7f: {  	_ =	shalt  }
0x80: {  	_ =	shalt  }
0x81: {  	_ =	shalt  }
0x82: {  	_ =	shalt  }
0x83: {  	_ =	shalt  }
0x84: {  	_ =	shalt  }
0x85: {  	_ =	shalt  }
0x86: {  	_ =	shalt  }
0x87: {  	_ =	shalt  }
.Lfunc_end0:
.L_simem_size_0:
called_computation_lowered:
.L_overlay_start_0:
0x88: {  	s2 =	sld [smem:$0x3FD9]  }
0x89: {  	s3 =	sld [smem:$0x3FFE];
	_ =	sdelay $0x1  }
0x8a: {  	s1 =	srdreg.scid  }
0x8b: {  	s0 =	sand.u32 $0x1, s1  }
0x8c: {  	s18 =	sshll.u32 s0, $0xA;
	s2 =	sadd.s32 s3, s2  }
0x8d: {  	s2 =	sadd.s32 s2, s18  }
0x8e: {  	[smem:$0x3FC7] =	sst s2  }
0x8f: {  	_ = 	snop  }
0x90: {  	s2 =	sld [smem:$0x3FC9]  }
0x91: {  	s19 =	sld [smem:$0x3FD0];
	(tm) =	ssettm $0x1  }
0x92: {  	s4 =	sld [smem:$0x3FFB];
	_ =	sdelay $0x3  }
0x93: {  	_ =	strace s4  }
0x94: {  	s4 =	sld [smem:$0x3FFC];
	_ =	sdelay $0x3  }
0x95: {  	_ =	strace s4  }
0x96: {  	s4 =	sld [smem:$0x3FFD];
	_ =	sdelay $0x3  }
0x97: {  	_ =	strace s4  }
0x98: {  	_ =	strace $0x8FFFFFFF  }
0x99: {  	s20 =	sld [smem:$0x3FDB];
	_ =	sdelay $0x1  }
0x9a: {  	s5 =	simm.s32 $_scs_section_size  }
0x9b: {  	s6 =	simm.s32 $_size__tile_overlayer_lowered;
	s7 =	simm.s32 $_tile_overlayer_lowered  }
0x9c: {  	s23 =	simm.s32 $0x1BFF;
	s22 =	sshll.u32 s7, $0x1;
	s4 =	sadd.s32 s5, s20  }
0x9d: {  	s8 =	simm.s32 $0x0;
	s21 =	sshll.u32 s6, $0x1;
	s6 =	sadd.s32 s22, s4  }
0x9e: {  	[timem:s8], [sflag:s23] =	dma.local [hbm:s6], s21  }
0x9f: {  	_ =	swait.ge [sflag:s23], s21  }
0xa0: {  	s5 =	ssub.s32 $0x0, s21;
	[sflag:s23] =	ssyncset.done $0x0  }
0xa1: {  	[sflag:s23] =	ssyncadd.s32 s5;
	_ =	sdelay $0x1  }
0xa2: {  	s24 =	simm.s32 $0x1B8B  }
0xa3: {  	_ =	swait.ge [sflag:s24], $0x1  }
0xa4: {  	[sflag:s24] =	ssyncset.done $0x0  }
0xa5: {  	s25 =	simm.s32 $0x1B8E;
	[sflag:s24] =	ssyncadd.s32 $0xFFFFFFFF  }
0xa6: {  	s26 =	simm.s32 $execute0_lowered;
	[smem:$0x3FD2] =	sst s25  }
0xa7: {  	s5 =	sshll.u32 s26, $0x1;
	_ =	strace $0x80000046;
	[dreg:$0x1] =	wrdreg $0xFFFFFFFF  }
0xa8: {  	s28 =	simm.s32 $_size_execute0_lowered;
	s4 =	sadd.s32 s4, s5;
	[dreg:$0x0] =	wrdreg $0x0  }
0xa9: {  	s5 =	sshll.u32 s28, $0x1;
	[dreg:$0x2] =	wrdreg s4  }
0xaa: {  	[dreg:$0x3] =	wrdreg s5  }
0xab: {  	[dreg:$0x4] =	wrdreg $0xC0  }
0xac: {  	_ =	task [dreg:s8], $0x5FFFF  }
0xad: {  	[dreg:$0x1] =	wrdreg $0xFFFFFFFF  }
0xae: {  	[dreg:$0x0] =	wrdreg $0x60  }
0xaf: {  	[dreg:$0x2] =	wrdreg s2  }
0xb0: {  	[dreg:$0x3] =	wrdreg s19  }
0xb1: {  	[dreg:$0x4] =	wrdreg $0x9  }
0xb2: {  	_ =	task.clear_ibuf [dreg:s8], $0x5FFFF;
	_ =	strace $0x90000046  }
0xb3: {  	s29 =	simm.s32 $0x9;
	_ =	strace $0x80000048  }
0xb4: {  	_ =	swait.ge [sflag:s29], $0x1  }
0xb5: {  	[sflag:s29] =	ssyncadd.s32 $0xFFFFFFFF  }
0xb6: {  	_ =	strace $0x90000048  }
0xb7: {  	_ =	sfence  }
0xb8: {  	s30 =	sld [smem:$0x0];
	_ =	sdelay $0x2  }
0xb9: {  	s31 =	sshll.u32 s1, $0xD;
	s1 =	sshrl.u32 s1, $0x2  }
0xba: {  	s3 =	sand.u32 $0x4000, s31;
	s1 =	sadd.s32 s1, s30  }
0xbb: {  	s0 =	sor.u32 s3, s0;
	s1 =	sshll.u32 s1, $0x11  }
0xbc: {  	s0 =	sor.u32 s1, s0  }
0xbd: {  	s0 =	sadd.s32 $0x8F2B, s0  }
0xbe: {  	[sflag:s0] =	ssyncadd.remote.s32 $0x1  }
0xbf: {  	_ =	sfence.sel $0xFFFF  }
0xc0: {  	[dreg:$0x0] =	wrdreg $0xFFFFFFFF;
	(pc) =	sbr.abs _section_cstart, $3  }
0xc1: {  	[dreg:$0x1] =	wrdreg $0xFFFFFFFF  }
0xc2: {  	_ =	task.clear_ibuf [dreg:s8], $0x2FFFF;
	_ =	strace $0x9FFFFFFF  }
0xc3: {  	(tm) =	ssettm $0x7FFFFFFF  }
tec
execute0_lowered:
.L_overlay_start_1:
0x0: {  	(tag) =	ssettag $0x1  }
0x1: {  	s0 =	srdreg.scid  }
0x2: {  	s3 =	rddreg [dreg:$0x0];
	s1 =	stileid.u32;
	s0 =	sand.u32 $0x1, s0  }
0x3: {  	s7 =	rddreg [dreg:$0x1];
	s4 =	sshll.u32 s1, $0xE;
	s2 =	sshll.u32 s0, $0x12  }
0x4: {  	s1 =	simm.s32 $0x0;
	s0 =	ssub.s32 $0x2, s0;
	s4 =	sor.u32 s4, s2  }
0x5: {  	[smem:$0x7FF] =	sst s1;
	s15 =	sshrl.u32 s0, $0x1;
	s5 =	sor.u32 $0x200, s4  }
0x6: {  	s10 =	ssub.s32 s0, s15;
	s16 =	sor.u32 $0x400, s4;
	s17 =	sor.u32 $0x800, s4  }
0x7: {  	s8 =	sor.u32 $0xC00, s4;
	s19 =	sor.u32 $0x1000, s4;
	s6 =	sadd.s32 s3, s16  }
0x8: {  	s20 =	sor.u32 $0x1400, s4;
	s9 =	sadd.s32 s3, s17;
	[dreg:$0x3] =	wrdreg s6  }
0x9: {  	s23 =	sor.u32 $0x1800, s4;
	s18 =	sadd.s32 s3, s8;
	[dreg:$0x4] =	wrdreg s9  }
0xa: {  	s24 =	sor.u32 $0x1C00, s4;
	s0 =	sadd.s32 s7, s16;
	[dreg:$0x5] =	wrdreg s18  }
0xb: {  	s29 =	sor.u32 $0x2000, s4;
	s11 =	sadd.s32 s3, s19;
	[dreg:$0x6] =	wrdreg s0  }
0xc: {  	s30 =	sor.u32 $0x2400, s4;
	s21 =	sadd.s32 s3, s20;
	[dreg:$0x7] =	wrdreg s11  }
0xd: {  	s15 =	sor.u32 $0x2800, s4;
	s22 =	sadd.s32 s7, s8;
	[dreg:$0x9] =	wrdreg s21  }
0xe: {  	s31 =	sadd.s32 s3, s4;
	s25 =	sadd.s32 s3, s23;
	[dreg:$0xa] =	wrdreg s22  }
0xf: {  	s2 =	sadd.s32 s3, s5;
	s26 =	sadd.s32 s3, s24;
	[dreg:$0xb] =	wrdreg s25  }
0x10: {  	s5 =	sadd.s32 s7, s5;
	s28 =	sadd.s32 s7, s20;
	[dreg:$0xd] =	wrdreg s26  }
0x11: {  	s12 =	sadd.s32 s3, s29;
	s13 =	sadd.s32 s3, s30;
	[dreg:$0xe] =	wrdreg s28  }
0x12: {  	s14 =	sadd.s32 s7, s24;
	s16 =	sadd.s32 s7, s30;
	[dreg:$0xf] =	wrdreg s12  }
0x13: {  	s20 =	sor.u32 $0x3000, s4;
	s10 =	smax.u32 s10, $0x1;
	[dreg:$0x11] =	wrdreg s13  }
0x14: {  	s6 =	sadd.s32 s7, s17;
	s0 =	sadd.s32 s7, s19;
	[dreg:$0x12] =	wrdreg s14  }
0x15: {  	[dreg:$0x14] =	wrdreg s16;
	s17 =	sadd.s32 s3, s15;
	s18 =	sor.u32 $0x2C00, s4  }
0x16: {  	s21 =	sadd.s32 s3, s20;
	s22 =	sor.u32 $0x3400, s4;
	s25 =	sor.u32 $0x3800, s4  }
0x17: {  	s26 =	sor.u32 $0x3C00, s4;
	s28 =	sor.u32 $0x3E00, s4;
	[dreg:$0x8] =	wrdreg s6  }
0x18: {  	s11 =	sadd.s32 $0x80000, s31;
	s12 =	sadd.s32 $0x100000, s31;
	[dreg:$0xc] =	wrdreg s0  }
0x19: {  	s13 =	sadd.s32 $0x80000, s2;
	s14 =	sadd.s32 $0x100000, s2;
	[dreg:$0x15] =	wrdreg s17  }
0x1a: {  	s16 =	simm.s32 $0x6000;
	s6 =	sadd.s32 s7, s23;
	[dreg:$0x19] =	wrdreg s21  }
0x1b: {  	s0 =	sadd.s32 s7, s29;
	s19 =	sadd.s32 s3, s18;
	[dreg:$0x10] =	wrdreg s6  }
0x1c: {  	s23 =	sadd.s32 s3, s22;
	s24 =	sadd.s32 s7, s22;
	[dreg:$0x13] =	wrdreg s0  }
0x1d: {  	s29 =	sadd.s32 s3, s25;
	s30 =	sadd.s32 s7, s25;
	[dreg:$0x17] =	wrdreg s19  }
0x1e: {  	s8 =	sadd.s32 s7, s26;
	s9 =	sadd.s32 s7, s28;
	[dreg:$0x1b] =	wrdreg s23  }
0x1f: {  	s17 =	simm.s32 $0x400000;
	s21 =	simm.s32 $0x2;
	[dreg:$0x1c] =	wrdreg s24  }
0x20: {  	s22 =	simm.s32 $0x18000;
	s25 =	simm.s32 $0x5;
	[dreg:$0x1d] =	wrdreg s29  }
0x21: {  	s0 =	sadd.s32 s7, s15;
	s6 =	sadd.s32 s7, s18;
	[dreg:$0x1e] =	wrdreg s30  }
0x22: {  	s15 =	simm.s32 $0x2000;
	s18 =	simm.s32 $0xC000;
	s19 =	simm.s32 $0x1  }
0x23: {  	s23 =	simm.s32 $0x3;
	s24 =	simm.s32 $0x4;
	[dreg:$0x16] =	wrdreg s0  }
0x24: {  	[dreg:$0x18] =	wrdreg s6;
	s0 =	sadd.s32 s7, s20;
	s6 =	sadd.s32 s3, s28  }
0x25: {  	s20 =	simm.s32 $0x12000;
	[dreg:$0x1a] =	wrdreg s0;
	s0 =	sadd.s32 s7, s4  }
0x26: {  	s4 =	sadd.s32 s3, s26;
	s26 =	simm.s32 $0x0;
	_ =	strace $0x80000047  }
.LBB2_1:
0x27: {  	[tilespmem:s1], [sflag:$0x1] =	stream.linear.gather [hbm4b:s31+s1], $0x1000, $0x38;
	[tilespmem:$0x1E000] =	vst v63  }
0x28: {  	_ = 	snop  }
0x29: {  	[tilespmem:s15], [sflag:$0x1] =	stream.linear.gather [hbm4b:s11+s1], $0x1000, $0x38;
	[tilespmem:$0x1E000] =	vst v63  }
0x2a: {  	s3 =	simm.s32 $0x4000  }
0x2b: {  	[tilespmem:s3], [sflag:$0x1] =	stream.linear.gather [hbm4b:s12+s1], $0x1000, $0x38;
	[tilespmem:$0x1E000] =	vst v63  }
0x2c: {  	_ = 	snop  }
0x2d: {  	[tilespmem:s16], [sflag:$0x2] =	stream.linear.gather [hbm4b:s2+s1], $0x1000, $0x38;
	[tilespmem:$0x1E000] =	vst v63  }
0x2e: {  	s7 =	simm.s32 $0x8000  }
0x2f: {  	[tilespmem:s7], [sflag:$0x2] =	stream.linear.gather [hbm4b:s13+s1], $0x1000, $0x38;
	[tilespmem:$0x1E000] =	vst v63  }
0x30: {  	s7 =	simm.s32 $0xA000  }
0x31: {  	[tilespmem:s7], [sflag:$0x2] =	stream.linear.gather [hbm4b:s14+s1], $0x1000, $0x38;
	[tilespmem:$0x1E000] =	vst v63  }
0x32: {  	s7 =	rddreg [dreg:$0x3]  }
0x33: {  	[tilespmem:s18], [sflag:$0x3] =	stream.strided.gather [hbm4b:s7+s15], $0x6000, s17, s15, $0x38;
	[tilespmem:$0x1E000] =	vst v63  }
0x34: {  	_ =	swait.ge [sflag:s19], $0x3000  }
0x35: {  	s3 =	sand.u32 $0x70, s1;
	s7 =	sand.u32 $0xE00, s1;
	[sflag:s19] =	ssyncset.done $0x0  }
0x36: {  	s28 =	sor.u32 s3, s7;
	[sflag:s19] =	ssyncadd.s32 $0xFFFFD000  }
0x37: {  	v4 =	vld [tilespmem:s28+$0x4100]  }
0x38: {  	v6 =	vld [tilespmem:s28+$0x0]  }
0x39: {  	v5 =	vld [tilespmem:s28+$0x80]  }
0x3a: {  	v3 =	vld [tilespmem:s28+$0x100]  }
0x3b: {  	v2 =	vld [tilespmem:s28+$0x2000]  }
0x3c: {  	v1 =	vld [tilespmem:s28+$0x2080];
	vm0 =	veq.f32 v4, $0.0e+00  }
0x3d: {  	s29 =	simm.s32 $0x40;
	s7 =	simm.s32 $0x10;
	v0 =	vld [tilespmem:s28+$0x2100];
	vm1 =	veq.f32 v6, $0.0e+00;
	v7 =	vnsel vm0, $0x40000000, v4  }
0x3e: {  	s30 =	simm.s32 $0x20;
	s3 =	sand.u32 $0x70, s7;
	s7 =	sand.u32 $0xE00, s29;
	v4 =	vld [tilespmem:s28+$0x4000];
	v6 =	vnsel vm1, $0x40000000, v6;
	vm0 =	veq.f32 v5, $0.0e+00;
	[tilespmem:s28+$0x16100] =	vst v7  }
.LBB2_2:
0x3f: {  	p0 =	sne.s32 s30, $0x3F0;
	s3 =	sor.u32 s3, s7;
	[tilespmem:s28+$0x12000] =	vst v6;
	v5 =	vnsel vm0, $0x40000000, v5;
	vm0 =	veq.f32 v3, $0.0e+00;
	v6 =	vld [tilespmem:s28+$0x4080]  }
0x40: {  	v7 =	vld [tilespmem:s3+$0x4100];
	[tilespmem:s28+$0x12080] =	vst v5;
	v3 =	vnsel vm0, $0x40000000, v3;
	vm0 =	veq.f32 v2, $0.0e+00  }
0x41: {  	v8 =	vld [tilespmem:s3+$0x0];
	[tilespmem:s28+$0x12100] =	vst v3;
	v2 =	vnsel vm0, $0x40000000, v2;
	vm0 =	veq.f32 v1, $0.0e+00  }
0x42: {  	v5 =	vld [tilespmem:s3+$0x80];
	[tilespmem:s28+$0x14000] =	vst v2;
	v1 =	vnsel vm0, $0x40000000, v1;
	vm0 =	veq.f32 v0, $0.0e+00  }
.Ltmp0:
0x43: {  	v3 =	vld [tilespmem:s3+$0x100];
	[tilespmem:s28+$0x14080] =	vst v1;
	v0 =	vnsel vm0, $0x40000000, v0;
	vm0 =	veq.f32 v4, $0.0e+00;
	(pc) =	sbr.rel @p0 .LBB2_2-.Ltmp0, $4  }
0x44: {  	v2 =	vld [tilespmem:s3+$0x2000];
	[tilespmem:s28+$0x14100] =	vst v0;
	v0 =	vnsel vm0, $0x40000000, v4;
	vm0 =	veq.f32 v6, $0.0e+00  }
0x45: {  	v1 =	vld [tilespmem:s3+$0x2080];
	vm1 =	veq.f32 v7, $0.0e+00;
	[tilespmem:s28+$0x16000] =	vst v0;
	v4 =	vnsel vm0, $0x40000000, v6  }
0x46: {  	s29 =	sadd.s32 $0x40, s29;
	vm0 =	veq.f32 v8, $0.0e+00;
	v0 =	vld [tilespmem:s3+$0x2100];
	v7 =	vnsel vm1, $0x40000000, v7;
	[tilespmem:s28+$0x16080] =	vst v4;
	s28 =	smov.u32 s3  }
0x47: {  	s7 =	sand.u32 $0xE00, s29;
	s3 =	sand.u32 $0x70, s30;
	s30 =	sadd.s32 $0x10, s30;
	v6 =	vnsel vm0, $0x40000000, v8;
	vm0 =	veq.f32 v5, $0.0e+00;
	v4 =	vld [tilespmem:s28+$0x4000];
	[tilespmem:s28+$0x16100] =	vst v7  }
0x48: {  	[tilespmem:s28+$0x12000] =	vst v6;
	s3 =	sor.u32 s3, s7;
	v5 =	vnsel vm0, $0x40000000, v5;
	vm0 =	veq.f32 v3, $0.0e+00;
	v6 =	vld [tilespmem:s28+$0x4080]  }
0x49: {  	v7 =	vld [tilespmem:s3+$0x4100];
	[tilespmem:s28+$0x12080] =	vst v5;
	v3 =	vnsel vm0, $0x40000000, v3;
	vm0 =	veq.f32 v2, $0.0e+00  }
0x4a: {  	v5 =	vld [tilespmem:s3+$0x0];
	[tilespmem:s28+$0x12100] =	vst v3;
	v2 =	vnsel vm0, $0x40000000, v2;
	vm0 =	veq.f32 v1, $0.0e+00  }
0x4b: {  	v3 =	vld [tilespmem:s3+$0x80];
	[tilespmem:s28+$0x14000] =	vst v2;
	v1 =	vnsel vm0, $0x40000000, v1;
	vm0 =	veq.f32 v0, $0.0e+00  }
0x4c: {  	v2 =	vld [tilespmem:s3+$0x100];
	[tilespmem:s28+$0x14080] =	vst v1;
	v0 =	vnsel vm0, $0x40000000, v0;
	vm0 =	veq.f32 v4, $0.0e+00  }
0x4d: {  	v1 =	vld [tilespmem:s3+$0x2000];
	[tilespmem:s28+$0x14100] =	vst v0;
	v0 =	vnsel vm0, $0x40000000, v4;
	vm0 =	veq.f32 v6, $0.0e+00  }
0x4e: {  	v4 =	vld [tilespmem:s3+$0x2080];
	vm1 =	veq.f32 v7, $0.0e+00;
	[tilespmem:s28+$0x16000] =	vst v0;
	v0 =	vnsel vm0, $0x40000000, v6  }
0x4f: {  	vm0 =	veq.f32 v5, $0.0e+00;
	v6 =	vld [tilespmem:s3+$0x2100];
	v7 =	vnsel vm1, $0x40000000, v7;
	[tilespmem:s28+$0x16080] =	vst v0  }
0x50: {  	v0 =	vnsel vm0, $0x40000000, v5;
	vm0 =	veq.f32 v3, $0.0e+00;
	v5 =	vld [tilespmem:s3+$0x4000];
	[tilespmem:s3+$0x16100] =	vst v7  }
0x51: {  	[tilespmem:s3+$0x12000] =	vst v0;
	v0 =	vnsel vm0, $0x40000000, v3;
	vm0 =	veq.f32 v2, $0.0e+00;
	v3 =	vld [tilespmem:s3+$0x4080]  }
0x52: {  	[tilespmem:s3+$0x12080] =	vst v0;
	v0 =	vnsel vm0, $0x40000000, v2;
	vm0 =	veq.f32 v1, $0.0e+00  }
0x53: {  	[tilespmem:s3+$0x12100] =	vst v0;
	v0 =	vnsel vm0, $0x40000000, v1;
	vm0 =	veq.f32 v4, $0.0e+00  }
0x54: {  	[tilespmem:s3+$0x14000] =	vst v0;
	v0 =	vnsel vm0, $0x40000000, v4;
	vm0 =	veq.f32 v6, $0.0e+00  }
0x55: {  	[tilespmem:s3+$0x14080] =	vst v0;
	v0 =	vnsel vm0, $0x40000000, v6;
	vm0 =	veq.f32 v5, $0.0e+00  }
0x56: {  	[tilespmem:s3+$0x14100] =	vst v0;
	v0 =	vnsel vm0, $0x40000000, v5;
	vm0 =	veq.f32 v3, $0.0e+00  }
0x57: {  	[tilespmem:s3+$0x16000] =	vst v0;
	v0 =	vnsel vm0, $0x40000000, v3  }
0x58: {  	[tilespmem:s3+$0x16080] =	vst v0;
	s3 =	simm.s32 $0x0  }
0x59: {  	[hbm4b:s0+s3] =	stream.linear.scatter [tilespmem:s20], [sflag:$0x4], $0x1000, $0x38;
	[tilespmem:$0x1E000] =	vst v63  }
0x5a: {  	s7 =	sadd.s32 $0x80000, s0;
	s28 =	simm.s32 $0x14000  }
0x5b: {  	[hbm4b:s7+s3] =	stream.linear.scatter [tilespmem:s28], [sflag:$0x4], $0x1000, $0x38;
	[tilespmem:$0x1E000] =	vst v63  }
0x5c: {  	s7 =	sadd.s32 $0x100000, s0;
	s28 =	simm.s32 $0x16000  }
0x5d: {  	[hbm4b:s7+s3] =	stream.linear.scatter [tilespmem:s28], [sflag:$0x4], $0x1000, $0x38;
	[tilespmem:$0x1E000] =	vst v63  }
0x5e: {  	s7 =	rddreg [dreg:$0x4]  }
0x5f: {  	[tilespmem:s3], [sflag:$0x1] =	stream.strided.gather [hbm4b:s7+s15], $0x6000, s17, s15, $0x38;
	[tilespmem:$0x1E000] =	vst v63  }
0x60: {  	_ =	swait.ge [sflag:s21], $0x3000  }
0x61: {  	s7 =	sand.u32 $0x70, s3;
	s3 =	sand.u32 $0xE00, s3;
	[sflag:s21] =	ssyncset.done $0x0  }
0x62: {  	s28 =	sor.u32 s7, s3;
	[sflag:s21] =	ssyncadd.s32 $0xFFFFD000  }
0x63: {  	v4 =	vld [tilespmem:s28+$0xA100]  }
0x64: {  	v6 =	vld [tilespmem:s28+$0x6000]  }
0x65: {  	v5 =	vld [tilespmem:s28+$0x6080]  }
0x66: {  	v3 =	vld [tilespmem:s28+$0x6100]  }
0x67: {  	v2 =	vld [tilespmem:s28+$0x8000]  }
0x68: {  	v1 =	vld [tilespmem:s28+$0x8080];
	vm0 =	veq.f32 v4, $0.0e+00  }
0x69: {  	s29 =	simm.s32 $0x40;
	s7 =	simm.s32 $0x10;
	v0 =	vld [tilespmem:s28+$0x8100];
	vm1 =	veq.f32 v6, $0.0e+00;
	v7 =	vnsel vm0, $0x40000000, v4  }
0x6a: {  	s30 =	simm.s32 $0x20;
	s3 =	sand.u32 $0x70, s7;
	s7 =	sand.u32 $0xE00, s29;
	v4 =	vld [tilespmem:s28+$0xA000];
	v6 =	vnsel vm1, $0x40000000, v6;
	vm0 =	veq.f32 v5, $0.0e+00;
	[tilespmem:s28+$0x1C100] =	vst v7  }
.LBB2_4:
0x6b: {  	p0 =	sne.s32 s30, $0x3F0;
	s3 =	sor.u32 s3, s7;
	[tilespmem:s28+$0x18000] =	vst v6;
	v5 =	vnsel vm0, $0x40000000, v5;
	vm0 =	veq.f32 v3, $0.0e+00;
	v6 =	vld [tilespmem:s28+$0xA080]  }
0x6c: {  	v7 =	vld [tilespmem:s3+$0xA100];
	[tilespmem:s28+$0x18080] =	vst v5;
	v3 =	vnsel vm0, $0x40000000, v3;
	vm0 =	veq.f32 v2, $0.0e+00  }
0x6d: {  	v8 =	vld [tilespmem:s3+$0x6000];
	[tilespmem:s28+$0x18100] =	vst v3;
	v2 =	vnsel vm0, $0x40000000, v2;
	vm0 =	veq.f32 v1, $0.0e+00  }
0x6e: {  	v5 =	vld [tilespmem:s3+$0x6080];
	[tilespmem:s28+$0x1A000] =	vst v2;
	v1 =	vnsel vm0, $0x40000000, v1;
	vm0 =	veq.f32 v0, $0.0e+00  }
.Ltmp1:
0x6f: {  	v3 =	vld [tilespmem:s3+$0x6100];
	[tilespmem:s28+$0x1A080] =	vst v1;
	v0 =	vnsel vm0, $0x40000000, v0;
	vm0 =	veq.f32 v4, $0.0e+00;
	(pc) =	sbr.rel @p0 .LBB2_4-.Ltmp1, $4  }
0x70: {  	v2 =	vld [tilespmem:s3+$0x8000];
	[tilespmem:s28+$0x1A100] =	vst v0;
	v0 =	vnsel vm0, $0x40000000, v4;
	vm0 =	veq.f32 v6, $0.0e+00  }
0x71: {  	v1 =	vld [tilespmem:s3+$0x8080];
	vm1 =	veq.f32 v7, $0.0e+00;
	[tilespmem:s28+$0x1C000] =	vst v0;
	v4 =	vnsel vm0, $0x40000000, v6  }
0x72: {  	s29 =	sadd.s32 $0x40, s29;
	vm0 =	veq.f32 v8, $0.0e+00;
	v0 =	vld [tilespmem:s3+$0x8100];
	v7 =	vnsel vm1, $0x40000000, v7;
	[tilespmem:s28+$0x1C080] =	vst v4;
	s28 =	smov.u32 s3  }
0x73: {  	s7 =	sand.u32 $0xE00, s29;
	s3 =	sand.u32 $0x70, s30;
	s30 =	sadd.s32 $0x10, s30;
	v6 =	vnsel vm0, $0x40000000, v8;
	vm0 =	veq.f32 v5, $0.0e+00;
	v4 =	vld [tilespmem:s28+$0xA000];
	[tilespmem:s28+$0x1C100] =	vst v7  }
0x74: {  	[tilespmem:s28+$0x18000] =	vst v6;
	s3 =	sor.u32 s3, s7;
	v5 =	vnsel vm0, $0x40000000, v5;
	vm0 =	veq.f32 v3, $0.0e+00;
	v6 =	vld [tilespmem:s28+$0xA080]  }
0x75: {  	v7 =	vld [tilespmem:s3+$0xA100];
	[tilespmem:s28+$0x18080] =	vst v5;
	v3 =	vnsel vm0, $0x40000000, v3;
	vm0 =	veq.f32 v2, $0.0e+00  }
0x76: {  	v5 =	vld [tilespmem:s3+$0x6000];
	[tilespmem:s28+$0x18100] =	vst v3;
	v2 =	vnsel vm0, $0x40000000, v2;
	vm0 =	veq.f32 v1, $0.0e+00  }
0x77: {  	v3 =	vld [tilespmem:s3+$0x6080];
	[tilespmem:s28+$0x1A000] =	vst v2;
	v1 =	vnsel vm0, $0x40000000, v1;
	vm0 =	veq.f32 v0, $0.0e+00  }
0x78: {  	v2 =	vld [tilespmem:s3+$0x6100];
	[tilespmem:s28+$0x1A080] =	vst v1;
	v0 =	vnsel vm0, $0x40000000, v0;
	vm0 =	veq.f32 v4, $0.0e+00  }
0x79: {  	v1 =	vld [tilespmem:s3+$0x8000];
	[tilespmem:s28+$0x1A100] =	vst v0;
	v0 =	vnsel vm0, $0x40000000, v4;
	vm0 =	veq.f32 v6, $0.0e+00  }
0x7a: {  	v4 =	vld [tilespmem:s3+$0x8080];
	vm1 =	veq.f32 v7, $0.0e+00;
	[tilespmem:s28+$0x1C000] =	vst v0;
	v0 =	vnsel vm0, $0x40000000, v6  }
0x7b: {  	vm0 =	veq.f32 v5, $0.0e+00;
	v6 =	vld [tilespmem:s3+$0x8100];
	v7 =	vnsel vm1, $0x40000000, v7;
	[tilespmem:s28+$0x1C080] =	vst v0  }
0x7c: {  	v0 =	vnsel vm0, $0x40000000, v5;
	vm0 =	veq.f32 v3, $0.0e+00;
	v5 =	vld [tilespmem:s3+$0xA000];
	[tilespmem:s3+$0x1C100] =	vst v7  }
0x7d: {  	[tilespmem:s3+$0x18000] =	vst v0;
	v0 =	vnsel vm0, $0x40000000, v3;
	vm0 =	veq.f32 v2, $0.0e+00;
	v3 =	vld [tilespmem:s3+$0xA080]  }
0x7e: {  	[tilespmem:s3+$0x18080] =	vst v0;
	v0 =	vnsel vm0, $0x40000000, v2;
	vm0 =	veq.f32 v1, $0.0e+00  }
0x7f: {  	[tilespmem:s3+$0x18100] =	vst v0;
	v0 =	vnsel vm0, $0x40000000, v1;
	vm0 =	veq.f32 v4, $0.0e+00  }
0x80: {  	[tilespmem:s3+$0x1A000] =	vst v0;
	v0 =	vnsel vm0, $0x40000000, v4;
	vm0 =	veq.f32 v6, $0.0e+00  }
0x81: {  	[tilespmem:s3+$0x1A080] =	vst v0;
	v0 =	vnsel vm0, $0x40000000, v6;
	vm0 =	veq.f32 v5, $0.0e+00  }
0x82: {  	[tilespmem:s3+$0x1A100] =	vst v0;
	v0 =	vnsel vm0, $0x40000000, v5;
	vm0 =	veq.f32 v3, $0.0e+00  }
0x83: {  	[tilespmem:s3+$0x1C000] =	vst v0;
	v0 =	vnsel vm0, $0x40000000, v3  }
0x84: {  	[tilespmem:s3+$0x1C080] =	vst v0;
	s3 =	simm.s32 $0x0  }
0x85: {  	[hbm4b:s5+s3] =	stream.linear.scatter [tilespmem:s22], [sflag:$0x5], $0x1000, $0x38;
	[tilespmem:$0x1E000] =	vst v63  }
0x86: {  	s7 =	sadd.s32 $0x80000, s5;
	s28 =	simm.s32 $0x1A000  }
0x87: {  	[hbm4b:s7+s3] =	stream.linear.scatter [tilespmem:s28], [sflag:$0x5], $0x1000, $0x38;
	[tilespmem:$0x1E000] =	vst v63  }
0x88: {  	s7 =	sadd.s32 $0x100000, s5;
	s28 =	simm.s32 $0x1C000  }
0x89: {  	[hbm4b:s7+s3] =	stream.linear.scatter [tilespmem:s28], [sflag:$0x5], $0x1000, $0x38;
	[tilespmem:$0x1E000] =	vst v63  }
0x8a: {  	s7 =	rddreg [dreg:$0x5]  }
0x8b: {  	[tilespmem:s16], [sflag:$0x2] =	stream.strided.gather [hbm4b:s7+s15], $0x6000, s17, s15, $0x38;
	[tilespmem:$0x1E000] =	vst v63  }
0x8c: {  	_ =	swait.ge [sflag:s23], $0x6000  }
0x8d: {  	[sflag:s23] =	ssyncset.done $0x0  }
0x8e: {  	[sflag:s23] =	ssyncadd.s32 $0xFFFFA000  }
0x8f: {  	_ =	swait.ge [sflag:s24], $0x3000  }
0x90: {  	s7 =	sand.u32 $0x70, s3;
	s3 =	sand.u32 $0x1E00, s3;
	[sflag:s24] =	ssyncset.done $0x0  }
0x91: {  	s28 =	sor.u32 s7, s3;
	[sflag:s24] =	ssyncadd.s32 $0xFFFFD000  }
0x92: {  	v4 =	vld [tilespmem:s28+$0x10100]  }
0x93: {  	v6 =	vld [tilespmem:s28+$0xC000]  }
0x94: {  	v5 =	vld [tilespmem:s28+$0xC080]  }
0x95: {  	v3 =	vld [tilespmem:s28+$0xC100]  }
0x96: {  	v2 =	vld [tilespmem:s28+$0xE000]  }
0x97: {  	v1 =	vld [tilespmem:s28+$0xE080];
	vm0 =	veq.f32 v4, $0.0e+00  }
0x98: {  	s29 =	simm.s32 $0x40;
	s7 =	simm.s32 $0x10;
	v0 =	vld [tilespmem:s28+$0xE100];
	vm1 =	veq.f32 v6, $0.0e+00;
	v7 =	vnsel vm0, $0x40000000, v4  }
0x99: {  	s30 =	simm.s32 $0x20;
	s3 =	sand.u32 $0x70, s7;
	s7 =	sand.u32 $0x1E00, s29;
	v4 =	vld [tilespmem:s28+$0x10000];
	v6 =	vnsel vm1, $0x40000000, v6;
	vm0 =	veq.f32 v5, $0.0e+00;
	[tilespmem:s28+$0x16100] =	vst v7  }
.LBB2_6:
0x9a: {  	p0 =	sne.s32 s30, $0x7F0;
	s3 =	sor.u32 s3, s7;
	[tilespmem:s28+$0x12000] =	vst v6;
	v5 =	vnsel vm0, $0x40000000, v5;
	vm0 =	veq.f32 v3, $0.0e+00;
	v6 =	vld [tilespmem:s28+$0x10080]  }
0x9b: {  	v7 =	vld [tilespmem:s3+$0x10100];
	[tilespmem:s28+$0x12080] =	vst v5;
	v3 =	vnsel vm0, $0x40000000, v3;
	vm0 =	veq.f32 v2, $0.0e+00  }
0x9c: {  	v8 =	vld [tilespmem:s3+$0xC000];
	[tilespmem:s28+$0x12100] =	vst v3;
	v2 =	vnsel vm0, $0x40000000, v2;
	vm0 =	veq.f32 v1, $0.0e+00  }
0x9d: {  	v5 =	vld [tilespmem:s3+$0xC080];
	[tilespmem:s28+$0x14000] =	vst v2;
	v1 =	vnsel vm0, $0x40000000, v1;
	vm0 =	veq.f32 v0, $0.0e+00  }
.Ltmp2:
0x9e: {  	v3 =	vld [tilespmem:s3+$0xC100];
	[tilespmem:s28+$0x14080] =	vst v1;
	v0 =	vnsel vm0, $0x40000000, v0;
	vm0 =	veq.f32 v4, $0.0e+00;
	(pc) =	sbr.rel @p0 .LBB2_6-.Ltmp2, $4  }
0x9f: {  	v2 =	vld [tilespmem:s3+$0xE000];
	[tilespmem:s28+$0x14100] =	vst v0;
	v0 =	vnsel vm0, $0x40000000, v4;
	vm0 =	veq.f32 v6, $0.0e+00  }
0xa0: {  	v1 =	vld [tilespmem:s3+$0xE080];
	vm1 =	veq.f32 v7, $0.0e+00;
	[tilespmem:s28+$0x16000] =	vst v0;
	v4 =	vnsel vm0, $0x40000000, v6  }
0xa1: {  	s29 =	sadd.s32 $0x40, s29;
	vm0 =	veq.f32 v8, $0.0e+00;
	v0 =	vld [tilespmem:s3+$0xE100];
	v7 =	vnsel vm1, $0x40000000, v7;
	[tilespmem:s28+$0x16080] =	vst v4;
	s28 =	smov.u32 s3  }
0xa2: {  	s7 =	sand.u32 $0x1E00, s29;
	s3 =	sand.u32 $0x70, s30;
	s30 =	sadd.s32 $0x10, s30;
	v6 =	vnsel vm0, $0x40000000, v8;
	vm0 =	veq.f32 v5, $0.0e+00;
	v4 =	vld [tilespmem:s28+$0x10000];
	[tilespmem:s28+$0x16100] =	vst v7  }
0xa3: {  	[tilespmem:s28+$0x12000] =	vst v6;
	s3 =	sor.u32 s3, s7;
	v5 =	vnsel vm0, $0x40000000, v5;
	vm0 =	veq.f32 v3, $0.0e+00;
	v6 =	vld [tilespmem:s28+$0x10080]  }
0xa4: {  	v7 =	vld [tilespmem:s3+$0x10100];
	[tilespmem:s28+$0x12080] =	vst v5;
	v3 =	vnsel vm0, $0x40000000, v3;
	vm0 =	veq.f32 v2, $0.0e+00  }
0xa5: {  	v5 =	vld [tilespmem:s3+$0xC000];
	[tilespmem:s28+$0x12100] =	vst v3;
	v2 =	vnsel vm0, $0x40000000, v2;
	vm0 =	veq.f32 v1, $0.0e+00  }
0xa6: {  	v3 =	vld [tilespmem:s3+$0xC080];
	[tilespmem:s28+$0x14000] =	vst v2;
	v1 =	vnsel vm0, $0x40000000, v1;
	vm0 =	veq.f32 v0, $0.0e+00  }
0xa7: {  	v2 =	vld [tilespmem:s3+$0xC100];
	[tilespmem:s28+$0x14080] =	vst v1;
	v0 =	vnsel vm0, $0x40000000, v0;
	vm0 =	veq.f32 v4, $0.0e+00  }
0xa8: {  	v1 =	vld [tilespmem:s3+$0xE000];
	[tilespmem:s28+$0x14100] =	vst v0;
	v0 =	vnsel vm0, $0x40000000, v4;
	vm0 =	veq.f32 v6, $0.0e+00  }
0xa9: {  	v4 =	vld [tilespmem:s3+$0xE080];
	vm1 =	veq.f32 v7, $0.0e+00;
	[tilespmem:s28+$0x16000] =	vst v0;
	v0 =	vnsel vm0, $0x40000000, v6  }
0xaa: {  	vm0 =	veq.f32 v5, $0.0e+00;
	v6 =	vld [tilespmem:s3+$0xE100];
	v7 =	vnsel vm1, $0x40000000, v7;
	[tilespmem:s28+$0x16080] =	vst v0  }
0xab: {  	v0 =	vnsel vm0, $0x40000000, v5;
	vm0 =	veq.f32 v3, $0.0e+00;
	v5 =	vld [tilespmem:s3+$0x10000];
	[tilespmem:s3+$0x16100] =	vst v7  }
0xac: {  	[tilespmem:s3+$0x12000] =	vst v0;
	v0 =	vnsel vm0, $0x40000000, v3;
	vm0 =	veq.f32 v2, $0.0e+00;
	v3 =	vld [tilespmem:s3+$0x10080]  }
0xad: {  	[tilespmem:s3+$0x12080] =	vst v0;
	v0 =	vnsel vm0, $0x40000000, v2;
	vm0 =	veq.f32 v1, $0.0e+00  }
0xae: {  	[tilespmem:s3+$0x12100] =	vst v0;
	v0 =	vnsel vm0, $0x40000000, v1;
	vm0 =	veq.f32 v4, $0.0e+00  }
0xaf: {  	[tilespmem:s3+$0x14000] =	vst v0;
	v0 =	vnsel vm0, $0x40000000, v4;
	vm0 =	veq.f32 v6, $0.0e+00  }
0xb0: {  	[tilespmem:s3+$0x14080] =	vst v0;
	v0 =	vnsel vm0, $0x40000000, v6;
	vm0 =	veq.f32 v5, $0.0e+00  }
0xb1: {  	[tilespmem:s3+$0x14100] =	vst v0;
	v0 =	vnsel vm0, $0x40000000, v5;
	vm0 =	veq.f32 v3, $0.0e+00  }
0xb2: {  	[tilespmem:s3+$0x16000] =	vst v0;
	v0 =	vnsel vm0, $0x40000000, v3  }
0xb3: {  	[tilespmem:s3+$0x16080] =	vst v0  }
0xb4: {  	s3 =	rddreg [dreg:$0x6]  }
0xb5: {  	[hbm4b:s3+s15] =	stream.strided.scatter [tilespmem:s20], [sflag:$0x4], $0x6000, s17, s15, $0x38;
	[tilespmem:$0x1E000] =	vst v63  }
0xb6: {  	s7 =	rddreg [dreg:$0x7]  }
0xb7: {  	[tilespmem:s18], [sflag:$0x3] =	stream.strided.gather [hbm4b:s7+s15], $0x6000, s17, s15, $0x38;
	[tilespmem:$0x1E000] =	vst v63  }
0xb8: {  	_ =	swait.ge [sflag:s19], $0x6000  }
0xb9: {  	[sflag:s19] =	ssyncset.done $0x0  }
0xba: {  	[sflag:s19] =	ssyncadd.s32 $0xFFFFA000  }
0xbb: {  	s3 =	simm.s32 $0x0;
	_ =	swait.ge [sflag:s25], $0x3000  }
0xbc: {  	s7 =	sand.u32 $0x70, s3;
	s3 =	sand.u32 $0x1E00, s3;
	[sflag:s25] =	ssyncset.done $0x0  }
0xbd: {  	s28 =	sor.u32 s7, s3;
	[sflag:s25] =	ssyncadd.s32 $0xFFFFD000  }
0xbe: {  	v4 =	vld [tilespmem:s28+$0x4100]  }
0xbf: {  	v6 =	vld [tilespmem:s28+$0x0]  }
0xc0: {  	v5 =	vld [tilespmem:s28+$0x80]  }
0xc1: {  	v3 =	vld [tilespmem:s28+$0x100]  }
0xc2: {  	v2 =	vld [tilespmem:s28+$0x2000]  }
0xc3: {  	v1 =	vld [tilespmem:s28+$0x2080];
	vm0 =	veq.f32 v4, $0.0e+00  }
0xc4: {  	s29 =	simm.s32 $0x40;
	s7 =	simm.s32 $0x10;
	v0 =	vld [tilespmem:s28+$0x2100];
	vm1 =	veq.f32 v6, $0.0e+00;
	v7 =	vnsel vm0, $0x40000000, v4  }
0xc5: {  	s30 =	simm.s32 $0x20;
	s3 =	sand.u32 $0x70, s7;
	s7 =	sand.u32 $0x1E00, s29;
	v4 =	vld [tilespmem:s28+$0x4000];
	v6 =	vnsel vm1, $0x40000000, v6;
	vm0 =	veq.f32 v5, $0.0e+00;
	[tilespmem:s28+$0x1C100] =	vst v7  }
.LBB2_8:
0xc6: {  	p0 =	sne.s32 s30, $0x7F0;
	s3 =	sor.u32 s3, s7;
	[tilespmem:s28+$0x18000] =	vst v6;
	v5 =	vnsel vm0, $0x40000000, v5;
	vm0 =	veq.f32 v3, $0.0e+00;
	v6 =	vld [tilespmem:s28+$0x4080]  }
0xc7: {  	v7 =	vld [tilespmem:s3+$0x4100];
	[tilespmem:s28+$0x18080] =	vst v5;
	v3 =	vnsel vm0, $0x40000000, v3;
	vm0 =	veq.f32 v2, $0.0e+00  }
0xc8: {  	v8 =	vld [tilespmem:s3+$0x0];
	[tilespmem:s28+$0x18100] =	vst v3;
	v2 =	vnsel vm0, $0x40000000, v2;
	vm0 =	veq.f32 v1, $0.0e+00  }
0xc9: {  	v5 =	vld [tilespmem:s3+$0x80];
	[tilespmem:s28+$0x1A000] =	vst v2;
	v1 =	vnsel vm0, $0x40000000, v1;
	vm0 =	veq.f32 v0, $0.0e+00  }
.Ltmp3:
0xca: {  	v3 =	vld [tilespmem:s3+$0x100];
	[tilespmem:s28+$0x1A080] =	vst v1;
	v0 =	vnsel vm0, $0x40000000, v0;
	vm0 =	veq.f32 v4, $0.0e+00;
	(pc) =	sbr.rel @p0 .LBB2_8-.Ltmp3, $4  }
0xcb: {  	v2 =	vld [tilespmem:s3+$0x2000];
	[tilespmem:s28+$0x1A100] =	vst v0;
	v0 =	vnsel vm0, $0x40000000, v4;
	vm0 =	veq.f32 v6, $0.0e+00  }
0xcc: {  	v1 =	vld [tilespmem:s3+$0x2080];
	vm1 =	veq.f32 v7, $0.0e+00;
	[tilespmem:s28+$0x1C000] =	vst v0;
	v4 =	vnsel vm0, $0x40000000, v6  }
0xcd: {  	s29 =	sadd.s32 $0x40, s29;
	vm0 =	veq.f32 v8, $0.0e+00;
	v0 =	vld [tilespmem:s3+$0x2100];
	v7 =	vnsel vm1, $0x40000000, v7;
	[tilespmem:s28+$0x1C080] =	vst v4;
	s28 =	smov.u32 s3  }
0xce: {  	s7 =	sand.u32 $0x1E00, s29;
	s3 =	sand.u32 $0x70, s30;
	s30 =	sadd.s32 $0x10, s30;
	v6 =	vnsel vm0, $0x40000000, v8;
	vm0 =	veq.f32 v5, $0.0e+00;
	v4 =	vld [tilespmem:s28+$0x4000];
	[tilespmem:s28+$0x1C100] =	vst v7  }
0xcf: {  	[tilespmem:s28+$0x18000] =	vst v6;
	s3 =	sor.u32 s3, s7;
	v5 =	vnsel vm0, $0x40000000, v5;
	vm0 =	veq.f32 v3, $0.0e+00;
	v6 =	vld [tilespmem:s28+$0x4080]  }
0xd0: {  	v7 =	vld [tilespmem:s3+$0x4100];
	[tilespmem:s28+$0x18080] =	vst v5;
	v3 =	vnsel vm0, $0x40000000, v3;
	vm0 =	veq.f32 v2, $0.0e+00  }
0xd1: {  	v5 =	vld [tilespmem:s3+$0x0];
	[tilespmem:s28+$0x18100] =	vst v3;
	v2 =	vnsel vm0, $0x40000000, v2;
	vm0 =	veq.f32 v1, $0.0e+00  }
0xd2: {  	v3 =	vld [tilespmem:s3+$0x80];
	[tilespmem:s28+$0x1A000] =	vst v2;
	v1 =	vnsel vm0, $0x40000000, v1;
	vm0 =	veq.f32 v0, $0.0e+00  }
0xd3: {  	v2 =	vld [tilespmem:s3+$0x100];
	[tilespmem:s28+$0x1A080] =	vst v1;
	v0 =	vnsel vm0, $0x40000000, v0;
	vm0 =	veq.f32 v4, $0.0e+00  }
0xd4: {  	v1 =	vld [tilespmem:s3+$0x2000];
	[tilespmem:s28+$0x1A100] =	vst v0;
	v0 =	vnsel vm0, $0x40000000, v4;
	vm0 =	veq.f32 v6, $0.0e+00  }
0xd5: {  	v4 =	vld [tilespmem:s3+$0x2080];
	vm1 =	veq.f32 v7, $0.0e+00;
	[tilespmem:s28+$0x1C000] =	vst v0;
	v0 =	vnsel vm0, $0x40000000, v6  }
0xd6: {  	vm0 =	veq.f32 v5, $0.0e+00;
	v6 =	vld [tilespmem:s3+$0x2100];
	v7 =	vnsel vm1, $0x40000000, v7;
	[tilespmem:s28+$0x1C080] =	vst v0  }
0xd7: {  	v0 =	vnsel vm0, $0x40000000, v5;
	vm0 =	veq.f32 v3, $0.0e+00;
	v5 =	vld [tilespmem:s3+$0x4000];
	[tilespmem:s3+$0x1C100] =	vst v7  }
0xd8: {  	[tilespmem:s3+$0x18000] =	vst v0;
	v0 =	vnsel vm0, $0x40000000, v3;
	vm0 =	veq.f32 v2, $0.0e+00;
	v3 =	vld [tilespmem:s3+$0x4080]  }
0xd9: {  	[tilespmem:s3+$0x18080] =	vst v0;
	v0 =	vnsel vm0, $0x40000000, v2;
	vm0 =	veq.f32 v1, $0.0e+00  }
0xda: {  	[tilespmem:s3+$0x18100] =	vst v0;
	v0 =	vnsel vm0, $0x40000000, v1;
	vm0 =	veq.f32 v4, $0.0e+00  }
0xdb: {  	[tilespmem:s3+$0x1A000] =	vst v0;
	v0 =	vnsel vm0, $0x40000000, v4;
	vm0 =	veq.f32 v6, $0.0e+00  }
0xdc: {  	[tilespmem:s3+$0x1A080] =	vst v0;
	v0 =	vnsel vm0, $0x40000000, v6;
	vm0 =	veq.f32 v5, $0.0e+00  }
0xdd: {  	[tilespmem:s3+$0x1A100] =	vst v0;
	v0 =	vnsel vm0, $0x40000000, v5;
	vm0 =	veq.f32 v3, $0.0e+00  }
0xde: {  	[tilespmem:s3+$0x1C000] =	vst v0;
	v0 =	vnsel vm0, $0x40000000, v3  }
0xdf: {  	[tilespmem:s3+$0x1C080] =	vst v0  }
0xe0: {  	s3 =	rddreg [dreg:$0x8]  }
0xe1: {  	[hbm4b:s3+s15] =	stream.strided.scatter [tilespmem:s22], [sflag:$0x5], $0x6000, s17, s15, $0x38;
	[tilespmem:$0x1E000] =	vst v63  }
0xe2: {  	s7 =	rddreg [dreg:$0x9];
	s3 =	simm.s32 $0x0  }
0xe3: {  	[tilespmem:s3], [sflag:$0x1] =	stream.strided.gather [hbm4b:s7+s15], $0x6000, s17, s15, $0x38;
	[tilespmem:$0x1E000] =	vst v63  }
0xe4: {  	_ =	swait.ge [sflag:s21], $0x6000  }
0xe5: {  	[sflag:s21] =	ssyncset.done $0x0  }
0xe6: {  	[sflag:s21] =	ssyncadd.s32 $0xFFFFA000  }
0xe7: {  	_ =	swait.ge [sflag:s24], $0x6000  }
0xe8: {  	s7 =	sand.u32 $0x70, s3;
	s3 =	sand.u32 $0x1E00, s3;
	[sflag:s24] =	ssyncset.done $0x0  }
0xe9: {  	s28 =	sor.u32 s7, s3;
	[sflag:s24] =	ssyncadd.s32 $0xFFFFA000  }
0xea: {  	v4 =	vld [tilespmem:s28+$0xA100]  }
0xeb: {  	v6 =	vld [tilespmem:s28+$0x6000]  }
0xec: {  	v5 =	vld [tilespmem:s28+$0x6080]  }
0xed: {  	v3 =	vld [tilespmem:s28+$0x6100]  }
0xee: {  	v2 =	vld [tilespmem:s28+$0x8000]  }
0xef: {  	v1 =	vld [tilespmem:s28+$0x8080];
	vm0 =	veq.f32 v4, $0.0e+00  }
0xf0: {  	s29 =	simm.s32 $0x40;
	s7 =	simm.s32 $0x10;
	v0 =	vld [tilespmem:s28+$0x8100];
	vm1 =	veq.f32 v6, $0.0e+00;
	v7 =	vnsel vm0, $0x40000000, v4  }
0xf1: {  	s30 =	simm.s32 $0x20;
	s3 =	sand.u32 $0x70, s7;
	s7 =	sand.u32 $0x1E00, s29;
	v4 =	vld [tilespmem:s28+$0xA000];
	v6 =	vnsel vm1, $0x40000000, v6;
	vm0 =	veq.f32 v5, $0.0e+00;
	[tilespmem:s28+$0x16100] =	vst v7  }
.LBB2_10:
0xf2: {  	p0 =	sne.s32 s30, $0x7F0;
	s3 =	sor.u32 s3, s7;
	[tilespmem:s28+$0x12000] =	vst v6;
	v5 =	vnsel vm0, $0x40000000, v5;
	vm0 =	veq.f32 v3, $0.0e+00;
	v6 =	vld [tilespmem:s28+$0xA080]  }
0xf3: {  	v7 =	vld [tilespmem:s3+$0xA100];
	[tilespmem:s28+$0x12080] =	vst v5;
	v3 =	vnsel vm0, $0x40000000, v3;
	vm0 =	veq.f32 v2, $0.0e+00  }
0xf4: {  	v8 =	vld [tilespmem:s3+$0x6000];
	[tilespmem:s28+$0x12100] =	vst v3;
	v2 =	vnsel vm0, $0x40000000, v2;
	vm0 =	veq.f32 v1, $0.0e+00  }
0xf5: {  	v5 =	vld [tilespmem:s3+$0x6080];
	[tilespmem:s28+$0x14000] =	vst v2;
	v1 =	vnsel vm0, $0x40000000, v1;
	vm0 =	veq.f32 v0, $0.0e+00  }
.Ltmp4:
0xf6: {  	v3 =	vld [tilespmem:s3+$0x6100];
	[tilespmem:s28+$0x14080] =	vst v1;
	v0 =	vnsel vm0, $0x40000000, v0;
	vm0 =	veq.f32 v4, $0.0e+00;
	(pc) =	sbr.rel @p0 .LBB2_10-.Ltmp4, $4  }
0xf7: {  	v2 =	vld [tilespmem:s3+$0x8000];
	[tilespmem:s28+$0x14100] =	vst v0;
	v0 =	vnsel vm0, $0x40000000, v4;
	vm0 =	veq.f32 v6, $0.0e+00  }
0xf8: {  	v1 =	vld [tilespmem:s3+$0x8080];
	vm1 =	veq.f32 v7, $0.0e+00;
	[tilespmem:s28+$0x16000] =	vst v0;
	v4 =	vnsel vm0, $0x40000000, v6  }
0xf9: {  	s29 =	sadd.s32 $0x40, s29;
	vm0 =	veq.f32 v8, $0.0e+00;
	v0 =	vld [tilespmem:s3+$0x8100];
	v7 =	vnsel vm1, $0x40000000, v7;
	[tilespmem:s28+$0x16080] =	vst v4;
	s28 =	smov.u32 s3  }
0xfa: {  	s7 =	sand.u32 $0x1E00, s29;
	s3 =	sand.u32 $0x70, s30;
	s30 =	sadd.s32 $0x10, s30;
	v6 =	vnsel vm0, $0x40000000, v8;
	vm0 =	veq.f32 v5, $0.0e+00;
	v4 =	vld [tilespmem:s28+$0xA000];
	[tilespmem:s28+$0x16100] =	vst v7  }
0xfb: {  	[tilespmem:s28+$0x12000] =	vst v6;
	s3 =	sor.u32 s3, s7;
	v5 =	vnsel vm0, $0x40000000, v5;
	vm0 =	veq.f32 v3, $0.0e+00;
	v6 =	vld [tilespmem:s28+$0xA080]  }
0xfc: {  	v7 =	vld [tilespmem:s3+$0xA100];
	[tilespmem:s28+$0x12080] =	vst v5;
	v3 =	vnsel vm0, $0x40000000, v3;
	vm0 =	veq.f32 v2, $0.0e+00  }
0xfd: {  	v5 =	vld [tilespmem:s3+$0x6000];
	[tilespmem:s28+$0x12100] =	vst v3;
	v2 =	vnsel vm0, $0x40000000, v2;
	vm0 =	veq.f32 v1, $0.0e+00  }
0xfe: {  	v3 =	vld [tilespmem:s3+$0x6080];
	[tilespmem:s28+$0x14000] =	vst v2;
	v1 =	vnsel vm0, $0x40000000, v1;
	vm0 =	veq.f32 v0, $0.0e+00  }
0xff: {  	v2 =	vld [tilespmem:s3+$0x6100];
	[tilespmem:s28+$0x14080] =	vst v1;
	v0 =	vnsel vm0, $0x40000000, v0;
	vm0 =	veq.f32 v4, $0.0e+00  }
0x100: {  	v1 =	vld [tilespmem:s3+$0x8000];
	[tilespmem:s28+$0x14100] =	vst v0;
	v0 =	vnsel vm0, $0x40000000, v4;
	vm0 =	veq.f32 v6, $0.0e+00  }
0x101: {  	v4 =	vld [tilespmem:s3+$0x8080];
	vm1 =	veq.f32 v7, $0.0e+00;
	[tilespmem:s28+$0x16000] =	vst v0;
	v0 =	vnsel vm0, $0x40000000, v6  }
0x102: {  	vm0 =	veq.f32 v5, $0.0e+00;
	v6 =	vld [tilespmem:s3+$0x8100];
	v7 =	vnsel vm1, $0x40000000, v7;
	[tilespmem:s28+$0x16080] =	vst v0  }
0x103: {  	v0 =	vnsel vm0, $0x40000000, v5;
	vm0 =	veq.f32 v3, $0.0e+00;
	v5 =	vld [tilespmem:s3+$0xA000];
	[tilespmem:s3+$0x16100] =	vst v7  }
0x104: {  	[tilespmem:s3+$0x12000] =	vst v0;
	v0 =	vnsel vm0, $0x40000000, v3;
	vm0 =	veq.f32 v2, $0.0e+00;
	v3 =	vld [tilespmem:s3+$0xA080]  }
0x105: {  	[tilespmem:s3+$0x12080] =	vst v0;
	v0 =	vnsel vm0, $0x40000000, v2;
	vm0 =	veq.f32 v1, $0.0e+00  }
0x106: {  	[tilespmem:s3+$0x12100] =	vst v0;
	v0 =	vnsel vm0, $0x40000000, v1;
	vm0 =	veq.f32 v4, $0.0e+00  }
0x107: {  	[tilespmem:s3+$0x14000] =	vst v0;
	v0 =	vnsel vm0, $0x40000000, v4;
	vm0 =	veq.f32 v6, $0.0e+00  }
0x108: {  	[tilespmem:s3+$0x14080] =	vst v0;
	v0 =	vnsel vm0, $0x40000000, v6;
	vm0 =	veq.f32 v5, $0.0e+00  }
0x109: {  	[tilespmem:s3+$0x14100] =	vst v0;
	v0 =	vnsel vm0, $0x40000000, v5;
	vm0 =	veq.f32 v3, $0.0e+00  }
0x10a: {  	[tilespmem:s3+$0x16000] =	vst v0;
	v0 =	vnsel vm0, $0x40000000, v3  }
0x10b: {  	[tilespmem:s3+$0x16080] =	vst v0  }
0x10c: {  	s3 =	rddreg [dreg:$0xa]  }
0x10d: {  	[hbm4b:s3+s15] =	stream.strided.scatter [tilespmem:s20], [sflag:$0x4], $0x6000, s17, s15, $0x38;
	[tilespmem:$0x1E000] =	vst v63  }
0x10e: {  	s7 =	rddreg [dreg:$0xb]  }
0x10f: {  	[tilespmem:s16], [sflag:$0x2] =	stream.strided.gather [hbm4b:s7+s15], $0x6000, s17, s15, $0x38;
	[tilespmem:$0x1E000] =	vst v63  }
0x110: {  	_ =	swait.ge [sflag:s23], $0x6000  }
0x111: {  	[sflag:s23] =	ssyncset.done $0x0  }
0x112: {  	[sflag:s23] =	ssyncadd.s32 $0xFFFFA000  }
0x113: {  	s3 =	simm.s32 $0x0;
	_ =	swait.ge [sflag:s25], $0x6000  }
0x114: {  	s7 =	sand.u32 $0x70, s3;
	s3 =	sand.u32 $0x1E00, s3;
	[sflag:s25] =	ssyncset.done $0x0  }
0x115: {  	s28 =	sor.u32 s7, s3;
	[sflag:s25] =	ssyncadd.s32 $0xFFFFA000  }
0x116: {  	v4 =	vld [tilespmem:s28+$0x10100]  }
0x117: {  	v6 =	vld [tilespmem:s28+$0xC000]  }
0x118: {  	v5 =	vld [tilespmem:s28+$0xC080]  }
0x119: {  	v3 =	vld [tilespmem:s28+$0xC100]  }
0x11a: {  	v2 =	vld [tilespmem:s28+$0xE000]  }
0x11b: {  	v1 =	vld [tilespmem:s28+$0xE080];
	vm0 =	veq.f32 v4, $0.0e+00  }
0x11c: {  	s29 =	simm.s32 $0x40;
	s7 =	simm.s32 $0x10;
	v0 =	vld [tilespmem:s28+$0xE100];
	vm1 =	veq.f32 v6, $0.0e+00;
	v7 =	vnsel vm0, $0x40000000, v4  }
0x11d: {  	s30 =	simm.s32 $0x20;
	s3 =	sand.u32 $0x70, s7;
	s7 =	sand.u32 $0x1E00, s29;
	v4 =	vld [tilespmem:s28+$0x10000];
	v6 =	vnsel vm1, $0x40000000, v6;
	vm0 =	veq.f32 v5, $0.0e+00;
	[tilespmem:s28+$0x1C100] =	vst v7  }
.LBB2_12:
0x11e: {  	p0 =	sne.s32 s30, $0x7F0;
	s3 =	sor.u32 s3, s7;
	[tilespmem:s28+$0x18000] =	vst v6;
	v5 =	vnsel vm0, $0x40000000, v5;
	vm0 =	veq.f32 v3, $0.0e+00;
	v6 =	vld [tilespmem:s28+$0x10080]  }
0x11f: {  	v7 =	vld [tilespmem:s3+$0x10100];
	[tilespmem:s28+$0x18080] =	vst v5;
	v3 =	vnsel vm0, $0x40000000, v3;
	vm0 =	veq.f32 v2, $0.0e+00  }
0x120: {  	v8 =	vld [tilespmem:s3+$0xC000];
	[tilespmem:s28+$0x18100] =	vst v3;
	v2 =	vnsel vm0, $0x40000000, v2;
	vm0 =	veq.f32 v1, $0.0e+00  }
0x121: {  	v5 =	vld [tilespmem:s3+$0xC080];
	[tilespmem:s28+$0x1A000] =	vst v2;
	v1 =	vnsel vm0, $0x40000000, v1;
	vm0 =	veq.f32 v0, $0.0e+00  }
.Ltmp5:
0x122: {  	v3 =	vld [tilespmem:s3+$0xC100];
	[tilespmem:s28+$0x1A080] =	vst v1;
	v0 =	vnsel vm0, $0x40000000, v0;
	vm0 =	veq.f32 v4, $0.0e+00;
	(pc) =	sbr.rel @p0 .LBB2_12-.Ltmp5, $4  }
0x123: {  	v2 =	vld [tilespmem:s3+$0xE000];
	[tilespmem:s28+$0x1A100] =	vst v0;
	v0 =	vnsel vm0, $0x40000000, v4;
	vm0 =	veq.f32 v6, $0.0e+00  }
0x124: {  	v1 =	vld [tilespmem:s3+$0xE080];
	vm1 =	veq.f32 v7, $0.0e+00;
	[tilespmem:s28+$0x1C000] =	vst v0;
	v4 =	vnsel vm0, $0x40000000, v6  }
0x125: {  	s29 =	sadd.s32 $0x40, s29;
	vm0 =	veq.f32 v8, $0.0e+00;
	v0 =	vld [tilespmem:s3+$0xE100];
	v7 =	vnsel vm1, $0x40000000, v7;
	[tilespmem:s28+$0x1C080] =	vst v4;
	s28 =	smov.u32 s3  }
0x126: {  	s7 =	sand.u32 $0x1E00, s29;
	s3 =	sand.u32 $0x70, s30;
	s30 =	sadd.s32 $0x10, s30;
	v6 =	vnsel vm0, $0x40000000, v8;
	vm0 =	veq.f32 v5, $0.0e+00;
	v4 =	vld [tilespmem:s28+$0x10000];
	[tilespmem:s28+$0x1C100] =	vst v7  }
0x127: {  	[tilespmem:s28+$0x18000] =	vst v6;
	s3 =	sor.u32 s3, s7;
	v5 =	vnsel vm0, $0x40000000, v5;
	vm0 =	veq.f32 v3, $0.0e+00;
	v6 =	vld [tilespmem:s28+$0x10080]  }
0x128: {  	v7 =	vld [tilespmem:s3+$0x10100];
	[tilespmem:s28+$0x18080] =	vst v5;
	v3 =	vnsel vm0, $0x40000000, v3;
	vm0 =	veq.f32 v2, $0.0e+00  }
0x129: {  	v5 =	vld [tilespmem:s3+$0xC000];
	[tilespmem:s28+$0x18100] =	vst v3;
	v2 =	vnsel vm0, $0x40000000, v2;
	vm0 =	veq.f32 v1, $0.0e+00  }
0x12a: {  	v3 =	vld [tilespmem:s3+$0xC080];
	[tilespmem:s28+$0x1A000] =	vst v2;
	v1 =	vnsel vm0, $0x40000000, v1;
	vm0 =	veq.f32 v0, $0.0e+00  }
0x12b: {  	v2 =	vld [tilespmem:s3+$0xC100];
	[tilespmem:s28+$0x1A080] =	vst v1;
	v0 =	vnsel vm0, $0x40000000, v0;
	vm0 =	veq.f32 v4, $0.0e+00  }
0x12c: {  	v1 =	vld [tilespmem:s3+$0xE000];
	[tilespmem:s28+$0x1A100] =	vst v0;
	v0 =	vnsel vm0, $0x40000000, v4;
	vm0 =	veq.f32 v6, $0.0e+00  }
0x12d: {  	v4 =	vld [tilespmem:s3+$0xE080];
	vm1 =	veq.f32 v7, $0.0e+00;
	[tilespmem:s28+$0x1C000] =	vst v0;
	v0 =	vnsel vm0, $0x40000000, v6  }
0x12e: {  	vm0 =	veq.f32 v5, $0.0e+00;
	v6 =	vld [tilespmem:s3+$0xE100];
	v7 =	vnsel vm1, $0x40000000, v7;
	[tilespmem:s28+$0x1C080] =	vst v0  }
0x12f: {  	v0 =	vnsel vm0, $0x40000000, v5;
	vm0 =	veq.f32 v3, $0.0e+00;
	v5 =	vld [tilespmem:s3+$0x10000];
	[tilespmem:s3+$0x1C100] =	vst v7  }
0x130: {  	[tilespmem:s3+$0x18000] =	vst v0;
	v0 =	vnsel vm0, $0x40000000, v3;
	vm0 =	veq.f32 v2, $0.0e+00;
	v3 =	vld [tilespmem:s3+$0x10080]  }
0x131: {  	[tilespmem:s3+$0x18080] =	vst v0;
	v0 =	vnsel vm0, $0x40000000, v2;
	vm0 =	veq.f32 v1, $0.0e+00  }
0x132: {  	[tilespmem:s3+$0x18100] =	vst v0;
	v0 =	vnsel vm0, $0x40000000, v1;
	vm0 =	veq.f32 v4, $0.0e+00  }
0x133: {  	[tilespmem:s3+$0x1A000] =	vst v0;
	v0 =	vnsel vm0, $0x40000000, v4;
	vm0 =	veq.f32 v6, $0.0e+00  }
0x134: {  	[tilespmem:s3+$0x1A080] =	vst v0;
	v0 =	vnsel vm0, $0x40000000, v6;
	vm0 =	veq.f32 v5, $0.0e+00  }
0x135: {  	[tilespmem:s3+$0x1A100] =	vst v0;
	v0 =	vnsel vm0, $0x40000000, v5;
	vm0 =	veq.f32 v3, $0.0e+00  }
0x136: {  	[tilespmem:s3+$0x1C000] =	vst v0;
	v0 =	vnsel vm0, $0x40000000, v3  }
0x137: {  	[tilespmem:s3+$0x1C080] =	vst v0  }
0x138: {  	s3 =	rddreg [dreg:$0xc]  }
0x139: {  	[hbm4b:s3+s15] =	stream.strided.scatter [tilespmem:s22], [sflag:$0x5], $0x6000, s17, s15, $0x38;
	[tilespmem:$0x1E000] =	vst v63  }
0x13a: {  	s7 =	rddreg [dreg:$0xd]  }
0x13b: {  	[tilespmem:s18], [sflag:$0x3] =	stream.strided.gather [hbm4b:s7+s15], $0x6000, s17, s15, $0x38;
	[tilespmem:$0x1E000] =	vst v63  }
0x13c: {  	_ =	swait.ge [sflag:s19], $0x6000  }
0x13d: {  	[sflag:s19] =	ssyncset.done $0x0  }
0x13e: {  	[sflag:s19] =	ssyncadd.s32 $0xFFFFA000  }
0x13f: {  	s3 =	simm.s32 $0x0;
	_ =	swait.ge [sflag:s24], $0x6000  }
0x140: {  	s7 =	sand.u32 $0x70, s3;
	s3 =	sand.u32 $0x1E00, s3;
	[sflag:s24] =	ssyncset.done $0x0  }
0x141: {  	s28 =	sor.u32 s7, s3;
	[sflag:s24] =	ssyncadd.s32 $0xFFFFA000  }
0x142: {  	v4 =	vld [tilespmem:s28+$0x4100]  }
0x143: {  	v6 =	vld [tilespmem:s28+$0x0]  }
0x144: {  	v5 =	vld [tilespmem:s28+$0x80]  }
0x145: {  	v3 =	vld [tilespmem:s28+$0x100]  }
0x146: {  	v2 =	vld [tilespmem:s28+$0x2000]  }
0x147: {  	v1 =	vld [tilespmem:s28+$0x2080];
	vm0 =	veq.f32 v4, $0.0e+00  }
0x148: {  	s29 =	simm.s32 $0x40;
	s7 =	simm.s32 $0x10;
	v0 =	vld [tilespmem:s28+$0x2100];
	vm1 =	veq.f32 v6, $0.0e+00;
	v7 =	vnsel vm0, $0x40000000, v4  }
0x149: {  	s30 =	simm.s32 $0x20;
	s3 =	sand.u32 $0x70, s7;
	s7 =	sand.u32 $0x1E00, s29;
	v4 =	vld [tilespmem:s28+$0x4000];
	v6 =	vnsel vm1, $0x40000000, v6;
	vm0 =	veq.f32 v5, $0.0e+00;
	[tilespmem:s28+$0x16100] =	vst v7  }
.LBB2_14:
0x14a: {  	p0 =	sne.s32 s30, $0x7F0;
	s3 =	sor.u32 s3, s7;
	[tilespmem:s28+$0x12000] =	vst v6;
	v5 =	vnsel vm0, $0x40000000, v5;
	vm0 =	veq.f32 v3, $0.0e+00;
	v6 =	vld [tilespmem:s28+$0x4080]  }
0x14b: {  	v7 =	vld [tilespmem:s3+$0x4100];
	[tilespmem:s28+$0x12080] =	vst v5;
	v3 =	vnsel vm0, $0x40000000, v3;
	vm0 =	veq.f32 v2, $0.0e+00  }
0x14c: {  	v8 =	vld [tilespmem:s3+$0x0];
	[tilespmem:s28+$0x12100] =	vst v3;
	v2 =	vnsel vm0, $0x40000000, v2;
	vm0 =	veq.f32 v1, $0.0e+00  }
0x14d: {  	v5 =	vld [tilespmem:s3+$0x80];
	[tilespmem:s28+$0x14000] =	vst v2;
	v1 =	vnsel vm0, $0x40000000, v1;
	vm0 =	veq.f32 v0, $0.0e+00  }
.Ltmp6:
0x14e: {  	v3 =	vld [tilespmem:s3+$0x100];
	[tilespmem:s28+$0x14080] =	vst v1;
	v0 =	vnsel vm0, $0x40000000, v0;
	vm0 =	veq.f32 v4, $0.0e+00;
	(pc) =	sbr.rel @p0 .LBB2_14-.Ltmp6, $4  }
0x14f: {  	v2 =	vld [tilespmem:s3+$0x2000];
	[tilespmem:s28+$0x14100] =	vst v0;
	v0 =	vnsel vm0, $0x40000000, v4;
	vm0 =	veq.f32 v6, $0.0e+00  }
0x150: {  	v1 =	vld [tilespmem:s3+$0x2080];
	vm1 =	veq.f32 v7, $0.0e+00;
	[tilespmem:s28+$0x16000] =	vst v0;
	v4 =	vnsel vm0, $0x40000000, v6  }
0x151: {  	s29 =	sadd.s32 $0x40, s29;
	vm0 =	veq.f32 v8, $0.0e+00;
	v0 =	vld [tilespmem:s3+$0x2100];
	v7 =	vnsel vm1, $0x40000000, v7;
	[tilespmem:s28+$0x16080] =	vst v4;
	s28 =	smov.u32 s3  }
0x152: {  	s7 =	sand.u32 $0x1E00, s29;
	s3 =	sand.u32 $0x70, s30;
	s30 =	sadd.s32 $0x10, s30;
	v6 =	vnsel vm0, $0x40000000, v8;
	vm0 =	veq.f32 v5, $0.0e+00;
	v4 =	vld [tilespmem:s28+$0x4000];
	[tilespmem:s28+$0x16100] =	vst v7  }
0x153: {  	[tilespmem:s28+$0x12000] =	vst v6;
	s3 =	sor.u32 s3, s7;
	v5 =	vnsel vm0, $0x40000000, v5;
	vm0 =	veq.f32 v3, $0.0e+00;
	v6 =	vld [tilespmem:s28+$0x4080]  }
0x154: {  	v7 =	vld [tilespmem:s3+$0x4100];
	[tilespmem:s28+$0x12080] =	vst v5;
	v3 =	vnsel vm0, $0x40000000, v3;
	vm0 =	veq.f32 v2, $0.0e+00  }
0x155: {  	v5 =	vld [tilespmem:s3+$0x0];
	[tilespmem:s28+$0x12100] =	vst v3;
	v2 =	vnsel vm0, $0x40000000, v2;
	vm0 =	veq.f32 v1, $0.0e+00  }
0x156: {  	v3 =	vld [tilespmem:s3+$0x80];
	[tilespmem:s28+$0x14000] =	vst v2;
	v1 =	vnsel vm0, $0x40000000, v1;
	vm0 =	veq.f32 v0, $0.0e+00  }
0x157: {  	v2 =	vld [tilespmem:s3+$0x100];
	[tilespmem:s28+$0x14080] =	vst v1;
	v0 =	vnsel vm0, $0x40000000, v0;
	vm0 =	veq.f32 v4, $0.0e+00  }
0x158: {  	v1 =	vld [tilespmem:s3+$0x2000];
	[tilespmem:s28+$0x14100] =	vst v0;
	v0 =	vnsel vm0, $0x40000000, v4;
	vm0 =	veq.f32 v6, $0.0e+00  }
0x159: {  	v4 =	vld [tilespmem:s3+$0x2080];
	vm1 =	veq.f32 v7, $0.0e+00;
	[tilespmem:s28+$0x16000] =	vst v0;
	v0 =	vnsel vm0, $0x40000000, v6  }
0x15a: {  	vm0 =	veq.f32 v5, $0.0e+00;
	v6 =	vld [tilespmem:s3+$0x2100];
	v7 =	vnsel vm1, $0x40000000, v7;
	[tilespmem:s28+$0x16080] =	vst v0  }
0x15b: {  	v0 =	vnsel vm0, $0x40000000, v5;
	vm0 =	veq.f32 v3, $0.0e+00;
	v5 =	vld [tilespmem:s3+$0x4000];
	[tilespmem:s3+$0x16100] =	vst v7  }
0x15c: {  	[tilespmem:s3+$0x12000] =	vst v0;
	v0 =	vnsel vm0, $0x40000000, v3;
	vm0 =	veq.f32 v2, $0.0e+00;
	v3 =	vld [tilespmem:s3+$0x4080]  }
0x15d: {  	[tilespmem:s3+$0x12080] =	vst v0;
	v0 =	vnsel vm0, $0x40000000, v2;
	vm0 =	veq.f32 v1, $0.0e+00  }
0x15e: {  	[tilespmem:s3+$0x12100] =	vst v0;
	v0 =	vnsel vm0, $0x40000000, v1;
	vm0 =	veq.f32 v4, $0.0e+00  }
0x15f: {  	[tilespmem:s3+$0x14000] =	vst v0;
	v0 =	vnsel vm0, $0x40000000, v4;
	vm0 =	veq.f32 v6, $0.0e+00  }
0x160: {  	[tilespmem:s3+$0x14080] =	vst v0;
	v0 =	vnsel vm0, $0x40000000, v6;
	vm0 =	veq.f32 v5, $0.0e+00  }
0x161: {  	[tilespmem:s3+$0x14100] =	vst v0;
	v0 =	vnsel vm0, $0x40000000, v5;
	vm0 =	veq.f32 v3, $0.0e+00  }
0x162: {  	[tilespmem:s3+$0x16000] =	vst v0;
	v0 =	vnsel vm0, $0x40000000, v3  }
0x163: {  	[tilespmem:s3+$0x16080] =	vst v0  }
0x164: {  	s3 =	rddreg [dreg:$0xe]  }
0x165: {  	[hbm4b:s3+s15] =	stream.strided.scatter [tilespmem:s20], [sflag:$0x4], $0x6000, s17, s15, $0x38;
	[tilespmem:$0x1E000] =	vst v63  }
0x166: {  	s7 =	rddreg [dreg:$0xf];
	s3 =	simm.s32 $0x0  }
0x167: {  	[tilespmem:s3], [sflag:$0x1] =	stream.strided.gather [hbm4b:s7+s15], $0x6000, s17, s15, $0x38;
	[tilespmem:$0x1E000] =	vst v63  }
0x168: {  	_ =	swait.ge [sflag:s21], $0x6000  }
0x169: {  	[sflag:s21] =	ssyncset.done $0x0  }
0x16a: {  	[sflag:s21] =	ssyncadd.s32 $0xFFFFA000  }
0x16b: {  	_ =	swait.ge [sflag:s25], $0x6000  }
0x16c: {  	s7 =	sand.u32 $0x70, s3;
	s3 =	sand.u32 $0x1E00, s3;
	[sflag:s25] =	ssyncset.done $0x0  }
0x16d: {  	s28 =	sor.u32 s7, s3;
	[sflag:s25] =	ssyncadd.s32 $0xFFFFA000  }
0x16e: {  	v4 =	vld [tilespmem:s28+$0xA100]  }
0x16f: {  	v6 =	vld [tilespmem:s28+$0x6000]  }
0x170: {  	v5 =	vld [tilespmem:s28+$0x6080]  }
0x171: {  	v3 =	vld [tilespmem:s28+$0x6100]  }
0x172: {  	v2 =	vld [tilespmem:s28+$0x8000]  }
0x173: {  	v1 =	vld [tilespmem:s28+$0x8080];
	vm0 =	veq.f32 v4, $0.0e+00  }
0x174: {  	s29 =	simm.s32 $0x40;
	s7 =	simm.s32 $0x10;
	v0 =	vld [tilespmem:s28+$0x8100];
	vm1 =	veq.f32 v6, $0.0e+00;
	v7 =	vnsel vm0, $0x40000000, v4  }
0x175: {  	s30 =	simm.s32 $0x20;
	s3 =	sand.u32 $0x70, s7;
	s7 =	sand.u32 $0x1E00, s29;
	v4 =	vld [tilespmem:s28+$0xA000];
	v6 =	vnsel vm1, $0x40000000, v6;
	vm0 =	veq.f32 v5, $0.0e+00;
	[tilespmem:s28+$0x1C100] =	vst v7  }
.LBB2_16:
0x176: {  	p0 =	sne.s32 s30, $0x7F0;
	s3 =	sor.u32 s3, s7;
	[tilespmem:s28+$0x18000] =	vst v6;
	v5 =	vnsel vm0, $0x40000000, v5;
	vm0 =	veq.f32 v3, $0.0e+00;
	v6 =	vld [tilespmem:s28+$0xA080]  }
0x177: {  	v7 =	vld [tilespmem:s3+$0xA100];
	[tilespmem:s28+$0x18080] =	vst v5;
	v3 =	vnsel vm0, $0x40000000, v3;
	vm0 =	veq.f32 v2, $0.0e+00  }
0x178: {  	v8 =	vld [tilespmem:s3+$0x6000];
	[tilespmem:s28+$0x18100] =	vst v3;
	v2 =	vnsel vm0, $0x40000000, v2;
	vm0 =	veq.f32 v1, $0.0e+00  }
0x179: {  	v5 =	vld [tilespmem:s3+$0x6080];
	[tilespmem:s28+$0x1A000] =	vst v2;
	v1 =	vnsel vm0, $0x40000000, v1;
	vm0 =	veq.f32 v0, $0.0e+00  }
.Ltmp7:
0x17a: {  	v3 =	vld [tilespmem:s3+$0x6100];
	[tilespmem:s28+$0x1A080] =	vst v1;
	v0 =	vnsel vm0, $0x40000000, v0;
	vm0 =	veq.f32 v4, $0.0e+00;
	(pc) =	sbr.rel @p0 .LBB2_16-.Ltmp7, $4  }
0x17b: {  	v2 =	vld [tilespmem:s3+$0x8000];
	[tilespmem:s28+$0x1A100] =	vst v0;
	v0 =	vnsel vm0, $0x40000000, v4;
	vm0 =	veq.f32 v6, $0.0e+00  }
0x17c: {  	v1 =	vld [tilespmem:s3+$0x8080];
	vm1 =	veq.f32 v7, $0.0e+00;
	[tilespmem:s28+$0x1C000] =	vst v0;
	v4 =	vnsel vm0, $0x40000000, v6  }
0x17d: {  	s29 =	sadd.s32 $0x40, s29;
	vm0 =	veq.f32 v8, $0.0e+00;
	v0 =	vld [tilespmem:s3+$0x8100];
	v7 =	vnsel vm1, $0x40000000, v7;
	[tilespmem:s28+$0x1C080] =	vst v4;
	s28 =	smov.u32 s3  }
0x17e: {  	s7 =	sand.u32 $0x1E00, s29;
	s3 =	sand.u32 $0x70, s30;
	s30 =	sadd.s32 $0x10, s30;
	v6 =	vnsel vm0, $0x40000000, v8;
	vm0 =	veq.f32 v5, $0.0e+00;
	v4 =	vld [tilespmem:s28+$0xA000];
	[tilespmem:s28+$0x1C100] =	vst v7  }
0x17f: {  	[tilespmem:s28+$0x18000] =	vst v6;
	s3 =	sor.u32 s3, s7;
	v5 =	vnsel vm0, $0x40000000, v5;
	vm0 =	veq.f32 v3, $0.0e+00;
	v6 =	vld [tilespmem:s28+$0xA080]  }
0x180: {  	v7 =	vld [tilespmem:s3+$0xA100];
	[tilespmem:s28+$0x18080] =	vst v5;
	v3 =	vnsel vm0, $0x40000000, v3;
	vm0 =	veq.f32 v2, $0.0e+00  }
0x181: {  	v5 =	vld [tilespmem:s3+$0x6000];
	[tilespmem:s28+$0x18100] =	vst v3;
	v2 =	vnsel vm0, $0x40000000, v2;
	vm0 =	veq.f32 v1, $0.0e+00  }
0x182: {  	v3 =	vld [tilespmem:s3+$0x6080];
	[tilespmem:s28+$0x1A000] =	vst v2;
	v1 =	vnsel vm0, $0x40000000, v1;
	vm0 =	veq.f32 v0, $0.0e+00  }
0x183: {  	v2 =	vld [tilespmem:s3+$0x6100];
	[tilespmem:s28+$0x1A080] =	vst v1;
	v0 =	vnsel vm0, $0x40000000, v0;
	vm0 =	veq.f32 v4, $0.0e+00  }
0x184: {  	v1 =	vld [tilespmem:s3+$0x8000];
	[tilespmem:s28+$0x1A100] =	vst v0;
	v0 =	vnsel vm0, $0x40000000, v4;
	vm0 =	veq.f32 v6, $0.0e+00  }
0x185: {  	v4 =	vld [tilespmem:s3+$0x8080];
	vm1 =	veq.f32 v7, $0.0e+00;
	[tilespmem:s28+$0x1C000] =	vst v0;
	v0 =	vnsel vm0, $0x40000000, v6  }
0x186: {  	vm0 =	veq.f32 v5, $0.0e+00;
	v6 =	vld [tilespmem:s3+$0x8100];
	v7 =	vnsel vm1, $0x40000000, v7;
	[tilespmem:s28+$0x1C080] =	vst v0  }
0x187: {  	v0 =	vnsel vm0, $0x40000000, v5;
	vm0 =	veq.f32 v3, $0.0e+00;
	v5 =	vld [tilespmem:s3+$0xA000];
	[tilespmem:s3+$0x1C100] =	vst v7  }
0x188: {  	[tilespmem:s3+$0x18000] =	vst v0;
	v0 =	vnsel vm0, $0x40000000, v3;
	vm0 =	veq.f32 v2, $0.0e+00;
	v3 =	vld [tilespmem:s3+$0xA080]  }
0x189: {  	[tilespmem:s3+$0x18080] =	vst v0;
	v0 =	vnsel vm0, $0x40000000, v2;
	vm0 =	veq.f32 v1, $0.0e+00  }
0x18a: {  	[tilespmem:s3+$0x18100] =	vst v0;
	v0 =	vnsel vm0, $0x40000000, v1;
	vm0 =	veq.f32 v4, $0.0e+00  }
0x18b: {  	[tilespmem:s3+$0x1A000] =	vst v0;
	v0 =	vnsel vm0, $0x40000000, v4;
	vm0 =	veq.f32 v6, $0.0e+00  }
0x18c: {  	[tilespmem:s3+$0x1A080] =	vst v0;
	v0 =	vnsel vm0, $0x40000000, v6;
	vm0 =	veq.f32 v5, $0.0e+00  }
0x18d: {  	[tilespmem:s3+$0x1A100] =	vst v0;
	v0 =	vnsel vm0, $0x40000000, v5;
	vm0 =	veq.f32 v3, $0.0e+00  }
0x18e: {  	[tilespmem:s3+$0x1C000] =	vst v0;
	v0 =	vnsel vm0, $0x40000000, v3  }
0x18f: {  	[tilespmem:s3+$0x1C080] =	vst v0  }
0x190: {  	s3 =	rddreg [dreg:$0x10]  }
0x191: {  	[hbm4b:s3+s15] =	stream.strided.scatter [tilespmem:s22], [sflag:$0x5], $0x6000, s17, s15, $0x38;
	[tilespmem:$0x1E000] =	vst v63  }
0x192: {  	s7 =	rddreg [dreg:$0x11]  }
0x193: {  	[tilespmem:s16], [sflag:$0x2] =	stream.strided.gather [hbm4b:s7+s15], $0x6000, s17, s15, $0x38;
	[tilespmem:$0x1E000] =	vst v63  }
0x194: {  	_ =	swait.ge [sflag:s23], $0x6000  }
0x195: {  	[sflag:s23] =	ssyncset.done $0x0  }
0x196: {  	[sflag:s23] =	ssyncadd.s32 $0xFFFFA000  }
0x197: {  	s3 =	simm.s32 $0x0;
	_ =	swait.ge [sflag:s24], $0x6000  }
0x198: {  	s7 =	sand.u32 $0x70, s3;
	s3 =	sand.u32 $0x1E00, s3;
	[sflag:s24] =	ssyncset.done $0x0  }
0x199: {  	s28 =	sor.u32 s7, s3;
	[sflag:s24] =	ssyncadd.s32 $0xFFFFA000  }
0x19a: {  	v4 =	vld [tilespmem:s28+$0x10100]  }
0x19b: {  	v6 =	vld [tilespmem:s28+$0xC000]  }
0x19c: {  	v5 =	vld [tilespmem:s28+$0xC080]  }
0x19d: {  	v3 =	vld [tilespmem:s28+$0xC100]  }
0x19e: {  	v2 =	vld [tilespmem:s28+$0xE000]  }
0x19f: {  	v1 =	vld [tilespmem:s28+$0xE080];
	vm0 =	veq.f32 v4, $0.0e+00  }
0x1a0: {  	s29 =	simm.s32 $0x40;
	s7 =	simm.s32 $0x10;
	v0 =	vld [tilespmem:s28+$0xE100];
	vm1 =	veq.f32 v6, $0.0e+00;
	v7 =	vnsel vm0, $0x40000000, v4  }
0x1a1: {  	s30 =	simm.s32 $0x20;
	s3 =	sand.u32 $0x70, s7;
	s7 =	sand.u32 $0x1E00, s29;
	v4 =	vld [tilespmem:s28+$0x10000];
	v6 =	vnsel vm1, $0x40000000, v6;
	vm0 =	veq.f32 v5, $0.0e+00;
	[tilespmem:s28+$0x16100] =	vst v7  }
.LBB2_18:
0x1a2: {  	p0 =	sne.s32 s30, $0x7F0;
	s3 =	sor.u32 s3, s7;
	[tilespmem:s28+$0x12000] =	vst v6;
	v5 =	vnsel vm0, $0x40000000, v5;
	vm0 =	veq.f32 v3, $0.0e+00;
	v6 =	vld [tilespmem:s28+$0x10080]  }
0x1a3: {  	v7 =	vld [tilespmem:s3+$0x10100];
	[tilespmem:s28+$0x12080] =	vst v5;
	v3 =	vnsel vm0, $0x40000000, v3;
	vm0 =	veq.f32 v2, $0.0e+00  }
0x1a4: {  	v8 =	vld [tilespmem:s3+$0xC000];
	[tilespmem:s28+$0x12100] =	vst v3;
	v2 =	vnsel vm0, $0x40000000, v2;
	vm0 =	veq.f32 v1, $0.0e+00  }
0x1a5: {  	v5 =	vld [tilespmem:s3+$0xC080];
	[tilespmem:s28+$0x14000] =	vst v2;
	v1 =	vnsel vm0, $0x40000000, v1;
	vm0 =	veq.f32 v0, $0.0e+00  }
.Ltmp8:
0x1a6: {  	v3 =	vld [tilespmem:s3+$0xC100];
	[tilespmem:s28+$0x14080] =	vst v1;
	v0 =	vnsel vm0, $0x40000000, v0;
	vm0 =	veq.f32 v4, $0.0e+00;
	(pc) =	sbr.rel @p0 .LBB2_18-.Ltmp8, $4  }
0x1a7: {  	v2 =	vld [tilespmem:s3+$0xE000];
	[tilespmem:s28+$0x14100] =	vst v0;
	v0 =	vnsel vm0, $0x40000000, v4;
	vm0 =	veq.f32 v6, $0.0e+00  }
0x1a8: {  	v1 =	vld [tilespmem:s3+$0xE080];
	vm1 =	veq.f32 v7, $0.0e+00;
	[tilespmem:s28+$0x16000] =	vst v0;
	v4 =	vnsel vm0, $0x40000000, v6  }
0x1a9: {  	s29 =	sadd.s32 $0x40, s29;
	vm0 =	veq.f32 v8, $0.0e+00;
	v0 =	vld [tilespmem:s3+$0xE100];
	v7 =	vnsel vm1, $0x40000000, v7;
	[tilespmem:s28+$0x16080] =	vst v4;
	s28 =	smov.u32 s3  }
0x1aa: {  	s7 =	sand.u32 $0x1E00, s29;
	s3 =	sand.u32 $0x70, s30;
	s30 =	sadd.s32 $0x10, s30;
	v6 =	vnsel vm0, $0x40000000, v8;
	vm0 =	veq.f32 v5, $0.0e+00;
	v4 =	vld [tilespmem:s28+$0x10000];
	[tilespmem:s28+$0x16100] =	vst v7  }
0x1ab: {  	[tilespmem:s28+$0x12000] =	vst v6;
	s3 =	sor.u32 s3, s7;
	v5 =	vnsel vm0, $0x40000000, v5;
	vm0 =	veq.f32 v3, $0.0e+00;
	v6 =	vld [tilespmem:s28+$0x10080]  }
0x1ac: {  	v7 =	vld [tilespmem:s3+$0x10100];
	[tilespmem:s28+$0x12080] =	vst v5;
	v3 =	vnsel vm0, $0x40000000, v3;
	vm0 =	veq.f32 v2, $0.0e+00  }
0x1ad: {  	v5 =	vld [tilespmem:s3+$0xC000];
	[tilespmem:s28+$0x12100] =	vst v3;
	v2 =	vnsel vm0, $0x40000000, v2;
	vm0 =	veq.f32 v1, $0.0e+00  }
0x1ae: {  	v3 =	vld [tilespmem:s3+$0xC080];
	[tilespmem:s28+$0x14000] =	vst v2;
	v1 =	vnsel vm0, $0x40000000, v1;
	vm0 =	veq.f32 v0, $0.0e+00  }
0x1af: {  	v2 =	vld [tilespmem:s3+$0xC100];
	[tilespmem:s28+$0x14080] =	vst v1;
	v0 =	vnsel vm0, $0x40000000, v0;
	vm0 =	veq.f32 v4, $0.0e+00  }
0x1b0: {  	v1 =	vld [tilespmem:s3+$0xE000];
	[tilespmem:s28+$0x14100] =	vst v0;
	v0 =	vnsel vm0, $0x40000000, v4;
	vm0 =	veq.f32 v6, $0.0e+00  }
0x1b1: {  	v4 =	vld [tilespmem:s3+$0xE080];
	vm1 =	veq.f32 v7, $0.0e+00;
	[tilespmem:s28+$0x16000] =	vst v0;
	v0 =	vnsel vm0, $0x40000000, v6  }
0x1b2: {  	vm0 =	veq.f32 v5, $0.0e+00;
	v6 =	vld [tilespmem:s3+$0xE100];
	v7 =	vnsel vm1, $0x40000000, v7;
	[tilespmem:s28+$0x16080] =	vst v0  }
0x1b3: {  	v0 =	vnsel vm0, $0x40000000, v5;
	vm0 =	veq.f32 v3, $0.0e+00;
	v5 =	vld [tilespmem:s3+$0x10000];
	[tilespmem:s3+$0x16100] =	vst v7  }
0x1b4: {  	[tilespmem:s3+$0x12000] =	vst v0;
	v0 =	vnsel vm0, $0x40000000, v3;
	vm0 =	veq.f32 v2, $0.0e+00;
	v3 =	vld [tilespmem:s3+$0x10080]  }
0x1b5: {  	[tilespmem:s3+$0x12080] =	vst v0;
	v0 =	vnsel vm0, $0x40000000, v2;
	vm0 =	veq.f32 v1, $0.0e+00  }
0x1b6: {  	[tilespmem:s3+$0x12100] =	vst v0;
	v0 =	vnsel vm0, $0x40000000, v1;
	vm0 =	veq.f32 v4, $0.0e+00  }
0x1b7: {  	[tilespmem:s3+$0x14000] =	vst v0;
	v0 =	vnsel vm0, $0x40000000, v4;
	vm0 =	veq.f32 v6, $0.0e+00  }
0x1b8: {  	[tilespmem:s3+$0x14080] =	vst v0;
	v0 =	vnsel vm0, $0x40000000, v6;
	vm0 =	veq.f32 v5, $0.0e+00  }
0x1b9: {  	[tilespmem:s3+$0x14100] =	vst v0;
	v0 =	vnsel vm0, $0x40000000, v5;
	vm0 =	veq.f32 v3, $0.0e+00  }
0x1ba: {  	[tilespmem:s3+$0x16000] =	vst v0;
	v0 =	vnsel vm0, $0x40000000, v3  }
0x1bb: {  	[tilespmem:s3+$0x16080] =	vst v0  }
0x1bc: {  	s3 =	rddreg [dreg:$0x12]  }
0x1bd: {  	[hbm4b:s3+s15] =	stream.strided.scatter [tilespmem:s20], [sflag:$0x4], $0x6000, s17, s15, $0x38;
	[tilespmem:$0x1E000] =	vst v63  }
0x1be: {  	s7 =	rddreg [dreg:$0x15]  }
0x1bf: {  	[tilespmem:s18], [sflag:$0x3] =	stream.strided.gather [hbm4b:s7+s15], $0x6000, s17, s15, $0x38;
	[tilespmem:$0x1E000] =	vst v63  }
0x1c0: {  	_ =	swait.ge [sflag:s19], $0x6000  }
0x1c1: {  	[sflag:s19] =	ssyncset.done $0x0  }
0x1c2: {  	[sflag:s19] =	ssyncadd.s32 $0xFFFFA000  }
0x1c3: {  	s3 =	simm.s32 $0x0;
	_ =	swait.ge [sflag:s25], $0x6000  }
0x1c4: {  	s7 =	sand.u32 $0x70, s3;
	s3 =	sand.u32 $0x1E00, s3;
	[sflag:s25] =	ssyncset.done $0x0  }
0x1c5: {  	s28 =	sor.u32 s7, s3;
	[sflag:s25] =	ssyncadd.s32 $0xFFFFA000  }
0x1c6: {  	v4 =	vld [tilespmem:s28+$0x4100]  }
0x1c7: {  	v6 =	vld [tilespmem:s28+$0x0]  }
0x1c8: {  	v5 =	vld [tilespmem:s28+$0x80]  }
0x1c9: {  	v3 =	vld [tilespmem:s28+$0x100]  }
0x1ca: {  	v2 =	vld [tilespmem:s28+$0x2000]  }
0x1cb: {  	v1 =	vld [tilespmem:s28+$0x2080];
	vm0 =	veq.f32 v4, $0.0e+00  }
0x1cc: {  	s29 =	simm.s32 $0x40;
	s7 =	simm.s32 $0x10;
	v0 =	vld [tilespmem:s28+$0x2100];
	vm1 =	veq.f32 v6, $0.0e+00;
	v7 =	vnsel vm0, $0x40000000, v4  }
0x1cd: {  	s30 =	simm.s32 $0x20;
	s3 =	sand.u32 $0x70, s7;
	s7 =	sand.u32 $0x1E00, s29;
	v4 =	vld [tilespmem:s28+$0x4000];
	v6 =	vnsel vm1, $0x40000000, v6;
	vm0 =	veq.f32 v5, $0.0e+00;
	[tilespmem:s28+$0x1C100] =	vst v7  }
.LBB2_20:
0x1ce: {  	p0 =	sne.s32 s30, $0x7F0;
	s3 =	sor.u32 s3, s7;
	[tilespmem:s28+$0x18000] =	vst v6;
	v5 =	vnsel vm0, $0x40000000, v5;
	vm0 =	veq.f32 v3, $0.0e+00;
	v6 =	vld [tilespmem:s28+$0x4080]  }
0x1cf: {  	v7 =	vld [tilespmem:s3+$0x4100];
	[tilespmem:s28+$0x18080] =	vst v5;
	v3 =	vnsel vm0, $0x40000000, v3;
	vm0 =	veq.f32 v2, $0.0e+00  }
0x1d0: {  	v8 =	vld [tilespmem:s3+$0x0];
	[tilespmem:s28+$0x18100] =	vst v3;
	v2 =	vnsel vm0, $0x40000000, v2;
	vm0 =	veq.f32 v1, $0.0e+00  }
0x1d1: {  	v5 =	vld [tilespmem:s3+$0x80];
	[tilespmem:s28+$0x1A000] =	vst v2;
	v1 =	vnsel vm0, $0x40000000, v1;
	vm0 =	veq.f32 v0, $0.0e+00  }
.Ltmp9:
0x1d2: {  	v3 =	vld [tilespmem:s3+$0x100];
	[tilespmem:s28+$0x1A080] =	vst v1;
	v0 =	vnsel vm0, $0x40000000, v0;
	vm0 =	veq.f32 v4, $0.0e+00;
	(pc) =	sbr.rel @p0 .LBB2_20-.Ltmp9, $4  }
0x1d3: {  	v2 =	vld [tilespmem:s3+$0x2000];
	[tilespmem:s28+$0x1A100] =	vst v0;
	v0 =	vnsel vm0, $0x40000000, v4;
	vm0 =	veq.f32 v6, $0.0e+00  }
0x1d4: {  	v1 =	vld [tilespmem:s3+$0x2080];
	vm1 =	veq.f32 v7, $0.0e+00;
	[tilespmem:s28+$0x1C000] =	vst v0;
	v4 =	vnsel vm0, $0x40000000, v6  }
0x1d5: {  	s29 =	sadd.s32 $0x40, s29;
	vm0 =	veq.f32 v8, $0.0e+00;
	v0 =	vld [tilespmem:s3+$0x2100];
	v7 =	vnsel vm1, $0x40000000, v7;
	[tilespmem:s28+$0x1C080] =	vst v4;
	s28 =	smov.u32 s3  }
0x1d6: {  	s7 =	sand.u32 $0x1E00, s29;
	s3 =	sand.u32 $0x70, s30;
	s30 =	sadd.s32 $0x10, s30;
	v6 =	vnsel vm0, $0x40000000, v8;
	vm0 =	veq.f32 v5, $0.0e+00;
	v4 =	vld [tilespmem:s28+$0x4000];
	[tilespmem:s28+$0x1C100] =	vst v7  }
0x1d7: {  	[tilespmem:s28+$0x18000] =	vst v6;
	s3 =	sor.u32 s3, s7;
	v5 =	vnsel vm0, $0x40000000, v5;
	vm0 =	veq.f32 v3, $0.0e+00;
	v6 =	vld [tilespmem:s28+$0x4080]  }
0x1d8: {  	v7 =	vld [tilespmem:s3+$0x4100];
	[tilespmem:s28+$0x18080] =	vst v5;
	v3 =	vnsel vm0, $0x40000000, v3;
	vm0 =	veq.f32 v2, $0.0e+00  }
0x1d9: {  	v5 =	vld [tilespmem:s3+$0x0];
	[tilespmem:s28+$0x18100] =	vst v3;
	v2 =	vnsel vm0, $0x40000000, v2;
	vm0 =	veq.f32 v1, $0.0e+00  }
0x1da: {  	v3 =	vld [tilespmem:s3+$0x80];
	[tilespmem:s28+$0x1A000] =	vst v2;
	v1 =	vnsel vm0, $0x40000000, v1;
	vm0 =	veq.f32 v0, $0.0e+00  }
0x1db: {  	v2 =	vld [tilespmem:s3+$0x100];
	[tilespmem:s28+$0x1A080] =	vst v1;
	v0 =	vnsel vm0, $0x40000000, v0;
	vm0 =	veq.f32 v4, $0.0e+00  }
0x1dc: {  	v1 =	vld [tilespmem:s3+$0x2000];
	[tilespmem:s28+$0x1A100] =	vst v0;
	v0 =	vnsel vm0, $0x40000000, v4;
	vm0 =	veq.f32 v6, $0.0e+00  }
0x1dd: {  	v4 =	vld [tilespmem:s3+$0x2080];
	vm1 =	veq.f32 v7, $0.0e+00;
	[tilespmem:s28+$0x1C000] =	vst v0;
	v0 =	vnsel vm0, $0x40000000, v6  }
0x1de: {  	vm0 =	veq.f32 v5, $0.0e+00;
	v6 =	vld [tilespmem:s3+$0x2100];
	v7 =	vnsel vm1, $0x40000000, v7;
	[tilespmem:s28+$0x1C080] =	vst v0  }
0x1df: {  	v0 =	vnsel vm0, $0x40000000, v5;
	vm0 =	veq.f32 v3, $0.0e+00;
	v5 =	vld [tilespmem:s3+$0x4000];
	[tilespmem:s3+$0x1C100] =	vst v7  }
0x1e0: {  	[tilespmem:s3+$0x18000] =	vst v0;
	v0 =	vnsel vm0, $0x40000000, v3;
	vm0 =	veq.f32 v2, $0.0e+00;
	v3 =	vld [tilespmem:s3+$0x4080]  }
0x1e1: {  	[tilespmem:s3+$0x18080] =	vst v0;
	v0 =	vnsel vm0, $0x40000000, v2;
	vm0 =	veq.f32 v1, $0.0e+00  }
0x1e2: {  	[tilespmem:s3+$0x18100] =	vst v0;
	v0 =	vnsel vm0, $0x40000000, v1;
	vm0 =	veq.f32 v4, $0.0e+00  }
0x1e3: {  	[tilespmem:s3+$0x1A000] =	vst v0;
	v0 =	vnsel vm0, $0x40000000, v4;
	vm0 =	veq.f32 v6, $0.0e+00  }
0x1e4: {  	[tilespmem:s3+$0x1A080] =	vst v0;
	v0 =	vnsel vm0, $0x40000000, v6;
	vm0 =	veq.f32 v5, $0.0e+00  }
0x1e5: {  	[tilespmem:s3+$0x1A100] =	vst v0;
	v0 =	vnsel vm0, $0x40000000, v5;
	vm0 =	veq.f32 v3, $0.0e+00  }
0x1e6: {  	[tilespmem:s3+$0x1C000] =	vst v0;
	v0 =	vnsel vm0, $0x40000000, v3  }
0x1e7: {  	[tilespmem:s3+$0x1C080] =	vst v0  }
0x1e8: {  	s3 =	rddreg [dreg:$0x13]  }
0x1e9: {  	[hbm4b:s3+s15] =	stream.strided.scatter [tilespmem:s22], [sflag:$0x5], $0x6000, s17, s15, $0x38;
	[tilespmem:$0x1E000] =	vst v63  }
0x1ea: {  	s7 =	rddreg [dreg:$0x17];
	s3 =	simm.s32 $0x0  }
0x1eb: {  	[tilespmem:s3], [sflag:$0x1] =	stream.strided.gather [hbm4b:s7+s15], $0x6000, s17, s15, $0x38;
	[tilespmem:$0x1E000] =	vst v63  }
0x1ec: {  	_ =	swait.ge [sflag:s21], $0x6000  }
0x1ed: {  	[sflag:s21] =	ssyncset.done $0x0  }
0x1ee: {  	[sflag:s21] =	ssyncadd.s32 $0xFFFFA000  }
0x1ef: {  	_ =	swait.ge [sflag:s24], $0x6000  }
0x1f0: {  	s7 =	sand.u32 $0x70, s3;
	s3 =	sand.u32 $0x1E00, s3;
	[sflag:s24] =	ssyncset.done $0x0  }
0x1f1: {  	s28 =	sor.u32 s7, s3;
	[sflag:s24] =	ssyncadd.s32 $0xFFFFA000  }
0x1f2: {  	v4 =	vld [tilespmem:s28+$0xA100]  }
0x1f3: {  	v6 =	vld [tilespmem:s28+$0x6000]  }
0x1f4: {  	v5 =	vld [tilespmem:s28+$0x6080]  }
0x1f5: {  	v3 =	vld [tilespmem:s28+$0x6100]  }
0x1f6: {  	v2 =	vld [tilespmem:s28+$0x8000]  }
0x1f7: {  	v1 =	vld [tilespmem:s28+$0x8080];
	vm0 =	veq.f32 v4, $0.0e+00  }
0x1f8: {  	s29 =	simm.s32 $0x40;
	s7 =	simm.s32 $0x10;
	v0 =	vld [tilespmem:s28+$0x8100];
	vm1 =	veq.f32 v6, $0.0e+00;
	v7 =	vnsel vm0, $0x40000000, v4  }
0x1f9: {  	s30 =	simm.s32 $0x20;
	s3 =	sand.u32 $0x70, s7;
	s7 =	sand.u32 $0x1E00, s29;
	v4 =	vld [tilespmem:s28+$0xA000];
	v6 =	vnsel vm1, $0x40000000, v6;
	vm0 =	veq.f32 v5, $0.0e+00;
	[tilespmem:s28+$0x16100] =	vst v7  }
.LBB2_22:
0x1fa: {  	p0 =	sne.s32 s30, $0x7F0;
	s3 =	sor.u32 s3, s7;
	[tilespmem:s28+$0x12000] =	vst v6;
	v5 =	vnsel vm0, $0x40000000, v5;
	vm0 =	veq.f32 v3, $0.0e+00;
	v6 =	vld [tilespmem:s28+$0xA080]  }
0x1fb: {  	v7 =	vld [tilespmem:s3+$0xA100];
	[tilespmem:s28+$0x12080] =	vst v5;
	v3 =	vnsel vm0, $0x40000000, v3;
	vm0 =	veq.f32 v2, $0.0e+00  }
0x1fc: {  	v8 =	vld [tilespmem:s3+$0x6000];
	[tilespmem:s28+$0x12100] =	vst v3;
	v2 =	vnsel vm0, $0x40000000, v2;
	vm0 =	veq.f32 v1, $0.0e+00  }
0x1fd: {  	v5 =	vld [tilespmem:s3+$0x6080];
	[tilespmem:s28+$0x14000] =	vst v2;
	v1 =	vnsel vm0, $0x40000000, v1;
	vm0 =	veq.f32 v0, $0.0e+00  }
.Ltmp10:
0x1fe: {  	v3 =	vld [tilespmem:s3+$0x6100];
	[tilespmem:s28+$0x14080] =	vst v1;
	v0 =	vnsel vm0, $0x40000000, v0;
	vm0 =	veq.f32 v4, $0.0e+00;
	(pc) =	sbr.rel @p0 .LBB2_22-.Ltmp10, $4  }
0x1ff: {  	v2 =	vld [tilespmem:s3+$0x8000];
	[tilespmem:s28+$0x14100] =	vst v0;
	v0 =	vnsel vm0, $0x40000000, v4;
	vm0 =	veq.f32 v6, $0.0e+00  }
0x200: {  	v1 =	vld [tilespmem:s3+$0x8080];
	vm1 =	veq.f32 v7, $0.0e+00;
	[tilespmem:s28+$0x16000] =	vst v0;
	v4 =	vnsel vm0, $0x40000000, v6  }
0x201: {  	s29 =	sadd.s32 $0x40, s29;
	vm0 =	veq.f32 v8, $0.0e+00;
	v0 =	vld [tilespmem:s3+$0x8100];
	v7 =	vnsel vm1, $0x40000000, v7;
	[tilespmem:s28+$0x16080] =	vst v4;
	s28 =	smov.u32 s3  }
0x202: {  	s7 =	sand.u32 $0x1E00, s29;
	s3 =	sand.u32 $0x70, s30;
	s30 =	sadd.s32 $0x10, s30;
	v6 =	vnsel vm0, $0x40000000, v8;
	vm0 =	veq.f32 v5, $0.0e+00;
	v4 =	vld [tilespmem:s28+$0xA000];
	[tilespmem:s28+$0x16100] =	vst v7  }
0x203: {  	[tilespmem:s28+$0x12000] =	vst v6;
	s3 =	sor.u32 s3, s7;
	v5 =	vnsel vm0, $0x40000000, v5;
	vm0 =	veq.f32 v3, $0.0e+00;
	v6 =	vld [tilespmem:s28+$0xA080]  }
0x204: {  	v7 =	vld [tilespmem:s3+$0xA100];
	[tilespmem:s28+$0x12080] =	vst v5;
	v3 =	vnsel vm0, $0x40000000, v3;
	vm0 =	veq.f32 v2, $0.0e+00  }
0x205: {  	v5 =	vld [tilespmem:s3+$0x6000];
	[tilespmem:s28+$0x12100] =	vst v3;
	v2 =	vnsel vm0, $0x40000000, v2;
	vm0 =	veq.f32 v1, $0.0e+00  }
0x206: {  	v3 =	vld [tilespmem:s3+$0x6080];
	[tilespmem:s28+$0x14000] =	vst v2;
	v1 =	vnsel vm0, $0x40000000, v1;
	vm0 =	veq.f32 v0, $0.0e+00  }
0x207: {  	v2 =	vld [tilespmem:s3+$0x6100];
	[tilespmem:s28+$0x14080] =	vst v1;
	v0 =	vnsel vm0, $0x40000000, v0;
	vm0 =	veq.f32 v4, $0.0e+00  }
0x208: {  	v1 =	vld [tilespmem:s3+$0x8000];
	[tilespmem:s28+$0x14100] =	vst v0;
	v0 =	vnsel vm0, $0x40000000, v4;
	vm0 =	veq.f32 v6, $0.0e+00  }
0x209: {  	v4 =	vld [tilespmem:s3+$0x8080];
	vm1 =	veq.f32 v7, $0.0e+00;
	[tilespmem:s28+$0x16000] =	vst v0;
	v0 =	vnsel vm0, $0x40000000, v6  }
0x20a: {  	vm0 =	veq.f32 v5, $0.0e+00;
	v6 =	vld [tilespmem:s3+$0x8100];
	v7 =	vnsel vm1, $0x40000000, v7;
	[tilespmem:s28+$0x16080] =	vst v0  }
0x20b: {  	v0 =	vnsel vm0, $0x40000000, v5;
	vm0 =	veq.f32 v3, $0.0e+00;
	v5 =	vld [tilespmem:s3+$0xA000];
	[tilespmem:s3+$0x16100] =	vst v7  }
0x20c: {  	[tilespmem:s3+$0x12000] =	vst v0;
	v0 =	vnsel vm0, $0x40000000, v3;
	vm0 =	veq.f32 v2, $0.0e+00;
	v3 =	vld [tilespmem:s3+$0xA080]  }
0x20d: {  	[tilespmem:s3+$0x12080] =	vst v0;
	v0 =	vnsel vm0, $0x40000000, v2;
	vm0 =	veq.f32 v1, $0.0e+00  }
0x20e: {  	[tilespmem:s3+$0x12100] =	vst v0;
	v0 =	vnsel vm0, $0x40000000, v1;
	vm0 =	veq.f32 v4, $0.0e+00  }
0x20f: {  	[tilespmem:s3+$0x14000] =	vst v0;
	v0 =	vnsel vm0, $0x40000000, v4;
	vm0 =	veq.f32 v6, $0.0e+00  }
0x210: {  	[tilespmem:s3+$0x14080] =	vst v0;
	v0 =	vnsel vm0, $0x40000000, v6;
	vm0 =	veq.f32 v5, $0.0e+00  }
0x211: {  	[tilespmem:s3+$0x14100] =	vst v0;
	v0 =	vnsel vm0, $0x40000000, v5;
	vm0 =	veq.f32 v3, $0.0e+00  }
0x212: {  	[tilespmem:s3+$0x16000] =	vst v0;
	v0 =	vnsel vm0, $0x40000000, v3  }
0x213: {  	[tilespmem:s3+$0x16080] =	vst v0  }
0x214: {  	s3 =	rddreg [dreg:$0x14]  }
0x215: {  	[hbm4b:s3+s15] =	stream.strided.scatter [tilespmem:s20], [sflag:$0x4], $0x6000, s17, s15, $0x38;
	[tilespmem:$0x1E000] =	vst v63  }
0x216: {  	s7 =	rddreg [dreg:$0x19]  }
0x217: {  	[tilespmem:s16], [sflag:$0x2] =	stream.strided.gather [hbm4b:s7+s15], $0x6000, s17, s15, $0x38;
	[tilespmem:$0x1E000] =	vst v63  }
0x218: {  	_ =	swait.ge [sflag:s23], $0x6000  }
0x219: {  	[sflag:s23] =	ssyncset.done $0x0  }
0x21a: {  	[sflag:s23] =	ssyncadd.s32 $0xFFFFA000  }
0x21b: {  	s3 =	simm.s32 $0x0;
	_ =	swait.ge [sflag:s25], $0x6000  }
0x21c: {  	s7 =	sand.u32 $0x70, s3;
	s3 =	sand.u32 $0x1E00, s3;
	[sflag:s25] =	ssyncset.done $0x0  }
0x21d: {  	s28 =	sor.u32 s7, s3;
	[sflag:s25] =	ssyncadd.s32 $0xFFFFA000  }
0x21e: {  	v4 =	vld [tilespmem:s28+$0x10100]  }
0x21f: {  	v6 =	vld [tilespmem:s28+$0xC000]  }
0x220: {  	v5 =	vld [tilespmem:s28+$0xC080]  }
0x221: {  	v3 =	vld [tilespmem:s28+$0xC100]  }
0x222: {  	v2 =	vld [tilespmem:s28+$0xE000]  }
0x223: {  	v1 =	vld [tilespmem:s28+$0xE080];
	vm0 =	veq.f32 v4, $0.0e+00  }
0x224: {  	s29 =	simm.s32 $0x40;
	s7 =	simm.s32 $0x10;
	v0 =	vld [tilespmem:s28+$0xE100];
	vm1 =	veq.f32 v6, $0.0e+00;
	v7 =	vnsel vm0, $0x40000000, v4  }
0x225: {  	s30 =	simm.s32 $0x20;
	s3 =	sand.u32 $0x70, s7;
	s7 =	sand.u32 $0x1E00, s29;
	v4 =	vld [tilespmem:s28+$0x10000];
	v6 =	vnsel vm1, $0x40000000, v6;
	vm0 =	veq.f32 v5, $0.0e+00;
	[tilespmem:s28+$0x1C100] =	vst v7  }
.LBB2_24:
0x226: {  	p0 =	sne.s32 s30, $0x7F0;
	s3 =	sor.u32 s3, s7;
	[tilespmem:s28+$0x18000] =	vst v6;
	v5 =	vnsel vm0, $0x40000000, v5;
	vm0 =	veq.f32 v3, $0.0e+00;
	v6 =	vld [tilespmem:s28+$0x10080]  }
0x227: {  	v7 =	vld [tilespmem:s3+$0x10100];
	[tilespmem:s28+$0x18080] =	vst v5;
	v3 =	vnsel vm0, $0x40000000, v3;
	vm0 =	veq.f32 v2, $0.0e+00  }
0x228: {  	v8 =	vld [tilespmem:s3+$0xC000];
	[tilespmem:s28+$0x18100] =	vst v3;
	v2 =	vnsel vm0, $0x40000000, v2;
	vm0 =	veq.f32 v1, $0.0e+00  }
0x229: {  	v5 =	vld [tilespmem:s3+$0xC080];
	[tilespmem:s28+$0x1A000] =	vst v2;
	v1 =	vnsel vm0, $0x40000000, v1;
	vm0 =	veq.f32 v0, $0.0e+00  }
.Ltmp11:
0x22a: {  	v3 =	vld [tilespmem:s3+$0xC100];
	[tilespmem:s28+$0x1A080] =	vst v1;
	v0 =	vnsel vm0, $0x40000000, v0;
	vm0 =	veq.f32 v4, $0.0e+00;
	(pc) =	sbr.rel @p0 .LBB2_24-.Ltmp11, $4  }
0x22b: {  	v2 =	vld [tilespmem:s3+$0xE000];
	[tilespmem:s28+$0x1A100] =	vst v0;
	v0 =	vnsel vm0, $0x40000000, v4;
	vm0 =	veq.f32 v6, $0.0e+00  }
0x22c: {  	v1 =	vld [tilespmem:s3+$0xE080];
	vm1 =	veq.f32 v7, $0.0e+00;
	[tilespmem:s28+$0x1C000] =	vst v0;
	v4 =	vnsel vm0, $0x40000000, v6  }
0x22d: {  	s29 =	sadd.s32 $0x40, s29;
	vm0 =	veq.f32 v8, $0.0e+00;
	v0 =	vld [tilespmem:s3+$0xE100];
	v7 =	vnsel vm1, $0x40000000, v7;
	[tilespmem:s28+$0x1C080] =	vst v4;
	s28 =	smov.u32 s3  }
0x22e: {  	s7 =	sand.u32 $0x1E00, s29;
	s3 =	sand.u32 $0x70, s30;
	s30 =	sadd.s32 $0x10, s30;
	v6 =	vnsel vm0, $0x40000000, v8;
	vm0 =	veq.f32 v5, $0.0e+00;
	v4 =	vld [tilespmem:s28+$0x10000];
	[tilespmem:s28+$0x1C100] =	vst v7  }
0x22f: {  	[tilespmem:s28+$0x18000] =	vst v6;
	s3 =	sor.u32 s3, s7;
	v5 =	vnsel vm0, $0x40000000, v5;
	vm0 =	veq.f32 v3, $0.0e+00;
	v6 =	vld [tilespmem:s28+$0x10080]  }
0x230: {  	v7 =	vld [tilespmem:s3+$0x10100];
	[tilespmem:s28+$0x18080] =	vst v5;
	v3 =	vnsel vm0, $0x40000000, v3;
	vm0 =	veq.f32 v2, $0.0e+00  }
0x231: {  	v5 =	vld [tilespmem:s3+$0xC000];
	[tilespmem:s28+$0x18100] =	vst v3;
	v2 =	vnsel vm0, $0x40000000, v2;
	vm0 =	veq.f32 v1, $0.0e+00  }
0x232: {  	v3 =	vld [tilespmem:s3+$0xC080];
	[tilespmem:s28+$0x1A000] =	vst v2;
	v1 =	vnsel vm0, $0x40000000, v1;
	vm0 =	veq.f32 v0, $0.0e+00  }
0x233: {  	v2 =	vld [tilespmem:s3+$0xC100];
	[tilespmem:s28+$0x1A080] =	vst v1;
	v0 =	vnsel vm0, $0x40000000, v0;
	vm0 =	veq.f32 v4, $0.0e+00  }
0x234: {  	v1 =	vld [tilespmem:s3+$0xE000];
	[tilespmem:s28+$0x1A100] =	vst v0;
	v0 =	vnsel vm0, $0x40000000, v4;
	vm0 =	veq.f32 v6, $0.0e+00  }
0x235: {  	v4 =	vld [tilespmem:s3+$0xE080];
	vm1 =	veq.f32 v7, $0.0e+00;
	[tilespmem:s28+$0x1C000] =	vst v0;
	v0 =	vnsel vm0, $0x40000000, v6  }
0x236: {  	vm0 =	veq.f32 v5, $0.0e+00;
	v6 =	vld [tilespmem:s3+$0xE100];
	v7 =	vnsel vm1, $0x40000000, v7;
	[tilespmem:s28+$0x1C080] =	vst v0  }
0x237: {  	v0 =	vnsel vm0, $0x40000000, v5;
	vm0 =	veq.f32 v3, $0.0e+00;
	v5 =	vld [tilespmem:s3+$0x10000];
	[tilespmem:s3+$0x1C100] =	vst v7  }
0x238: {  	[tilespmem:s3+$0x18000] =	vst v0;
	v0 =	vnsel vm0, $0x40000000, v3;
	vm0 =	veq.f32 v2, $0.0e+00;
	v3 =	vld [tilespmem:s3+$0x10080]  }
0x239: {  	[tilespmem:s3+$0x18080] =	vst v0;
	v0 =	vnsel vm0, $0x40000000, v2;
	vm0 =	veq.f32 v1, $0.0e+00  }
0x23a: {  	[tilespmem:s3+$0x18100] =	vst v0;
	v0 =	vnsel vm0, $0x40000000, v1;
	vm0 =	veq.f32 v4, $0.0e+00  }
0x23b: {  	[tilespmem:s3+$0x1A000] =	vst v0;
	v0 =	vnsel vm0, $0x40000000, v4;
	vm0 =	veq.f32 v6, $0.0e+00  }
0x23c: {  	[tilespmem:s3+$0x1A080] =	vst v0;
	v0 =	vnsel vm0, $0x40000000, v6;
	vm0 =	veq.f32 v5, $0.0e+00  }
0x23d: {  	[tilespmem:s3+$0x1A100] =	vst v0;
	v0 =	vnsel vm0, $0x40000000, v5;
	vm0 =	veq.f32 v3, $0.0e+00  }
0x23e: {  	[tilespmem:s3+$0x1C000] =	vst v0;
	v0 =	vnsel vm0, $0x40000000, v3  }
0x23f: {  	[tilespmem:s3+$0x1C080] =	vst v0  }
0x240: {  	s3 =	rddreg [dreg:$0x16]  }
0x241: {  	[hbm4b:s3+s15] =	stream.strided.scatter [tilespmem:s22], [sflag:$0x5], $0x6000, s17, s15, $0x38;
	[tilespmem:$0x1E000] =	vst v63  }
0x242: {  	s7 =	rddreg [dreg:$0x1b]  }
0x243: {  	[tilespmem:s18], [sflag:$0x3] =	stream.strided.gather [hbm4b:s7+s15], $0x6000, s17, s15, $0x38;
	[tilespmem:$0x1E000] =	vst v63  }
0x244: {  	_ =	swait.ge [sflag:s19], $0x6000  }
0x245: {  	[sflag:s19] =	ssyncset.done $0x0  }
0x246: {  	[sflag:s19] =	ssyncadd.s32 $0xFFFFA000  }
0x247: {  	s3 =	simm.s32 $0x0;
	_ =	swait.ge [sflag:s24], $0x6000  }
0x248: {  	s7 =	sand.u32 $0x70, s3;
	s3 =	sand.u32 $0x1E00, s3;
	[sflag:s24] =	ssyncset.done $0x0  }
0x249: {  	s28 =	sor.u32 s7, s3;
	[sflag:s24] =	ssyncadd.s32 $0xFFFFA000  }
0x24a: {  	v4 =	vld [tilespmem:s28+$0x4100]  }
0x24b: {  	v6 =	vld [tilespmem:s28+$0x0]  }
0x24c: {  	v5 =	vld [tilespmem:s28+$0x80]  }
0x24d: {  	v3 =	vld [tilespmem:s28+$0x100]  }
0x24e: {  	v2 =	vld [tilespmem:s28+$0x2000]  }
0x24f: {  	v1 =	vld [tilespmem:s28+$0x2080];
	vm0 =	veq.f32 v4, $0.0e+00  }
0x250: {  	s29 =	simm.s32 $0x40;
	s7 =	simm.s32 $0x10;
	v0 =	vld [tilespmem:s28+$0x2100];
	vm1 =	veq.f32 v6, $0.0e+00;
	v7 =	vnsel vm0, $0x40000000, v4  }
0x251: {  	s30 =	simm.s32 $0x20;
	s3 =	sand.u32 $0x70, s7;
	s7 =	sand.u32 $0x1E00, s29;
	v4 =	vld [tilespmem:s28+$0x4000];
	v6 =	vnsel vm1, $0x40000000, v6;
	vm0 =	veq.f32 v5, $0.0e+00;
	[tilespmem:s28+$0x16100] =	vst v7  }
.LBB2_26:
0x252: {  	p0 =	sne.s32 s30, $0x7F0;
	s3 =	sor.u32 s3, s7;
	[tilespmem:s28+$0x12000] =	vst v6;
	v5 =	vnsel vm0, $0x40000000, v5;
	vm0 =	veq.f32 v3, $0.0e+00;
	v6 =	vld [tilespmem:s28+$0x4080]  }
0x253: {  	v7 =	vld [tilespmem:s3+$0x4100];
	[tilespmem:s28+$0x12080] =	vst v5;
	v3 =	vnsel vm0, $0x40000000, v3;
	vm0 =	veq.f32 v2, $0.0e+00  }
0x254: {  	v8 =	vld [tilespmem:s3+$0x0];
	[tilespmem:s28+$0x12100] =	vst v3;
	v2 =	vnsel vm0, $0x40000000, v2;
	vm0 =	veq.f32 v1, $0.0e+00  }
0x255: {  	v5 =	vld [tilespmem:s3+$0x80];
	[tilespmem:s28+$0x14000] =	vst v2;
	v1 =	vnsel vm0, $0x40000000, v1;
	vm0 =	veq.f32 v0, $0.0e+00  }
.Ltmp12:
0x256: {  	v3 =	vld [tilespmem:s3+$0x100];
	[tilespmem:s28+$0x14080] =	vst v1;
	v0 =	vnsel vm0, $0x40000000, v0;
	vm0 =	veq.f32 v4, $0.0e+00;
	(pc) =	sbr.rel @p0 .LBB2_26-.Ltmp12, $4  }
0x257: {  	v2 =	vld [tilespmem:s3+$0x2000];
	[tilespmem:s28+$0x14100] =	vst v0;
	v0 =	vnsel vm0, $0x40000000, v4;
	vm0 =	veq.f32 v6, $0.0e+00  }
0x258: {  	v1 =	vld [tilespmem:s3+$0x2080];
	vm1 =	veq.f32 v7, $0.0e+00;
	[tilespmem:s28+$0x16000] =	vst v0;
	v4 =	vnsel vm0, $0x40000000, v6  }
0x259: {  	s29 =	sadd.s32 $0x40, s29;
	vm0 =	veq.f32 v8, $0.0e+00;
	v0 =	vld [tilespmem:s3+$0x2100];
	v7 =	vnsel vm1, $0x40000000, v7;
	[tilespmem:s28+$0x16080] =	vst v4;
	s28 =	smov.u32 s3  }
0x25a: {  	s7 =	sand.u32 $0x1E00, s29;
	s3 =	sand.u32 $0x70, s30;
	s30 =	sadd.s32 $0x10, s30;
	v6 =	vnsel vm0, $0x40000000, v8;
	vm0 =	veq.f32 v5, $0.0e+00;
	v4 =	vld [tilespmem:s28+$0x4000];
	[tilespmem:s28+$0x16100] =	vst v7  }
0x25b: {  	[tilespmem:s28+$0x12000] =	vst v6;
	s3 =	sor.u32 s3, s7;
	v5 =	vnsel vm0, $0x40000000, v5;
	vm0 =	veq.f32 v3, $0.0e+00;
	v6 =	vld [tilespmem:s28+$0x4080]  }
0x25c: {  	v7 =	vld [tilespmem:s3+$0x4100];
	[tilespmem:s28+$0x12080] =	vst v5;
	v3 =	vnsel vm0, $0x40000000, v3;
	vm0 =	veq.f32 v2, $0.0e+00  }
0x25d: {  	v5 =	vld [tilespmem:s3+$0x0];
	[tilespmem:s28+$0x12100] =	vst v3;
	v2 =	vnsel vm0, $0x40000000, v2;
	vm0 =	veq.f32 v1, $0.0e+00  }
0x25e: {  	v3 =	vld [tilespmem:s3+$0x80];
	[tilespmem:s28+$0x14000] =	vst v2;
	v1 =	vnsel vm0, $0x40000000, v1;
	vm0 =	veq.f32 v0, $0.0e+00  }
0x25f: {  	v2 =	vld [tilespmem:s3+$0x100];
	[tilespmem:s28+$0x14080] =	vst v1;
	v0 =	vnsel vm0, $0x40000000, v0;
	vm0 =	veq.f32 v4, $0.0e+00  }
0x260: {  	v1 =	vld [tilespmem:s3+$0x2000];
	[tilespmem:s28+$0x14100] =	vst v0;
	v0 =	vnsel vm0, $0x40000000, v4;
	vm0 =	veq.f32 v6, $0.0e+00  }
0x261: {  	v4 =	vld [tilespmem:s3+$0x2080];
	vm1 =	veq.f32 v7, $0.0e+00;
	[tilespmem:s28+$0x16000] =	vst v0;
	v0 =	vnsel vm0, $0x40000000, v6  }
0x262: {  	vm0 =	veq.f32 v5, $0.0e+00;
	v6 =	vld [tilespmem:s3+$0x2100];
	v7 =	vnsel vm1, $0x40000000, v7;
	[tilespmem:s28+$0x16080] =	vst v0  }
0x263: {  	v0 =	vnsel vm0, $0x40000000, v5;
	vm0 =	veq.f32 v3, $0.0e+00;
	v5 =	vld [tilespmem:s3+$0x4000];
	[tilespmem:s3+$0x16100] =	vst v7  }
0x264: {  	[tilespmem:s3+$0x12000] =	vst v0;
	v0 =	vnsel vm0, $0x40000000, v3;
	vm0 =	veq.f32 v2, $0.0e+00;
	v3 =	vld [tilespmem:s3+$0x4080]  }
0x265: {  	[tilespmem:s3+$0x12080] =	vst v0;
	v0 =	vnsel vm0, $0x40000000, v2;
	vm0 =	veq.f32 v1, $0.0e+00  }
0x266: {  	[tilespmem:s3+$0x12100] =	vst v0;
	v0 =	vnsel vm0, $0x40000000, v1;
	vm0 =	veq.f32 v4, $0.0e+00  }
0x267: {  	[tilespmem:s3+$0x14000] =	vst v0;
	v0 =	vnsel vm0, $0x40000000, v4;
	vm0 =	veq.f32 v6, $0.0e+00  }
0x268: {  	[tilespmem:s3+$0x14080] =	vst v0;
	v0 =	vnsel vm0, $0x40000000, v6;
	vm0 =	veq.f32 v5, $0.0e+00  }
0x269: {  	[tilespmem:s3+$0x14100] =	vst v0;
	v0 =	vnsel vm0, $0x40000000, v5;
	vm0 =	veq.f32 v3, $0.0e+00  }
0x26a: {  	[tilespmem:s3+$0x16000] =	vst v0;
	v0 =	vnsel vm0, $0x40000000, v3  }
0x26b: {  	[tilespmem:s3+$0x16080] =	vst v0  }
0x26c: {  	s3 =	rddreg [dreg:$0x18]  }
0x26d: {  	[hbm4b:s3+s15] =	stream.strided.scatter [tilespmem:s20], [sflag:$0x4], $0x6000, s17, s15, $0x38;
	[tilespmem:$0x1E000] =	vst v63  }
0x26e: {  	s7 =	rddreg [dreg:$0x1d];
	s3 =	simm.s32 $0x0  }
0x26f: {  	[tilespmem:s3], [sflag:$0x1] =	stream.strided.gather [hbm4b:s7+s15], $0x6000, s17, s15, $0x38;
	[tilespmem:$0x1E000] =	vst v63  }
0x270: {  	_ =	swait.ge [sflag:s21], $0x6000  }
0x271: {  	[sflag:s21] =	ssyncset.done $0x0  }
0x272: {  	[sflag:s21] =	ssyncadd.s32 $0xFFFFA000  }
0x273: {  	_ =	swait.ge [sflag:s25], $0x6000  }
0x274: {  	s7 =	sand.u32 $0x70, s3;
	s3 =	sand.u32 $0x1E00, s3;
	[sflag:s25] =	ssyncset.done $0x0  }
0x275: {  	s28 =	sor.u32 s7, s3;
	[sflag:s25] =	ssyncadd.s32 $0xFFFFA000  }
0x276: {  	v4 =	vld [tilespmem:s28+$0xA100]  }
0x277: {  	v6 =	vld [tilespmem:s28+$0x6000]  }
0x278: {  	v5 =	vld [tilespmem:s28+$0x6080]  }
0x279: {  	v3 =	vld [tilespmem:s28+$0x6100]  }
0x27a: {  	v2 =	vld [tilespmem:s28+$0x8000]  }
0x27b: {  	v1 =	vld [tilespmem:s28+$0x8080];
	vm0 =	veq.f32 v4, $0.0e+00  }
0x27c: {  	s29 =	simm.s32 $0x40;
	s7 =	simm.s32 $0x10;
	v0 =	vld [tilespmem:s28+$0x8100];
	vm1 =	veq.f32 v6, $0.0e+00;
	v7 =	vnsel vm0, $0x40000000, v4  }
0x27d: {  	s30 =	simm.s32 $0x20;
	s3 =	sand.u32 $0x70, s7;
	s7 =	sand.u32 $0x1E00, s29;
	v4 =	vld [tilespmem:s28+$0xA000];
	v6 =	vnsel vm1, $0x40000000, v6;
	vm0 =	veq.f32 v5, $0.0e+00;
	[tilespmem:s28+$0x1C100] =	vst v7  }
.LBB2_28:
0x27e: {  	p0 =	sne.s32 s30, $0x7F0;
	s3 =	sor.u32 s3, s7;
	[tilespmem:s28+$0x18000] =	vst v6;
	v5 =	vnsel vm0, $0x40000000, v5;
	vm0 =	veq.f32 v3, $0.0e+00;
	v6 =	vld [tilespmem:s28+$0xA080]  }
0x27f: {  	v7 =	vld [tilespmem:s3+$0xA100];
	[tilespmem:s28+$0x18080] =	vst v5;
	v3 =	vnsel vm0, $0x40000000, v3;
	vm0 =	veq.f32 v2, $0.0e+00  }
0x280: {  	v8 =	vld [tilespmem:s3+$0x6000];
	[tilespmem:s28+$0x18100] =	vst v3;
	v2 =	vnsel vm0, $0x40000000, v2;
	vm0 =	veq.f32 v1, $0.0e+00  }
0x281: {  	v5 =	vld [tilespmem:s3+$0x6080];
	[tilespmem:s28+$0x1A000] =	vst v2;
	v1 =	vnsel vm0, $0x40000000, v1;
	vm0 =	veq.f32 v0, $0.0e+00  }
.Ltmp13:
0x282: {  	v3 =	vld [tilespmem:s3+$0x6100];
	[tilespmem:s28+$0x1A080] =	vst v1;
	v0 =	vnsel vm0, $0x40000000, v0;
	vm0 =	veq.f32 v4, $0.0e+00;
	(pc) =	sbr.rel @p0 .LBB2_28-.Ltmp13, $4  }
0x283: {  	v2 =	vld [tilespmem:s3+$0x8000];
	[tilespmem:s28+$0x1A100] =	vst v0;
	v0 =	vnsel vm0, $0x40000000, v4;
	vm0 =	veq.f32 v6, $0.0e+00  }
0x284: {  	v1 =	vld [tilespmem:s3+$0x8080];
	vm1 =	veq.f32 v7, $0.0e+00;
	[tilespmem:s28+$0x1C000] =	vst v0;
	v4 =	vnsel vm0, $0x40000000, v6  }
0x285: {  	s29 =	sadd.s32 $0x40, s29;
	vm0 =	veq.f32 v8, $0.0e+00;
	v0 =	vld [tilespmem:s3+$0x8100];
	v7 =	vnsel vm1, $0x40000000, v7;
	[tilespmem:s28+$0x1C080] =	vst v4;
	s28 =	smov.u32 s3  }
0x286: {  	s7 =	sand.u32 $0x1E00, s29;
	s3 =	sand.u32 $0x70, s30;
	s30 =	sadd.s32 $0x10, s30;
	v6 =	vnsel vm0, $0x40000000, v8;
	vm0 =	veq.f32 v5, $0.0e+00;
	v4 =	vld [tilespmem:s28+$0xA000];
	[tilespmem:s28+$0x1C100] =	vst v7  }
0x287: {  	[tilespmem:s28+$0x18000] =	vst v6;
	s3 =	sor.u32 s3, s7;
	v5 =	vnsel vm0, $0x40000000, v5;
	vm0 =	veq.f32 v3, $0.0e+00;
	v6 =	vld [tilespmem:s28+$0xA080]  }
0x288: {  	v7 =	vld [tilespmem:s3+$0xA100];
	[tilespmem:s28+$0x18080] =	vst v5;
	v3 =	vnsel vm0, $0x40000000, v3;
	vm0 =	veq.f32 v2, $0.0e+00  }
0x289: {  	v5 =	vld [tilespmem:s3+$0x6000];
	[tilespmem:s28+$0x18100] =	vst v3;
	v2 =	vnsel vm0, $0x40000000, v2;
	vm0 =	veq.f32 v1, $0.0e+00  }
0x28a: {  	v3 =	vld [tilespmem:s3+$0x6080];
	[tilespmem:s28+$0x1A000] =	vst v2;
	v1 =	vnsel vm0, $0x40000000, v1;
	vm0 =	veq.f32 v0, $0.0e+00  }
0x28b: {  	v2 =	vld [tilespmem:s3+$0x6100];
	[tilespmem:s28+$0x1A080] =	vst v1;
	v0 =	vnsel vm0, $0x40000000, v0;
	vm0 =	veq.f32 v4, $0.0e+00  }
0x28c: {  	v1 =	vld [tilespmem:s3+$0x8000];
	[tilespmem:s28+$0x1A100] =	vst v0;
	v0 =	vnsel vm0, $0x40000000, v4;
	vm0 =	veq.f32 v6, $0.0e+00  }
0x28d: {  	v4 =	vld [tilespmem:s3+$0x8080];
	vm1 =	veq.f32 v7, $0.0e+00;
	[tilespmem:s28+$0x1C000] =	vst v0;
	v0 =	vnsel vm0, $0x40000000, v6  }
0x28e: {  	vm0 =	veq.f32 v5, $0.0e+00;
	v6 =	vld [tilespmem:s3+$0x8100];
	v7 =	vnsel vm1, $0x40000000, v7;
	[tilespmem:s28+$0x1C080] =	vst v0  }
0x28f: {  	v0 =	vnsel vm0, $0x40000000, v5;
	vm0 =	veq.f32 v3, $0.0e+00;
	v5 =	vld [tilespmem:s3+$0xA000];
	[tilespmem:s3+$0x1C100] =	vst v7  }
0x290: {  	[tilespmem:s3+$0x18000] =	vst v0;
	v0 =	vnsel vm0, $0x40000000, v3;
	vm0 =	veq.f32 v2, $0.0e+00;
	v3 =	vld [tilespmem:s3+$0xA080]  }
0x291: {  	[tilespmem:s3+$0x18080] =	vst v0;
	v0 =	vnsel vm0, $0x40000000, v2;
	vm0 =	veq.f32 v1, $0.0e+00  }
0x292: {  	[tilespmem:s3+$0x18100] =	vst v0;
	v0 =	vnsel vm0, $0x40000000, v1;
	vm0 =	veq.f32 v4, $0.0e+00  }
0x293: {  	[tilespmem:s3+$0x1A000] =	vst v0;
	v0 =	vnsel vm0, $0x40000000, v4;
	vm0 =	veq.f32 v6, $0.0e+00  }
0x294: {  	[tilespmem:s3+$0x1A080] =	vst v0;
	v0 =	vnsel vm0, $0x40000000, v6;
	vm0 =	veq.f32 v5, $0.0e+00  }
0x295: {  	[tilespmem:s3+$0x1A100] =	vst v0;
	v0 =	vnsel vm0, $0x40000000, v5;
	vm0 =	veq.f32 v3, $0.0e+00  }
0x296: {  	[tilespmem:s3+$0x1C000] =	vst v0;
	v0 =	vnsel vm0, $0x40000000, v3  }
0x297: {  	[tilespmem:s3+$0x1C080] =	vst v0  }
0x298: {  	s3 =	rddreg [dreg:$0x1a]  }
0x299: {  	[hbm4b:s3+s15] =	stream.strided.scatter [tilespmem:s22], [sflag:$0x5], $0x6000, s17, s15, $0x38;
	[tilespmem:$0x1E000] =	vst v63  }
0x29a: {  	s3 =	simm.s32 $0x0  }
0x29b: {  	[tilespmem:s16], [sflag:$0x2] =	stream.linear.gather [hbm4b:s4+s3], $0x1000, $0x38;
	[tilespmem:$0x1E000] =	vst v63  }
0x29c: {  	s7 =	sadd.s32 $0x80000, s4;
	s28 =	simm.s32 $0x8000  }
0x29d: {  	[tilespmem:s28], [sflag:$0x2] =	stream.linear.gather [hbm4b:s7+s3], $0x1000, $0x38;
	[tilespmem:$0x1E000] =	vst v63  }
0x29e: {  	s7 =	sadd.s32 $0x100000, s4;
	s28 =	simm.s32 $0xA000  }
0x29f: {  	[tilespmem:s28], [sflag:$0x2] =	stream.linear.gather [hbm4b:s7+s3], $0x1000, $0x38;
	[tilespmem:$0x1E000] =	vst v63  }
0x2a0: {  	_ =	swait.ge [sflag:s23], $0x6000  }
0x2a1: {  	[sflag:s23] =	ssyncset.done $0x0  }
0x2a2: {  	[sflag:s23] =	ssyncadd.s32 $0xFFFFA000  }
0x2a3: {  	_ =	swait.ge [sflag:s24], $0x6000  }
0x2a4: {  	s7 =	sand.u32 $0x70, s3;
	s3 =	sand.u32 $0x1E00, s3;
	[sflag:s24] =	ssyncset.done $0x0  }
0x2a5: {  	s28 =	sor.u32 s7, s3;
	[sflag:s24] =	ssyncadd.s32 $0xFFFFA000  }
0x2a6: {  	v4 =	vld [tilespmem:s28+$0x10100]  }
0x2a7: {  	v6 =	vld [tilespmem:s28+$0xC000]  }
0x2a8: {  	v5 =	vld [tilespmem:s28+$0xC080]  }
0x2a9: {  	v3 =	vld [tilespmem:s28+$0xC100]  }
0x2aa: {  	v2 =	vld [tilespmem:s28+$0xE000]  }
0x2ab: {  	v1 =	vld [tilespmem:s28+$0xE080];
	vm0 =	veq.f32 v4, $0.0e+00  }
0x2ac: {  	s29 =	simm.s32 $0x40;
	s7 =	simm.s32 $0x10;
	v0 =	vld [tilespmem:s28+$0xE100];
	vm1 =	veq.f32 v6, $0.0e+00;
	v7 =	vnsel vm0, $0x40000000, v4  }
0x2ad: {  	s30 =	simm.s32 $0x20;
	s3 =	sand.u32 $0x70, s7;
	s7 =	sand.u32 $0x1E00, s29;
	v4 =	vld [tilespmem:s28+$0x10000];
	v6 =	vnsel vm1, $0x40000000, v6;
	vm0 =	veq.f32 v5, $0.0e+00;
	[tilespmem:s28+$0x16100] =	vst v7  }
.LBB2_30:
0x2ae: {  	p0 =	sne.s32 s30, $0x7F0;
	s3 =	sor.u32 s3, s7;
	[tilespmem:s28+$0x12000] =	vst v6;
	v5 =	vnsel vm0, $0x40000000, v5;
	vm0 =	veq.f32 v3, $0.0e+00;
	v6 =	vld [tilespmem:s28+$0x10080]  }
0x2af: {  	v7 =	vld [tilespmem:s3+$0x10100];
	[tilespmem:s28+$0x12080] =	vst v5;
	v3 =	vnsel vm0, $0x40000000, v3;
	vm0 =	veq.f32 v2, $0.0e+00  }
0x2b0: {  	v8 =	vld [tilespmem:s3+$0xC000];
	[tilespmem:s28+$0x12100] =	vst v3;
	v2 =	vnsel vm0, $0x40000000, v2;
	vm0 =	veq.f32 v1, $0.0e+00  }
0x2b1: {  	v5 =	vld [tilespmem:s3+$0xC080];
	[tilespmem:s28+$0x14000] =	vst v2;
	v1 =	vnsel vm0, $0x40000000, v1;
	vm0 =	veq.f32 v0, $0.0e+00  }
.Ltmp14:
0x2b2: {  	v3 =	vld [tilespmem:s3+$0xC100];
	[tilespmem:s28+$0x14080] =	vst v1;
	v0 =	vnsel vm0, $0x40000000, v0;
	vm0 =	veq.f32 v4, $0.0e+00;
	(pc) =	sbr.rel @p0 .LBB2_30-.Ltmp14, $4  }
0x2b3: {  	v2 =	vld [tilespmem:s3+$0xE000];
	[tilespmem:s28+$0x14100] =	vst v0;
	v0 =	vnsel vm0, $0x40000000, v4;
	vm0 =	veq.f32 v6, $0.0e+00  }
0x2b4: {  	v1 =	vld [tilespmem:s3+$0xE080];
	vm1 =	veq.f32 v7, $0.0e+00;
	[tilespmem:s28+$0x16000] =	vst v0;
	v4 =	vnsel vm0, $0x40000000, v6  }
0x2b5: {  	s29 =	sadd.s32 $0x40, s29;
	vm0 =	veq.f32 v8, $0.0e+00;
	v0 =	vld [tilespmem:s3+$0xE100];
	v7 =	vnsel vm1, $0x40000000, v7;
	[tilespmem:s28+$0x16080] =	vst v4;
	s28 =	smov.u32 s3  }
0x2b6: {  	s7 =	sand.u32 $0x1E00, s29;
	s3 =	sand.u32 $0x70, s30;
	s30 =	sadd.s32 $0x10, s30;
	v6 =	vnsel vm0, $0x40000000, v8;
	vm0 =	veq.f32 v5, $0.0e+00;
	v4 =	vld [tilespmem:s28+$0x10000];
	[tilespmem:s28+$0x16100] =	vst v7  }
0x2b7: {  	[tilespmem:s28+$0x12000] =	vst v6;
	s3 =	sor.u32 s3, s7;
	v5 =	vnsel vm0, $0x40000000, v5;
	vm0 =	veq.f32 v3, $0.0e+00;
	v6 =	vld [tilespmem:s28+$0x10080]  }
0x2b8: {  	v7 =	vld [tilespmem:s3+$0x10100];
	[tilespmem:s28+$0x12080] =	vst v5;
	v3 =	vnsel vm0, $0x40000000, v3;
	vm0 =	veq.f32 v2, $0.0e+00  }
0x2b9: {  	v5 =	vld [tilespmem:s3+$0xC000];
	[tilespmem:s28+$0x12100] =	vst v3;
	v2 =	vnsel vm0, $0x40000000, v2;
	vm0 =	veq.f32 v1, $0.0e+00  }
0x2ba: {  	v3 =	vld [tilespmem:s3+$0xC080];
	[tilespmem:s28+$0x14000] =	vst v2;
	v1 =	vnsel vm0, $0x40000000, v1;
	vm0 =	veq.f32 v0, $0.0e+00  }
0x2bb: {  	v2 =	vld [tilespmem:s3+$0xC100];
	[tilespmem:s28+$0x14080] =	vst v1;
	v0 =	vnsel vm0, $0x40000000, v0;
	vm0 =	veq.f32 v4, $0.0e+00  }
0x2bc: {  	v1 =	vld [tilespmem:s3+$0xE000];
	[tilespmem:s28+$0x14100] =	vst v0;
	v0 =	vnsel vm0, $0x40000000, v4;
	vm0 =	veq.f32 v6, $0.0e+00  }
0x2bd: {  	v4 =	vld [tilespmem:s3+$0xE080];
	vm1 =	veq.f32 v7, $0.0e+00;
	[tilespmem:s28+$0x16000] =	vst v0;
	v0 =	vnsel vm0, $0x40000000, v6  }
0x2be: {  	vm0 =	veq.f32 v5, $0.0e+00;
	v6 =	vld [tilespmem:s3+$0xE100];
	v7 =	vnsel vm1, $0x40000000, v7;
	[tilespmem:s28+$0x16080] =	vst v0  }
0x2bf: {  	v0 =	vnsel vm0, $0x40000000, v5;
	vm0 =	veq.f32 v3, $0.0e+00;
	v5 =	vld [tilespmem:s3+$0x10000];
	[tilespmem:s3+$0x16100] =	vst v7  }
0x2c0: {  	[tilespmem:s3+$0x12000] =	vst v0;
	v0 =	vnsel vm0, $0x40000000, v3;
	vm0 =	veq.f32 v2, $0.0e+00;
	v3 =	vld [tilespmem:s3+$0x10080]  }
0x2c1: {  	[tilespmem:s3+$0x12080] =	vst v0;
	v0 =	vnsel vm0, $0x40000000, v2;
	vm0 =	veq.f32 v1, $0.0e+00  }
0x2c2: {  	[tilespmem:s3+$0x12100] =	vst v0;
	v0 =	vnsel vm0, $0x40000000, v1;
	vm0 =	veq.f32 v4, $0.0e+00  }
0x2c3: {  	[tilespmem:s3+$0x14000] =	vst v0;
	v0 =	vnsel vm0, $0x40000000, v4;
	vm0 =	veq.f32 v6, $0.0e+00  }
0x2c4: {  	[tilespmem:s3+$0x14080] =	vst v0;
	v0 =	vnsel vm0, $0x40000000, v6;
	vm0 =	veq.f32 v5, $0.0e+00  }
0x2c5: {  	[tilespmem:s3+$0x14100] =	vst v0;
	v0 =	vnsel vm0, $0x40000000, v5;
	vm0 =	veq.f32 v3, $0.0e+00  }
0x2c6: {  	[tilespmem:s3+$0x16000] =	vst v0;
	v0 =	vnsel vm0, $0x40000000, v3  }
0x2c7: {  	[tilespmem:s3+$0x16080] =	vst v0  }
0x2c8: {  	s3 =	rddreg [dreg:$0x1c]  }
0x2c9: {  	[hbm4b:s3+s15] =	stream.strided.scatter [tilespmem:s20], [sflag:$0x4], $0x6000, s17, s15, $0x38;
	[tilespmem:$0x1E000] =	vst v63  }
0x2ca: {  	s3 =	simm.s32 $0x0  }
0x2cb: {  	[tilespmem:s18], [sflag:$0x3] =	stream.linear.gather [hbm4b:s6+s3], $0x1000, $0x38;
	[tilespmem:$0x1E000] =	vst v63  }
0x2cc: {  	s7 =	sadd.s32 $0x80000, s6;
	s28 =	simm.s32 $0xE000  }
0x2cd: {  	[tilespmem:s28], [sflag:$0x3] =	stream.linear.gather [hbm4b:s7+s3], $0x1000, $0x38;
	[tilespmem:$0x1E000] =	vst v63  }
0x2ce: {  	s7 =	sadd.s32 $0x100000, s6;
	s28 =	simm.s32 $0x10000  }
0x2cf: {  	[tilespmem:s28], [sflag:$0x3] =	stream.linear.gather [hbm4b:s7+s3], $0x1000, $0x38;
	[tilespmem:$0x1E000] =	vst v63  }
0x2d0: {  	_ =	swait.ge [sflag:s19], $0x6000  }
0x2d1: {  	[sflag:s19] =	ssyncset.done $0x0  }
0x2d2: {  	[sflag:s19] =	ssyncadd.s32 $0xFFFFA000  }
0x2d3: {  	_ =	swait.ge [sflag:s25], $0x6000  }
0x2d4: {  	s7 =	sand.u32 $0x70, s3;
	s3 =	sand.u32 $0x1E00, s3;
	[sflag:s25] =	ssyncset.done $0x0  }
0x2d5: {  	s28 =	sor.u32 s7, s3;
	[sflag:s25] =	ssyncadd.s32 $0xFFFFA000  }
0x2d6: {  	v4 =	vld [tilespmem:s28+$0x4100]  }
0x2d7: {  	v6 =	vld [tilespmem:s28+$0x0]  }
0x2d8: {  	v5 =	vld [tilespmem:s28+$0x80]  }
0x2d9: {  	v3 =	vld [tilespmem:s28+$0x100]  }
0x2da: {  	v2 =	vld [tilespmem:s28+$0x2000]  }
0x2db: {  	v1 =	vld [tilespmem:s28+$0x2080];
	vm0 =	veq.f32 v4, $0.0e+00  }
0x2dc: {  	s29 =	simm.s32 $0x40;
	s7 =	simm.s32 $0x10;
	v0 =	vld [tilespmem:s28+$0x2100];
	vm1 =	veq.f32 v6, $0.0e+00;
	v7 =	vnsel vm0, $0x40000000, v4  }
0x2dd: {  	s30 =	simm.s32 $0x20;
	s3 =	sand.u32 $0x70, s7;
	s7 =	sand.u32 $0x1E00, s29;
	v4 =	vld [tilespmem:s28+$0x4000];
	v6 =	vnsel vm1, $0x40000000, v6;
	vm0 =	veq.f32 v5, $0.0e+00;
	[tilespmem:s28+$0x1C100] =	vst v7  }
.LBB2_32:
0x2de: {  	p0 =	sne.s32 s30, $0x7F0;
	s3 =	sor.u32 s3, s7;
	[tilespmem:s28+$0x18000] =	vst v6;
	v5 =	vnsel vm0, $0x40000000, v5;
	vm0 =	veq.f32 v3, $0.0e+00;
	v6 =	vld [tilespmem:s28+$0x4080]  }
0x2df: {  	v7 =	vld [tilespmem:s3+$0x4100];
	[tilespmem:s28+$0x18080] =	vst v5;
	v3 =	vnsel vm0, $0x40000000, v3;
	vm0 =	veq.f32 v2, $0.0e+00  }
0x2e0: {  	v8 =	vld [tilespmem:s3+$0x0];
	[tilespmem:s28+$0x18100] =	vst v3;
	v2 =	vnsel vm0, $0x40000000, v2;
	vm0 =	veq.f32 v1, $0.0e+00  }
0x2e1: {  	v5 =	vld [tilespmem:s3+$0x80];
	[tilespmem:s28+$0x1A000] =	vst v2;
	v1 =	vnsel vm0, $0x40000000, v1;
	vm0 =	veq.f32 v0, $0.0e+00  }
.Ltmp15:
0x2e2: {  	v3 =	vld [tilespmem:s3+$0x100];
	[tilespmem:s28+$0x1A080] =	vst v1;
	v0 =	vnsel vm0, $0x40000000, v0;
	vm0 =	veq.f32 v4, $0.0e+00;
	(pc) =	sbr.rel @p0 .LBB2_32-.Ltmp15, $4  }
0x2e3: {  	v2 =	vld [tilespmem:s3+$0x2000];
	[tilespmem:s28+$0x1A100] =	vst v0;
	v0 =	vnsel vm0, $0x40000000, v4;
	vm0 =	veq.f32 v6, $0.0e+00  }
0x2e4: {  	v1 =	vld [tilespmem:s3+$0x2080];
	vm1 =	veq.f32 v7, $0.0e+00;
	[tilespmem:s28+$0x1C000] =	vst v0;
	v4 =	vnsel vm0, $0x40000000, v6  }
0x2e5: {  	s29 =	sadd.s32 $0x40, s29;
	vm0 =	veq.f32 v8, $0.0e+00;
	v0 =	vld [tilespmem:s3+$0x2100];
	v7 =	vnsel vm1, $0x40000000, v7;
	[tilespmem:s28+$0x1C080] =	vst v4;
	s28 =	smov.u32 s3  }
0x2e6: {  	s7 =	sand.u32 $0x1E00, s29;
	s3 =	sand.u32 $0x70, s30;
	s30 =	sadd.s32 $0x10, s30;
	v6 =	vnsel vm0, $0x40000000, v8;
	vm0 =	veq.f32 v5, $0.0e+00;
	v4 =	vld [tilespmem:s28+$0x4000];
	[tilespmem:s28+$0x1C100] =	vst v7  }
0x2e7: {  	[tilespmem:s28+$0x18000] =	vst v6;
	s3 =	sor.u32 s3, s7;
	v5 =	vnsel vm0, $0x40000000, v5;
	vm0 =	veq.f32 v3, $0.0e+00;
	v6 =	vld [tilespmem:s28+$0x4080]  }
0x2e8: {  	v7 =	vld [tilespmem:s3+$0x4100];
	[tilespmem:s28+$0x18080] =	vst v5;
	v3 =	vnsel vm0, $0x40000000, v3;
	vm0 =	veq.f32 v2, $0.0e+00  }
0x2e9: {  	v5 =	vld [tilespmem:s3+$0x0];
	[tilespmem:s28+$0x18100] =	vst v3;
	v2 =	vnsel vm0, $0x40000000, v2;
	vm0 =	veq.f32 v1, $0.0e+00  }
0x2ea: {  	v3 =	vld [tilespmem:s3+$0x80];
	[tilespmem:s28+$0x1A000] =	vst v2;
	v1 =	vnsel vm0, $0x40000000, v1;
	vm0 =	veq.f32 v0, $0.0e+00  }
0x2eb: {  	v2 =	vld [tilespmem:s3+$0x100];
	[tilespmem:s28+$0x1A080] =	vst v1;
	v0 =	vnsel vm0, $0x40000000, v0;
	vm0 =	veq.f32 v4, $0.0e+00  }
0x2ec: {  	v1 =	vld [tilespmem:s3+$0x2000];
	[tilespmem:s28+$0x1A100] =	vst v0;
	v0 =	vnsel vm0, $0x40000000, v4;
	vm0 =	veq.f32 v6, $0.0e+00  }
0x2ed: {  	v4 =	vld [tilespmem:s3+$0x2080];
	vm1 =	veq.f32 v7, $0.0e+00;
	[tilespmem:s28+$0x1C000] =	vst v0;
	v0 =	vnsel vm0, $0x40000000, v6  }
0x2ee: {  	vm0 =	veq.f32 v5, $0.0e+00;
	v6 =	vld [tilespmem:s3+$0x2100];
	v7 =	vnsel vm1, $0x40000000, v7;
	[tilespmem:s28+$0x1C080] =	vst v0  }
0x2ef: {  	v0 =	vnsel vm0, $0x40000000, v5;
	vm0 =	veq.f32 v3, $0.0e+00;
	v5 =	vld [tilespmem:s3+$0x4000];
	[tilespmem:s3+$0x1C100] =	vst v7  }
0x2f0: {  	[tilespmem:s3+$0x18000] =	vst v0;
	v0 =	vnsel vm0, $0x40000000, v3;
	vm0 =	veq.f32 v2, $0.0e+00;
	v3 =	vld [tilespmem:s3+$0x4080]  }
0x2f1: {  	[tilespmem:s3+$0x18080] =	vst v0;
	v0 =	vnsel vm0, $0x40000000, v2;
	vm0 =	veq.f32 v1, $0.0e+00  }
0x2f2: {  	[tilespmem:s3+$0x18100] =	vst v0;
	v0 =	vnsel vm0, $0x40000000, v1;
	vm0 =	veq.f32 v4, $0.0e+00  }
0x2f3: {  	[tilespmem:s3+$0x1A000] =	vst v0;
	v0 =	vnsel vm0, $0x40000000, v4;
	vm0 =	veq.f32 v6, $0.0e+00  }
0x2f4: {  	[tilespmem:s3+$0x1A080] =	vst v0;
	v0 =	vnsel vm0, $0x40000000, v6;
	vm0 =	veq.f32 v5, $0.0e+00  }
0x2f5: {  	[tilespmem:s3+$0x1A100] =	vst v0;
	v0 =	vnsel vm0, $0x40000000, v5;
	vm0 =	veq.f32 v3, $0.0e+00  }
0x2f6: {  	[tilespmem:s3+$0x1C000] =	vst v0;
	v0 =	vnsel vm0, $0x40000000, v3  }
0x2f7: {  	[tilespmem:s3+$0x1C080] =	vst v0  }
0x2f8: {  	s3 =	rddreg [dreg:$0x1e]  }
0x2f9: {  	[hbm4b:s3+s15] =	stream.strided.scatter [tilespmem:s22], [sflag:$0x5], $0x6000, s17, s15, $0x38;
	[tilespmem:$0x1E000] =	vst v63  }
0x2fa: {  	_ =	swait.ge [sflag:s21], $0x3000  }
0x2fb: {  	[sflag:s21] =	ssyncset.done $0x0  }
0x2fc: {  	[sflag:s21] =	ssyncadd.s32 $0xFFFFD000  }
0x2fd: {  	s3 =	simm.s32 $0x0;
	_ =	swait.ge [sflag:s24], $0x6000  }
0x2fe: {  	s7 =	sand.u32 $0x70, s3;
	s3 =	sand.u32 $0xE00, s3;
	[sflag:s24] =	ssyncset.done $0x0  }
0x2ff: {  	s28 =	sor.u32 s7, s3;
	[sflag:s24] =	ssyncadd.s32 $0xFFFFA000  }
0x300: {  	v4 =	vld [tilespmem:s28+$0xA100]  }
0x301: {  	v6 =	vld [tilespmem:s28+$0x6000]  }
0x302: {  	v5 =	vld [tilespmem:s28+$0x6080]  }
0x303: {  	v3 =	vld [tilespmem:s28+$0x6100]  }
0x304: {  	v2 =	vld [tilespmem:s28+$0x8000]  }
0x305: {  	v1 =	vld [tilespmem:s28+$0x8080];
	vm0 =	veq.f32 v4, $0.0e+00  }
0x306: {  	s29 =	simm.s32 $0x40;
	s7 =	simm.s32 $0x10;
	v0 =	vld [tilespmem:s28+$0x8100];
	vm1 =	veq.f32 v6, $0.0e+00;
	v7 =	vnsel vm0, $0x40000000, v4  }
0x307: {  	s30 =	simm.s32 $0x20;
	s3 =	sand.u32 $0x70, s7;
	s7 =	sand.u32 $0xE00, s29;
	v4 =	vld [tilespmem:s28+$0xA000];
	v6 =	vnsel vm1, $0x40000000, v6;
	vm0 =	veq.f32 v5, $0.0e+00;
	[tilespmem:s28+$0x16100] =	vst v7  }
.LBB2_34:
0x308: {  	p0 =	sne.s32 s30, $0x3F0;
	s3 =	sor.u32 s3, s7;
	[tilespmem:s28+$0x12000] =	vst v6;
	v5 =	vnsel vm0, $0x40000000, v5;
	vm0 =	veq.f32 v3, $0.0e+00;
	v6 =	vld [tilespmem:s28+$0xA080]  }
0x309: {  	v7 =	vld [tilespmem:s3+$0xA100];
	[tilespmem:s28+$0x12080] =	vst v5;
	v3 =	vnsel vm0, $0x40000000, v3;
	vm0 =	veq.f32 v2, $0.0e+00  }
0x30a: {  	v8 =	vld [tilespmem:s3+$0x6000];
	[tilespmem:s28+$0x12100] =	vst v3;
	v2 =	vnsel vm0, $0x40000000, v2;
	vm0 =	veq.f32 v1, $0.0e+00  }
0x30b: {  	v5 =	vld [tilespmem:s3+$0x6080];
	[tilespmem:s28+$0x14000] =	vst v2;
	v1 =	vnsel vm0, $0x40000000, v1;
	vm0 =	veq.f32 v0, $0.0e+00  }
.Ltmp16:
0x30c: {  	v3 =	vld [tilespmem:s3+$0x6100];
	[tilespmem:s28+$0x14080] =	vst v1;
	v0 =	vnsel vm0, $0x40000000, v0;
	vm0 =	veq.f32 v4, $0.0e+00;
	(pc) =	sbr.rel @p0 .LBB2_34-.Ltmp16, $4  }
0x30d: {  	v2 =	vld [tilespmem:s3+$0x8000];
	[tilespmem:s28+$0x14100] =	vst v0;
	v0 =	vnsel vm0, $0x40000000, v4;
	vm0 =	veq.f32 v6, $0.0e+00  }
0x30e: {  	v1 =	vld [tilespmem:s3+$0x8080];
	vm1 =	veq.f32 v7, $0.0e+00;
	[tilespmem:s28+$0x16000] =	vst v0;
	v4 =	vnsel vm0, $0x40000000, v6  }
0x30f: {  	s29 =	sadd.s32 $0x40, s29;
	vm0 =	veq.f32 v8, $0.0e+00;
	v0 =	vld [tilespmem:s3+$0x8100];
	v7 =	vnsel vm1, $0x40000000, v7;
	[tilespmem:s28+$0x16080] =	vst v4;
	s28 =	smov.u32 s3  }
0x310: {  	s7 =	sand.u32 $0xE00, s29;
	s3 =	sand.u32 $0x70, s30;
	s30 =	sadd.s32 $0x10, s30;
	v6 =	vnsel vm0, $0x40000000, v8;
	vm0 =	veq.f32 v5, $0.0e+00;
	v4 =	vld [tilespmem:s28+$0xA000];
	[tilespmem:s28+$0x16100] =	vst v7  }
0x311: {  	[tilespmem:s28+$0x12000] =	vst v6;
	s3 =	sor.u32 s3, s7;
	v5 =	vnsel vm0, $0x40000000, v5;
	vm0 =	veq.f32 v3, $0.0e+00;
	v6 =	vld [tilespmem:s28+$0xA080]  }
0x312: {  	v7 =	vld [tilespmem:s3+$0xA100];
	[tilespmem:s28+$0x12080] =	vst v5;
	v3 =	vnsel vm0, $0x40000000, v3;
	vm0 =	veq.f32 v2, $0.0e+00  }
0x313: {  	v5 =	vld [tilespmem:s3+$0x6000];
	[tilespmem:s28+$0x12100] =	vst v3;
	v2 =	vnsel vm0, $0x40000000, v2;
	vm0 =	veq.f32 v1, $0.0e+00  }
0x314: {  	v3 =	vld [tilespmem:s3+$0x6080];
	[tilespmem:s28+$0x14000] =	vst v2;
	v1 =	vnsel vm0, $0x40000000, v1;
	vm0 =	veq.f32 v0, $0.0e+00  }
0x315: {  	v2 =	vld [tilespmem:s3+$0x6100];
	[tilespmem:s28+$0x14080] =	vst v1;
	v0 =	vnsel vm0, $0x40000000, v0;
	vm0 =	veq.f32 v4, $0.0e+00  }
0x316: {  	v1 =	vld [tilespmem:s3+$0x8000];
	[tilespmem:s28+$0x14100] =	vst v0;
	v0 =	vnsel vm0, $0x40000000, v4;
	vm0 =	veq.f32 v6, $0.0e+00  }
0x317: {  	v4 =	vld [tilespmem:s3+$0x8080];
	vm1 =	veq.f32 v7, $0.0e+00;
	[tilespmem:s28+$0x16000] =	vst v0;
	v0 =	vnsel vm0, $0x40000000, v6  }
0x318: {  	vm0 =	veq.f32 v5, $0.0e+00;
	v6 =	vld [tilespmem:s3+$0x8100];
	v7 =	vnsel vm1, $0x40000000, v7;
	[tilespmem:s28+$0x16080] =	vst v0  }
0x319: {  	v0 =	vnsel vm0, $0x40000000, v5;
	vm0 =	veq.f32 v3, $0.0e+00;
	v5 =	vld [tilespmem:s3+$0xA000];
	[tilespmem:s3+$0x16100] =	vst v7  }
0x31a: {  	[tilespmem:s3+$0x12000] =	vst v0;
	v0 =	vnsel vm0, $0x40000000, v3;
	vm0 =	veq.f32 v2, $0.0e+00;
	v3 =	vld [tilespmem:s3+$0xA080]  }
0x31b: {  	[tilespmem:s3+$0x12080] =	vst v0;
	v0 =	vnsel vm0, $0x40000000, v2;
	vm0 =	veq.f32 v1, $0.0e+00  }
0x31c: {  	[tilespmem:s3+$0x12100] =	vst v0;
	v0 =	vnsel vm0, $0x40000000, v1;
	vm0 =	veq.f32 v4, $0.0e+00  }
0x31d: {  	[tilespmem:s3+$0x14000] =	vst v0;
	v0 =	vnsel vm0, $0x40000000, v4;
	vm0 =	veq.f32 v6, $0.0e+00  }
0x31e: {  	[tilespmem:s3+$0x14080] =	vst v0;
	v0 =	vnsel vm0, $0x40000000, v6;
	vm0 =	veq.f32 v5, $0.0e+00  }
0x31f: {  	[tilespmem:s3+$0x14100] =	vst v0;
	v0 =	vnsel vm0, $0x40000000, v5;
	vm0 =	veq.f32 v3, $0.0e+00  }
0x320: {  	[tilespmem:s3+$0x16000] =	vst v0;
	v0 =	vnsel vm0, $0x40000000, v3  }
0x321: {  	[tilespmem:s3+$0x16080] =	vst v0;
	s3 =	simm.s32 $0x0  }
0x322: {  	[hbm4b:s8+s3] =	stream.linear.scatter [tilespmem:s20], [sflag:$0x4], $0x1000, $0x38;
	[tilespmem:$0x1E000] =	vst v63  }
0x323: {  	s7 =	sadd.s32 $0x80000, s8;
	s28 =	simm.s32 $0x14000  }
0x324: {  	[hbm4b:s7+s3] =	stream.linear.scatter [tilespmem:s28], [sflag:$0x4], $0x1000, $0x38;
	[tilespmem:$0x1E000] =	vst v63  }
0x325: {  	s7 =	sadd.s32 $0x100000, s8;
	s28 =	simm.s32 $0x16000  }
0x326: {  	[hbm4b:s7+s3] =	stream.linear.scatter [tilespmem:s28], [sflag:$0x4], $0x1000, $0x38;
	[tilespmem:$0x1E000] =	vst v63  }
0x327: {  	_ =	swait.ge [sflag:s23], $0x3000  }
0x328: {  	[sflag:s23] =	ssyncset.done $0x0  }
0x329: {  	[sflag:s23] =	ssyncadd.s32 $0xFFFFD000  }
0x32a: {  	_ =	swait.ge [sflag:s25], $0x6000  }
0x32b: {  	s7 =	sand.u32 $0x70, s3;
	s3 =	sand.u32 $0xE00, s3;
	[sflag:s25] =	ssyncset.done $0x0  }
0x32c: {  	s28 =	sor.u32 s7, s3;
	[sflag:s25] =	ssyncadd.s32 $0xFFFFA000  }
0x32d: {  	v4 =	vld [tilespmem:s28+$0x10100]  }
0x32e: {  	v6 =	vld [tilespmem:s28+$0xC000]  }
0x32f: {  	v5 =	vld [tilespmem:s28+$0xC080]  }
0x330: {  	v3 =	vld [tilespmem:s28+$0xC100]  }
0x331: {  	v2 =	vld [tilespmem:s28+$0xE000]  }
0x332: {  	v1 =	vld [tilespmem:s28+$0xE080];
	vm0 =	veq.f32 v4, $0.0e+00  }
0x333: {  	s29 =	simm.s32 $0x40;
	s7 =	simm.s32 $0x10;
	v0 =	vld [tilespmem:s28+$0xE100];
	vm1 =	veq.f32 v6, $0.0e+00;
	v7 =	vnsel vm0, $0x40000000, v4  }
0x334: {  	s30 =	simm.s32 $0x20;
	s3 =	sand.u32 $0x70, s7;
	s7 =	sand.u32 $0xE00, s29;
	v4 =	vld [tilespmem:s28+$0x10000];
	v6 =	vnsel vm1, $0x40000000, v6;
	vm0 =	veq.f32 v5, $0.0e+00;
	[tilespmem:s28+$0x1C100] =	vst v7  }
.LBB2_36:
0x335: {  	p0 =	sne.s32 s30, $0x3F0;
	s3 =	sor.u32 s3, s7;
	[tilespmem:s28+$0x18000] =	vst v6;
	v5 =	vnsel vm0, $0x40000000, v5;
	vm0 =	veq.f32 v3, $0.0e+00;
	v6 =	vld [tilespmem:s28+$0x10080]  }
0x336: {  	v7 =	vld [tilespmem:s3+$0x10100];
	[tilespmem:s28+$0x18080] =	vst v5;
	v3 =	vnsel vm0, $0x40000000, v3;
	vm0 =	veq.f32 v2, $0.0e+00  }
0x337: {  	v8 =	vld [tilespmem:s3+$0xC000];
	[tilespmem:s28+$0x18100] =	vst v3;
	v2 =	vnsel vm0, $0x40000000, v2;
	vm0 =	veq.f32 v1, $0.0e+00  }
0x338: {  	v5 =	vld [tilespmem:s3+$0xC080];
	[tilespmem:s28+$0x1A000] =	vst v2;
	v1 =	vnsel vm0, $0x40000000, v1;
	vm0 =	veq.f32 v0, $0.0e+00  }
.Ltmp17:
0x339: {  	v3 =	vld [tilespmem:s3+$0xC100];
	[tilespmem:s28+$0x1A080] =	vst v1;
	v0 =	vnsel vm0, $0x40000000, v0;
	vm0 =	veq.f32 v4, $0.0e+00;
	(pc) =	sbr.rel @p0 .LBB2_36-.Ltmp17, $4  }
0x33a: {  	v2 =	vld [tilespmem:s3+$0xE000];
	[tilespmem:s28+$0x1A100] =	vst v0;
	v0 =	vnsel vm0, $0x40000000, v4;
	vm0 =	veq.f32 v6, $0.0e+00  }
0x33b: {  	v1 =	vld [tilespmem:s3+$0xE080];
	vm1 =	veq.f32 v7, $0.0e+00;
	[tilespmem:s28+$0x1C000] =	vst v0;
	v4 =	vnsel vm0, $0x40000000, v6  }
0x33c: {  	s29 =	sadd.s32 $0x40, s29;
	vm0 =	veq.f32 v8, $0.0e+00;
	v0 =	vld [tilespmem:s3+$0xE100];
	v7 =	vnsel vm1, $0x40000000, v7;
	[tilespmem:s28+$0x1C080] =	vst v4;
	s28 =	smov.u32 s3  }
0x33d: {  	s7 =	sand.u32 $0xE00, s29;
	s3 =	sand.u32 $0x70, s30;
	s30 =	sadd.s32 $0x10, s30;
	v6 =	vnsel vm0, $0x40000000, v8;
	vm0 =	veq.f32 v5, $0.0e+00;
	v4 =	vld [tilespmem:s28+$0x10000];
	[tilespmem:s28+$0x1C100] =	vst v7  }
0x33e: {  	[tilespmem:s28+$0x18000] =	vst v6;
	s3 =	sor.u32 s3, s7;
	v5 =	vnsel vm0, $0x40000000, v5;
	vm14 =	veq.f32 v3, $0.0e+00;
	v45 =	vld [tilespmem:s28+$0x10080]  }
0x33f: {  	v7 =	vld [tilespmem:s3+$0x10100];
	[tilespmem:s28+$0x18080] =	vst v5;
	v3 =	vnsel vm14, $0x40000000, v3;
	vm15 =	veq.f32 v2, $0.0e+00  }
0x340: {  	v46 =	vld [tilespmem:s3+$0xC000];
	[tilespmem:s28+$0x18100] =	vst v3;
	v2 =	vnsel vm15, $0x40000000, v2;
	vm4 =	veq.f32 v1, $0.0e+00  }
0x341: {  	v47 =	vld [tilespmem:s3+$0xC080];
	[tilespmem:s28+$0x1A000] =	vst v2;
	v1 =	vnsel vm4, $0x40000000, v1;
	vm5 =	veq.f32 v0, $0.0e+00  }
0x342: {  	v48 =	vld [tilespmem:s3+$0xC100];
	[tilespmem:s28+$0x1A080] =	vst v1;
	v0 =	vnsel vm5, $0x40000000, v0;
	vm6 =	veq.f32 v4, $0.0e+00  }
0x343: {  	v49 =	vld [tilespmem:s3+$0xE000];
	[tilespmem:s28+$0x1A100] =	vst v0;
	v50 =	vnsel vm6, $0x40000000, v4;
	vm7 =	veq.f32 v45, $0.0e+00  }
0x344: {  	v51 =	vld [tilespmem:s3+$0xE080];
	vm1 =	veq.f32 v7, $0.0e+00;
	[tilespmem:s28+$0x1C000] =	vst v50;
	v52 =	vnsel vm7, $0x40000000, v45  }
0x345: {  	v53 =	vld [tilespmem:s3+$0xE100];
	vm8 =	veq.f32 v46, $0.0e+00;
	v7 =	vnsel vm1, $0x40000000, v7;
	[tilespmem:s28+$0x1C080] =	vst v52  }
0x346: {  	v55 =	vld [tilespmem:s3+$0x10000];
	vm9 =	veq.f32 v47, $0.0e+00;
	v54 =	vnsel vm8, $0x40000000, v46;
	[tilespmem:s3+$0x1C100] =	vst v7  }
0x347: {  	v57 =	vld [tilespmem:s3+$0x10080];
	vm10 =	veq.f32 v48, $0.0e+00;
	v56 =	vnsel vm9, $0x40000000, v47;
	[tilespmem:s3+$0x18000] =	vst v54  }
0x348: {  	vm11 =	veq.f32 v49, $0.0e+00;
	v58 =	vnsel vm10, $0x40000000, v48;
	[tilespmem:s3+$0x18080] =	vst v56  }
0x349: {  	vm12 =	veq.f32 v51, $0.0e+00;
	v59 =	vnsel vm11, $0x40000000, v49;
	[tilespmem:s3+$0x18100] =	vst v58  }
0x34a: {  	vm13 =	veq.f32 v53, $0.0e+00;
	v60 =	vnsel vm12, $0x40000000, v51;
	[tilespmem:s3+$0x1A000] =	vst v59  }
0x34b: {  	vm14 =	veq.f32 v55, $0.0e+00;
	v61 =	vnsel vm13, $0x40000000, v53;
	[tilespmem:s3+$0x1A080] =	vst v60  }
0x34c: {  	vm15 =	veq.f32 v57, $0.0e+00;
	v62 =	vnsel vm14, $0x40000000, v55;
	[tilespmem:s3+$0x1A100] =	vst v61  }
0x34d: {  	v63 =	vnsel vm15, $0x40000000, v57;
	[tilespmem:s3+$0x1C000] =	vst v62  }
0x34e: {  	[tilespmem:s3+$0x1C080] =	vst v63  }
0x34f: {  	[hbm4b:s9+s1] =	stream.linear.scatter [tilespmem:s22], [sflag:$0x5], $0x1000, $0x38;
	[tilespmem:$0x1E000] =	vst v63  }
0x350: {  	s7 =	sadd.s32 $0x80000, s9;
	s28 =	simm.s32 $0x1A000  }
0x351: {  	[hbm4b:s7+s1] =	stream.linear.scatter [tilespmem:s28], [sflag:$0x5], $0x1000, $0x38;
	[tilespmem:$0x1E000] =	vst v63  }
0x352: {  	s29 =	sadd.s32 $0x100000, s9;
	s30 =	simm.s32 $0x1C000;
	s26 =	sadd.s32 $0x1, s26  }
0x353: {  	[hbm4b:s29+s1] =	stream.linear.scatter [tilespmem:s30], [sflag:$0x5], $0x1000, $0x38;
	[tilespmem:$0x1E000] =	vst v63  }
0x354: {  	p0 =	sne.s32 s26, s10;
	_ =	swait.ge [sflag:s24], $0x3000  }
.Ltmp18:
0x355: {  	[sflag:s24] =	ssyncset.done $0x0;
	(pc) =	sbr.rel @p0 .LBB2_1-.Ltmp18, $4  }
0x356: {  	[sflag:s24] =	ssyncadd.s32 $0xFFFFD000  }
0x357: {  	_ =	swait.ge [sflag:s25], $0x3000  }
0x358: {  	[sflag:s25] =	ssyncset.done $0x0  }
0x359: {  	[sflag:s25] =	ssyncadd.s32 $0xFFFFD000  }
0x35a: {  	_ =	sfence.sel $0x180000  }
0x35b: {  	[bflag:$0x0] =	sbarrier.arrive $0xFFFF  }
0x35c: {  	_ =	strace $0x90000047  }
0x35d: {  	s0 =	stileid.u32;
	[bflag:$0x2] =	sbarrier.arrive $0xFFFF  }
0x35e: {  	p0 =	sne.s32 s0, $0x0;
	s0 =	rddreg [dreg:$0x2]  }
0x35f: {  	s0 =	sadd.s32 @!p0 $0x100000, s0  }
0x360: {  	[sflag:s0] =	ssyncadd.tile.s32 @!p0 $0x1;
	_ =	shalt  }
.Lfunc_end2:
_tile_overlayer_lowered:
.L_overlay_start_2:
0x361: {  	(tag) =	ssettag $0x2  }
0x362: {  	s0 =	rddreg [dreg:$0x0];
	s2 =	stileid.u32  }
0x363: {  	s1 =	rddreg [dreg:$0x1];
	p0 =	sne.s32 s2, $0x0  }
0x364: {  	s3 =	rddreg [dreg:$0x2];
	[bflag:$0x3] =	sbarrier.arrive $0xFFFF;
	s2 =	simm.s32 @!p0 $0x1C06  }
0x365: {  	[timem:s3], [sflag:s2] =	dma.local @!p0 [hbm:s0], s1  }
0x366: {  	s0 =	simm.s32 @!p0 $0x6  }
0x367: {  	_ =	swait.ge @!p0 [sflag:s0], s1  }
0x368: {  	s1 =	ssub.s32 @!p0 $0x0, s1;
	[sflag:s0] =	ssyncset.done @!p0 $0x0  }
0x369: {  	[sflag:s0] =	ssyncadd.s32 @!p0 s1  }
0x36a: {  	[bflag:$0x3] =	sbarrier.arrive $0xFFFF  }
0x36b: {  	_ =	shalt  }

</sc_bundles>
